<compile_context>
chip_gen: v7x
topology: tpu7x:2x2x1
jax: 0.10.2.dev20260603
libtpu: 0.0.44.dev20260713+nightly
codegen_flags: <defaults>
</compile_context>

<pallas_src>
import functools

import jax
import jax.numpy as jnp
from jax import lax
from jax.experimental import pallas as pl
from jax.experimental.pallas import tpu as pltpu
from jax.experimental.pallas import tpu_sc as plsc

N = 10000
E = 320000
H = 128
NC = 2
NS = 16
NW = NC * NS
CHUNK = 64
EPW = 10240
E2 = EPW * NW
NCHUNK = EPW // CHUNK
IBLK = 32
NIB = NCHUNK // IBLK
AGGR = N
RCL = 40
RPT = 624
REM = N - RPT * NS

_DN = (((1,), (0,)), ((), ()))


def _edge_mlp_body(x_ref, w1_ref, b1_ref, w2_ref, b2_ref, o_ref):
    t = lax.dot_general(x_ref[...], w1_ref[...], _DN,
                        preferred_element_type=jnp.float32)
    t = t + b1_ref[...]
    t = t * jax.nn.sigmoid(t)
    u = lax.dot_general(t, w2_ref[...], _DN,
                        preferred_element_type=jnp.float32)
    o_ref[...] = u + b2_ref[...]


def _edge_mlp(edge_in, W1e, b1e, W2e, b2e):
    BE = 2560
    grid = (E2 // BE,)
    last = E // BE - 1
    return pl.pallas_call(
        _edge_mlp_body,
        grid=grid,
        in_specs=[
            pl.BlockSpec((BE, 20), lambda i: (jnp.minimum(i, last), 0)),
            pl.BlockSpec(W1e.shape, lambda i: (0, 0)),
            pl.BlockSpec((1, H), lambda i: (0, 0)),
            pl.BlockSpec((H, H), lambda i: (0, 0)),
            pl.BlockSpec((1, H), lambda i: (0, 0)),
        ],
        out_specs=pl.BlockSpec((BE, H), lambda i: (i, 0)),
        out_shape=jax.ShapeDtypeStruct((E2, H), jnp.float32),
    )(edge_in, W1e, b1e.reshape(1, H), W2e, b2e.reshape(1, H))


def _sc_messages(h, src_blk, dst_blk, w_edge):
    mesh = plsc.VectorSubcoreMesh(core_axis_name="core", subcore_axis_name="subcore")

    @functools.partial(
        pl.kernel,
        out_type=jax.ShapeDtypeStruct((NC, N, H), jnp.float32),
        mesh=mesh,
        scratch_types=[
            pltpu.VMEM((IBLK, CHUNK), jnp.int32),
            pltpu.VMEM((IBLK, CHUNK), jnp.int32),
            pltpu.VMEM((CHUNK, H), jnp.float32),
            pltpu.VMEM((CHUNK, H), jnp.float32),
            pltpu.VMEM((CHUNK, H), jnp.float32),
            pltpu.VMEM((CHUNK, H), jnp.float32),
            pltpu.VMEM_SHARED((AGGR, H), jnp.float32),
            pltpu.SemaphoreType.DMA,
            pltpu.SemaphoreType.DMA,
            pltpu.SemaphoreType.DMA,
            pltpu.SemaphoreType.DMA,
        ],
    )
    def k(h_hbm, src_hbm, dst_hbm, we_hbm, out_hbm,
          src_v, dst_v, rows0, rows1, wv0, wv1, agg, sg0, sg1, sw0, sw1):
        cid = lax.axis_index("core")
        sid = lax.axis_index("subcore")
        wid = cid * NS + sid
        rows = (rows0, rows1)
        wv = (wv0, wv1)
        sg = (sg0, sg1)
        sw = (sw0, sw1)

        @pl.loop(0, CHUNK)
        def _(i):
            for kk in range(H // 16):
                rows0[i, pl.ds(kk * 16, 16)] = jnp.zeros((16,), jnp.float32)

        zbase = pl.multiple_of(sid * RPT, 8)
        for r in range(9):
            pltpu.sync_copy(rows0, agg.at[pl.ds(zbase + r * CHUNK, CHUNK)])
        pltpu.sync_copy(rows0.at[pl.ds(0, RPT - 9 * CHUNK)],
                        agg.at[pl.ds(zbase + 9 * CHUNK, RPT - 9 * CHUNK)])

        @pl.when(sid == NS - 1)
        def _():
            pltpu.sync_copy(rows0.at[pl.ds(0, REM)],
                            agg.at[pl.ds(NS * RPT, REM)])

        plsc.subcore_barrier()

        def issue(j, buf, base):
            cg = pltpu.async_copy(h_hbm.at[src_v.at[j]], rows[buf], sg[buf])
            cw = pltpu.async_copy(we_hbm.at[pl.ds(base + j * CHUNK, CHUNK)],
                                  wv[buf], sw[buf])
            return cg, cw

        def process(j, buf, base, chunk0):
            pltpu.make_async_copy(h_hbm.at[src_v.at[j]], rows[buf],
                                  sg[buf]).wait()
            pltpu.make_async_copy(we_hbm.at[pl.ds(base + j * CHUNK, CHUNK)],
                                  wv[buf], sw[buf]).wait()

            @pl.loop(0, CHUNK)
            def _(e):
                for kk in range(H // 16):
                    s = pl.ds(kk * 16, 16)
                    rows[buf][e, s] = rows[buf][e, s] * wv[buf][e, s]

            @pl.when(jnp.logical_or(wid != NW - 1, chunk0 + j < RCL))
            def _():
                pltpu.sync_copy(rows[buf], agg.at[dst_v.at[j]], add=True)

        for b in range(NIB):
            pltpu.sync_copy(src_hbm.at[wid, b], src_v)
            pltpu.sync_copy(dst_hbm.at[wid, b], dst_v)
            base = wid * EPW + b * IBLK * CHUNK

            issue(0, 0, base)

            @pl.loop(0, IBLK // 2)
            def _(p):
                issue(2 * p + 1, 1, base)
                process(2 * p, 0, base, b * IBLK)

                @pl.when(p + 1 < IBLK // 2)
                def _():
                    issue(2 * p + 2, 0, base)

                process(2 * p + 1, 1, base, b * IBLK)

        plsc.subcore_barrier()
        sl = pl.ds(zbase, RPT)
        pltpu.sync_copy(agg.at[sl], out_hbm.at[cid, sl])

        @pl.when(sid == NS - 1)
        def _():
            slr = pl.ds(NS * RPT, REM)
            pltpu.sync_copy(agg.at[slr], out_hbm.at[cid, slr])

    return k(h, src_blk, dst_blk, w_edge)


def _node_body(h_ref, p_ref, w1_ref, b1_ref, w2_ref, b2_ref,
               g_ref, bb_ref, o_ref):
    hb = h_ref[...]
    agg = p_ref[0] + p_ref[1]
    t = lax.dot_general(hb, w1_ref[:H], _DN,
                        preferred_element_type=jnp.float32)
    t = t + lax.dot_general(agg, w1_ref[H:], _DN,
                            preferred_element_type=jnp.float32)
    t = t + b1_ref[...]
    t = t * jax.nn.sigmoid(t)
    u = lax.dot_general(t, w2_ref[...], _DN,
                        preferred_element_type=jnp.float32)
    x = hb + u + b2_ref[...]
    mean = jnp.mean(x, axis=1, keepdims=True)
    var = jnp.mean((x - mean) ** 2, axis=1, keepdims=True)
    o_ref[...] = (x - mean) / jnp.sqrt(var + 1e-5) * g_ref[...] + bb_ref[...]


def _node_update(h, partials, W1n, b1n, W2n, b2n, gamma, beta):
    BN = 2000
    grid = (N // BN,)
    return pl.pallas_call(
        _node_body,
        grid=grid,
        in_specs=[
            pl.BlockSpec((BN, H), lambda i: (i, 0)),
            pl.BlockSpec((NC, BN, H), lambda i: (0, i, 0)),
            pl.BlockSpec((2 * H, H), lambda i: (0, 0)),
            pl.BlockSpec((1, H), lambda i: (0, 0)),
            pl.BlockSpec((H, H), lambda i: (0, 0)),
            pl.BlockSpec((1, H), lambda i: (0, 0)),
            pl.BlockSpec((1, H), lambda i: (0, 0)),
            pl.BlockSpec((1, H), lambda i: (0, 0)),
        ],
        out_specs=pl.BlockSpec((BN, H), lambda i: (i, 0)),
        out_shape=jax.ShapeDtypeStruct((N, H), jnp.float32),
    )(h, partials, W1n, b1n.reshape(1, H), W2n, b2n.reshape(1, H),
      gamma.reshape(1, H), beta.reshape(1, H))


def kernel(h, edge_index, edge_attr, edge_sh,
           W1e, b1e, W2e, b2e, W1n, b1n, W2n, b2n, gamma, beta):
    pad = E2 - E
    src_blk = jnp.concatenate(
        [edge_index[0], jnp.arange(pad, dtype=jnp.int32) % N]
    ).reshape(NW, NIB, IBLK, CHUNK)
    dst_blk = jnp.concatenate(
        [edge_index[1], jnp.zeros((pad,), jnp.int32)]
    ).reshape(NW, NIB, IBLK, CHUNK)

    edge_in = jnp.concatenate([edge_attr, edge_sh], axis=1)
    w_edge = _edge_mlp(edge_in, W1e, b1e, W2e, b2e)
    partials = _sc_messages(h, src_blk, dst_blk, w_edge)
    return _node_update(h, partials, W1n, b1n, W2n, b2n, gamma, beta)

# --- scband reference (transcript-rebuilt; emitter-appended) ---
"""Pipeline reference for scband-crystal-conv-layer-67190468378979 (READ-ONLY COPY).

The authoritative reference and input builder live on the scoring server;
editing this copy changes nothing except your own understanding.
"""

import jax, jax.numpy as jnp
import numpy as np


def silu(x):
    return x * jax.nn.sigmoid(x)


def setup_inputs(seed: int = 0) -> dict:
    key = jax.random.key(seed)
    ks = jax.random.split(key, 16)
    N, E, H = 10000, 320000, 128
    D_EA, D_SH = 16, 4
    D_EDGE = D_EA + D_SH  # 20

    h = jax.random.normal(ks[0], (N, H), dtype=jnp.float32)
    edge_index = jax.random.randint(ks[1], (2, E), 0, N, dtype=jnp.int32)
    edge_attr = jax.random.normal(ks[2], (E, D_EA), dtype=jnp.float32)
    edge_sh = jax.random.normal(ks[3], (E, D_SH), dtype=jnp.float32)

    # edge_mlp: Linear(edge_dim, H) -> SiLU -> Linear(H, H)
    W1e = jax.random.normal(ks[4], (D_EDGE, H), dtype=jnp.float32) * (1.0 / np.sqrt(D_EDGE))
    b1e = jnp.zeros((H,), dtype=jnp.float32)
    W2e = jax.random.normal(ks[5], (H, H), dtype=jnp.float32) * (1.0 / np.sqrt(H))
    b2e = jnp.zeros((H,), dtype=jnp.float32)

    # node_mlp: Linear(2H, H) -> SiLU -> Linear(H, H)
    W1n = jax.random.normal(ks[6], (2 * H, H), dtype=jnp.float32) * (1.0 / np.sqrt(2 * H))
    b1n = jnp.zeros((H,), dtype=jnp.float32)
    W2n = jax.random.normal(ks[7], (H, H), dtype=jnp.float32) * (1.0 / np.sqrt(H))
    b2n = jnp.zeros((H,), dtype=jnp.float32)

    # LayerNorm params
    gamma = jnp.ones((H,), dtype=jnp.float32)
    beta = jnp.zeros((H,), dtype=jnp.float32)

    return {
        "h": h, "edge_index": edge_index, "edge_attr": edge_attr, "edge_sh": edge_sh,
        "W1e": W1e, "b1e": b1e, "W2e": W2e, "b2e": b2e,
        "W1n": W1n, "b1n": b1n, "W2n": W2n, "b2n": b2n,
        "gamma": gamma, "beta": beta,
    }


def reference(h, edge_index, edge_attr, edge_sh, W1e, b1e, W2e, b2e, W1n, b1n, W2n, b2n, gamma, beta):
    src = edge_index[0]
    dst = edge_index[1]

    edge_input = jnp.concatenate([edge_attr, edge_sh], axis=-1)
    # torch: if edge_input.size(-1) > 50: truncate to 50. Here dim = 20 <= 50, so no-op.
    if edge_input.shape[-1] > 50:
        edge_input = edge_input[:, :50]

    w_edge = silu(edge_input @ W1e + b1e) @ W2e + b2e

    messages = h[src] * w_edge  # gather + elementwise

    agg = jax.ops.segment_sum(messages, dst, num_segments=h.shape[0])  # scatter-add

    node_input = jnp.concatenate([h, agg], axis=-1)
    h_updated = silu(node_input @ W1n + b1n) @ W2n + b2n

    x = h + h_updated
    mean = jnp.mean(x, axis=-1, keepdims=True)
    var = jnp.mean((x - mean) ** 2, axis=-1, keepdims=True)
    out = (x - mean) / jnp.sqrt(var + 1e-5) * gamma + beta
    return out

if __name__ == "__main__":
    import jax
    _d = setup_inputs()
    print(jax.jit(kernel)(*tuple(_d.values())))

</pallas_src>

<mosaic_0001>
#map = affine_map<(d0, d1) -> (0, 0)>
#map1 = affine_map<(d0, d1) -> (0, 0, 0, 0)>
#map2 = affine_map<(d0, d1) -> (0, 0, 0)>
module attributes {stable_mosaic.version = 14 : i64} {
  func.func @k(%arg0: i32, %arg1: i32, %arg2: memref<10000x128xf32, #tpu.memory_space<hbm>>, %arg3: memref<32x5x32x64xi32, #tpu.memory_space<hbm>>, %arg4: memref<32x5x32x64xi32, #tpu.memory_space<hbm>>, %arg5: memref<327680x128xf32, #tpu.memory_space<hbm>>, %arg6: memref<2x10000x128xf32, #tpu.memory_space<hbm>>, %arg7: memref<32x64xi32, #tpu.memory_space<vmem>>, %arg8: memref<32x64xi32, #tpu.memory_space<vmem>>, %arg9: memref<64x128xf32, #tpu.memory_space<vmem>>, %arg10: memref<64x128xf32, #tpu.memory_space<vmem>>, %arg11: memref<64x128xf32, #tpu.memory_space<vmem>>, %arg12: memref<64x128xf32, #tpu.memory_space<vmem>>, %arg13: memref<10000x128xf32, #tpu.memory_space<vmem_shared>>, %arg14: memref<!tpu.dma_semaphore, #tpu.memory_space<semaphore_mem>>, %arg15: memref<!tpu.dma_semaphore, #tpu.memory_space<semaphore_mem>>, %arg16: memref<!tpu.dma_semaphore, #tpu.memory_space<semaphore_mem>>, %arg17: memref<!tpu.dma_semaphore, #tpu.memory_space<semaphore_mem>>) attributes {dimension_semantics = [#tpu.dimension_semantics<core_parallel>, #tpu.dimension_semantics<subcore_parallel>], iteration_bounds = array<i64: 2, 16>, scalar_prefetch = 0 : i64, scratch_operands = 11 : i64, tpu.core_type = #tpu.core_type<sc_vector_subcore>, window_params = [{transform_indices = #map}, {transform_indices = #map1}, {transform_indices = #map1}, {transform_indices = #map}, {transform_indices = #map2}]} {
    %mul3A = arith.constant 16 : i32
    %mul3A_0 = arith.muli %arg0, %mul3A : i32
    %add3A = arith.addi %mul3A_0, %arg1 : i32
    %scan3A = arith.constant 0 : i32
    %scan3A_1 = arith.constant 64 : i32
    %scan3A_2 = arith.addi %scan3A, %scan3A_1 : i32
    %scan3A_3 = arith.constant 1 : i32
    scf.for %scan3A_153 = %scan3A to %scan3A_2 step %scan3A_3  : i32 {
      %mul3A_154 = arith.constant 1 : i32
      %mul3A_155 = arith.muli %scan3A_153, %mul3A_154 : i32
      %add3A_156 = arith.constant 0 : i32
      %add3A_157 = arith.addi %add3A_156, %mul3A_155 : i32
      %broadcast_in_dim3A = arith.constant 0.000000e+00 : f32
      %broadcast_in_dim3A_158 = vector.broadcast %broadcast_in_dim3A : f32 to vector<16xf32>
      %swap3A = arith.index_cast %add3A_157 : i32 to index
      %swap3A_159 = arith.constant 0 : index
      %swap3A_160 = tpu.vector_load %arg9[%swap3A, %swap3A_159] {strides = array<i32>} : memref<64x128xf32, #tpu.memory_space<vmem>>, vector<1x16xf32>,
      %swap3A_161 = vector.shape_cast %swap3A_160 : vector<1x16xf32> to vector<16xf32>
      %swap3A_162 = vector.shape_cast %broadcast_in_dim3A_158 : vector<16xf32> to vector<1x16xf32>
      tpu.vector_store %arg9[%swap3A, %swap3A_159], %swap3A_162 {strides = array<i32>} : memref<64x128xf32, #tpu.memory_space<vmem>>, vector<1x16xf32>,
      %broadcast_in_dim3A_163 = arith.constant 0.000000e+00 : f32
      %broadcast_in_dim3A_164 = vector.broadcast %broadcast_in_dim3A_163 : f32 to vector<16xf32>
      %swap3A_165 = arith.index_cast %add3A_157 : i32 to index
      %swap3A_166 = arith.constant 16 : index
      %swap3A_167 = tpu.vector_load %arg9[%swap3A_165, %swap3A_166] {strides = array<i32>} : memref<64x128xf32, #tpu.memory_space<vmem>>, vector<1x16xf32>,
      %swap3A_168 = vector.shape_cast %swap3A_167 : vector<1x16xf32> to vector<16xf32>
      %swap3A_169 = vector.shape_cast %broadcast_in_dim3A_164 : vector<16xf32> to vector<1x16xf32>
      tpu.vector_store %arg9[%swap3A_165, %swap3A_166], %swap3A_169 {strides = array<i32>} : memref<64x128xf32, #tpu.memory_space<vmem>>, vector<1x16xf32>,
      %broadcast_in_dim3A_170 = arith.constant 0.000000e+00 : f32
      %broadcast_in_dim3A_171 = vector.broadcast %broadcast_in_dim3A_170 : f32 to vector<16xf32>
      %swap3A_172 = arith.index_cast %add3A_157 : i32 to index
      %swap3A_173 = arith.constant 32 : index
      %swap3A_174 = tpu.vector_load %arg9[%swap3A_172, %swap3A_173] {strides = array<i32>} : memref<64x128xf32, #tpu.memory_space<vmem>>, vector<1x16xf32>,
      %swap3A_175 = vector.shape_cast %swap3A_174 : vector<1x16xf32> to vector<16xf32>
      %swap3A_176 = vector.shape_cast %broadcast_in_dim3A_171 : vector<16xf32> to vector<1x16xf32>
      tpu.vector_store %arg9[%swap3A_172, %swap3A_173], %swap3A_176 {strides = array<i32>} : memref<64x128xf32, #tpu.memory_space<vmem>>, vector<1x16xf32>,
      %broadcast_in_dim3A_177 = arith.constant 0.000000e+00 : f32
      %broadcast_in_dim3A_178 = vector.broadcast %broadcast_in_dim3A_177 : f32 to vector<16xf32>
      %swap3A_179 = arith.index_cast %add3A_157 : i32 to index
      %swap3A_180 = arith.constant 48 : index
      %swap3A_181 = tpu.vector_load %arg9[%swap3A_179, %swap3A_180] {strides = array<i32>} : memref<64x128xf32, #tpu.memory_space<vmem>>, vector<1x16xf32>,
      %swap3A_182 = vector.shape_cast %swap3A_181 : vector<1x16xf32> to vector<16xf32>
      %swap3A_183 = vector.shape_cast %broadcast_in_dim3A_178 : vector<16xf32> to vector<1x16xf32>
      tpu.vector_store %arg9[%swap3A_179, %swap3A_180], %swap3A_183 {strides = array<i32>} : memref<64x128xf32, #tpu.memory_space<vmem>>, vector<1x16xf32>,
      %broadcast_in_dim3A_184 = arith.constant 0.000000e+00 : f32
      %broadcast_in_dim3A_185 = vector.broadcast %broadcast_in_dim3A_184 : f32 to vector<16xf32>
      %swap3A_186 = arith.index_cast %add3A_157 : i32 to index
      %swap3A_187 = arith.constant 64 : index
      %swap3A_188 = tpu.vector_load %arg9[%swap3A_186, %swap3A_187] {strides = array<i32>} : memref<64x128xf32, #tpu.memory_space<vmem>>, vector<1x16xf32>,
      %swap3A_189 = vector.shape_cast %swap3A_188 : vector<1x16xf32> to vector<16xf32>
      %swap3A_190 = vector.shape_cast %broadcast_in_dim3A_185 : vector<16xf32> to vector<1x16xf32>
      tpu.vector_store %arg9[%swap3A_186, %swap3A_187], %swap3A_190 {strides = array<i32>} : memref<64x128xf32, #tpu.memory_space<vmem>>, vector<1x16xf32>,
      %broadcast_in_dim3A_191 = arith.constant 0.000000e+00 : f32
      %broadcast_in_dim3A_192 = vector.broadcast %broadcast_in_dim3A_191 : f32 to vector<16xf32>
      %swap3A_193 = arith.index_cast %add3A_157 : i32 to index
      %swap3A_194 = arith.constant 80 : index
      %swap3A_195 = tpu.vector_load %arg9[%swap3A_193, %swap3A_194] {strides = array<i32>} : memref<64x128xf32, #tpu.memory_space<vmem>>, vector<1x16xf32>,
      %swap3A_196 = vector.shape_cast %swap3A_195 : vector<1x16xf32> to vector<16xf32>
      %swap3A_197 = vector.shape_cast %broadcast_in_dim3A_192 : vector<16xf32> to vector<1x16xf32>
      tpu.vector_store %arg9[%swap3A_193, %swap3A_194], %swap3A_197 {strides = array<i32>} : memref<64x128xf32, #tpu.memory_space<vmem>>, vector<1x16xf32>,
      %broadcast_in_dim3A_198 = arith.constant 0.000000e+00 : f32
      %broadcast_in_dim3A_199 = vector.broadcast %broadcast_in_dim3A_198 : f32 to vector<16xf32>
      %swap3A_200 = arith.index_cast %add3A_157 : i32 to index
      %swap3A_201 = arith.constant 96 : index
      %swap3A_202 = tpu.vector_load %arg9[%swap3A_200, %swap3A_201] {strides = array<i32>} : memref<64x128xf32, #tpu.memory_space<vmem>>, vector<1x16xf32>,
      %swap3A_203 = vector.shape_cast %swap3A_202 : vector<1x16xf32> to vector<16xf32>
      %swap3A_204 = vector.shape_cast %broadcast_in_dim3A_199 : vector<16xf32> to vector<1x16xf32>
      tpu.vector_store %arg9[%swap3A_200, %swap3A_201], %swap3A_204 {strides = array<i32>} : memref<64x128xf32, #tpu.memory_space<vmem>>, vector<1x16xf32>,
      %broadcast_in_dim3A_205 = arith.constant 0.000000e+00 : f32
      %broadcast_in_dim3A_206 = vector.broadcast %broadcast_in_dim3A_205 : f32 to vector<16xf32>
      %swap3A_207 = arith.index_cast %add3A_157 : i32 to index
      %swap3A_208 = arith.constant 112 : index
      %swap3A_209 = tpu.vector_load %arg9[%swap3A_207, %swap3A_208] {strides = array<i32>} : memref<64x128xf32, #tpu.memory_space<vmem>>, vector<1x16xf32>,
      %swap3A_210 = vector.shape_cast %swap3A_209 : vector<1x16xf32> to vector<16xf32>
      %swap3A_211 = vector.shape_cast %broadcast_in_dim3A_206 : vector<16xf32> to vector<1x16xf32>
      tpu.vector_store %arg9[%swap3A_207, %swap3A_208], %swap3A_211 {strides = array<i32>} : memref<64x128xf32, #tpu.memory_space<vmem>>, vector<1x16xf32>,
    }
    %scan3A_4 = arith.constant 64 : i32
    %mul3A_5 = arith.constant 624 : i32
    %mul3A_6 = arith.muli %arg1, %mul3A_5 : i32
    %multiple_of3A = tpu.assume_multiple %mul3A_6, 8 : i32
    %add3A_7 = arith.constant 0 : i32
    %add3A_8 = arith.addi %multiple_of3A, %add3A_7 : i32
    "tpu.region"() ({
      %run_scoped3A_153 = tpu.sem_alloc : memref<!tpu.dma_semaphore, #tpu.memory_space<semaphore_mem>>
      %dma_start3A_154 = arith.constant 0 : i32
      %dma_start3A_155 = tpu.memref_slice %arg13[%add3A_8, %dma_start3A_154] : memref<10000x128xf32, #tpu.memory_space<vmem_shared>> -> memref<64x128xf32, #tpu.memory_space<vmem_shared>>
      %dma_start3A_156 = arith.constant 0 : i32
      %dma_start3A_157 = tpu.memref_slice %arg13[%add3A_8, %dma_start3A_156] : memref<10000x128xf32, #tpu.memory_space<vmem_shared>> -> memref<64x128xf32, #tpu.memory_space<vmem_shared>>
      tpu.enqueue_dma source(%arg9 : memref<64x128xf32, #tpu.memory_space<vmem>>) target(%dma_start3A_157 : memref<64x128xf32, #tpu.memory_space<vmem_shared>>) target_semaphore(%run_scoped3A_153 : memref<!tpu.dma_semaphore, #tpu.memory_space<semaphore_mem>>)
      %dma_wait3A = arith.constant 0 : i32
      %dma_wait3A_158 = tpu.memref_slice %arg13[%add3A_8, %dma_wait3A] : memref<10000x128xf32, #tpu.memory_space<vmem_shared>> -> memref<64x128xf32, #tpu.memory_space<vmem_shared>>
      %dma_wait3A_159 = arith.constant 0 : i32
      %dma_wait3A_160 = tpu.memref_slice %arg13[%add3A_8, %dma_wait3A_159] : memref<10000x128xf32, #tpu.memory_space<vmem_shared>> -> memref<64x128xf32, #tpu.memory_space<vmem_shared>>
      tpu.wait_dma2 semaphore(%run_scoped3A_153 : memref<!tpu.dma_semaphore, #tpu.memory_space<semaphore_mem>>) src(%arg9 : memref<64x128xf32, #tpu.memory_space<vmem>>) dst(%dma_wait3A_160 : memref<64x128xf32, #tpu.memory_space<vmem_shared>>)
      tpu.yield
    }) : () -> ()
    %add3A_9 = arith.constant 64 : i32
    %add3A_10 = arith.addi %multiple_of3A, %add3A_9 : i32
    "tpu.region"() ({
      %run_scoped3A_153 = tpu.sem_alloc : memref<!tpu.dma_semaphore, #tpu.memory_space<semaphore_mem>>
      %dma_start3A_154 = arith.constant 0 : i32
      %dma_start3A_155 = tpu.memref_slice %arg13[%add3A_10, %dma_start3A_154] : memref<10000x128xf32, #tpu.memory_space<vmem_shared>> -> memref<64x128xf32, #tpu.memory_space<vmem_shared>>
      %dma_start3A_156 = arith.constant 0 : i32
      %dma_start3A_157 = tpu.memref_slice %arg13[%add3A_10, %dma_start3A_156] : memref<10000x128xf32, #tpu.memory_space<vmem_shared>> -> memref<64x128xf32, #tpu.memory_space<vmem_shared>>
      tpu.enqueue_dma source(%arg9 : memref<64x128xf32, #tpu.memory_space<vmem>>) target(%dma_start3A_157 : memref<64x128xf32, #tpu.memory_space<vmem_shared>>) target_semaphore(%run_scoped3A_153 : memref<!tpu.dma_semaphore, #tpu.memory_space<semaphore_mem>>)
      %dma_wait3A = arith.constant 0 : i32
      %dma_wait3A_158 = tpu.memref_slice %arg13[%add3A_10, %dma_wait3A] : memref<10000x128xf32, #tpu.memory_space<vmem_shared>> -> memref<64x128xf32, #tpu.memory_space<vmem_shared>>
      %dma_wait3A_159 = arith.constant 0 : i32
      %dma_wait3A_160 = tpu.memref_slice %arg13[%add3A_10, %dma_wait3A_159] : memref<10000x128xf32, #tpu.memory_space<vmem_shared>> -> memref<64x128xf32, #tpu.memory_space<vmem_shared>>
      tpu.wait_dma2 semaphore(%run_scoped3A_153 : memref<!tpu.dma_semaphore, #tpu.memory_space<semaphore_mem>>) src(%arg9 : memref<64x128xf32, #tpu.memory_space<vmem>>) dst(%dma_wait3A_160 : memref<64x128xf32, #tpu.memory_space<vmem_shared>>)
      tpu.yield
    }) : () -> ()
    %add3A_11 = arith.constant 128 : i32
    %add3A_12 = arith.addi %multiple_of3A, %add3A_11 : i32
    "tpu.region"() ({
      %run_scoped3A_153 = tpu.sem_alloc : memref<!tpu.dma_semaphore, #tpu.memory_space<semaphore_mem>>
      %dma_start3A_154 = arith.constant 0 : i32
      %dma_start3A_155 = tpu.memref_slice %arg13[%add3A_12, %dma_start3A_154] : memref<10000x128xf32, #tpu.memory_space<vmem_shared>> -> memref<64x128xf32, #tpu.memory_space<vmem_shared>>
      %dma_start3A_156 = arith.constant 0 : i32
      %dma_start3A_157 = tpu.memref_slice %arg13[%add3A_12, %dma_start3A_156] : memref<10000x128xf32, #tpu.memory_space<vmem_shared>> -> memref<64x128xf32, #tpu.memory_space<vmem_shared>>
      tpu.enqueue_dma source(%arg9 : memref<64x128xf32, #tpu.memory_space<vmem>>) target(%dma_start3A_157 : memref<64x128xf32, #tpu.memory_space<vmem_shared>>) target_semaphore(%run_scoped3A_153 : memref<!tpu.dma_semaphore, #tpu.memory_space<semaphore_mem>>)
      %dma_wait3A = arith.constant 0 : i32
      %dma_wait3A_158 = tpu.memref_slice %arg13[%add3A_12, %dma_wait3A] : memref<10000x128xf32, #tpu.memory_space<vmem_shared>> -> memref<64x128xf32, #tpu.memory_space<vmem_shared>>
      %dma_wait3A_159 = arith.constant 0 : i32
      %dma_wait3A_160 = tpu.memref_slice %arg13[%add3A_12, %dma_wait3A_159] : memref<10000x128xf32, #tpu.memory_space<vmem_shared>> -> memref<64x128xf32, #tpu.memory_space<vmem_shared>>
      tpu.wait_dma2 semaphore(%run_scoped3A_153 : memref<!tpu.dma_semaphore, #tpu.memory_space<semaphore_mem>>) src(%arg9 : memref<64x128xf32, #tpu.memory_space<vmem>>) dst(%dma_wait3A_160 : memref<64x128xf32, #tpu.memory_space<vmem_shared>>)
      tpu.yield
    }) : () -> ()
    %add3A_13 = arith.constant 192 : i32
    %add3A_14 = arith.addi %multiple_of3A, %add3A_13 : i32
    "tpu.region"() ({
      %run_scoped3A_153 = tpu.sem_alloc : memref<!tpu.dma_semaphore, #tpu.memory_space<semaphore_mem>>
      %dma_start3A_154 = arith.constant 0 : i32
      %dma_start3A_155 = tpu.memref_slice %arg13[%add3A_14, %dma_start3A_154] : memref<10000x128xf32, #tpu.memory_space<vmem_shared>> -> memref<64x128xf32, #tpu.memory_space<vmem_shared>>
      %dma_start3A_156 = arith.constant 0 : i32
      %dma_start3A_157 = tpu.memref_slice %arg13[%add3A_14, %dma_start3A_156] : memref<10000x128xf32, #tpu.memory_space<vmem_shared>> -> memref<64x128xf32, #tpu.memory_space<vmem_shared>>
      tpu.enqueue_dma source(%arg9 : memref<64x128xf32, #tpu.memory_space<vmem>>) target(%dma_start3A_157 : memref<64x128xf32, #tpu.memory_space<vmem_shared>>) target_semaphore(%run_scoped3A_153 : memref<!tpu.dma_semaphore, #tpu.memory_space<semaphore_mem>>)
      %dma_wait3A = arith.constant 0 : i32
      %dma_wait3A_158 = tpu.memref_slice %arg13[%add3A_14, %dma_wait3A] : memref<10000x128xf32, #tpu.memory_space<vmem_shared>> -> memref<64x128xf32, #tpu.memory_space<vmem_shared>>
      %dma_wait3A_159 = arith.constant 0 : i32
      %dma_wait3A_160 = tpu.memref_slice %arg13[%add3A_14, %dma_wait3A_159] : memref<10000x128xf32, #tpu.memory_space<vmem_shared>> -> memref<64x128xf32, #tpu.memory_space<vmem_shared>>
      tpu.wait_dma2 semaphore(%run_scoped3A_153 : memref<!tpu.dma_semaphore, #tpu.memory_space<semaphore_mem>>) src(%arg9 : memref<64x128xf32, #tpu.memory_space<vmem>>) dst(%dma_wait3A_160 : memref<64x128xf32, #tpu.memory_space<vmem_shared>>)
      tpu.yield
    }) : () -> ()
    %add3A_15 = arith.constant 256 : i32
    %add3A_16 = arith.addi %multiple_of3A, %add3A_15 : i32
    "tpu.region"() ({
      %run_scoped3A_153 = tpu.sem_alloc : memref<!tpu.dma_semaphore, #tpu.memory_space<semaphore_mem>>
      %dma_start3A_154 = arith.constant 0 : i32
      %dma_start3A_155 = tpu.memref_slice %arg13[%add3A_16, %dma_start3A_154] : memref<10000x128xf32, #tpu.memory_space<vmem_shared>> -> memref<64x128xf32, #tpu.memory_space<vmem_shared>>
      %dma_start3A_156 = arith.constant 0 : i32
      %dma_start3A_157 = tpu.memref_slice %arg13[%add3A_16, %dma_start3A_156] : memref<10000x128xf32, #tpu.memory_space<vmem_shared>> -> memref<64x128xf32, #tpu.memory_space<vmem_shared>>
      tpu.enqueue_dma source(%arg9 : memref<64x128xf32, #tpu.memory_space<vmem>>) target(%dma_start3A_157 : memref<64x128xf32, #tpu.memory_space<vmem_shared>>) target_semaphore(%run_scoped3A_153 : memref<!tpu.dma_semaphore, #tpu.memory_space<semaphore_mem>>)
      %dma_wait3A = arith.constant 0 : i32
      %dma_wait3A_158 = tpu.memref_slice %arg13[%add3A_16, %dma_wait3A] : memref<10000x128xf32, #tpu.memory_space<vmem_shared>> -> memref<64x128xf32, #tpu.memory_space<vmem_shared>>
      %dma_wait3A_159 = arith.constant 0 : i32
      %dma_wait3A_160 = tpu.memref_slice %arg13[%add3A_16, %dma_wait3A_159] : memref<10000x128xf32, #tpu.memory_space<vmem_shared>> -> memref<64x128xf32, #tpu.memory_space<vmem_shared>>
      tpu.wait_dma2 semaphore(%run_scoped3A_153 : memref<!tpu.dma_semaphore, #tpu.memory_space<semaphore_mem>>) src(%arg9 : memref<64x128xf32, #tpu.memory_space<vmem>>) dst(%dma_wait3A_160 : memref<64x128xf32, #tpu.memory_space<vmem_shared>>)
      tpu.yield
    }) : () -> ()
    %add3A_17 = arith.constant 320 : i32
    %add3A_18 = arith.addi %multiple_of3A, %add3A_17 : i32
    "tpu.region"() ({
      %run_scoped3A_153 = tpu.sem_alloc : memref<!tpu.dma_semaphore, #tpu.memory_space<semaphore_mem>>
      %dma_start3A_154 = arith.constant 0 : i32
      %dma_start3A_155 = tpu.memref_slice %arg13[%add3A_18, %dma_start3A_154] : memref<10000x128xf32, #tpu.memory_space<vmem_shared>> -> memref<64x128xf32, #tpu.memory_space<vmem_shared>>
      %dma_start3A_156 = arith.constant 0 : i32
      %dma_start3A_157 = tpu.memref_slice %arg13[%add3A_18, %dma_start3A_156] : memref<10000x128xf32, #tpu.memory_space<vmem_shared>> -> memref<64x128xf32, #tpu.memory_space<vmem_shared>>
      tpu.enqueue_dma source(%arg9 : memref<64x128xf32, #tpu.memory_space<vmem>>) target(%dma_start3A_157 : memref<64x128xf32, #tpu.memory_space<vmem_shared>>) target_semaphore(%run_scoped3A_153 : memref<!tpu.dma_semaphore, #tpu.memory_space<semaphore_mem>>)
      %dma_wait3A = arith.constant 0 : i32
      %dma_wait3A_158 = tpu.memref_slice %arg13[%add3A_18, %dma_wait3A] : memref<10000x128xf32, #tpu.memory_space<vmem_shared>> -> memref<64x128xf32, #tpu.memory_space<vmem_shared>>
      %dma_wait3A_159 = arith.constant 0 : i32
      %dma_wait3A_160 = tpu.memref_slice %arg13[%add3A_18, %dma_wait3A_159] : memref<10000x128xf32, #tpu.memory_space<vmem_shared>> -> memref<64x128xf32, #tpu.memory_space<vmem_shared>>
      tpu.wait_dma2 semaphore(%run_scoped3A_153 : memref<!tpu.dma_semaphore, #tpu.memory_space<semaphore_mem>>) src(%arg9 : memref<64x128xf32, #tpu.memory_space<vmem>>) dst(%dma_wait3A_160 : memref<64x128xf32, #tpu.memory_space<vmem_shared>>)
      tpu.yield
    }) : () -> ()
    %add3A_19 = arith.constant 384 : i32
    %add3A_20 = arith.addi %multiple_of3A, %add3A_19 : i32
    "tpu.region"() ({
      %run_scoped3A_153 = tpu.sem_alloc : memref<!tpu.dma_semaphore, #tpu.memory_space<semaphore_mem>>
      %dma_start3A_154 = arith.constant 0 : i32
      %dma_start3A_155 = tpu.memref_slice %arg13[%add3A_20, %dma_start3A_154] : memref<10000x128xf32, #tpu.memory_space<vmem_shared>> -> memref<64x128xf32, #tpu.memory_space<vmem_shared>>
      %dma_start3A_156 = arith.constant 0 : i32
      %dma_start3A_157 = tpu.memref_slice %arg13[%add3A_20, %dma_start3A_156] : memref<10000x128xf32, #tpu.memory_space<vmem_shared>> -> memref<64x128xf32, #tpu.memory_space<vmem_shared>>
      tpu.enqueue_dma source(%arg9 : memref<64x128xf32, #tpu.memory_space<vmem>>) target(%dma_start3A_157 : memref<64x128xf32, #tpu.memory_space<vmem_shared>>) target_semaphore(%run_scoped3A_153 : memref<!tpu.dma_semaphore, #tpu.memory_space<semaphore_mem>>)
      %dma_wait3A = arith.constant 0 : i32
      %dma_wait3A_158 = tpu.memref_slice %arg13[%add3A_20, %dma_wait3A] : memref<10000x128xf32, #tpu.memory_space<vmem_shared>> -> memref<64x128xf32, #tpu.memory_space<vmem_shared>>
      %dma_wait3A_159 = arith.constant 0 : i32
      %dma_wait3A_160 = tpu.memref_slice %arg13[%add3A_20, %dma_wait3A_159] : memref<10000x128xf32, #tpu.memory_space<vmem_shared>> -> memref<64x128xf32, #tpu.memory_space<vmem_shared>>
      tpu.wait_dma2 semaphore(%run_scoped3A_153 : memref<!tpu.dma_semaphore, #tpu.memory_space<semaphore_mem>>) src(%arg9 : memref<64x128xf32, #tpu.memory_space<vmem>>) dst(%dma_wait3A_160 : memref<64x128xf32, #tpu.memory_space<vmem_shared>>)
      tpu.yield
    }) : () -> ()
    %add3A_21 = arith.constant 448 : i32
    %add3A_22 = arith.addi %multiple_of3A, %add3A_21 : i32
    "tpu.region"() ({
      %run_scoped3A_153 = tpu.sem_alloc : memref<!tpu.dma_semaphore, #tpu.memory_space<semaphore_mem>>
      %dma_start3A_154 = arith.constant 0 : i32
      %dma_start3A_155 = tpu.memref_slice %arg13[%add3A_22, %dma_start3A_154] : memref<10000x128xf32, #tpu.memory_space<vmem_shared>> -> memref<64x128xf32, #tpu.memory_space<vmem_shared>>
      %dma_start3A_156 = arith.constant 0 : i32
      %dma_start3A_157 = tpu.memref_slice %arg13[%add3A_22, %dma_start3A_156] : memref<10000x128xf32, #tpu.memory_space<vmem_shared>> -> memref<64x128xf32, #tpu.memory_space<vmem_shared>>
      tpu.enqueue_dma source(%arg9 : memref<64x128xf32, #tpu.memory_space<vmem>>) target(%dma_start3A_157 : memref<64x128xf32, #tpu.memory_space<vmem_shared>>) target_semaphore(%run_scoped3A_153 : memref<!tpu.dma_semaphore, #tpu.memory_space<semaphore_mem>>)
      %dma_wait3A = arith.constant 0 : i32
      %dma_wait3A_158 = tpu.memref_slice %arg13[%add3A_22, %dma_wait3A] : memref<10000x128xf32, #tpu.memory_space<vmem_shared>> -> memref<64x128xf32, #tpu.memory_space<vmem_shared>>
      %dma_wait3A_159 = arith.constant 0 : i32
      %dma_wait3A_160 = tpu.memref_slice %arg13[%add3A_22, %dma_wait3A_159] : memref<10000x128xf32, #tpu.memory_space<vmem_shared>> -> memref<64x128xf32, #tpu.memory_space<vmem_shared>>
      tpu.wait_dma2 semaphore(%run_scoped3A_153 : memref<!tpu.dma_semaphore, #tpu.memory_space<semaphore_mem>>) src(%arg9 : memref<64x128xf32, #tpu.memory_space<vmem>>) dst(%dma_wait3A_160 : memref<64x128xf32, #tpu.memory_space<vmem_shared>>)
      tpu.yield
    }) : () -> ()
    %add3A_23 = arith.constant 512 : i32
    %add3A_24 = arith.addi %multiple_of3A, %add3A_23 : i32
    "tpu.region"() ({
      %run_scoped3A_153 = tpu.sem_alloc : memref<!tpu.dma_semaphore, #tpu.memory_space<semaphore_mem>>
      %dma_start3A_154 = arith.constant 0 : i32
      %dma_start3A_155 = tpu.memref_slice %arg13[%add3A_24, %dma_start3A_154] : memref<10000x128xf32, #tpu.memory_space<vmem_shared>> -> memref<64x128xf32, #tpu.memory_space<vmem_shared>>
      %dma_start3A_156 = arith.constant 0 : i32
      %dma_start3A_157 = tpu.memref_slice %arg13[%add3A_24, %dma_start3A_156] : memref<10000x128xf32, #tpu.memory_space<vmem_shared>> -> memref<64x128xf32, #tpu.memory_space<vmem_shared>>
      tpu.enqueue_dma source(%arg9 : memref<64x128xf32, #tpu.memory_space<vmem>>) target(%dma_start3A_157 : memref<64x128xf32, #tpu.memory_space<vmem_shared>>) target_semaphore(%run_scoped3A_153 : memref<!tpu.dma_semaphore, #tpu.memory_space<semaphore_mem>>)
      %dma_wait3A = arith.constant 0 : i32
      %dma_wait3A_158 = tpu.memref_slice %arg13[%add3A_24, %dma_wait3A] : memref<10000x128xf32, #tpu.memory_space<vmem_shared>> -> memref<64x128xf32, #tpu.memory_space<vmem_shared>>
      %dma_wait3A_159 = arith.constant 0 : i32
      %dma_wait3A_160 = tpu.memref_slice %arg13[%add3A_24, %dma_wait3A_159] : memref<10000x128xf32, #tpu.memory_space<vmem_shared>> -> memref<64x128xf32, #tpu.memory_space<vmem_shared>>
      tpu.wait_dma2 semaphore(%run_scoped3A_153 : memref<!tpu.dma_semaphore, #tpu.memory_space<semaphore_mem>>) src(%arg9 : memref<64x128xf32, #tpu.memory_space<vmem>>) dst(%dma_wait3A_160 : memref<64x128xf32, #tpu.memory_space<vmem_shared>>)
      tpu.yield
    }) : () -> ()
    %add3A_25 = arith.constant 576 : i32
    %add3A_26 = arith.addi %multiple_of3A, %add3A_25 : i32
    "tpu.region"() ({
      %run_scoped3A_153 = tpu.sem_alloc : memref<!tpu.dma_semaphore, #tpu.memory_space<semaphore_mem>>
      %dma_start3A_154 = arith.constant 0 : i32
      %dma_start3A_155 = arith.constant 0 : i32
      %dma_start3A_156 = tpu.memref_slice %arg9[%dma_start3A_154, %dma_start3A_155] : memref<64x128xf32, #tpu.memory_space<vmem>> -> memref<48x128xf32, #tpu.memory_space<vmem>>
      %dma_start3A_157 = arith.constant 0 : i32
      %dma_start3A_158 = tpu.memref_slice %arg13[%add3A_26, %dma_start3A_157] : memref<10000x128xf32, #tpu.memory_space<vmem_shared>> -> memref<48x128xf32, #tpu.memory_space<vmem_shared>>
      %dma_start3A_159 = arith.constant 0 : i32
      %dma_start3A_160 = tpu.memref_slice %arg13[%add3A_26, %dma_start3A_159] : memref<10000x128xf32, #tpu.memory_space<vmem_shared>> -> memref<48x128xf32, #tpu.memory_space<vmem_shared>>
      %dma_start3A_161 = arith.constant 0 : i32
      %dma_start3A_162 = arith.constant 0 : i32
      %dma_start3A_163 = tpu.memref_slice %arg9[%dma_start3A_161, %dma_start3A_162] : memref<64x128xf32, #tpu.memory_space<vmem>> -> memref<48x128xf32, #tpu.memory_space<vmem>>
      tpu.enqueue_dma source(%dma_start3A_163 : memref<48x128xf32, #tpu.memory_space<vmem>>) target(%dma_start3A_160 : memref<48x128xf32, #tpu.memory_space<vmem_shared>>) target_semaphore(%run_scoped3A_153 : memref<!tpu.dma_semaphore, #tpu.memory_space<semaphore_mem>>)
      %dma_wait3A = arith.constant 0 : i32
      %dma_wait3A_164 = arith.constant 0 : i32
      %dma_wait3A_165 = tpu.memref_slice %arg9[%dma_wait3A, %dma_wait3A_164] : memref<64x128xf32, #tpu.memory_space<vmem>> -> memref<48x128xf32, #tpu.memory_space<vmem>>
      %dma_wait3A_166 = arith.constant 0 : i32
      %dma_wait3A_167 = tpu.memref_slice %arg13[%add3A_26, %dma_wait3A_166] : memref<10000x128xf32, #tpu.memory_space<vmem_shared>> -> memref<48x128xf32, #tpu.memory_space<vmem_shared>>
      %dma_wait3A_168 = arith.constant 0 : i32
      %dma_wait3A_169 = tpu.memref_slice %arg13[%add3A_26, %dma_wait3A_168] : memref<10000x128xf32, #tpu.memory_space<vmem_shared>> -> memref<48x128xf32, #tpu.memory_space<vmem_shared>>
      %dma_wait3A_170 = arith.constant 0 : i32
      %dma_wait3A_171 = arith.constant 0 : i32
      %dma_wait3A_172 = tpu.memref_slice %arg9[%dma_wait3A_170, %dma_wait3A_171] : memref<64x128xf32, #tpu.memory_space<vmem>> -> memref<48x128xf32, #tpu.memory_space<vmem>>
      tpu.wait_dma2 semaphore(%run_scoped3A_153 : memref<!tpu.dma_semaphore, #tpu.memory_space<semaphore_mem>>) src(%dma_wait3A_172 : memref<48x128xf32, #tpu.memory_space<vmem>>) dst(%dma_wait3A_169 : memref<48x128xf32, #tpu.memory_space<vmem_shared>>)
      tpu.yield
    }) : () -> ()
    %eq3A = arith.constant 15 : i32
    %eq3A_27 = arith.cmpi eq, %arg1, %eq3A : i32
    %convert_element_type3A = arith.extui %eq3A_27 : i1 to i32
    %cond3A = arith.constant 0 : i32
    %cond3A_28 = arith.cmpi ne, %convert_element_type3A, %cond3A : i32
    scf.if %cond3A_28 {
      "tpu.region"() ({
        %run_scoped3A_153 = tpu.sem_alloc : memref<!tpu.dma_semaphore, #tpu.memory_space<semaphore_mem>>
        %dma_start3A_154 = arith.constant 0 : i32
        %dma_start3A_155 = arith.constant 0 : i32
        %dma_start3A_156 = tpu.memref_slice %arg9[%dma_start3A_154, %dma_start3A_155] : memref<64x128xf32, #tpu.memory_space<vmem>> -> memref<16x128xf32, #tpu.memory_space<vmem>>
        %dma_start3A_157 = arith.constant 9984 : i32
        %dma_start3A_158 = arith.constant 0 : i32
        %dma_start3A_159 = tpu.memref_slice %arg13[%dma_start3A_157, %dma_start3A_158] : memref<10000x128xf32, #tpu.memory_space<vmem_shared>> -> memref<16x128xf32, #tpu.memory_space<vmem_shared>>
        %dma_start3A_160 = arith.constant 9984 : i32
        %dma_start3A_161 = arith.constant 0 : i32
        %dma_start3A_162 = tpu.memref_slice %arg13[%dma_start3A_160, %dma_start3A_161] : memref<10000x128xf32, #tpu.memory_space<vmem_shared>> -> memref<16x128xf32, #tpu.memory_space<vmem_shared>>
        %dma_start3A_163 = arith.constant 0 : i32
        %dma_start3A_164 = arith.constant 0 : i32
        %dma_start3A_165 = tpu.memref_slice %arg9[%dma_start3A_163, %dma_start3A_164] : memref<64x128xf32, #tpu.memory_space<vmem>> -> memref<16x128xf32, #tpu.memory_space<vmem>>
        tpu.enqueue_dma source(%dma_start3A_165 : memref<16x128xf32, #tpu.memory_space<vmem>>) target(%dma_start3A_162 : memref<16x128xf32, #tpu.memory_space<vmem_shared>>) target_semaphore(%run_scoped3A_153 : memref<!tpu.dma_semaphore, #tpu.memory_space<semaphore_mem>>)
        %dma_wait3A = arith.constant 0 : i32
        %dma_wait3A_166 = arith.constant 0 : i32
        %dma_wait3A_167 = tpu.memref_slice %arg9[%dma_wait3A, %dma_wait3A_166] : memref<64x128xf32, #tpu.memory_space<vmem>> -> memref<16x128xf32, #tpu.memory_space<vmem>>
        %dma_wait3A_168 = arith.constant 9984 : i32
        %dma_wait3A_169 = arith.constant 0 : i32
        %dma_wait3A_170 = tpu.memref_slice %arg13[%dma_wait3A_168, %dma_wait3A_169] : memref<10000x128xf32, #tpu.memory_space<vmem_shared>> -> memref<16x128xf32, #tpu.memory_space<vmem_shared>>
        %dma_wait3A_171 = arith.constant 9984 : i32
        %dma_wait3A_172 = arith.constant 0 : i32
        %dma_wait3A_173 = tpu.memref_slice %arg13[%dma_wait3A_171, %dma_wait3A_172] : memref<10000x128xf32, #tpu.memory_space<vmem_shared>> -> memref<16x128xf32, #tpu.memory_space<vmem_shared>>
        %dma_wait3A_174 = arith.constant 0 : i32
        %dma_wait3A_175 = arith.constant 0 : i32
        %dma_wait3A_176 = tpu.memref_slice %arg9[%dma_wait3A_174, %dma_wait3A_175] : memref<64x128xf32, #tpu.memory_space<vmem>> -> memref<16x128xf32, #tpu.memory_space<vmem>>
        tpu.wait_dma2 semaphore(%run_scoped3A_153 : memref<!tpu.dma_semaphore, #tpu.memory_space<semaphore_mem>>) src(%dma_wait3A_176 : memref<16x128xf32, #tpu.memory_space<vmem>>) dst(%dma_wait3A_173 : memref<16x128xf32, #tpu.memory_space<vmem_shared>>)
        tpu.yield
      }) : () -> ()
    } else {
    }
    %barrier3A = arith.constant 0 : index
    tpu.barrier barrier_id(%barrier3A)
    %run_scoped3A = arith.constant 0 : i32
    "tpu.region"() ({
      %run_scoped3A_153 = tpu.sem_alloc : memref<!tpu.dma_semaphore, #tpu.memory_space<semaphore_mem>>
      %dma_start3A_154 = arith.constant 0 : i32
      %dma_start3A_155 = arith.constant 0 : i32
      %dma_start3A_156 = tpu.memref_slice %arg3[%add3A, %run_scoped3A, %dma_start3A_154, %dma_start3A_155] : memref<32x5x32x64xi32, #tpu.memory_space<hbm>> -> memref<1x1x32x64xi32, #tpu.memory_space<hbm>>
      %dma_start3A_157 = tpu.memref_squeeze %dma_start3A_156 : memref<1x1x32x64xi32, #tpu.memory_space<hbm>> -> memref<32x64xi32, #tpu.memory_space<hbm>>
      %dma_start3A_158 = arith.constant 0 : i32
      %dma_start3A_159 = arith.constant 0 : i32
      %dma_start3A_160 = tpu.memref_slice %arg3[%add3A, %run_scoped3A, %dma_start3A_158, %dma_start3A_159] : memref<32x5x32x64xi32, #tpu.memory_space<hbm>> -> memref<1x1x32x64xi32, #tpu.memory_space<hbm>>
      %dma_start3A_161 = tpu.memref_squeeze %dma_start3A_160 : memref<1x1x32x64xi32, #tpu.memory_space<hbm>> -> memref<32x64xi32, #tpu.memory_space<hbm>>
      tpu.enqueue_dma source(%dma_start3A_161 : memref<32x64xi32, #tpu.memory_space<hbm>>) target(%arg7 : memref<32x64xi32, #tpu.memory_space<vmem>>) target_semaphore(%run_scoped3A_153 : memref<!tpu.dma_semaphore, #tpu.memory_space<semaphore_mem>>)
      %dma_wait3A = arith.constant 0 : i32
      %dma_wait3A_162 = arith.constant 0 : i32
      %dma_wait3A_163 = tpu.memref_slice %arg3[%add3A, %run_scoped3A, %dma_wait3A, %dma_wait3A_162] : memref<32x5x32x64xi32, #tpu.memory_space<hbm>> -> memref<1x1x32x64xi32, #tpu.memory_space<hbm>>
      %dma_wait3A_164 = tpu.memref_squeeze %dma_wait3A_163 : memref<1x1x32x64xi32, #tpu.memory_space<hbm>> -> memref<32x64xi32, #tpu.memory_space<hbm>>
      %dma_wait3A_165 = arith.constant 0 : i32
      %dma_wait3A_166 = arith.constant 0 : i32
      %dma_wait3A_167 = tpu.memref_slice %arg3[%add3A, %run_scoped3A, %dma_wait3A_165, %dma_wait3A_166] : memref<32x5x32x64xi32, #tpu.memory_space<hbm>> -> memref<1x1x32x64xi32, #tpu.memory_space<hbm>>
      %dma_wait3A_168 = tpu.memref_squeeze %dma_wait3A_167 : memref<1x1x32x64xi32, #tpu.memory_space<hbm>> -> memref<32x64xi32, #tpu.memory_space<hbm>>
      tpu.wait_dma2 semaphore(%run_scoped3A_153 : memref<!tpu.dma_semaphore, #tpu.memory_space<semaphore_mem>>) src(%dma_wait3A_168 : memref<32x64xi32, #tpu.memory_space<hbm>>) dst(%arg7 : memref<32x64xi32, #tpu.memory_space<vmem>>)
      tpu.yield
    }) : () -> ()
    %run_scoped3A_29 = arith.constant 0 : i32
    "tpu.region"() ({
      %run_scoped3A_153 = tpu.sem_alloc : memref<!tpu.dma_semaphore, #tpu.memory_space<semaphore_mem>>
      %dma_start3A_154 = arith.constant 0 : i32
      %dma_start3A_155 = arith.constant 0 : i32
      %dma_start3A_156 = tpu.memref_slice %arg4[%add3A, %run_scoped3A_29, %dma_start3A_154, %dma_start3A_155] : memref<32x5x32x64xi32, #tpu.memory_space<hbm>> -> memref<1x1x32x64xi32, #tpu.memory_space<hbm>>
      %dma_start3A_157 = tpu.memref_squeeze %dma_start3A_156 : memref<1x1x32x64xi32, #tpu.memory_space<hbm>> -> memref<32x64xi32, #tpu.memory_space<hbm>>
      %dma_start3A_158 = arith.constant 0 : i32
      %dma_start3A_159 = arith.constant 0 : i32
      %dma_start3A_160 = tpu.memref_slice %arg4[%add3A, %run_scoped3A_29, %dma_start3A_158, %dma_start3A_159] : memref<32x5x32x64xi32, #tpu.memory_space<hbm>> -> memref<1x1x32x64xi32, #tpu.memory_space<hbm>>
      %dma_start3A_161 = tpu.memref_squeeze %dma_start3A_160 : memref<1x1x32x64xi32, #tpu.memory_space<hbm>> -> memref<32x64xi32, #tpu.memory_space<hbm>>
      tpu.enqueue_dma source(%dma_start3A_161 : memref<32x64xi32, #tpu.memory_space<hbm>>) target(%arg8 : memref<32x64xi32, #tpu.memory_space<vmem>>) target_semaphore(%run_scoped3A_153 : memref<!tpu.dma_semaphore, #tpu.memory_space<semaphore_mem>>)
      %dma_wait3A = arith.constant 0 : i32
      %dma_wait3A_162 = arith.constant 0 : i32
      %dma_wait3A_163 = tpu.memref_slice %arg4[%add3A, %run_scoped3A_29, %dma_wait3A, %dma_wait3A_162] : memref<32x5x32x64xi32, #tpu.memory_space<hbm>> -> memref<1x1x32x64xi32, #tpu.memory_space<hbm>>
      %dma_wait3A_164 = tpu.memref_squeeze %dma_wait3A_163 : memref<1x1x32x64xi32, #tpu.memory_space<hbm>> -> memref<32x64xi32, #tpu.memory_space<hbm>>
      %dma_wait3A_165 = arith.constant 0 : i32
      %dma_wait3A_166 = arith.constant 0 : i32
      %dma_wait3A_167 = tpu.memref_slice %arg4[%add3A, %run_scoped3A_29, %dma_wait3A_165, %dma_wait3A_166] : memref<32x5x32x64xi32, #tpu.memory_space<hbm>> -> memref<1x1x32x64xi32, #tpu.memory_space<hbm>>
      %dma_wait3A_168 = tpu.memref_squeeze %dma_wait3A_167 : memref<1x1x32x64xi32, #tpu.memory_space<hbm>> -> memref<32x64xi32, #tpu.memory_space<hbm>>
      tpu.wait_dma2 semaphore(%run_scoped3A_153 : memref<!tpu.dma_semaphore, #tpu.memory_space<semaphore_mem>>) src(%dma_wait3A_168 : memref<32x64xi32, #tpu.memory_space<hbm>>) dst(%arg8 : memref<32x64xi32, #tpu.memory_space<vmem>>)
      tpu.yield
    }) : () -> ()
    %mul3A_30 = arith.constant 10240 : i32
    %mul3A_31 = arith.muli %add3A, %mul3A_30 : i32
    %add3A_32 = arith.constant 0 : i32
    %add3A_33 = arith.addi %mul3A_31, %add3A_32 : i32
    %dma_start3A = arith.constant 0 : i32
    %dma_start3A_34 = arith.constant 0 : i32
    %dma_start3A_35 = tpu.memref_slice %arg7[%dma_start3A, %dma_start3A_34] : memref<32x64xi32, #tpu.memory_space<vmem>> -> memref<1x64xi32, #tpu.memory_space<vmem>>
    %dma_start3A_36 = tpu.memref_squeeze %dma_start3A_35 : memref<1x64xi32, #tpu.memory_space<vmem>> -> memref<64xi32, #tpu.memory_space<vmem>>
    %dma_start3A_37 = arith.constant 0 : i32
    %dma_start3A_38 = arith.constant 0 : i32
    %dma_start3A_39 = tpu.memref_slice %arg2[%dma_start3A_37, %dma_start3A_38] : memref<10000x128xf32, #tpu.memory_space<hbm>> -> memref<10000x128xf32, #tpu.memory_space<hbm>>
    tpu.enqueue_indirect_dma source(%dma_start3A_39 : memref<10000x128xf32, #tpu.memory_space<hbm>>) target(%arg9 : memref<64x128xf32, #tpu.memory_space<vmem>>) offsets(%dma_start3A_36 : memref<64xi32, #tpu.memory_space<vmem>>) semaphore(%arg14 : memref<!tpu.dma_semaphore, #tpu.memory_space<semaphore_mem>>)
    %add3A_40 = arith.constant 0 : i32
    %add3A_41 = arith.addi %add3A_33, %add3A_40 : i32
    %dma_start3A_42 = arith.constant 0 : i32
    %dma_start3A_43 = tpu.memref_slice %arg5[%add3A_41, %dma_start3A_42] : memref<327680x128xf32, #tpu.memory_space<hbm>> -> memref<64x128xf32, #tpu.memory_space<hbm>>
    %dma_start3A_44 = arith.constant 0 : i32
    %dma_start3A_45 = tpu.memref_slice %arg5[%add3A_41, %dma_start3A_44] : memref<327680x128xf32, #tpu.memory_space<hbm>> -> memref<64x128xf32, #tpu.memory_space<hbm>>
    tpu.enqueue_dma source(%dma_start3A_45 : memref<64x128xf32, #tpu.memory_space<hbm>>) target(%arg11 : memref<64x128xf32, #tpu.memory_space<vmem>>) target_semaphore(%arg16 : memref<!tpu.dma_semaphore, #tpu.memory_space<semaphore_mem>>)
    %scan3A_46 = arith.constant 0 : i32
    %scan3A_47 = arith.constant 16 : i32
    %scan3A_48 = arith.addi %scan3A_46, %scan3A_47 : i32
    %scan3A_49 = arith.constant 1 : i32
    scf.for %scan3A_153 = %scan3A_46 to %scan3A_48 step %scan3A_49  : i32 {
      %mul3A_154 = arith.constant 1 : i32
      %mul3A_155 = arith.muli %scan3A_153, %mul3A_154 : i32
      %add3A_156 = arith.constant 0 : i32
      %add3A_157 = arith.addi %add3A_156, %mul3A_155 : i32
      %mul3A_158 = arith.constant 2 : i32
      %mul3A_159 = arith.muli %mul3A_158, %add3A_157 : i32
      %add3A_160 = arith.constant 1 : i32
      %add3A_161 = arith.addi %mul3A_159, %add3A_160 : i32
      %dma_start3A_162 = arith.constant 0 : i32
      %dma_start3A_163 = tpu.memref_slice %arg7[%add3A_161, %dma_start3A_162] : memref<32x64xi32, #tpu.memory_space<vmem>> -> memref<1x64xi32, #tpu.memory_space<vmem>>
      %dma_start3A_164 = tpu.memref_squeeze %dma_start3A_163 : memref<1x64xi32, #tpu.memory_space<vmem>> -> memref<64xi32, #tpu.memory_space<vmem>>
      %dma_start3A_165 = arith.constant 0 : i32
      %dma_start3A_166 = arith.constant 0 : i32
      %dma_start3A_167 = tpu.memref_slice %arg2[%dma_start3A_165, %dma_start3A_166] : memref<10000x128xf32, #tpu.memory_space<hbm>> -> memref<10000x128xf32, #tpu.memory_space<hbm>>
      tpu.enqueue_indirect_dma source(%dma_start3A_167 : memref<10000x128xf32, #tpu.memory_space<hbm>>) target(%arg10 : memref<64x128xf32, #tpu.memory_space<vmem>>) offsets(%dma_start3A_164 : memref<64xi32, #tpu.memory_space<vmem>>) semaphore(%arg15 : memref<!tpu.dma_semaphore, #tpu.memory_space<semaphore_mem>>)
      %mul3A_168 = arith.constant 64 : i32
      %mul3A_169 = arith.muli %add3A_161, %mul3A_168 : i32
      %add3A_170 = arith.addi %add3A_33, %mul3A_169 : i32
      %dma_start3A_171 = arith.constant 0 : i32
      %dma_start3A_172 = tpu.memref_slice %arg5[%add3A_170, %dma_start3A_171] : memref<327680x128xf32, #tpu.memory_space<hbm>> -> memref<64x128xf32, #tpu.memory_space<hbm>>
      %dma_start3A_173 = arith.constant 0 : i32
      %dma_start3A_174 = tpu.memref_slice %arg5[%add3A_170, %dma_start3A_173] : memref<327680x128xf32, #tpu.memory_space<hbm>> -> memref<64x128xf32, #tpu.memory_space<hbm>>
      tpu.enqueue_dma source(%dma_start3A_174 : memref<64x128xf32, #tpu.memory_space<hbm>>) target(%arg12 : memref<64x128xf32, #tpu.memory_space<vmem>>) target_semaphore(%arg17 : memref<!tpu.dma_semaphore, #tpu.memory_space<semaphore_mem>>)
      %mul3A_175 = arith.constant 2 : i32
      %mul3A_176 = arith.muli %mul3A_175, %add3A_157 : i32
      %dma_wait3A = arith.constant 0 : i32
      %dma_wait3A_177 = tpu.memref_slice %arg7[%mul3A_176, %dma_wait3A] : memref<32x64xi32, #tpu.memory_space<vmem>> -> memref<1x64xi32, #tpu.memory_space<vmem>>
      %dma_wait3A_178 = tpu.memref_squeeze %dma_wait3A_177 : memref<1x64xi32, #tpu.memory_space<vmem>> -> memref<64xi32, #tpu.memory_space<vmem>>
      %dma_wait3A_179 = arith.constant 0 : i32
      %dma_wait3A_180 = arith.constant 0 : i32
      %dma_wait3A_181 = tpu.memref_slice %arg2[%dma_wait3A_179, %dma_wait3A_180] : memref<10000x128xf32, #tpu.memory_space<hbm>> -> memref<10000x128xf32, #tpu.memory_space<hbm>>
      tpu.wait_indirect_dma semaphore(%arg14 : memref<!tpu.dma_semaphore, #tpu.memory_space<semaphore_mem>>) src(%dma_wait3A_181 : memref<10000x128xf32, #tpu.memory_space<hbm>>) dst(%arg9 : memref<64x128xf32, #tpu.memory_space<vmem>>)
      %mul3A_182 = arith.constant 64 : i32
      %mul3A_183 = arith.muli %mul3A_176, %mul3A_182 : i32
      %add3A_184 = arith.addi %add3A_33, %mul3A_183 : i32
      %dma_wait3A_185 = arith.constant 0 : i32
      %dma_wait3A_186 = tpu.memref_slice %arg5[%add3A_184, %dma_wait3A_185] : memref<327680x128xf32, #tpu.memory_space<hbm>> -> memref<64x128xf32, #tpu.memory_space<hbm>>
      %dma_wait3A_187 = arith.constant 0 : i32
      %dma_wait3A_188 = tpu.memref_slice %arg5[%add3A_184, %dma_wait3A_187] : memref<327680x128xf32, #tpu.memory_space<hbm>> -> memref<64x128xf32, #tpu.memory_space<hbm>>
      tpu.wait_dma2 semaphore(%arg16 : memref<!tpu.dma_semaphore, #tpu.memory_space<semaphore_mem>>) src(%dma_wait3A_188 : memref<64x128xf32, #tpu.memory_space<hbm>>) dst(%arg11 : memref<64x128xf32, #tpu.memory_space<vmem>>)
      %scan3A_189 = arith.constant 0 : i32
      %scan3A_190 = arith.constant 64 : i32
      %scan3A_191 = arith.addi %scan3A_189, %scan3A_190 : i32
      %scan3A_192 = arith.constant 1 : i32
      scf.for %scan3A_240 = %scan3A_189 to %scan3A_191 step %scan3A_192  : i32 {
        %mul3A_241 = arith.constant 1 : i32
        %mul3A_242 = arith.muli %scan3A_240, %mul3A_241 : i32
        %add3A_243 = arith.constant 0 : i32
        %add3A_244 = arith.addi %add3A_243, %mul3A_242 : i32
        %get3A = arith.index_cast %add3A_244 : i32 to index
        %get3A_245 = arith.constant 0 : index
        %get3A_246 = tpu.vector_load %arg9[%get3A, %get3A_245] {strides = array<i32>} : memref<64x128xf32, #tpu.memory_space<vmem>>, vector<1x16xf32>,
        %get3A_247 = vector.shape_cast %get3A_246 : vector<1x16xf32> to vector<16xf32>
        %get3A_248 = arith.index_cast %add3A_244 : i32 to index
        %get3A_249 = arith.constant 0 : index
        %get3A_250 = tpu.vector_load %arg11[%get3A_248, %get3A_249] {strides = array<i32>} : memref<64x128xf32, #tpu.memory_space<vmem>>, vector<1x16xf32>,
        %get3A_251 = vector.shape_cast %get3A_250 : vector<1x16xf32> to vector<16xf32>
        %mul3A_252 = arith.mulf %get3A_247, %get3A_251 : vector<16xf32>
        %swap3A = arith.index_cast %add3A_244 : i32 to index
        %swap3A_253 = arith.constant 0 : index
        %swap3A_254 = tpu.vector_load %arg9[%swap3A, %swap3A_253] {strides = array<i32>} : memref<64x128xf32, #tpu.memory_space<vmem>>, vector<1x16xf32>,
        %swap3A_255 = vector.shape_cast %swap3A_254 : vector<1x16xf32> to vector<16xf32>
        %swap3A_256 = vector.shape_cast %mul3A_252 : vector<16xf32> to vector<1x16xf32>
        tpu.vector_store %arg9[%swap3A, %swap3A_253], %swap3A_256 {strides = array<i32>} : memref<64x128xf32, #tpu.memory_space<vmem>>, vector<1x16xf32>,
        %get3A_257 = arith.index_cast %add3A_244 : i32 to index
        %get3A_258 = arith.constant 16 : index
        %get3A_259 = tpu.vector_load %arg9[%get3A_257, %get3A_258] {strides = array<i32>} : memref<64x128xf32, #tpu.memory_space<vmem>>, vector<1x16xf32>,
        %get3A_260 = vector.shape_cast %get3A_259 : vector<1x16xf32> to vector<16xf32>
        %get3A_261 = arith.index_cast %add3A_244 : i32 to index
        %get3A_262 = arith.constant 16 : index
        %get3A_263 = tpu.vector_load %arg11[%get3A_261, %get3A_262] {strides = array<i32>} : memref<64x128xf32, #tpu.memory_space<vmem>>, vector<1x16xf32>,
        %get3A_264 = vector.shape_cast %get3A_263 : vector<1x16xf32> to vector<16xf32>
        %mul3A_265 = arith.mulf %get3A_260, %get3A_264 : vector<16xf32>
        %swap3A_266 = arith.index_cast %add3A_244 : i32 to index
        %swap3A_267 = arith.constant 16 : index
        %swap3A_268 = tpu.vector_load %arg9[%swap3A_266, %swap3A_267] {strides = array<i32>} : memref<64x128xf32, #tpu.memory_space<vmem>>, vector<1x16xf32>,
        %swap3A_269 = vector.shape_cast %swap3A_268 : vector<1x16xf32> to vector<16xf32>
        %swap3A_270 = vector.shape_cast %mul3A_265 : vector<16xf32> to vector<1x16xf32>
        tpu.vector_store %arg9[%swap3A_266, %swap3A_267], %swap3A_270 {strides = array<i32>} : memref<64x128xf32, #tpu.memory_space<vmem>>, vector<1x16xf32>,
        %get3A_271 = arith.index_cast %add3A_244 : i32 to index
        %get3A_272 = arith.constant 32 : index
        %get3A_273 = tpu.vector_load %arg9[%get3A_271, %get3A_272] {strides = array<i32>} : memref<64x128xf32, #tpu.memory_space<vmem>>, vector<1x16xf32>,
        %get3A_274 = vector.shape_cast %get3A_273 : vector<1x16xf32> to vector<16xf32>
        %get3A_275 = arith.index_cast %add3A_244 : i32 to index
        %get3A_276 = arith.constant 32 : index
        %get3A_277 = tpu.vector_load %arg11[%get3A_275, %get3A_276] {strides = array<i32>} : memref<64x128xf32, #tpu.memory_space<vmem>>, vector<1x16xf32>,
        %get3A_278 = vector.shape_cast %get3A_277 : vector<1x16xf32> to vector<16xf32>
        %mul3A_279 = arith.mulf %get3A_274, %get3A_278 : vector<16xf32>
        %swap3A_280 = arith.index_cast %add3A_244 : i32 to index
        %swap3A_281 = arith.constant 32 : index
        %swap3A_282 = tpu.vector_load %arg9[%swap3A_280, %swap3A_281] {strides = array<i32>} : memref<64x128xf32, #tpu.memory_space<vmem>>, vector<1x16xf32>,
        %swap3A_283 = vector.shape_cast %swap3A_282 : vector<1x16xf32> to vector<16xf32>
        %swap3A_284 = vector.shape_cast %mul3A_279 : vector<16xf32> to vector<1x16xf32>
        tpu.vector_store %arg9[%swap3A_280, %swap3A_281], %swap3A_284 {strides = array<i32>} : memref<64x128xf32, #tpu.memory_space<vmem>>, vector<1x16xf32>,
        %get3A_285 = arith.index_cast %add3A_244 : i32 to index
        %get3A_286 = arith.constant 48 : index
        %get3A_287 = tpu.vector_load %arg9[%get3A_285, %get3A_286] {strides = array<i32>} : memref<64x128xf32, #tpu.memory_space<vmem>>, vector<1x16xf32>,
        %get3A_288 = vector.shape_cast %get3A_287 : vector<1x16xf32> to vector<16xf32>
        %get3A_289 = arith.index_cast %add3A_244 : i32 to index
        %get3A_290 = arith.constant 48 : index
        %get3A_291 = tpu.vector_load %arg11[%get3A_289, %get3A_290] {strides = array<i32>} : memref<64x128xf32, #tpu.memory_space<vmem>>, vector<1x16xf32>,
        %get3A_292 = vector.shape_cast %get3A_291 : vector<1x16xf32> to vector<16xf32>
        %mul3A_293 = arith.mulf %get3A_288, %get3A_292 : vector<16xf32>
        %swap3A_294 = arith.index_cast %add3A_244 : i32 to index
        %swap3A_295 = arith.constant 48 : index
        %swap3A_296 = tpu.vector_load %arg9[%swap3A_294, %swap3A_295] {strides = array<i32>} : memref<64x128xf32, #tpu.memory_space<vmem>>, vector<1x16xf32>,
        %swap3A_297 = vector.shape_cast %swap3A_296 : vector<1x16xf32> to vector<16xf32>
        %swap3A_298 = vector.shape_cast %mul3A_293 : vector<16xf32> to vector<1x16xf32>
        tpu.vector_store %arg9[%swap3A_294, %swap3A_295], %swap3A_298 {strides = array<i32>} : memref<64x128xf32, #tpu.memory_space<vmem>>, vector<1x16xf32>,
        %get3A_299 = arith.index_cast %add3A_244 : i32 to index
        %get3A_300 = arith.constant 64 : index
        %get3A_301 = tpu.vector_load %arg9[%get3A_299, %get3A_300] {strides = array<i32>} : memref<64x128xf32, #tpu.memory_space<vmem>>, vector<1x16xf32>,
        %get3A_302 = vector.shape_cast %get3A_301 : vector<1x16xf32> to vector<16xf32>
        %get3A_303 = arith.index_cast %add3A_244 : i32 to index
        %get3A_304 = arith.constant 64 : index
        %get3A_305 = tpu.vector_load %arg11[%get3A_303, %get3A_304] {strides = array<i32>} : memref<64x128xf32, #tpu.memory_space<vmem>>, vector<1x16xf32>,
        %get3A_306 = vector.shape_cast %get3A_305 : vector<1x16xf32> to vector<16xf32>
        %mul3A_307 = arith.mulf %get3A_302, %get3A_306 : vector<16xf32>
        %swap3A_308 = arith.index_cast %add3A_244 : i32 to index
        %swap3A_309 = arith.constant 64 : index
        %swap3A_310 = tpu.vector_load %arg9[%swap3A_308, %swap3A_309] {strides = array<i32>} : memref<64x128xf32, #tpu.memory_space<vmem>>, vector<1x16xf32>,
        %swap3A_311 = vector.shape_cast %swap3A_310 : vector<1x16xf32> to vector<16xf32>
        %swap3A_312 = vector.shape_cast %mul3A_307 : vector<16xf32> to vector<1x16xf32>
        tpu.vector_store %arg9[%swap3A_308, %swap3A_309], %swap3A_312 {strides = array<i32>} : memref<64x128xf32, #tpu.memory_space<vmem>>, vector<1x16xf32>,
        %get3A_313 = arith.index_cast %add3A_244 : i32 to index
        %get3A_314 = arith.constant 80 : index
        %get3A_315 = tpu.vector_load %arg9[%get3A_313, %get3A_314] {strides = array<i32>} : memref<64x128xf32, #tpu.memory_space<vmem>>, vector<1x16xf32>,
        %get3A_316 = vector.shape_cast %get3A_315 : vector<1x16xf32> to vector<16xf32>
        %get3A_317 = arith.index_cast %add3A_244 : i32 to index
        %get3A_318 = arith.constant 80 : index
        %get3A_319 = tpu.vector_load %arg11[%get3A_317, %get3A_318] {strides = array<i32>} : memref<64x128xf32, #tpu.memory_space<vmem>>, vector<1x16xf32>,
        %get3A_320 = vector.shape_cast %get3A_319 : vector<1x16xf32> to vector<16xf32>
        %mul3A_321 = arith.mulf %get3A_316, %get3A_320 : vector<16xf32>
        %swap3A_322 = arith.index_cast %add3A_244 : i32 to index
        %swap3A_323 = arith.constant 80 : index
        %swap3A_324 = tpu.vector_load %arg9[%swap3A_322, %swap3A_323] {strides = array<i32>} : memref<64x128xf32, #tpu.memory_space<vmem>>, vector<1x16xf32>,
        %swap3A_325 = vector.shape_cast %swap3A_324 : vector<1x16xf32> to vector<16xf32>
        %swap3A_326 = vector.shape_cast %mul3A_321 : vector<16xf32> to vector<1x16xf32>
        tpu.vector_store %arg9[%swap3A_322, %swap3A_323], %swap3A_326 {strides = array<i32>} : memref<64x128xf32, #tpu.memory_space<vmem>>, vector<1x16xf32>,
        %get3A_327 = arith.index_cast %add3A_244 : i32 to index
        %get3A_328 = arith.constant 96 : index
        %get3A_329 = tpu.vector_load %arg9[%get3A_327, %get3A_328] {strides = array<i32>} : memref<64x128xf32, #tpu.memory_space<vmem>>, vector<1x16xf32>,
        %get3A_330 = vector.shape_cast %get3A_329 : vector<1x16xf32> to vector<16xf32>
        %get3A_331 = arith.index_cast %add3A_244 : i32 to index
        %get3A_332 = arith.constant 96 : index
        %get3A_333 = tpu.vector_load %arg11[%get3A_331, %get3A_332] {strides = array<i32>} : memref<64x128xf32, #tpu.memory_space<vmem>>, vector<1x16xf32>,
        %get3A_334 = vector.shape_cast %get3A_333 : vector<1x16xf32> to vector<16xf32>
        %mul3A_335 = arith.mulf %get3A_330, %get3A_334 : vector<16xf32>
        %swap3A_336 = arith.index_cast %add3A_244 : i32 to index
        %swap3A_337 = arith.constant 96 : index
        %swap3A_338 = tpu.vector_load %arg9[%swap3A_336, %swap3A_337] {strides = array<i32>} : memref<64x128xf32, #tpu.memory_space<vmem>>, vector<1x16xf32>,
        %swap3A_339 = vector.shape_cast %swap3A_338 : vector<1x16xf32> to vector<16xf32>
        %swap3A_340 = vector.shape_cast %mul3A_335 : vector<16xf32> to vector<1x16xf32>
        tpu.vector_store %arg9[%swap3A_336, %swap3A_337], %swap3A_340 {strides = array<i32>} : memref<64x128xf32, #tpu.memory_space<vmem>>, vector<1x16xf32>,
        %get3A_341 = arith.index_cast %add3A_244 : i32 to index
        %get3A_342 = arith.constant 112 : index
        %get3A_343 = tpu.vector_load %arg9[%get3A_341, %get3A_342] {strides = array<i32>} : memref<64x128xf32, #tpu.memory_space<vmem>>, vector<1x16xf32>,
        %get3A_344 = vector.shape_cast %get3A_343 : vector<1x16xf32> to vector<16xf32>
        %get3A_345 = arith.index_cast %add3A_244 : i32 to index
        %get3A_346 = arith.constant 112 : index
        %get3A_347 = tpu.vector_load %arg11[%get3A_345, %get3A_346] {strides = array<i32>} : memref<64x128xf32, #tpu.memory_space<vmem>>, vector<1x16xf32>,
        %get3A_348 = vector.shape_cast %get3A_347 : vector<1x16xf32> to vector<16xf32>
        %mul3A_349 = arith.mulf %get3A_344, %get3A_348 : vector<16xf32>
        %swap3A_350 = arith.index_cast %add3A_244 : i32 to index
        %swap3A_351 = arith.constant 112 : index
        %swap3A_352 = tpu.vector_load %arg9[%swap3A_350, %swap3A_351] {strides = array<i32>} : memref<64x128xf32, #tpu.memory_space<vmem>>, vector<1x16xf32>,
        %swap3A_353 = vector.shape_cast %swap3A_352 : vector<1x16xf32> to vector<16xf32>
        %swap3A_354 = vector.shape_cast %mul3A_349 : vector<16xf32> to vector<1x16xf32>
        tpu.vector_store %arg9[%swap3A_350, %swap3A_351], %swap3A_354 {strides = array<i32>} : memref<64x128xf32, #tpu.memory_space<vmem>>, vector<1x16xf32>,
      }
      %scan3A_193 = arith.constant 64 : i32
      %ne3A = arith.constant 31 : i32
      %ne3A_194 = arith.cmpi ne, %add3A, %ne3A : i32
      %add3A_195 = arith.constant 0 : i32
      %add3A_196 = arith.addi %add3A_195, %mul3A_176 : i32
      %lt3A = arith.constant 40 : i32
      %lt3A_197 = arith.cmpi slt, %add3A_196, %lt3A : i32
      %or3A = arith.ori %ne3A_194, %lt3A_197 : i1
      %convert_element_type3A_198 = arith.extui %or3A : i1 to i32
      %cond3A_199 = arith.constant 0 : i32
      %cond3A_200 = arith.cmpi ne, %convert_element_type3A_198, %cond3A_199 : i32
      scf.if %cond3A_200 {
        "tpu.region"() ({
          %run_scoped3A_240 = tpu.sem_alloc : memref<!tpu.dma_semaphore, #tpu.memory_space<semaphore_mem>>
          %dma_start3A_241 = arith.constant 0 : i32
          %dma_start3A_242 = tpu.memref_slice %arg8[%mul3A_176, %dma_start3A_241] : memref<32x64xi32, #tpu.memory_space<vmem>> -> memref<1x64xi32, #tpu.memory_space<vmem>>
          %dma_start3A_243 = tpu.memref_squeeze %dma_start3A_242 : memref<1x64xi32, #tpu.memory_space<vmem>> -> memref<64xi32, #tpu.memory_space<vmem>>
          %dma_start3A_244 = arith.constant 0 : i32
          %dma_start3A_245 = arith.constant 0 : i32
          %dma_start3A_246 = tpu.memref_slice %arg13[%dma_start3A_244, %dma_start3A_245] : memref<10000x128xf32, #tpu.memory_space<vmem_shared>> -> memref<10000x128xf32, #tpu.memory_space<vmem_shared>>
          tpu.enqueue_indirect_dma source(%arg9 : memref<64x128xf32, #tpu.memory_space<vmem>>) target(%dma_start3A_246 : memref<10000x128xf32, #tpu.memory_space<vmem_shared>>) offsets(%dma_start3A_243 : memref<64xi32, #tpu.memory_space<vmem>>) semaphore(%run_scoped3A_240 : memref<!tpu.dma_semaphore, #tpu.memory_space<semaphore_mem>>) {add = true}
          %dma_wait3A_247 = arith.constant 0 : i32
          %dma_wait3A_248 = tpu.memref_slice %arg8[%mul3A_176, %dma_wait3A_247] : memref<32x64xi32, #tpu.memory_space<vmem>> -> memref<1x64xi32, #tpu.memory_space<vmem>>
          %dma_wait3A_249 = tpu.memref_squeeze %dma_wait3A_248 : memref<1x64xi32, #tpu.memory_space<vmem>> -> memref<64xi32, #tpu.memory_space<vmem>>
          %dma_wait3A_250 = arith.constant 0 : i32
          %dma_wait3A_251 = arith.constant 0 : i32
          %dma_wait3A_252 = tpu.memref_slice %arg13[%dma_wait3A_250, %dma_wait3A_251] : memref<10000x128xf32, #tpu.memory_space<vmem_shared>> -> memref<10000x128xf32, #tpu.memory_space<vmem_shared>>
          tpu.wait_indirect_dma semaphore(%run_scoped3A_240 : memref<!tpu.dma_semaphore, #tpu.memory_space<semaphore_mem>>) src(%arg9 : memref<64x128xf32, #tpu.memory_space<vmem>>) dst(%dma_wait3A_252 : memref<10000x128xf32, #tpu.memory_space<vmem_shared>>)
          tpu.yield
        }) : () -> ()
      } else {
      }
      %add3A_201 = arith.constant 1 : i32
      %add3A_202 = arith.addi %add3A_157, %add3A_201 : i32
      %lt3A_203 = arith.constant 16 : i32
      %lt3A_204 = arith.cmpi slt, %add3A_202, %lt3A_203 : i32
      %convert_element_type3A_205 = arith.extui %lt3A_204 : i1 to i32
      %cond3A_206 = arith.constant 0 : i32
      %cond3A_207 = arith.cmpi ne, %convert_element_type3A_205, %cond3A_206 : i32
      scf.if %cond3A_207 {
        %mul3A_240 = arith.constant 2 : i32
        %mul3A_241 = arith.muli %mul3A_240, %add3A_157 : i32
        %add3A_242 = arith.constant 2 : i32
        %add3A_243 = arith.addi %mul3A_241, %add3A_242 : i32
        %dma_start3A_244 = arith.constant 0 : i32
        %dma_start3A_245 = tpu.memref_slice %arg7[%add3A_243, %dma_start3A_244] : memref<32x64xi32, #tpu.memory_space<vmem>> -> memref<1x64xi32, #tpu.memory_space<vmem>>
        %dma_start3A_246 = tpu.memref_squeeze %dma_start3A_245 : memref<1x64xi32, #tpu.memory_space<vmem>> -> memref<64xi32, #tpu.memory_space<vmem>>
        %dma_start3A_247 = arith.constant 0 : i32
        %dma_start3A_248 = arith.constant 0 : i32
        %dma_start3A_249 = tpu.memref_slice %arg2[%dma_start3A_247, %dma_start3A_248] : memref<10000x128xf32, #tpu.memory_space<hbm>> -> memref<10000x128xf32, #tpu.memory_space<hbm>>
        tpu.enqueue_indirect_dma source(%dma_start3A_249 : memref<10000x128xf32, #tpu.memory_space<hbm>>) target(%arg9 : memref<64x128xf32, #tpu.memory_space<vmem>>) offsets(%dma_start3A_246 : memref<64xi32, #tpu.memory_space<vmem>>) semaphore(%arg14 : memref<!tpu.dma_semaphore, #tpu.memory_space<semaphore_mem>>)
        %mul3A_250 = arith.constant 64 : i32
        %mul3A_251 = arith.muli %add3A_243, %mul3A_250 : i32
        %add3A_252 = arith.addi %add3A_33, %mul3A_251 : i32
        %dma_start3A_253 = arith.constant 0 : i32
        %dma_start3A_254 = tpu.memref_slice %arg5[%add3A_252, %dma_start3A_253] : memref<327680x128xf32, #tpu.memory_space<hbm>> -> memref<64x128xf32, #tpu.memory_space<hbm>>
        %dma_start3A_255 = arith.constant 0 : i32
        %dma_start3A_256 = tpu.memref_slice %arg5[%add3A_252, %dma_start3A_255] : memref<327680x128xf32, #tpu.memory_space<hbm>> -> memref<64x128xf32, #tpu.memory_space<hbm>>
        tpu.enqueue_dma source(%dma_start3A_256 : memref<64x128xf32, #tpu.memory_space<hbm>>) target(%arg11 : memref<64x128xf32, #tpu.memory_space<vmem>>) target_semaphore(%arg16 : memref<!tpu.dma_semaphore, #tpu.memory_space<semaphore_mem>>)
      } else {
      }
      %mul3A_208 = arith.constant 2 : i32
      %mul3A_209 = arith.muli %mul3A_208, %add3A_157 : i32
      %add3A_210 = arith.constant 1 : i32
      %add3A_211 = arith.addi %mul3A_209, %add3A_210 : i32
      %dma_wait3A_212 = arith.constant 0 : i32
      %dma_wait3A_213 = tpu.memref_slice %arg7[%add3A_211, %dma_wait3A_212] : memref<32x64xi32, #tpu.memory_space<vmem>> -> memref<1x64xi32, #tpu.memory_space<vmem>>
      %dma_wait3A_214 = tpu.memref_squeeze %dma_wait3A_213 : memref<1x64xi32, #tpu.memory_space<vmem>> -> memref<64xi32, #tpu.memory_space<vmem>>
      %dma_wait3A_215 = arith.constant 0 : i32
      %dma_wait3A_216 = arith.constant 0 : i32
      %dma_wait3A_217 = tpu.memref_slice %arg2[%dma_wait3A_215, %dma_wait3A_216] : memref<10000x128xf32, #tpu.memory_space<hbm>> -> memref<10000x128xf32, #tpu.memory_space<hbm>>
      tpu.wait_indirect_dma semaphore(%arg15 : memref<!tpu.dma_semaphore, #tpu.memory_space<semaphore_mem>>) src(%dma_wait3A_217 : memref<10000x128xf32, #tpu.memory_space<hbm>>) dst(%arg10 : memref<64x128xf32, #tpu.memory_space<vmem>>)
      %mul3A_218 = arith.constant 64 : i32
      %mul3A_219 = arith.muli %add3A_211, %mul3A_218 : i32
      %add3A_220 = arith.addi %add3A_33, %mul3A_219 : i32
      %dma_wait3A_221 = arith.constant 0 : i32
      %dma_wait3A_222 = tpu.memref_slice %arg5[%add3A_220, %dma_wait3A_221] : memref<327680x128xf32, #tpu.memory_space<hbm>> -> memref<64x128xf32, #tpu.memory_space<hbm>>
      %dma_wait3A_223 = arith.constant 0 : i32
      %dma_wait3A_224 = tpu.memref_slice %arg5[%add3A_220, %dma_wait3A_223] : memref<327680x128xf32, #tpu.memory_space<hbm>> -> memref<64x128xf32, #tpu.memory_space<hbm>>
      tpu.wait_dma2 semaphore(%arg17 : memref<!tpu.dma_semaphore, #tpu.memory_space<semaphore_mem>>) src(%dma_wait3A_224 : memref<64x128xf32, #tpu.memory_space<hbm>>) dst(%arg12 : memref<64x128xf32, #tpu.memory_space<vmem>>)
      %scan3A_225 = arith.constant 0 : i32
      %scan3A_226 = arith.constant 64 : i32
      %scan3A_227 = arith.addi %scan3A_225, %scan3A_226 : i32
      %scan3A_228 = arith.constant 1 : i32
      scf.for %scan3A_240 = %scan3A_225 to %scan3A_227 step %scan3A_228  : i32 {
        %mul3A_241 = arith.constant 1 : i32
        %mul3A_242 = arith.muli %scan3A_240, %mul3A_241 : i32
        %add3A_243 = arith.constant 0 : i32
        %add3A_244 = arith.addi %add3A_243, %mul3A_242 : i32
        %get3A = arith.index_cast %add3A_244 : i32 to index
        %get3A_245 = arith.constant 0 : index
        %get3A_246 = tpu.vector_load %arg10[%get3A, %get3A_245] {strides = array<i32>} : memref<64x128xf32, #tpu.memory_space<vmem>>, vector<1x16xf32>,
        %get3A_247 = vector.shape_cast %get3A_246 : vector<1x16xf32> to vector<16xf32>
        %get3A_248 = arith.index_cast %add3A_244 : i32 to index
        %get3A_249 = arith.constant 0 : index
        %get3A_250 = tpu.vector_load %arg12[%get3A_248, %get3A_249] {strides = array<i32>} : memref<64x128xf32, #tpu.memory_space<vmem>>, vector<1x16xf32>,
        %get3A_251 = vector.shape_cast %get3A_250 : vector<1x16xf32> to vector<16xf32>
        %mul3A_252 = arith.mulf %get3A_247, %get3A_251 : vector<16xf32>
        %swap3A = arith.index_cast %add3A_244 : i32 to index
        %swap3A_253 = arith.constant 0 : index
        %swap3A_254 = tpu.vector_load %arg10[%swap3A, %swap3A_253] {strides = array<i32>} : memref<64x128xf32, #tpu.memory_space<vmem>>, vector<1x16xf32>,
        %swap3A_255 = vector.shape_cast %swap3A_254 : vector<1x16xf32> to vector<16xf32>
        %swap3A_256 = vector.shape_cast %mul3A_252 : vector<16xf32> to vector<1x16xf32>
        tpu.vector_store %arg10[%swap3A, %swap3A_253], %swap3A_256 {strides = array<i32>} : memref<64x128xf32, #tpu.memory_space<vmem>>, vector<1x16xf32>,
        %get3A_257 = arith.index_cast %add3A_244 : i32 to index
        %get3A_258 = arith.constant 16 : index
        %get3A_259 = tpu.vector_load %arg10[%get3A_257, %get3A_258] {strides = array<i32>} : memref<64x128xf32, #tpu.memory_space<vmem>>, vector<1x16xf32>,
        %get3A_260 = vector.shape_cast %get3A_259 : vector<1x16xf32> to vector<16xf32>
        %get3A_261 = arith.index_cast %add3A_244 : i32 to index
        %get3A_262 = arith.constant 16 : index
        %get3A_263 = tpu.vector_load %arg12[%get3A_261, %get3A_262] {strides = array<i32>} : memref<64x128xf32, #tpu.memory_space<vmem>>, vector<1x16xf32>,
        %get3A_264 = vector.shape_cast %get3A_263 : vector<1x16xf32> to vector<16xf32>
        %mul3A_265 = arith.mulf %get3A_260, %get3A_264 : vector<16xf32>
        %swap3A_266 = arith.index_cast %add3A_244 : i32 to index
        %swap3A_267 = arith.constant 16 : index
        %swap3A_268 = tpu.vector_load %arg10[%swap3A_266, %swap3A_267] {strides = array<i32>} : memref<64x128xf32, #tpu.memory_space<vmem>>, vector<1x16xf32>,
        %swap3A_269 = vector.shape_cast %swap3A_268 : vector<1x16xf32> to vector<16xf32>
        %swap3A_270 = vector.shape_cast %mul3A_265 : vector<16xf32> to vector<1x16xf32>
        tpu.vector_store %arg10[%swap3A_266, %swap3A_267], %swap3A_270 {strides = array<i32>} : memref<64x128xf32, #tpu.memory_space<vmem>>, vector<1x16xf32>,
        %get3A_271 = arith.index_cast %add3A_244 : i32 to index
        %get3A_272 = arith.constant 32 : index
        %get3A_273 = tpu.vector_load %arg10[%get3A_271, %get3A_272] {strides = array<i32>} : memref<64x128xf32, #tpu.memory_space<vmem>>, vector<1x16xf32>,
        %get3A_274 = vector.shape_cast %get3A_273 : vector<1x16xf32> to vector<16xf32>
        %get3A_275 = arith.index_cast %add3A_244 : i32 to index
        %get3A_276 = arith.constant 32 : index
        %get3A_277 = tpu.vector_load %arg12[%get3A_275, %get3A_276] {strides = array<i32>} : memref<64x128xf32, #tpu.memory_space<vmem>>, vector<1x16xf32>,
        %get3A_278 = vector.shape_cast %get3A_277 : vector<1x16xf32> to vector<16xf32>
        %mul3A_279 = arith.mulf %get3A_274, %get3A_278 : vector<16xf32>
        %swap3A_280 = arith.index_cast %add3A_244 : i32 to index
        %swap3A_281 = arith.constant 32 : index
        %swap3A_282 = tpu.vector_load %arg10[%swap3A_280, %swap3A_281] {strides = array<i32>} : memref<64x128xf32, #tpu.memory_space<vmem>>, vector<1x16xf32>,
        %swap3A_283 = vector.shape_cast %swap3A_282 : vector<1x16xf32> to vector<16xf32>
        %swap3A_284 = vector.shape_cast %mul3A_279 : vector<16xf32> to vector<1x16xf32>
        tpu.vector_store %arg10[%swap3A_280, %swap3A_281], %swap3A_284 {strides = array<i32>} : memref<64x128xf32, #tpu.memory_space<vmem>>, vector<1x16xf32>,
        %get3A_285 = arith.index_cast %add3A_244 : i32 to index
        %get3A_286 = arith.constant 48 : index
        %get3A_287 = tpu.vector_load %arg10[%get3A_285, %get3A_286] {strides = array<i32>} : memref<64x128xf32, #tpu.memory_space<vmem>>, vector<1x16xf32>,
        %get3A_288 = vector.shape_cast %get3A_287 : vector<1x16xf32> to vector<16xf32>
        %get3A_289 = arith.index_cast %add3A_244 : i32 to index
        %get3A_290 = arith.constant 48 : index
        %get3A_291 = tpu.vector_load %arg12[%get3A_289, %get3A_290] {strides = array<i32>} : memref<64x128xf32, #tpu.memory_space<vmem>>, vector<1x16xf32>,
        %get3A_292 = vector.shape_cast %get3A_291 : vector<1x16xf32> to vector<16xf32>
        %mul3A_293 = arith.mulf %get3A_288, %get3A_292 : vector<16xf32>
        %swap3A_294 = arith.index_cast %add3A_244 : i32 to index
        %swap3A_295 = arith.constant 48 : index
        %swap3A_296 = tpu.vector_load %arg10[%swap3A_294, %swap3A_295] {strides = array<i32>} : memref<64x128xf32, #tpu.memory_space<vmem>>, vector<1x16xf32>,
        %swap3A_297 = vector.shape_cast %swap3A_296 : vector<1x16xf32> to vector<16xf32>
        %swap3A_298 = vector.shape_cast %mul3A_293 : vector<16xf32> to vector<1x16xf32>
        tpu.vector_store %arg10[%swap3A_294, %swap3A_295], %swap3A_298 {strides = array<i32>} : memref<64x128xf32, #tpu.memory_space<vmem>>, vector<1x16xf32>,
        %get3A_299 = arith.index_cast %add3A_244 : i32 to index
        %get3A_300 = arith.constant 64 : index
        %get3A_301 = tpu.vector_load %arg10[%get3A_299, %get3A_300] {strides = array<i32>} : memref<64x128xf32, #tpu.memory_space<vmem>>, vector<1x16xf32>,
        %get3A_302 = vector.shape_cast %get3A_301 : vector<1x16xf32> to vector<16xf32>
        %get3A_303 = arith.index_cast %add3A_244 : i32 to index
        %get3A_304 = arith.constant 64 : index
        %get3A_305 = tpu.vector_load %arg12[%get3A_303, %get3A_304] {strides = array<i32>} : memref<64x128xf32, #tpu.memory_space<vmem>>, vector<1x16xf32>,
        %get3A_306 = vector.shape_cast %get3A_305 : vector<1x16xf32> to vector<16xf32>
        %mul3A_307 = arith.mulf %get3A_302, %get3A_306 : vector<16xf32>
        %swap3A_308 = arith.index_cast %add3A_244 : i32 to index
        %swap3A_309 = arith.constant 64 : index
        %swap3A_310 = tpu.vector_load %arg10[%swap3A_308, %swap3A_309] {strides = array<i32>} : memref<64x128xf32, #tpu.memory_space<vmem>>, vector<1x16xf32>,
        %swap3A_311 = vector.shape_cast %swap3A_310 : vector<1x16xf32> to vector<16xf32>
        %swap3A_312 = vector.shape_cast %mul3A_307 : vector<16xf32> to vector<1x16xf32>
        tpu.vector_store %arg10[%swap3A_308, %swap3A_309], %swap3A_312 {strides = array<i32>} : memref<64x128xf32, #tpu.memory_space<vmem>>, vector<1x16xf32>,
        %get3A_313 = arith.index_cast %add3A_244 : i32 to index
        %get3A_314 = arith.constant 80 : index
        %get3A_315 = tpu.vector_load %arg10[%get3A_313, %get3A_314] {strides = array<i32>} : memref<64x128xf32, #tpu.memory_space<vmem>>, vector<1x16xf32>,
        %get3A_316 = vector.shape_cast %get3A_315 : vector<1x16xf32> to vector<16xf32>
        %get3A_317 = arith.index_cast %add3A_244 : i32 to index
        %get3A_318 = arith.constant 80 : index
        %get3A_319 = tpu.vector_load %arg12[%get3A_317, %get3A_318] {strides = array<i32>} : memref<64x128xf32, #tpu.memory_space<vmem>>, vector<1x16xf32>,
        %get3A_320 = vector.shape_cast %get3A_319 : vector<1x16xf32> to vector<16xf32>
        %mul3A_321 = arith.mulf %get3A_316, %get3A_320 : vector<16xf32>
        %swap3A_322 = arith.index_cast %add3A_244 : i32 to index
        %swap3A_323 = arith.constant 80 : index
        %swap3A_324 = tpu.vector_load %arg10[%swap3A_322, %swap3A_323] {strides = array<i32>} : memref<64x128xf32, #tpu.memory_space<vmem>>, vector<1x16xf32>,
        %swap3A_325 = vector.shape_cast %swap3A_324 : vector<1x16xf32> to vector<16xf32>
        %swap3A_326 = vector.shape_cast %mul3A_321 : vector<16xf32> to vector<1x16xf32>
        tpu.vector_store %arg10[%swap3A_322, %swap3A_323], %swap3A_326 {strides = array<i32>} : memref<64x128xf32, #tpu.memory_space<vmem>>, vector<1x16xf32>,
        %get3A_327 = arith.index_cast %add3A_244 : i32 to index
        %get3A_328 = arith.constant 96 : index
        %get3A_329 = tpu.vector_load %arg10[%get3A_327, %get3A_328] {strides = array<i32>} : memref<64x128xf32, #tpu.memory_space<vmem>>, vector<1x16xf32>,
        %get3A_330 = vector.shape_cast %get3A_329 : vector<1x16xf32> to vector<16xf32>
        %get3A_331 = arith.index_cast %add3A_244 : i32 to index
        %get3A_332 = arith.constant 96 : index
        %get3A_333 = tpu.vector_load %arg12[%get3A_331, %get3A_332] {strides = array<i32>} : memref<64x128xf32, #tpu.memory_space<vmem>>, vector<1x16xf32>,
        %get3A_334 = vector.shape_cast %get3A_333 : vector<1x16xf32> to vector<16xf32>
        %mul3A_335 = arith.mulf %get3A_330, %get3A_334 : vector<16xf32>
        %swap3A_336 = arith.index_cast %add3A_244 : i32 to index
        %swap3A_337 = arith.constant 96 : index
        %swap3A_338 = tpu.vector_load %arg10[%swap3A_336, %swap3A_337] {strides = array<i32>} : memref<64x128xf32, #tpu.memory_space<vmem>>, vector<1x16xf32>,
        %swap3A_339 = vector.shape_cast %swap3A_338 : vector<1x16xf32> to vector<16xf32>
        %swap3A_340 = vector.shape_cast %mul3A_335 : vector<16xf32> to vector<1x16xf32>
        tpu.vector_store %arg10[%swap3A_336, %swap3A_337], %swap3A_340 {strides = array<i32>} : memref<64x128xf32, #tpu.memory_space<vmem>>, vector<1x16xf32>,
        %get3A_341 = arith.index_cast %add3A_244 : i32 to index
        %get3A_342 = arith.constant 112 : index
        %get3A_343 = tpu.vector_load %arg10[%get3A_341, %get3A_342] {strides = array<i32>} : memref<64x128xf32, #tpu.memory_space<vmem>>, vector<1x16xf32>,
        %get3A_344 = vector.shape_cast %get3A_343 : vector<1x16xf32> to vector<16xf32>
        %get3A_345 = arith.index_cast %add3A_244 : i32 to index
        %get3A_346 = arith.constant 112 : index
        %get3A_347 = tpu.vector_load %arg12[%get3A_345, %get3A_346] {strides = array<i32>} : memref<64x128xf32, #tpu.memory_space<vmem>>, vector<1x16xf32>,
        %get3A_348 = vector.shape_cast %get3A_347 : vector<1x16xf32> to vector<16xf32>
        %mul3A_349 = arith.mulf %get3A_344, %get3A_348 : vector<16xf32>
        %swap3A_350 = arith.index_cast %add3A_244 : i32 to index
        %swap3A_351 = arith.constant 112 : index
        %swap3A_352 = tpu.vector_load %arg10[%swap3A_350, %swap3A_351] {strides = array<i32>} : memref<64x128xf32, #tpu.memory_space<vmem>>, vector<1x16xf32>,
        %swap3A_353 = vector.shape_cast %swap3A_352 : vector<1x16xf32> to vector<16xf32>
        %swap3A_354 = vector.shape_cast %mul3A_349 : vector<16xf32> to vector<1x16xf32>
        tpu.vector_store %arg10[%swap3A_350, %swap3A_351], %swap3A_354 {strides = array<i32>} : memref<64x128xf32, #tpu.memory_space<vmem>>, vector<1x16xf32>,
      }
      %scan3A_229 = arith.constant 64 : i32
      %ne3A_230 = arith.constant 31 : i32
      %ne3A_231 = arith.cmpi ne, %add3A, %ne3A_230 : i32
      %add3A_232 = arith.constant 0 : i32
      %add3A_233 = arith.addi %add3A_232, %add3A_211 : i32
      %lt3A_234 = arith.constant 40 : i32
      %lt3A_235 = arith.cmpi slt, %add3A_233, %lt3A_234 : i32
      %or3A_236 = arith.ori %ne3A_231, %lt3A_235 : i1
      %convert_element_type3A_237 = arith.extui %or3A_236 : i1 to i32
      %cond3A_238 = arith.constant 0 : i32
      %cond3A_239 = arith.cmpi ne, %convert_element_type3A_237, %cond3A_238 : i32
      scf.if %cond3A_239 {
        "tpu.region"() ({
          %run_scoped3A_240 = tpu.sem_alloc : memref<!tpu.dma_semaphore, #tpu.memory_space<semaphore_mem>>
          %dma_start3A_241 = arith.constant 0 : i32
          %dma_start3A_242 = tpu.memref_slice %arg8[%add3A_211, %dma_start3A_241] : memref<32x64xi32, #tpu.memory_space<vmem>> -> memref<1x64xi32, #tpu.memory_space<vmem>>
          %dma_start3A_243 = tpu.memref_squeeze %dma_start3A_242 : memref<1x64xi32, #tpu.memory_space<vmem>> -> memref<64xi32, #tpu.memory_space<vmem>>
          %dma_start3A_244 = arith.constant 0 : i32
          %dma_start3A_245 = arith.constant 0 : i32
          %dma_start3A_246 = tpu.memref_slice %arg13[%dma_start3A_244, %dma_start3A_245] : memref<10000x128xf32, #tpu.memory_space<vmem_shared>> -> memref<10000x128xf32, #tpu.memory_space<vmem_shared>>
          tpu.enqueue_indirect_dma source(%arg10 : memref<64x128xf32, #tpu.memory_space<vmem>>) target(%dma_start3A_246 : memref<10000x128xf32, #tpu.memory_space<vmem_shared>>) offsets(%dma_start3A_243 : memref<64xi32, #tpu.memory_space<vmem>>) semaphore(%run_scoped3A_240 : memref<!tpu.dma_semaphore, #tpu.memory_space<semaphore_mem>>) {add = true}
          %dma_wait3A_247 = arith.constant 0 : i32
          %dma_wait3A_248 = tpu.memref_slice %arg8[%add3A_211, %dma_wait3A_247] : memref<32x64xi32, #tpu.memory_space<vmem>> -> memref<1x64xi32, #tpu.memory_space<vmem>>
          %dma_wait3A_249 = tpu.memref_squeeze %dma_wait3A_248 : memref<1x64xi32, #tpu.memory_space<vmem>> -> memref<64xi32, #tpu.memory_space<vmem>>
          %dma_wait3A_250 = arith.constant 0 : i32
          %dma_wait3A_251 = arith.constant 0 : i32
          %dma_wait3A_252 = tpu.memref_slice %arg13[%dma_wait3A_250, %dma_wait3A_251] : memref<10000x128xf32, #tpu.memory_space<vmem_shared>> -> memref<10000x128xf32, #tpu.memory_space<vmem_shared>>
          tpu.wait_indirect_dma semaphore(%run_scoped3A_240 : memref<!tpu.dma_semaphore, #tpu.memory_space<semaphore_mem>>) src(%arg10 : memref<64x128xf32, #tpu.memory_space<vmem>>) dst(%dma_wait3A_252 : memref<10000x128xf32, #tpu.memory_space<vmem_shared>>)
          tpu.yield
        }) : () -> ()
      } else {
      }
    }
    %scan3A_50 = arith.constant 16 : i32
    %run_scoped3A_51 = arith.constant 1 : i32
    "tpu.region"() ({
      %run_scoped3A_153 = tpu.sem_alloc : memref<!tpu.dma_semaphore, #tpu.memory_space<semaphore_mem>>
      %dma_start3A_154 = arith.constant 0 : i32
      %dma_start3A_155 = arith.constant 0 : i32
      %dma_start3A_156 = tpu.memref_slice %arg3[%add3A, %run_scoped3A_51, %dma_start3A_154, %dma_start3A_155] : memref<32x5x32x64xi32, #tpu.memory_space<hbm>> -> memref<1x1x32x64xi32, #tpu.memory_space<hbm>>
      %dma_start3A_157 = tpu.memref_squeeze %dma_start3A_156 : memref<1x1x32x64xi32, #tpu.memory_space<hbm>> -> memref<32x64xi32, #tpu.memory_space<hbm>>
      %dma_start3A_158 = arith.constant 0 : i32
      %dma_start3A_159 = arith.constant 0 : i32
      %dma_start3A_160 = tpu.memref_slice %arg3[%add3A, %run_scoped3A_51, %dma_start3A_158, %dma_start3A_159] : memref<32x5x32x64xi32, #tpu.memory_space<hbm>> -> memref<1x1x32x64xi32, #tpu.memory_space<hbm>>
      %dma_start3A_161 = tpu.memref_squeeze %dma_start3A_160 : memref<1x1x32x64xi32, #tpu.memory_space<hbm>> -> memref<32x64xi32, #tpu.memory_space<hbm>>
      tpu.enqueue_dma source(%dma_start3A_161 : memref<32x64xi32, #tpu.memory_space<hbm>>) target(%arg7 : memref<32x64xi32, #tpu.memory_space<vmem>>) target_semaphore(%run_scoped3A_153 : memref<!tpu.dma_semaphore, #tpu.memory_space<semaphore_mem>>)
      %dma_wait3A = arith.constant 0 : i32
      %dma_wait3A_162 = arith.constant 0 : i32
      %dma_wait3A_163 = tpu.memref_slice %arg3[%add3A, %run_scoped3A_51, %dma_wait3A, %dma_wait3A_162] : memref<32x5x32x64xi32, #tpu.memory_space<hbm>> -> memref<1x1x32x64xi32, #tpu.memory_space<hbm>>
      %dma_wait3A_164 = tpu.memref_squeeze %dma_wait3A_163 : memref<1x1x32x64xi32, #tpu.memory_space<hbm>> -> memref<32x64xi32, #tpu.memory_space<hbm>>
      %dma_wait3A_165 = arith.constant 0 : i32
      %dma_wait3A_166 = arith.constant 0 : i32
      %dma_wait3A_167 = tpu.memref_slice %arg3[%add3A, %run_scoped3A_51, %dma_wait3A_165, %dma_wait3A_166] : memref<32x5x32x64xi32, #tpu.memory_space<hbm>> -> memref<1x1x32x64xi32, #tpu.memory_space<hbm>>
      %dma_wait3A_168 = tpu.memref_squeeze %dma_wait3A_167 : memref<1x1x32x64xi32, #tpu.memory_space<hbm>> -> memref<32x64xi32, #tpu.memory_space<hbm>>
      tpu.wait_dma2 semaphore(%run_scoped3A_153 : memref<!tpu.dma_semaphore, #tpu.memory_space<semaphore_mem>>) src(%dma_wait3A_168 : memref<32x64xi32, #tpu.memory_space<hbm>>) dst(%arg7 : memref<32x64xi32, #tpu.memory_space<vmem>>)
      tpu.yield
    }) : () -> ()
    %run_scoped3A_52 = arith.constant 1 : i32
    "tpu.region"() ({
      %run_scoped3A_153 = tpu.sem_alloc : memref<!tpu.dma_semaphore, #tpu.memory_space<semaphore_mem>>
      %dma_start3A_154 = arith.constant 0 : i32
      %dma_start3A_155 = arith.constant 0 : i32
      %dma_start3A_156 = tpu.memref_slice %arg4[%add3A, %run_scoped3A_52, %dma_start3A_154, %dma_start3A_155] : memref<32x5x32x64xi32, #tpu.memory_space<hbm>> -> memref<1x1x32x64xi32, #tpu.memory_space<hbm>>
      %dma_start3A_157 = tpu.memref_squeeze %dma_start3A_156 : memref<1x1x32x64xi32, #tpu.memory_space<hbm>> -> memref<32x64xi32, #tpu.memory_space<hbm>>
      %dma_start3A_158 = arith.constant 0 : i32
      %dma_start3A_159 = arith.constant 0 : i32
      %dma_start3A_160 = tpu.memref_slice %arg4[%add3A, %run_scoped3A_52, %dma_start3A_158, %dma_start3A_159] : memref<32x5x32x64xi32, #tpu.memory_space<hbm>> -> memref<1x1x32x64xi32, #tpu.memory_space<hbm>>
      %dma_start3A_161 = tpu.memref_squeeze %dma_start3A_160 : memref<1x1x32x64xi32, #tpu.memory_space<hbm>> -> memref<32x64xi32, #tpu.memory_space<hbm>>
      tpu.enqueue_dma source(%dma_start3A_161 : memref<32x64xi32, #tpu.memory_space<hbm>>) target(%arg8 : memref<32x64xi32, #tpu.memory_space<vmem>>) target_semaphore(%run_scoped3A_153 : memref<!tpu.dma_semaphore, #tpu.memory_space<semaphore_mem>>)
      %dma_wait3A = arith.constant 0 : i32
      %dma_wait3A_162 = arith.constant 0 : i32
      %dma_wait3A_163 = tpu.memref_slice %arg4[%add3A, %run_scoped3A_52, %dma_wait3A, %dma_wait3A_162] : memref<32x5x32x64xi32, #tpu.memory_space<hbm>> -> memref<1x1x32x64xi32, #tpu.memory_space<hbm>>
      %dma_wait3A_164 = tpu.memref_squeeze %dma_wait3A_163 : memref<1x1x32x64xi32, #tpu.memory_space<hbm>> -> memref<32x64xi32, #tpu.memory_space<hbm>>
      %dma_wait3A_165 = arith.constant 0 : i32
      %dma_wait3A_166 = arith.constant 0 : i32
      %dma_wait3A_167 = tpu.memref_slice %arg4[%add3A, %run_scoped3A_52, %dma_wait3A_165, %dma_wait3A_166] : memref<32x5x32x64xi32, #tpu.memory_space<hbm>> -> memref<1x1x32x64xi32, #tpu.memory_space<hbm>>
      %dma_wait3A_168 = tpu.memref_squeeze %dma_wait3A_167 : memref<1x1x32x64xi32, #tpu.memory_space<hbm>> -> memref<32x64xi32, #tpu.memory_space<hbm>>
      tpu.wait_dma2 semaphore(%run_scoped3A_153 : memref<!tpu.dma_semaphore, #tpu.memory_space<semaphore_mem>>) src(%dma_wait3A_168 : memref<32x64xi32, #tpu.memory_space<hbm>>) dst(%arg8 : memref<32x64xi32, #tpu.memory_space<vmem>>)
      tpu.yield
    }) : () -> ()
    %mul3A_53 = arith.constant 10240 : i32
    %mul3A_54 = arith.muli %add3A, %mul3A_53 : i32
    %add3A_55 = arith.constant 2048 : i32
    %add3A_56 = arith.addi %mul3A_54, %add3A_55 : i32
    %dma_start3A_57 = arith.constant 0 : i32
    %dma_start3A_58 = arith.constant 0 : i32
    %dma_start3A_59 = tpu.memref_slice %arg7[%dma_start3A_57, %dma_start3A_58] : memref<32x64xi32, #tpu.memory_space<vmem>> -> memref<1x64xi32, #tpu.memory_space<vmem>>
    %dma_start3A_60 = tpu.memref_squeeze %dma_start3A_59 : memref<1x64xi32, #tpu.memory_space<vmem>> -> memref<64xi32, #tpu.memory_space<vmem>>
    %dma_start3A_61 = arith.constant 0 : i32
    %dma_start3A_62 = arith.constant 0 : i32
    %dma_start3A_63 = tpu.memref_slice %arg2[%dma_start3A_61, %dma_start3A_62] : memref<10000x128xf32, #tpu.memory_space<hbm>> -> memref<10000x128xf32, #tpu.memory_space<hbm>>
    tpu.enqueue_indirect_dma source(%dma_start3A_63 : memref<10000x128xf32, #tpu.memory_space<hbm>>) target(%arg9 : memref<64x128xf32, #tpu.memory_space<vmem>>) offsets(%dma_start3A_60 : memref<64xi32, #tpu.memory_space<vmem>>) semaphore(%arg14 : memref<!tpu.dma_semaphore, #tpu.memory_space<semaphore_mem>>)
    %add3A_64 = arith.constant 0 : i32
    %add3A_65 = arith.addi %add3A_56, %add3A_64 : i32
    %dma_start3A_66 = arith.constant 0 : i32
    %dma_start3A_67 = tpu.memref_slice %arg5[%add3A_65, %dma_start3A_66] : memref<327680x128xf32, #tpu.memory_space<hbm>> -> memref<64x128xf32, #tpu.memory_space<hbm>>
    %dma_start3A_68 = arith.constant 0 : i32
    %dma_start3A_69 = tpu.memref_slice %arg5[%add3A_65, %dma_start3A_68] : memref<327680x128xf32, #tpu.memory_space<hbm>> -> memref<64x128xf32, #tpu.memory_space<hbm>>
    tpu.enqueue_dma source(%dma_start3A_69 : memref<64x128xf32, #tpu.memory_space<hbm>>) target(%arg11 : memref<64x128xf32, #tpu.memory_space<vmem>>) target_semaphore(%arg16 : memref<!tpu.dma_semaphore, #tpu.memory_space<semaphore_mem>>)
    %scan3A_70 = arith.constant 0 : i32
    %scan3A_71 = arith.constant 16 : i32
    %scan3A_72 = arith.addi %scan3A_70, %scan3A_71 : i32
    %scan3A_73 = arith.constant 1 : i32
    scf.for %scan3A_153 = %scan3A_70 to %scan3A_72 step %scan3A_73  : i32 {
      %mul3A_154 = arith.constant 1 : i32
      %mul3A_155 = arith.muli %scan3A_153, %mul3A_154 : i32
      %add3A_156 = arith.constant 0 : i32
      %add3A_157 = arith.addi %add3A_156, %mul3A_155 : i32
      %mul3A_158 = arith.constant 2 : i32
      %mul3A_159 = arith.muli %mul3A_158, %add3A_157 : i32
      %add3A_160 = arith.constant 1 : i32
      %add3A_161 = arith.addi %mul3A_159, %add3A_160 : i32
      %dma_start3A_162 = arith.constant 0 : i32
      %dma_start3A_163 = tpu.memref_slice %arg7[%add3A_161, %dma_start3A_162] : memref<32x64xi32, #tpu.memory_space<vmem>> -> memref<1x64xi32, #tpu.memory_space<vmem>>
      %dma_start3A_164 = tpu.memref_squeeze %dma_start3A_163 : memref<1x64xi32, #tpu.memory_space<vmem>> -> memref<64xi32, #tpu.memory_space<vmem>>
      %dma_start3A_165 = arith.constant 0 : i32
      %dma_start3A_166 = arith.constant 0 : i32
      %dma_start3A_167 = tpu.memref_slice %arg2[%dma_start3A_165, %dma_start3A_166] : memref<10000x128xf32, #tpu.memory_space<hbm>> -> memref<10000x128xf32, #tpu.memory_space<hbm>>
      tpu.enqueue_indirect_dma source(%dma_start3A_167 : memref<10000x128xf32, #tpu.memory_space<hbm>>) target(%arg10 : memref<64x128xf32, #tpu.memory_space<vmem>>) offsets(%dma_start3A_164 : memref<64xi32, #tpu.memory_space<vmem>>) semaphore(%arg15 : memref<!tpu.dma_semaphore, #tpu.memory_space<semaphore_mem>>)
      %mul3A_168 = arith.constant 64 : i32
      %mul3A_169 = arith.muli %add3A_161, %mul3A_168 : i32
      %add3A_170 = arith.addi %add3A_56, %mul3A_169 : i32
      %dma_start3A_171 = arith.constant 0 : i32
      %dma_start3A_172 = tpu.memref_slice %arg5[%add3A_170, %dma_start3A_171] : memref<327680x128xf32, #tpu.memory_space<hbm>> -> memref<64x128xf32, #tpu.memory_space<hbm>>
      %dma_start3A_173 = arith.constant 0 : i32
      %dma_start3A_174 = tpu.memref_slice %arg5[%add3A_170, %dma_start3A_173] : memref<327680x128xf32, #tpu.memory_space<hbm>> -> memref<64x128xf32, #tpu.memory_space<hbm>>
      tpu.enqueue_dma source(%dma_start3A_174 : memref<64x128xf32, #tpu.memory_space<hbm>>) target(%arg12 : memref<64x128xf32, #tpu.memory_space<vmem>>) target_semaphore(%arg17 : memref<!tpu.dma_semaphore, #tpu.memory_space<semaphore_mem>>)
      %mul3A_175 = arith.constant 2 : i32
      %mul3A_176 = arith.muli %mul3A_175, %add3A_157 : i32
      %dma_wait3A = arith.constant 0 : i32
      %dma_wait3A_177 = tpu.memref_slice %arg7[%mul3A_176, %dma_wait3A] : memref<32x64xi32, #tpu.memory_space<vmem>> -> memref<1x64xi32, #tpu.memory_space<vmem>>
      %dma_wait3A_178 = tpu.memref_squeeze %dma_wait3A_177 : memref<1x64xi32, #tpu.memory_space<vmem>> -> memref<64xi32, #tpu.memory_space<vmem>>
      %dma_wait3A_179 = arith.constant 0 : i32
      %dma_wait3A_180 = arith.constant 0 : i32
      %dma_wait3A_181 = tpu.memref_slice %arg2[%dma_wait3A_179, %dma_wait3A_180] : memref<10000x128xf32, #tpu.memory_space<hbm>> -> memref<10000x128xf32, #tpu.memory_space<hbm>>
      tpu.wait_indirect_dma semaphore(%arg14 : memref<!tpu.dma_semaphore, #tpu.memory_space<semaphore_mem>>) src(%dma_wait3A_181 : memref<10000x128xf32, #tpu.memory_space<hbm>>) dst(%arg9 : memref<64x128xf32, #tpu.memory_space<vmem>>)
      %mul3A_182 = arith.constant 64 : i32
      %mul3A_183 = arith.muli %mul3A_176, %mul3A_182 : i32
      %add3A_184 = arith.addi %add3A_56, %mul3A_183 : i32
      %dma_wait3A_185 = arith.constant 0 : i32
      %dma_wait3A_186 = tpu.memref_slice %arg5[%add3A_184, %dma_wait3A_185] : memref<327680x128xf32, #tpu.memory_space<hbm>> -> memref<64x128xf32, #tpu.memory_space<hbm>>
      %dma_wait3A_187 = arith.constant 0 : i32
      %dma_wait3A_188 = tpu.memref_slice %arg5[%add3A_184, %dma_wait3A_187] : memref<327680x128xf32, #tpu.memory_space<hbm>> -> memref<64x128xf32, #tpu.memory_space<hbm>>
      tpu.wait_dma2 semaphore(%arg16 : memref<!tpu.dma_semaphore, #tpu.memory_space<semaphore_mem>>) src(%dma_wait3A_188 : memref<64x128xf32, #tpu.memory_space<hbm>>) dst(%arg11 : memref<64x128xf32, #tpu.memory_space<vmem>>)
      %scan3A_189 = arith.constant 0 : i32
      %scan3A_190 = arith.constant 64 : i32
      %scan3A_191 = arith.addi %scan3A_189, %scan3A_190 : i32
      %scan3A_192 = arith.constant 1 : i32
      scf.for %scan3A_240 = %scan3A_189 to %scan3A_191 step %scan3A_192  : i32 {
        %mul3A_241 = arith.constant 1 : i32
        %mul3A_242 = arith.muli %scan3A_240, %mul3A_241 : i32
        %add3A_243 = arith.constant 0 : i32
        %add3A_244 = arith.addi %add3A_243, %mul3A_242 : i32
        %get3A = arith.index_cast %add3A_244 : i32 to index
        %get3A_245 = arith.constant 0 : index
        %get3A_246 = tpu.vector_load %arg9[%get3A, %get3A_245] {strides = array<i32>} : memref<64x128xf32, #tpu.memory_space<vmem>>, vector<1x16xf32>,
        %get3A_247 = vector.shape_cast %get3A_246 : vector<1x16xf32> to vector<16xf32>
        %get3A_248 = arith.index_cast %add3A_244 : i32 to index
        %get3A_249 = arith.constant 0 : index
        %get3A_250 = tpu.vector_load %arg11[%get3A_248, %get3A_249] {strides = array<i32>} : memref<64x128xf32, #tpu.memory_space<vmem>>, vector<1x16xf32>,
        %get3A_251 = vector.shape_cast %get3A_250 : vector<1x16xf32> to vector<16xf32>
        %mul3A_252 = arith.mulf %get3A_247, %get3A_251 : vector<16xf32>
        %swap3A = arith.index_cast %add3A_244 : i32 to index
        %swap3A_253 = arith.constant 0 : index
        %swap3A_254 = tpu.vector_load %arg9[%swap3A, %swap3A_253] {strides = array<i32>} : memref<64x128xf32, #tpu.memory_space<vmem>>, vector<1x16xf32>,
        %swap3A_255 = vector.shape_cast %swap3A_254 : vector<1x16xf32> to vector<16xf32>
        %swap3A_256 = vector.shape_cast %mul3A_252 : vector<16xf32> to vector<1x16xf32>
        tpu.vector_store %arg9[%swap3A, %swap3A_253], %swap3A_256 {strides = array<i32>} : memref<64x128xf32, #tpu.memory_space<vmem>>, vector<1x16xf32>,
        %get3A_257 = arith.index_cast %add3A_244 : i32 to index
        %get3A_258 = arith.constant 16 : index
        %get3A_259 = tpu.vector_load %arg9[%get3A_257, %get3A_258] {strides = array<i32>} : memref<64x128xf32, #tpu.memory_space<vmem>>, vector<1x16xf32>,
        %get3A_260 = vector.shape_cast %get3A_259 : vector<1x16xf32> to vector<16xf32>
        %get3A_261 = arith.index_cast %add3A_244 : i32 to index
        %get3A_262 = arith.constant 16 : index
        %get3A_263 = tpu.vector_load %arg11[%get3A_261, %get3A_262] {strides = array<i32>} : memref<64x128xf32, #tpu.memory_space<vmem>>, vector<1x16xf32>,
        %get3A_264 = vector.shape_cast %get3A_263 : vector<1x16xf32> to vector<16xf32>
        %mul3A_265 = arith.mulf %get3A_260, %get3A_264 : vector<16xf32>
        %swap3A_266 = arith.index_cast %add3A_244 : i32 to index
        %swap3A_267 = arith.constant 16 : index
        %swap3A_268 = tpu.vector_load %arg9[%swap3A_266, %swap3A_267] {strides = array<i32>} : memref<64x128xf32, #tpu.memory_space<vmem>>, vector<1x16xf32>,
        %swap3A_269 = vector.shape_cast %swap3A_268 : vector<1x16xf32> to vector<16xf32>
        %swap3A_270 = vector.shape_cast %mul3A_265 : vector<16xf32> to vector<1x16xf32>
        tpu.vector_store %arg9[%swap3A_266, %swap3A_267], %swap3A_270 {strides = array<i32>} : memref<64x128xf32, #tpu.memory_space<vmem>>, vector<1x16xf32>,
        %get3A_271 = arith.index_cast %add3A_244 : i32 to index
        %get3A_272 = arith.constant 32 : index
        %get3A_273 = tpu.vector_load %arg9[%get3A_271, %get3A_272] {strides = array<i32>} : memref<64x128xf32, #tpu.memory_space<vmem>>, vector<1x16xf32>,
        %get3A_274 = vector.shape_cast %get3A_273 : vector<1x16xf32> to vector<16xf32>
        %get3A_275 = arith.index_cast %add3A_244 : i32 to index
        %get3A_276 = arith.constant 32 : index
        %get3A_277 = tpu.vector_load %arg11[%get3A_275, %get3A_276] {strides = array<i32>} : memref<64x128xf32, #tpu.memory_space<vmem>>, vector<1x16xf32>,
        %get3A_278 = vector.shape_cast %get3A_277 : vector<1x16xf32> to vector<16xf32>
        %mul3A_279 = arith.mulf %get3A_274, %get3A_278 : vector<16xf32>
        %swap3A_280 = arith.index_cast %add3A_244 : i32 to index
        %swap3A_281 = arith.constant 32 : index
        %swap3A_282 = tpu.vector_load %arg9[%swap3A_280, %swap3A_281] {strides = array<i32>} : memref<64x128xf32, #tpu.memory_space<vmem>>, vector<1x16xf32>,
        %swap3A_283 = vector.shape_cast %swap3A_282 : vector<1x16xf32> to vector<16xf32>
        %swap3A_284 = vector.shape_cast %mul3A_279 : vector<16xf32> to vector<1x16xf32>
        tpu.vector_store %arg9[%swap3A_280, %swap3A_281], %swap3A_284 {strides = array<i32>} : memref<64x128xf32, #tpu.memory_space<vmem>>, vector<1x16xf32>,
        %get3A_285 = arith.index_cast %add3A_244 : i32 to index
        %get3A_286 = arith.constant 48 : index
        %get3A_287 = tpu.vector_load %arg9[%get3A_285, %get3A_286] {strides = array<i32>} : memref<64x128xf32, #tpu.memory_space<vmem>>, vector<1x16xf32>,
        %get3A_288 = vector.shape_cast %get3A_287 : vector<1x16xf32> to vector<16xf32>
        %get3A_289 = arith.index_cast %add3A_244 : i32 to index
        %get3A_290 = arith.constant 48 : index
        %get3A_291 = tpu.vector_load %arg11[%get3A_289, %get3A_290] {strides = array<i32>} : memref<64x128xf32, #tpu.memory_space<vmem>>, vector<1x16xf32>,
        %get3A_292 = vector.shape_cast %get3A_291 : vector<1x16xf32> to vector<16xf32>
        %mul3A_293 = arith.mulf %get3A_288, %get3A_292 : vector<16xf32>
        %swap3A_294 = arith.index_cast %add3A_244 : i32 to index
        %swap3A_295 = arith.constant 48 : index
        %swap3A_296 = tpu.vector_load %arg9[%swap3A_294, %swap3A_295] {strides = array<i32>} : memref<64x128xf32, #tpu.memory_space<vmem>>, vector<1x16xf32>,
        %swap3A_297 = vector.shape_cast %swap3A_296 : vector<1x16xf32> to vector<16xf32>
        %swap3A_298 = vector.shape_cast %mul3A_293 : vector<16xf32> to vector<1x16xf32>
        tpu.vector_store %arg9[%swap3A_294, %swap3A_295], %swap3A_298 {strides = array<i32>} : memref<64x128xf32, #tpu.memory_space<vmem>>, vector<1x16xf32>,
        %get3A_299 = arith.index_cast %add3A_244 : i32 to index
        %get3A_300 = arith.constant 64 : index
        %get3A_301 = tpu.vector_load %arg9[%get3A_299, %get3A_300] {strides = array<i32>} : memref<64x128xf32, #tpu.memory_space<vmem>>, vector<1x16xf32>,
        %get3A_302 = vector.shape_cast %get3A_301 : vector<1x16xf32> to vector<16xf32>
        %get3A_303 = arith.index_cast %add3A_244 : i32 to index
        %get3A_304 = arith.constant 64 : index
        %get3A_305 = tpu.vector_load %arg11[%get3A_303, %get3A_304] {strides = array<i32>} : memref<64x128xf32, #tpu.memory_space<vmem>>, vector<1x16xf32>,
        %get3A_306 = vector.shape_cast %get3A_305 : vector<1x16xf32> to vector<16xf32>
        %mul3A_307 = arith.mulf %get3A_302, %get3A_306 : vector<16xf32>
        %swap3A_308 = arith.index_cast %add3A_244 : i32 to index
        %swap3A_309 = arith.constant 64 : index
        %swap3A_310 = tpu.vector_load %arg9[%swap3A_308, %swap3A_309] {strides = array<i32>} : memref<64x128xf32, #tpu.memory_space<vmem>>, vector<1x16xf32>,
        %swap3A_311 = vector.shape_cast %swap3A_310 : vector<1x16xf32> to vector<16xf32>
        %swap3A_312 = vector.shape_cast %mul3A_307 : vector<16xf32> to vector<1x16xf32>
        tpu.vector_store %arg9[%swap3A_308, %swap3A_309], %swap3A_312 {strides = array<i32>} : memref<64x128xf32, #tpu.memory_space<vmem>>, vector<1x16xf32>,
        %get3A_313 = arith.index_cast %add3A_244 : i32 to index
        %get3A_314 = arith.constant 80 : index
        %get3A_315 = tpu.vector_load %arg9[%get3A_313, %get3A_314] {strides = array<i32>} : memref<64x128xf32, #tpu.memory_space<vmem>>, vector<1x16xf32>,
        %get3A_316 = vector.shape_cast %get3A_315 : vector<1x16xf32> to vector<16xf32>
        %get3A_317 = arith.index_cast %add3A_244 : i32 to index
        %get3A_318 = arith.constant 80 : index
        %get3A_319 = tpu.vector_load %arg11[%get3A_317, %get3A_318] {strides = array<i32>} : memref<64x128xf32, #tpu.memory_space<vmem>>, vector<1x16xf32>,
        %get3A_320 = vector.shape_cast %get3A_319 : vector<1x16xf32> to vector<16xf32>
        %mul3A_321 = arith.mulf %get3A_316, %get3A_320 : vector<16xf32>
        %swap3A_322 = arith.index_cast %add3A_244 : i32 to index
        %swap3A_323 = arith.constant 80 : index
        %swap3A_324 = tpu.vector_load %arg9[%swap3A_322, %swap3A_323] {strides = array<i32>} : memref<64x128xf32, #tpu.memory_space<vmem>>, vector<1x16xf32>,
        %swap3A_325 = vector.shape_cast %swap3A_324 : vector<1x16xf32> to vector<16xf32>
        %swap3A_326 = vector.shape_cast %mul3A_321 : vector<16xf32> to vector<1x16xf32>
        tpu.vector_store %arg9[%swap3A_322, %swap3A_323], %swap3A_326 {strides = array<i32>} : memref<64x128xf32, #tpu.memory_space<vmem>>, vector<1x16xf32>,
        %get3A_327 = arith.index_cast %add3A_244 : i32 to index
        %get3A_328 = arith.constant 96 : index
        %get3A_329 = tpu.vector_load %arg9[%get3A_327, %get3A_328] {strides = array<i32>} : memref<64x128xf32, #tpu.memory_space<vmem>>, vector<1x16xf32>,
        %get3A_330 = vector.shape_cast %get3A_329 : vector<1x16xf32> to vector<16xf32>
        %get3A_331 = arith.index_cast %add3A_244 : i32 to index
        %get3A_332 = arith.constant 96 : index
        %get3A_333 = tpu.vector_load %arg11[%get3A_331, %get3A_332] {strides = array<i32>} : memref<64x128xf32, #tpu.memory_space<vmem>>, vector<1x16xf32>,
        %get3A_334 = vector.shape_cast %get3A_333 : vector<1x16xf32> to vector<16xf32>
        %mul3A_335 = arith.mulf %get3A_330, %get3A_334 : vector<16xf32>
        %swap3A_336 = arith.index_cast %add3A_244 : i32 to index
        %swap3A_337 = arith.constant 96 : index
        %swap3A_338 = tpu.vector_load %arg9[%swap3A_336, %swap3A_337] {strides = array<i32>} : memref<64x128xf32, #tpu.memory_space<vmem>>, vector<1x16xf32>,
        %swap3A_339 = vector.shape_cast %swap3A_338 : vector<1x16xf32> to vector<16xf32>
        %swap3A_340 = vector.shape_cast %mul3A_335 : vector<16xf32> to vector<1x16xf32>
        tpu.vector_store %arg9[%swap3A_336, %swap3A_337], %swap3A_340 {strides = array<i32>} : memref<64x128xf32, #tpu.memory_space<vmem>>, vector<1x16xf32>,
        %get3A_341 = arith.index_cast %add3A_244 : i32 to index
        %get3A_342 = arith.constant 112 : index
        %get3A_343 = tpu.vector_load %arg9[%get3A_341, %get3A_342] {strides = array<i32>} : memref<64x128xf32, #tpu.memory_space<vmem>>, vector<1x16xf32>,
        %get3A_344 = vector.shape_cast %get3A_343 : vector<1x16xf32> to vector<16xf32>
        %get3A_345 = arith.index_cast %add3A_244 : i32 to index
        %get3A_346 = arith.constant 112 : index
        %get3A_347 = tpu.vector_load %arg11[%get3A_345, %get3A_346] {strides = array<i32>} : memref<64x128xf32, #tpu.memory_space<vmem>>, vector<1x16xf32>,
        %get3A_348 = vector.shape_cast %get3A_347 : vector<1x16xf32> to vector<16xf32>
        %mul3A_349 = arith.mulf %get3A_344, %get3A_348 : vector<16xf32>
        %swap3A_350 = arith.index_cast %add3A_244 : i32 to index
        %swap3A_351 = arith.constant 112 : index
        %swap3A_352 = tpu.vector_load %arg9[%swap3A_350, %swap3A_351] {strides = array<i32>} : memref<64x128xf32, #tpu.memory_space<vmem>>, vector<1x16xf32>,
        %swap3A_353 = vector.shape_cast %swap3A_352 : vector<1x16xf32> to vector<16xf32>
        %swap3A_354 = vector.shape_cast %mul3A_349 : vector<16xf32> to vector<1x16xf32>
        tpu.vector_store %arg9[%swap3A_350, %swap3A_351], %swap3A_354 {strides = array<i32>} : memref<64x128xf32, #tpu.memory_space<vmem>>, vector<1x16xf32>,
      }
      %scan3A_193 = arith.constant 64 : i32
      %ne3A = arith.constant 31 : i32
      %ne3A_194 = arith.cmpi ne, %add3A, %ne3A : i32
      %add3A_195 = arith.constant 32 : i32
      %add3A_196 = arith.addi %add3A_195, %mul3A_176 : i32
      %lt3A = arith.constant 40 : i32
      %lt3A_197 = arith.cmpi slt, %add3A_196, %lt3A : i32
      %or3A = arith.ori %ne3A_194, %lt3A_197 : i1
      %convert_element_type3A_198 = arith.extui %or3A : i1 to i32
      %cond3A_199 = arith.constant 0 : i32
      %cond3A_200 = arith.cmpi ne, %convert_element_type3A_198, %cond3A_199 : i32
      scf.if %cond3A_200 {
        "tpu.region"() ({
          %run_scoped3A_240 = tpu.sem_alloc : memref<!tpu.dma_semaphore, #tpu.memory_space<semaphore_mem>>
          %dma_start3A_241 = arith.constant 0 : i32
          %dma_start3A_242 = tpu.memref_slice %arg8[%mul3A_176, %dma_start3A_241] : memref<32x64xi32, #tpu.memory_space<vmem>> -> memref<1x64xi32, #tpu.memory_space<vmem>>
          %dma_start3A_243 = tpu.memref_squeeze %dma_start3A_242 : memref<1x64xi32, #tpu.memory_space<vmem>> -> memref<64xi32, #tpu.memory_space<vmem>>
          %dma_start3A_244 = arith.constant 0 : i32
          %dma_start3A_245 = arith.constant 0 : i32
          %dma_start3A_246 = tpu.memref_slice %arg13[%dma_start3A_244, %dma_start3A_245] : memref<10000x128xf32, #tpu.memory_space<vmem_shared>> -> memref<10000x128xf32, #tpu.memory_space<vmem_shared>>
          tpu.enqueue_indirect_dma source(%arg9 : memref<64x128xf32, #tpu.memory_space<vmem>>) target(%dma_start3A_246 : memref<10000x128xf32, #tpu.memory_space<vmem_shared>>) offsets(%dma_start3A_243 : memref<64xi32, #tpu.memory_space<vmem>>) semaphore(%run_scoped3A_240 : memref<!tpu.dma_semaphore, #tpu.memory_space<semaphore_mem>>) {add = true}
          %dma_wait3A_247 = arith.constant 0 : i32
          %dma_wait3A_248 = tpu.memref_slice %arg8[%mul3A_176, %dma_wait3A_247] : memref<32x64xi32, #tpu.memory_space<vmem>> -> memref<1x64xi32, #tpu.memory_space<vmem>>
          %dma_wait3A_249 = tpu.memref_squeeze %dma_wait3A_248 : memref<1x64xi32, #tpu.memory_space<vmem>> -> memref<64xi32, #tpu.memory_space<vmem>>
          %dma_wait3A_250 = arith.constant 0 : i32
          %dma_wait3A_251 = arith.constant 0 : i32
          %dma_wait3A_252 = tpu.memref_slice %arg13[%dma_wait3A_250, %dma_wait3A_251] : memref<10000x128xf32, #tpu.memory_space<vmem_shared>> -> memref<10000x128xf32, #tpu.memory_space<vmem_shared>>
          tpu.wait_indirect_dma semaphore(%run_scoped3A_240 : memref<!tpu.dma_semaphore, #tpu.memory_space<semaphore_mem>>) src(%arg9 : memref<64x128xf32, #tpu.memory_space<vmem>>) dst(%dma_wait3A_252 : memref<10000x128xf32, #tpu.memory_space<vmem_shared>>)
          tpu.yield
        }) : () -> ()
      } else {
      }
      %add3A_201 = arith.constant 1 : i32
      %add3A_202 = arith.addi %add3A_157, %add3A_201 : i32
      %lt3A_203 = arith.constant 16 : i32
      %lt3A_204 = arith.cmpi slt, %add3A_202, %lt3A_203 : i32
      %convert_element_type3A_205 = arith.extui %lt3A_204 : i1 to i32
      %cond3A_206 = arith.constant 0 : i32
      %cond3A_207 = arith.cmpi ne, %convert_element_type3A_205, %cond3A_206 : i32
      scf.if %cond3A_207 {
        %mul3A_240 = arith.constant 2 : i32
        %mul3A_241 = arith.muli %mul3A_240, %add3A_157 : i32
        %add3A_242 = arith.constant 2 : i32
        %add3A_243 = arith.addi %mul3A_241, %add3A_242 : i32
        %dma_start3A_244 = arith.constant 0 : i32
        %dma_start3A_245 = tpu.memref_slice %arg7[%add3A_243, %dma_start3A_244] : memref<32x64xi32, #tpu.memory_space<vmem>> -> memref<1x64xi32, #tpu.memory_space<vmem>>
        %dma_start3A_246 = tpu.memref_squeeze %dma_start3A_245 : memref<1x64xi32, #tpu.memory_space<vmem>> -> memref<64xi32, #tpu.memory_space<vmem>>
        %dma_start3A_247 = arith.constant 0 : i32
        %dma_start3A_248 = arith.constant 0 : i32
        %dma_start3A_249 = tpu.memref_slice %arg2[%dma_start3A_247, %dma_start3A_248] : memref<10000x128xf32, #tpu.memory_space<hbm>> -> memref<10000x128xf32, #tpu.memory_space<hbm>>
        tpu.enqueue_indirect_dma source(%dma_start3A_249 : memref<10000x128xf32, #tpu.memory_space<hbm>>) target(%arg9 : memref<64x128xf32, #tpu.memory_space<vmem>>) offsets(%dma_start3A_246 : memref<64xi32, #tpu.memory_space<vmem>>) semaphore(%arg14 : memref<!tpu.dma_semaphore, #tpu.memory_space<semaphore_mem>>)
        %mul3A_250 = arith.constant 64 : i32
        %mul3A_251 = arith.muli %add3A_243, %mul3A_250 : i32
        %add3A_252 = arith.addi %add3A_56, %mul3A_251 : i32
        %dma_start3A_253 = arith.constant 0 : i32
        %dma_start3A_254 = tpu.memref_slice %arg5[%add3A_252, %dma_start3A_253] : memref<327680x128xf32, #tpu.memory_space<hbm>> -> memref<64x128xf32, #tpu.memory_space<hbm>>
        %dma_start3A_255 = arith.constant 0 : i32
        %dma_start3A_256 = tpu.memref_slice %arg5[%add3A_252, %dma_start3A_255] : memref<327680x128xf32, #tpu.memory_space<hbm>> -> memref<64x128xf32, #tpu.memory_space<hbm>>
        tpu.enqueue_dma source(%dma_start3A_256 : memref<64x128xf32, #tpu.memory_space<hbm>>) target(%arg11 : memref<64x128xf32, #tpu.memory_space<vmem>>) target_semaphore(%arg16 : memref<!tpu.dma_semaphore, #tpu.memory_space<semaphore_mem>>)
      } else {
      }
      %mul3A_208 = arith.constant 2 : i32
      %mul3A_209 = arith.muli %mul3A_208, %add3A_157 : i32
      %add3A_210 = arith.constant 1 : i32
      %add3A_211 = arith.addi %mul3A_209, %add3A_210 : i32
      %dma_wait3A_212 = arith.constant 0 : i32
      %dma_wait3A_213 = tpu.memref_slice %arg7[%add3A_211, %dma_wait3A_212] : memref<32x64xi32, #tpu.memory_space<vmem>> -> memref<1x64xi32, #tpu.memory_space<vmem>>
      %dma_wait3A_214 = tpu.memref_squeeze %dma_wait3A_213 : memref<1x64xi32, #tpu.memory_space<vmem>> -> memref<64xi32, #tpu.memory_space<vmem>>
      %dma_wait3A_215 = arith.constant 0 : i32
      %dma_wait3A_216 = arith.constant 0 : i32
      %dma_wait3A_217 = tpu.memref_slice %arg2[%dma_wait3A_215, %dma_wait3A_216] : memref<10000x128xf32, #tpu.memory_space<hbm>> -> memref<10000x128xf32, #tpu.memory_space<hbm>>
      tpu.wait_indirect_dma semaphore(%arg15 : memref<!tpu.dma_semaphore, #tpu.memory_space<semaphore_mem>>) src(%dma_wait3A_217 : memref<10000x128xf32, #tpu.memory_space<hbm>>) dst(%arg10 : memref<64x128xf32, #tpu.memory_space<vmem>>)
      %mul3A_218 = arith.constant 64 : i32
      %mul3A_219 = arith.muli %add3A_211, %mul3A_218 : i32
      %add3A_220 = arith.addi %add3A_56, %mul3A_219 : i32
      %dma_wait3A_221 = arith.constant 0 : i32
      %dma_wait3A_222 = tpu.memref_slice %arg5[%add3A_220, %dma_wait3A_221] : memref<327680x128xf32, #tpu.memory_space<hbm>> -> memref<64x128xf32, #tpu.memory_space<hbm>>
      %dma_wait3A_223 = arith.constant 0 : i32
      %dma_wait3A_224 = tpu.memref_slice %arg5[%add3A_220, %dma_wait3A_223] : memref<327680x128xf32, #tpu.memory_space<hbm>> -> memref<64x128xf32, #tpu.memory_space<hbm>>
      tpu.wait_dma2 semaphore(%arg17 : memref<!tpu.dma_semaphore, #tpu.memory_space<semaphore_mem>>) src(%dma_wait3A_224 : memref<64x128xf32, #tpu.memory_space<hbm>>) dst(%arg12 : memref<64x128xf32, #tpu.memory_space<vmem>>)
      %scan3A_225 = arith.constant 0 : i32
      %scan3A_226 = arith.constant 64 : i32
      %scan3A_227 = arith.addi %scan3A_225, %scan3A_226 : i32
      %scan3A_228 = arith.constant 1 : i32
      scf.for %scan3A_240 = %scan3A_225 to %scan3A_227 step %scan3A_228  : i32 {
        %mul3A_241 = arith.constant 1 : i32
        %mul3A_242 = arith.muli %scan3A_240, %mul3A_241 : i32
        %add3A_243 = arith.constant 0 : i32
        %add3A_244 = arith.addi %add3A_243, %mul3A_242 : i32
        %get3A = arith.index_cast %add3A_244 : i32 to index
        %get3A_245 = arith.constant 0 : index
        %get3A_246 = tpu.vector_load %arg10[%get3A, %get3A_245] {strides = array<i32>} : memref<64x128xf32, #tpu.memory_space<vmem>>, vector<1x16xf32>,
        %get3A_247 = vector.shape_cast %get3A_246 : vector<1x16xf32> to vector<16xf32>
        %get3A_248 = arith.index_cast %add3A_244 : i32 to index
        %get3A_249 = arith.constant 0 : index
        %get3A_250 = tpu.vector_load %arg12[%get3A_248, %get3A_249] {strides = array<i32>} : memref<64x128xf32, #tpu.memory_space<vmem>>, vector<1x16xf32>,
        %get3A_251 = vector.shape_cast %get3A_250 : vector<1x16xf32> to vector<16xf32>
        %mul3A_252 = arith.mulf %get3A_247, %get3A_251 : vector<16xf32>
        %swap3A = arith.index_cast %add3A_244 : i32 to index
        %swap3A_253 = arith.constant 0 : index
        %swap3A_254 = tpu.vector_load %arg10[%swap3A, %swap3A_253] {strides = array<i32>} : memref<64x128xf32, #tpu.memory_space<vmem>>, vector<1x16xf32>,
        %swap3A_255 = vector.shape_cast %swap3A_254 : vector<1x16xf32> to vector<16xf32>
        %swap3A_256 = vector.shape_cast %mul3A_252 : vector<16xf32> to vector<1x16xf32>
        tpu.vector_store %arg10[%swap3A, %swap3A_253], %swap3A_256 {strides = array<i32>} : memref<64x128xf32, #tpu.memory_space<vmem>>, vector<1x16xf32>,
        %get3A_257 = arith.index_cast %add3A_244 : i32 to index
        %get3A_258 = arith.constant 16 : index
        %get3A_259 = tpu.vector_load %arg10[%get3A_257, %get3A_258] {strides = array<i32>} : memref<64x128xf32, #tpu.memory_space<vmem>>, vector<1x16xf32>,
        %get3A_260 = vector.shape_cast %get3A_259 : vector<1x16xf32> to vector<16xf32>
        %get3A_261 = arith.index_cast %add3A_244 : i32 to index
        %get3A_262 = arith.constant 16 : index
        %get3A_263 = tpu.vector_load %arg12[%get3A_261, %get3A_262] {strides = array<i32>} : memref<64x128xf32, #tpu.memory_space<vmem>>, vector<1x16xf32>,
        %get3A_264 = vector.shape_cast %get3A_263 : vector<1x16xf32> to vector<16xf32>
        %mul3A_265 = arith.mulf %get3A_260, %get3A_264 : vector<16xf32>
        %swap3A_266 = arith.index_cast %add3A_244 : i32 to index
        %swap3A_267 = arith.constant 16 : index
        %swap3A_268 = tpu.vector_load %arg10[%swap3A_266, %swap3A_267] {strides = array<i32>} : memref<64x128xf32, #tpu.memory_space<vmem>>, vector<1x16xf32>,
        %swap3A_269 = vector.shape_cast %swap3A_268 : vector<1x16xf32> to vector<16xf32>
        %swap3A_270 = vector.shape_cast %mul3A_265 : vector<16xf32> to vector<1x16xf32>
        tpu.vector_store %arg10[%swap3A_266, %swap3A_267], %swap3A_270 {strides = array<i32>} : memref<64x128xf32, #tpu.memory_space<vmem>>, vector<1x16xf32>,
        %get3A_271 = arith.index_cast %add3A_244 : i32 to index
        %get3A_272 = arith.constant 32 : index
        %get3A_273 = tpu.vector_load %arg10[%get3A_271, %get3A_272] {strides = array<i32>} : memref<64x128xf32, #tpu.memory_space<vmem>>, vector<1x16xf32>,
        %get3A_274 = vector.shape_cast %get3A_273 : vector<1x16xf32> to vector<16xf32>
        %get3A_275 = arith.index_cast %add3A_244 : i32 to index
        %get3A_276 = arith.constant 32 : index
        %get3A_277 = tpu.vector_load %arg12[%get3A_275, %get3A_276] {strides = array<i32>} : memref<64x128xf32, #tpu.memory_space<vmem>>, vector<1x16xf32>,
        %get3A_278 = vector.shape_cast %get3A_277 : vector<1x16xf32> to vector<16xf32>
        %mul3A_279 = arith.mulf %get3A_274, %get3A_278 : vector<16xf32>
        %swap3A_280 = arith.index_cast %add3A_244 : i32 to index
        %swap3A_281 = arith.constant 32 : index
        %swap3A_282 = tpu.vector_load %arg10[%swap3A_280, %swap3A_281] {strides = array<i32>} : memref<64x128xf32, #tpu.memory_space<vmem>>, vector<1x16xf32>,
        %swap3A_283 = vector.shape_cast %swap3A_282 : vector<1x16xf32> to vector<16xf32>
        %swap3A_284 = vector.shape_cast %mul3A_279 : vector<16xf32> to vector<1x16xf32>
        tpu.vector_store %arg10[%swap3A_280, %swap3A_281], %swap3A_284 {strides = array<i32>} : memref<64x128xf32, #tpu.memory_space<vmem>>, vector<1x16xf32>,
        %get3A_285 = arith.index_cast %add3A_244 : i32 to index
        %get3A_286 = arith.constant 48 : index
        %get3A_287 = tpu.vector_load %arg10[%get3A_285, %get3A_286] {strides = array<i32>} : memref<64x128xf32, #tpu.memory_space<vmem>>, vector<1x16xf32>,
        %get3A_288 = vector.shape_cast %get3A_287 : vector<1x16xf32> to vector<16xf32>
        %get3A_289 = arith.index_cast %add3A_244 : i32 to index
        %get3A_290 = arith.constant 48 : index
        %get3A_291 = tpu.vector_load %arg12[%get3A_289, %get3A_290] {strides = array<i32>} : memref<64x128xf32, #tpu.memory_space<vmem>>, vector<1x16xf32>,
        %get3A_292 = vector.shape_cast %get3A_291 : vector<1x16xf32> to vector<16xf32>
        %mul3A_293 = arith.mulf %get3A_288, %get3A_292 : vector<16xf32>
        %swap3A_294 = arith.index_cast %add3A_244 : i32 to index
        %swap3A_295 = arith.constant 48 : index
        %swap3A_296 = tpu.vector_load %arg10[%swap3A_294, %swap3A_295] {strides = array<i32>} : memref<64x128xf32, #tpu.memory_space<vmem>>, vector<1x16xf32>,
        %swap3A_297 = vector.shape_cast %swap3A_296 : vector<1x16xf32> to vector<16xf32>
        %swap3A_298 = vector.shape_cast %mul3A_293 : vector<16xf32> to vector<1x16xf32>
        tpu.vector_store %arg10[%swap3A_294, %swap3A_295], %swap3A_298 {strides = array<i32>} : memref<64x128xf32, #tpu.memory_space<vmem>>, vector<1x16xf32>,
        %get3A_299 = arith.index_cast %add3A_244 : i32 to index
        %get3A_300 = arith.constant 64 : index
        %get3A_301 = tpu.vector_load %arg10[%get3A_299, %get3A_300] {strides = array<i32>} : memref<64x128xf32, #tpu.memory_space<vmem>>, vector<1x16xf32>,
        %get3A_302 = vector.shape_cast %get3A_301 : vector<1x16xf32> to vector<16xf32>
        %get3A_303 = arith.index_cast %add3A_244 : i32 to index
        %get3A_304 = arith.constant 64 : index
        %get3A_305 = tpu.vector_load %arg12[%get3A_303, %get3A_304] {strides = array<i32>} : memref<64x128xf32, #tpu.memory_space<vmem>>, vector<1x16xf32>,
        %get3A_306 = vector.shape_cast %get3A_305 : vector<1x16xf32> to vector<16xf32>
        %mul3A_307 = arith.mulf %get3A_302, %get3A_306 : vector<16xf32>
        %swap3A_308 = arith.index_cast %add3A_244 : i32 to index
        %swap3A_309 = arith.constant 64 : index
        %swap3A_310 = tpu.vector_load %arg10[%swap3A_308, %swap3A_309] {strides = array<i32>} : memref<64x128xf32, #tpu.memory_space<vmem>>, vector<1x16xf32>,
        %swap3A_311 = vector.shape_cast %swap3A_310 : vector<1x16xf32> to vector<16xf32>
        %swap3A_312 = vector.shape_cast %mul3A_307 : vector<16xf32> to vector<1x16xf32>
        tpu.vector_store %arg10[%swap3A_308, %swap3A_309], %swap3A_312 {strides = array<i32>} : memref<64x128xf32, #tpu.memory_space<vmem>>, vector<1x16xf32>,
        %get3A_313 = arith.index_cast %add3A_244 : i32 to index
        %get3A_314 = arith.constant 80 : index
        %get3A_315 = tpu.vector_load %arg10[%get3A_313, %get3A_314] {strides = array<i32>} : memref<64x128xf32, #tpu.memory_space<vmem>>, vector<1x16xf32>,
        %get3A_316 = vector.shape_cast %get3A_315 : vector<1x16xf32> to vector<16xf32>
        %get3A_317 = arith.index_cast %add3A_244 : i32 to index
        %get3A_318 = arith.constant 80 : index
        %get3A_319 = tpu.vector_load %arg12[%get3A_317, %get3A_318] {strides = array<i32>} : memref<64x128xf32, #tpu.memory_space<vmem>>, vector<1x16xf32>,
        %get3A_320 = vector.shape_cast %get3A_319 : vector<1x16xf32> to vector<16xf32>
        %mul3A_321 = arith.mulf %get3A_316, %get3A_320 : vector<16xf32>
        %swap3A_322 = arith.index_cast %add3A_244 : i32 to index
        %swap3A_323 = arith.constant 80 : index
        %swap3A_324 = tpu.vector_load %arg10[%swap3A_322, %swap3A_323] {strides = array<i32>} : memref<64x128xf32, #tpu.memory_space<vmem>>, vector<1x16xf32>,
        %swap3A_325 = vector.shape_cast %swap3A_324 : vector<1x16xf32> to vector<16xf32>
        %swap3A_326 = vector.shape_cast %mul3A_321 : vector<16xf32> to vector<1x16xf32>
        tpu.vector_store %arg10[%swap3A_322, %swap3A_323], %swap3A_326 {strides = array<i32>} : memref<64x128xf32, #tpu.memory_space<vmem>>, vector<1x16xf32>,
        %get3A_327 = arith.index_cast %add3A_244 : i32 to index
        %get3A_328 = arith.constant 96 : index
        %get3A_329 = tpu.vector_load %arg10[%get3A_327, %get3A_328] {strides = array<i32>} : memref<64x128xf32, #tpu.memory_space<vmem>>, vector<1x16xf32>,
        %get3A_330 = vector.shape_cast %get3A_329 : vector<1x16xf32> to vector<16xf32>
        %get3A_331 = arith.index_cast %add3A_244 : i32 to index
        %get3A_332 = arith.constant 96 : index
        %get3A_333 = tpu.vector_load %arg12[%get3A_331, %get3A_332] {strides = array<i32>} : memref<64x128xf32, #tpu.memory_space<vmem>>, vector<1x16xf32>,
        %get3A_334 = vector.shape_cast %get3A_333 : vector<1x16xf32> to vector<16xf32>
        %mul3A_335 = arith.mulf %get3A_330, %get3A_334 : vector<16xf32>
        %swap3A_336 = arith.index_cast %add3A_244 : i32 to index
        %swap3A_337 = arith.constant 96 : index
        %swap3A_338 = tpu.vector_load %arg10[%swap3A_336, %swap3A_337] {strides = array<i32>} : memref<64x128xf32, #tpu.memory_space<vmem>>, vector<1x16xf32>,
        %swap3A_339 = vector.shape_cast %swap3A_338 : vector<1x16xf32> to vector<16xf32>
        %swap3A_340 = vector.shape_cast %mul3A_335 : vector<16xf32> to vector<1x16xf32>
        tpu.vector_store %arg10[%swap3A_336, %swap3A_337], %swap3A_340 {strides = array<i32>} : memref<64x128xf32, #tpu.memory_space<vmem>>, vector<1x16xf32>,
        %get3A_341 = arith.index_cast %add3A_244 : i32 to index
        %get3A_342 = arith.constant 112 : index
        %get3A_343 = tpu.vector_load %arg10[%get3A_341, %get3A_342] {strides = array<i32>} : memref<64x128xf32, #tpu.memory_space<vmem>>, vector<1x16xf32>,
        %get3A_344 = vector.shape_cast %get3A_343 : vector<1x16xf32> to vector<16xf32>
        %get3A_345 = arith.index_cast %add3A_244 : i32 to index
        %get3A_346 = arith.constant 112 : index
        %get3A_347 = tpu.vector_load %arg12[%get3A_345, %get3A_346] {strides = array<i32>} : memref<64x128xf32, #tpu.memory_space<vmem>>, vector<1x16xf32>,
        %get3A_348 = vector.shape_cast %get3A_347 : vector<1x16xf32> to vector<16xf32>
        %mul3A_349 = arith.mulf %get3A_344, %get3A_348 : vector<16xf32>
        %swap3A_350 = arith.index_cast %add3A_244 : i32 to index
        %swap3A_351 = arith.constant 112 : index
        %swap3A_352 = tpu.vector_load %arg10[%swap3A_350, %swap3A_351] {strides = array<i32>} : memref<64x128xf32, #tpu.memory_space<vmem>>, vector<1x16xf32>,
        %swap3A_353 = vector.shape_cast %swap3A_352 : vector<1x16xf32> to vector<16xf32>
        %swap3A_354 = vector.shape_cast %mul3A_349 : vector<16xf32> to vector<1x16xf32>
        tpu.vector_store %arg10[%swap3A_350, %swap3A_351], %swap3A_354 {strides = array<i32>} : memref<64x128xf32, #tpu.memory_space<vmem>>, vector<1x16xf32>,
      }
      %scan3A_229 = arith.constant 64 : i32
      %ne3A_230 = arith.constant 31 : i32
      %ne3A_231 = arith.cmpi ne, %add3A, %ne3A_230 : i32
      %add3A_232 = arith.constant 32 : i32
      %add3A_233 = arith.addi %add3A_232, %add3A_211 : i32
      %lt3A_234 = arith.constant 40 : i32
      %lt3A_235 = arith.cmpi slt, %add3A_233, %lt3A_234 : i32
      %or3A_236 = arith.ori %ne3A_231, %lt3A_235 : i1
      %convert_element_type3A_237 = arith.extui %or3A_236 : i1 to i32
      %cond3A_238 = arith.constant 0 : i32
      %cond3A_239 = arith.cmpi ne, %convert_element_type3A_237, %cond3A_238 : i32
      scf.if %cond3A_239 {
        "tpu.region"() ({
          %run_scoped3A_240 = tpu.sem_alloc : memref<!tpu.dma_semaphore, #tpu.memory_space<semaphore_mem>>
          %dma_start3A_241 = arith.constant 0 : i32
          %dma_start3A_242 = tpu.memref_slice %arg8[%add3A_211, %dma_start3A_241] : memref<32x64xi32, #tpu.memory_space<vmem>> -> memref<1x64xi32, #tpu.memory_space<vmem>>
          %dma_start3A_243 = tpu.memref_squeeze %dma_start3A_242 : memref<1x64xi32, #tpu.memory_space<vmem>> -> memref<64xi32, #tpu.memory_space<vmem>>
          %dma_start3A_244 = arith.constant 0 : i32
          %dma_start3A_245 = arith.constant 0 : i32
          %dma_start3A_246 = tpu.memref_slice %arg13[%dma_start3A_244, %dma_start3A_245] : memref<10000x128xf32, #tpu.memory_space<vmem_shared>> -> memref<10000x128xf32, #tpu.memory_space<vmem_shared>>
          tpu.enqueue_indirect_dma source(%arg10 : memref<64x128xf32, #tpu.memory_space<vmem>>) target(%dma_start3A_246 : memref<10000x128xf32, #tpu.memory_space<vmem_shared>>) offsets(%dma_start3A_243 : memref<64xi32, #tpu.memory_space<vmem>>) semaphore(%run_scoped3A_240 : memref<!tpu.dma_semaphore, #tpu.memory_space<semaphore_mem>>) {add = true}
          %dma_wait3A_247 = arith.constant 0 : i32
          %dma_wait3A_248 = tpu.memref_slice %arg8[%add3A_211, %dma_wait3A_247] : memref<32x64xi32, #tpu.memory_space<vmem>> -> memref<1x64xi32, #tpu.memory_space<vmem>>
          %dma_wait3A_249 = tpu.memref_squeeze %dma_wait3A_248 : memref<1x64xi32, #tpu.memory_space<vmem>> -> memref<64xi32, #tpu.memory_space<vmem>>
          %dma_wait3A_250 = arith.constant 0 : i32
          %dma_wait3A_251 = arith.constant 0 : i32
          %dma_wait3A_252 = tpu.memref_slice %arg13[%dma_wait3A_250, %dma_wait3A_251] : memref<10000x128xf32, #tpu.memory_space<vmem_shared>> -> memref<10000x128xf32, #tpu.memory_space<vmem_shared>>
          tpu.wait_indirect_dma semaphore(%run_scoped3A_240 : memref<!tpu.dma_semaphore, #tpu.memory_space<semaphore_mem>>) src(%arg10 : memref<64x128xf32, #tpu.memory_space<vmem>>) dst(%dma_wait3A_252 : memref<10000x128xf32, #tpu.memory_space<vmem_shared>>)
          tpu.yield
        }) : () -> ()
      } else {
      }
    }
    %scan3A_74 = arith.constant 16 : i32
    %run_scoped3A_75 = arith.constant 2 : i32
    "tpu.region"() ({
      %run_scoped3A_153 = tpu.sem_alloc : memref<!tpu.dma_semaphore, #tpu.memory_space<semaphore_mem>>
      %dma_start3A_154 = arith.constant 0 : i32
      %dma_start3A_155 = arith.constant 0 : i32
      %dma_start3A_156 = tpu.memref_slice %arg3[%add3A, %run_scoped3A_75, %dma_start3A_154, %dma_start3A_155] : memref<32x5x32x64xi32, #tpu.memory_space<hbm>> -> memref<1x1x32x64xi32, #tpu.memory_space<hbm>>
      %dma_start3A_157 = tpu.memref_squeeze %dma_start3A_156 : memref<1x1x32x64xi32, #tpu.memory_space<hbm>> -> memref<32x64xi32, #tpu.memory_space<hbm>>
      %dma_start3A_158 = arith.constant 0 : i32
      %dma_start3A_159 = arith.constant 0 : i32
      %dma_start3A_160 = tpu.memref_slice %arg3[%add3A, %run_scoped3A_75, %dma_start3A_158, %dma_start3A_159] : memref<32x5x32x64xi32, #tpu.memory_space<hbm>> -> memref<1x1x32x64xi32, #tpu.memory_space<hbm>>
      %dma_start3A_161 = tpu.memref_squeeze %dma_start3A_160 : memref<1x1x32x64xi32, #tpu.memory_space<hbm>> -> memref<32x64xi32, #tpu.memory_space<hbm>>
      tpu.enqueue_dma source(%dma_start3A_161 : memref<32x64xi32, #tpu.memory_space<hbm>>) target(%arg7 : memref<32x64xi32, #tpu.memory_space<vmem>>) target_semaphore(%run_scoped3A_153 : memref<!tpu.dma_semaphore, #tpu.memory_space<semaphore_mem>>)
      %dma_wait3A = arith.constant 0 : i32
      %dma_wait3A_162 = arith.constant 0 : i32
      %dma_wait3A_163 = tpu.memref_slice %arg3[%add3A, %run_scoped3A_75, %dma_wait3A, %dma_wait3A_162] : memref<32x5x32x64xi32, #tpu.memory_space<hbm>> -> memref<1x1x32x64xi32, #tpu.memory_space<hbm>>
      %dma_wait3A_164 = tpu.memref_squeeze %dma_wait3A_163 : memref<1x1x32x64xi32, #tpu.memory_space<hbm>> -> memref<32x64xi32, #tpu.memory_space<hbm>>
      %dma_wait3A_165 = arith.constant 0 : i32
      %dma_wait3A_166 = arith.constant 0 : i32
      %dma_wait3A_167 = tpu.memref_slice %arg3[%add3A, %run_scoped3A_75, %dma_wait3A_165, %dma_wait3A_166] : memref<32x5x32x64xi32, #tpu.memory_space<hbm>> -> memref<1x1x32x64xi32, #tpu.memory_space<hbm>>
      %dma_wait3A_168 = tpu.memref_squeeze %dma_wait3A_167 : memref<1x1x32x64xi32, #tpu.memory_space<hbm>> -> memref<32x64xi32, #tpu.memory_space<hbm>>
      tpu.wait_dma2 semaphore(%run_scoped3A_153 : memref<!tpu.dma_semaphore, #tpu.memory_space<semaphore_mem>>) src(%dma_wait3A_168 : memref<32x64xi32, #tpu.memory_space<hbm>>) dst(%arg7 : memref<32x64xi32, #tpu.memory_space<vmem>>)
      tpu.yield
    }) : () -> ()
    %run_scoped3A_76 = arith.constant 2 : i32
    "tpu.region"() ({
      %run_scoped3A_153 = tpu.sem_alloc : memref<!tpu.dma_semaphore, #tpu.memory_space<semaphore_mem>>
      %dma_start3A_154 = arith.constant 0 : i32
      %dma_start3A_155 = arith.constant 0 : i32
      %dma_start3A_156 = tpu.memref_slice %arg4[%add3A, %run_scoped3A_76, %dma_start3A_154, %dma_start3A_155] : memref<32x5x32x64xi32, #tpu.memory_space<hbm>> -> memref<1x1x32x64xi32, #tpu.memory_space<hbm>>
      %dma_start3A_157 = tpu.memref_squeeze %dma_start3A_156 : memref<1x1x32x64xi32, #tpu.memory_space<hbm>> -> memref<32x64xi32, #tpu.memory_space<hbm>>
      %dma_start3A_158 = arith.constant 0 : i32
      %dma_start3A_159 = arith.constant 0 : i32
      %dma_start3A_160 = tpu.memref_slice %arg4[%add3A, %run_scoped3A_76, %dma_start3A_158, %dma_start3A_159] : memref<32x5x32x64xi32, #tpu.memory_space<hbm>> -> memref<1x1x32x64xi32, #tpu.memory_space<hbm>>
      %dma_start3A_161 = tpu.memref_squeeze %dma_start3A_160 : memref<1x1x32x64xi32, #tpu.memory_space<hbm>> -> memref<32x64xi32, #tpu.memory_space<hbm>>
      tpu.enqueue_dma source(%dma_start3A_161 : memref<32x64xi32, #tpu.memory_space<hbm>>) target(%arg8 : memref<32x64xi32, #tpu.memory_space<vmem>>) target_semaphore(%run_scoped3A_153 : memref<!tpu.dma_semaphore, #tpu.memory_space<semaphore_mem>>)
      %dma_wait3A = arith.constant 0 : i32
      %dma_wait3A_162 = arith.constant 0 : i32
      %dma_wait3A_163 = tpu.memref_slice %arg4[%add3A, %run_scoped3A_76, %dma_wait3A, %dma_wait3A_162] : memref<32x5x32x64xi32, #tpu.memory_space<hbm>> -> memref<1x1x32x64xi32, #tpu.memory_space<hbm>>
      %dma_wait3A_164 = tpu.memref_squeeze %dma_wait3A_163 : memref<1x1x32x64xi32, #tpu.memory_space<hbm>> -> memref<32x64xi32, #tpu.memory_space<hbm>>
      %dma_wait3A_165 = arith.constant 0 : i32
      %dma_wait3A_166 = arith.constant 0 : i32
      %dma_wait3A_167 = tpu.memref_slice %arg4[%add3A, %run_scoped3A_76, %dma_wait3A_165, %dma_wait3A_166] : memref<32x5x32x64xi32, #tpu.memory_space<hbm>> -> memref<1x1x32x64xi32, #tpu.memory_space<hbm>>
      %dma_wait3A_168 = tpu.memref_squeeze %dma_wait3A_167 : memref<1x1x32x64xi32, #tpu.memory_space<hbm>> -> memref<32x64xi32, #tpu.memory_space<hbm>>
      tpu.wait_dma2 semaphore(%run_scoped3A_153 : memref<!tpu.dma_semaphore, #tpu.memory_space<semaphore_mem>>) src(%dma_wait3A_168 : memref<32x64xi32, #tpu.memory_space<hbm>>) dst(%arg8 : memref<32x64xi32, #tpu.memory_space<vmem>>)
      tpu.yield
    }) : () -> ()
    %mul3A_77 = arith.constant 10240 : i32
    %mul3A_78 = arith.muli %add3A, %mul3A_77 : i32
    %add3A_79 = arith.constant 4096 : i32
    %add3A_80 = arith.addi %mul3A_78, %add3A_79 : i32
    %dma_start3A_81 = arith.constant 0 : i32
    %dma_start3A_82 = arith.constant 0 : i32
    %dma_start3A_83 = tpu.memref_slice %arg7[%dma_start3A_81, %dma_start3A_82] : memref<32x64xi32, #tpu.memory_space<vmem>> -> memref<1x64xi32, #tpu.memory_space<vmem>>
    %dma_start3A_84 = tpu.memref_squeeze %dma_start3A_83 : memref<1x64xi32, #tpu.memory_space<vmem>> -> memref<64xi32, #tpu.memory_space<vmem>>
    %dma_start3A_85 = arith.constant 0 : i32
    %dma_start3A_86 = arith.constant 0 : i32
    %dma_start3A_87 = tpu.memref_slice %arg2[%dma_start3A_85, %dma_start3A_86] : memref<10000x128xf32, #tpu.memory_space<hbm>> -> memref<10000x128xf32, #tpu.memory_space<hbm>>
    tpu.enqueue_indirect_dma source(%dma_start3A_87 : memref<10000x128xf32, #tpu.memory_space<hbm>>) target(%arg9 : memref<64x128xf32, #tpu.memory_space<vmem>>) offsets(%dma_start3A_84 : memref<64xi32, #tpu.memory_space<vmem>>) semaphore(%arg14 : memref<!tpu.dma_semaphore, #tpu.memory_space<semaphore_mem>>)
    %add3A_88 = arith.constant 0 : i32
    %add3A_89 = arith.addi %add3A_80, %add3A_88 : i32
    %dma_start3A_90 = arith.constant 0 : i32
    %dma_start3A_91 = tpu.memref_slice %arg5[%add3A_89, %dma_start3A_90] : memref<327680x128xf32, #tpu.memory_space<hbm>> -> memref<64x128xf32, #tpu.memory_space<hbm>>
    %dma_start3A_92 = arith.constant 0 : i32
    %dma_start3A_93 = tpu.memref_slice %arg5[%add3A_89, %dma_start3A_92] : memref<327680x128xf32, #tpu.memory_space<hbm>> -> memref<64x128xf32, #tpu.memory_space<hbm>>
    tpu.enqueue_dma source(%dma_start3A_93 : memref<64x128xf32, #tpu.memory_space<hbm>>) target(%arg11 : memref<64x128xf32, #tpu.memory_space<vmem>>) target_semaphore(%arg16 : memref<!tpu.dma_semaphore, #tpu.memory_space<semaphore_mem>>)
    %scan3A_94 = arith.constant 0 : i32
    %scan3A_95 = arith.constant 16 : i32
    %scan3A_96 = arith.addi %scan3A_94, %scan3A_95 : i32
    %scan3A_97 = arith.constant 1 : i32
    scf.for %scan3A_153 = %scan3A_94 to %scan3A_96 step %scan3A_97  : i32 {
      %mul3A_154 = arith.constant 1 : i32
      %mul3A_155 = arith.muli %scan3A_153, %mul3A_154 : i32
      %add3A_156 = arith.constant 0 : i32
      %add3A_157 = arith.addi %add3A_156, %mul3A_155 : i32
      %mul3A_158 = arith.constant 2 : i32
      %mul3A_159 = arith.muli %mul3A_158, %add3A_157 : i32
      %add3A_160 = arith.constant 1 : i32
      %add3A_161 = arith.addi %mul3A_159, %add3A_160 : i32
      %dma_start3A_162 = arith.constant 0 : i32
      %dma_start3A_163 = tpu.memref_slice %arg7[%add3A_161, %dma_start3A_162] : memref<32x64xi32, #tpu.memory_space<vmem>> -> memref<1x64xi32, #tpu.memory_space<vmem>>
      %dma_start3A_164 = tpu.memref_squeeze %dma_start3A_163 : memref<1x64xi32, #tpu.memory_space<vmem>> -> memref<64xi32, #tpu.memory_space<vmem>>
      %dma_start3A_165 = arith.constant 0 : i32
      %dma_start3A_166 = arith.constant 0 : i32
      %dma_start3A_167 = tpu.memref_slice %arg2[%dma_start3A_165, %dma_start3A_166] : memref<10000x128xf32, #tpu.memory_space<hbm>> -> memref<10000x128xf32, #tpu.memory_space<hbm>>
      tpu.enqueue_indirect_dma source(%dma_start3A_167 : memref<10000x128xf32, #tpu.memory_space<hbm>>) target(%arg10 : memref<64x128xf32, #tpu.memory_space<vmem>>) offsets(%dma_start3A_164 : memref<64xi32, #tpu.memory_space<vmem>>) semaphore(%arg15 : memref<!tpu.dma_semaphore, #tpu.memory_space<semaphore_mem>>)
      %mul3A_168 = arith.constant 64 : i32
      %mul3A_169 = arith.muli %add3A_161, %mul3A_168 : i32
      %add3A_170 = arith.addi %add3A_80, %mul3A_169 : i32
      %dma_start3A_171 = arith.constant 0 : i32
      %dma_start3A_172 = tpu.memref_slice %arg5[%add3A_170, %dma_start3A_171] : memref<327680x128xf32, #tpu.memory_space<hbm>> -> memref<64x128xf32, #tpu.memory_space<hbm>>
      %dma_start3A_173 = arith.constant 0 : i32
      %dma_start3A_174 = tpu.memref_slice %arg5[%add3A_170, %dma_start3A_173] : memref<327680x128xf32, #tpu.memory_space<hbm>> -> memref<64x128xf32, #tpu.memory_space<hbm>>
      tpu.enqueue_dma source(%dma_start3A_174 : memref<64x128xf32, #tpu.memory_space<hbm>>) target(%arg12 : memref<64x128xf32, #tpu.memory_space<vmem>>) target_semaphore(%arg17 : memref<!tpu.dma_semaphore, #tpu.memory_space<semaphore_mem>>)
      %mul3A_175 = arith.constant 2 : i32
      %mul3A_176 = arith.muli %mul3A_175, %add3A_157 : i32
      %dma_wait3A = arith.constant 0 : i32
      %dma_wait3A_177 = tpu.memref_slice %arg7[%mul3A_176, %dma_wait3A] : memref<32x64xi32, #tpu.memory_space<vmem>> -> memref<1x64xi32, #tpu.memory_space<vmem>>
      %dma_wait3A_178 = tpu.memref_squeeze %dma_wait3A_177 : memref<1x64xi32, #tpu.memory_space<vmem>> -> memref<64xi32, #tpu.memory_space<vmem>>
      %dma_wait3A_179 = arith.constant 0 : i32
      %dma_wait3A_180 = arith.constant 0 : i32
      %dma_wait3A_181 = tpu.memref_slice %arg2[%dma_wait3A_179, %dma_wait3A_180] : memref<10000x128xf32, #tpu.memory_space<hbm>> -> memref<10000x128xf32, #tpu.memory_space<hbm>>
      tpu.wait_indirect_dma semaphore(%arg14 : memref<!tpu.dma_semaphore, #tpu.memory_space<semaphore_mem>>) src(%dma_wait3A_181 : memref<10000x128xf32, #tpu.memory_space<hbm>>) dst(%arg9 : memref<64x128xf32, #tpu.memory_space<vmem>>)
      %mul3A_182 = arith.constant 64 : i32
      %mul3A_183 = arith.muli %mul3A_176, %mul3A_182 : i32
      %add3A_184 = arith.addi %add3A_80, %mul3A_183 : i32
      %dma_wait3A_185 = arith.constant 0 : i32
      %dma_wait3A_186 = tpu.memref_slice %arg5[%add3A_184, %dma_wait3A_185] : memref<327680x128xf32, #tpu.memory_space<hbm>> -> memref<64x128xf32, #tpu.memory_space<hbm>>
      %dma_wait3A_187 = arith.constant 0 : i32
      %dma_wait3A_188 = tpu.memref_slice %arg5[%add3A_184, %dma_wait3A_187] : memref<327680x128xf32, #tpu.memory_space<hbm>> -> memref<64x128xf32, #tpu.memory_space<hbm>>
      tpu.wait_dma2 semaphore(%arg16 : memref<!tpu.dma_semaphore, #tpu.memory_space<semaphore_mem>>) src(%dma_wait3A_188 : memref<64x128xf32, #tpu.memory_space<hbm>>) dst(%arg11 : memref<64x128xf32, #tpu.memory_space<vmem>>)
      %scan3A_189 = arith.constant 0 : i32
      %scan3A_190 = arith.constant 64 : i32
      %scan3A_191 = arith.addi %scan3A_189, %scan3A_190 : i32
      %scan3A_192 = arith.constant 1 : i32
      scf.for %scan3A_240 = %scan3A_189 to %scan3A_191 step %scan3A_192  : i32 {
        %mul3A_241 = arith.constant 1 : i32
        %mul3A_242 = arith.muli %scan3A_240, %mul3A_241 : i32
        %add3A_243 = arith.constant 0 : i32
        %add3A_244 = arith.addi %add3A_243, %mul3A_242 : i32
        %get3A = arith.index_cast %add3A_244 : i32 to index
        %get3A_245 = arith.constant 0 : index
        %get3A_246 = tpu.vector_load %arg9[%get3A, %get3A_245] {strides = array<i32>} : memref<64x128xf32, #tpu.memory_space<vmem>>, vector<1x16xf32>,
        %get3A_247 = vector.shape_cast %get3A_246 : vector<1x16xf32> to vector<16xf32>
        %get3A_248 = arith.index_cast %add3A_244 : i32 to index
        %get3A_249 = arith.constant 0 : index
        %get3A_250 = tpu.vector_load %arg11[%get3A_248, %get3A_249] {strides = array<i32>} : memref<64x128xf32, #tpu.memory_space<vmem>>, vector<1x16xf32>,
        %get3A_251 = vector.shape_cast %get3A_250 : vector<1x16xf32> to vector<16xf32>
        %mul3A_252 = arith.mulf %get3A_247, %get3A_251 : vector<16xf32>
        %swap3A = arith.index_cast %add3A_244 : i32 to index
        %swap3A_253 = arith.constant 0 : index
        %swap3A_254 = tpu.vector_load %arg9[%swap3A, %swap3A_253] {strides = array<i32>} : memref<64x128xf32, #tpu.memory_space<vmem>>, vector<1x16xf32>,
        %swap3A_255 = vector.shape_cast %swap3A_254 : vector<1x16xf32> to vector<16xf32>
        %swap3A_256 = vector.shape_cast %mul3A_252 : vector<16xf32> to vector<1x16xf32>
        tpu.vector_store %arg9[%swap3A, %swap3A_253], %swap3A_256 {strides = array<i32>} : memref<64x128xf32, #tpu.memory_space<vmem>>, vector<1x16xf32>,
        %get3A_257 = arith.index_cast %add3A_244 : i32 to index
        %get3A_258 = arith.constant 16 : index
        %get3A_259 = tpu.vector_load %arg9[%get3A_257, %get3A_258] {strides = array<i32>} : memref<64x128xf32, #tpu.memory_space<vmem>>, vector<1x16xf32>,
        %get3A_260 = vector.shape_cast %get3A_259 : vector<1x16xf32> to vector<16xf32>
        %get3A_261 = arith.index_cast %add3A_244 : i32 to index
        %get3A_262 = arith.constant 16 : index
        %get3A_263 = tpu.vector_load %arg11[%get3A_261, %get3A_262] {strides = array<i32>} : memref<64x128xf32, #tpu.memory_space<vmem>>, vector<1x16xf32>,
        %get3A_264 = vector.shape_cast %get3A_263 : vector<1x16xf32> to vector<16xf32>
        %mul3A_265 = arith.mulf %get3A_260, %get3A_264 : vector<16xf32>
        %swap3A_266 = arith.index_cast %add3A_244 : i32 to index
        %swap3A_267 = arith.constant 16 : index
        %swap3A_268 = tpu.vector_load %arg9[%swap3A_266, %swap3A_267] {strides = array<i32>} : memref<64x128xf32, #tpu.memory_space<vmem>>, vector<1x16xf32>,
        %swap3A_269 = vector.shape_cast %swap3A_268 : vector<1x16xf32> to vector<16xf32>
        %swap3A_270 = vector.shape_cast %mul3A_265 : vector<16xf32> to vector<1x16xf32>
        tpu.vector_store %arg9[%swap3A_266, %swap3A_267], %swap3A_270 {strides = array<i32>} : memref<64x128xf32, #tpu.memory_space<vmem>>, vector<1x16xf32>,
        %get3A_271 = arith.index_cast %add3A_244 : i32 to index
        %get3A_272 = arith.constant 32 : index
        %get3A_273 = tpu.vector_load %arg9[%get3A_271, %get3A_272] {strides = array<i32>} : memref<64x128xf32, #tpu.memory_space<vmem>>, vector<1x16xf32>,
        %get3A_274 = vector.shape_cast %get3A_273 : vector<1x16xf32> to vector<16xf32>
        %get3A_275 = arith.index_cast %add3A_244 : i32 to index
        %get3A_276 = arith.constant 32 : index
        %get3A_277 = tpu.vector_load %arg11[%get3A_275, %get3A_276] {strides = array<i32>} : memref<64x128xf32, #tpu.memory_space<vmem>>, vector<1x16xf32>,
        %get3A_278 = vector.shape_cast %get3A_277 : vector<1x16xf32> to vector<16xf32>
        %mul3A_279 = arith.mulf %get3A_274, %get3A_278 : vector<16xf32>
        %swap3A_280 = arith.index_cast %add3A_244 : i32 to index
        %swap3A_281 = arith.constant 32 : index
        %swap3A_282 = tpu.vector_load %arg9[%swap3A_280, %swap3A_281] {strides = array<i32>} : memref<64x128xf32, #tpu.memory_space<vmem>>, vector<1x16xf32>,
        %swap3A_283 = vector.shape_cast %swap3A_282 : vector<1x16xf32> to vector<16xf32>
        %swap3A_284 = vector.shape_cast %mul3A_279 : vector<16xf32> to vector<1x16xf32>
        tpu.vector_store %arg9[%swap3A_280, %swap3A_281], %swap3A_284 {strides = array<i32>} : memref<64x128xf32, #tpu.memory_space<vmem>>, vector<1x16xf32>,
        %get3A_285 = arith.index_cast %add3A_244 : i32 to index
        %get3A_286 = arith.constant 48 : index
        %get3A_287 = tpu.vector_load %arg9[%get3A_285, %get3A_286] {strides = array<i32>} : memref<64x128xf32, #tpu.memory_space<vmem>>, vector<1x16xf32>,
        %get3A_288 = vector.shape_cast %get3A_287 : vector<1x16xf32> to vector<16xf32>
        %get3A_289 = arith.index_cast %add3A_244 : i32 to index
        %get3A_290 = arith.constant 48 : index
        %get3A_291 = tpu.vector_load %arg11[%get3A_289, %get3A_290] {strides = array<i32>} : memref<64x128xf32, #tpu.memory_space<vmem>>, vector<1x16xf32>,
        %get3A_292 = vector.shape_cast %get3A_291 : vector<1x16xf32> to vector<16xf32>
        %mul3A_293 = arith.mulf %get3A_288, %get3A_292 : vector<16xf32>
        %swap3A_294 = arith.index_cast %add3A_244 : i32 to index
        %swap3A_295 = arith.constant 48 : index
        %swap3A_296 = tpu.vector_load %arg9[%swap3A_294, %swap3A_295] {strides = array<i32>} : memref<64x128xf32, #tpu.memory_space<vmem>>, vector<1x16xf32>,
        %swap3A_297 = vector.shape_cast %swap3A_296 : vector<1x16xf32> to vector<16xf32>
        %swap3A_298 = vector.shape_cast %mul3A_293 : vector<16xf32> to vector<1x16xf32>
        tpu.vector_store %arg9[%swap3A_294, %swap3A_295], %swap3A_298 {strides = array<i32>} : memref<64x128xf32, #tpu.memory_space<vmem>>, vector<1x16xf32>,
        %get3A_299 = arith.index_cast %add3A_244 : i32 to index
        %get3A_300 = arith.constant 64 : index
        %get3A_301 = tpu.vector_load %arg9[%get3A_299, %get3A_300] {strides = array<i32>} : memref<64x128xf32, #tpu.memory_space<vmem>>, vector<1x16xf32>,
        %get3A_302 = vector.shape_cast %get3A_301 : vector<1x16xf32> to vector<16xf32>
        %get3A_303 = arith.index_cast %add3A_244 : i32 to index
        %get3A_304 = arith.constant 64 : index
        %get3A_305 = tpu.vector_load %arg11[%get3A_303, %get3A_304] {strides = array<i32>} : memref<64x128xf32, #tpu.memory_space<vmem>>, vector<1x16xf32>,
        %get3A_306 = vector.shape_cast %get3A_305 : vector<1x16xf32> to vector<16xf32>
        %mul3A_307 = arith.mulf %get3A_302, %get3A_306 : vector<16xf32>
        %swap3A_308 = arith.index_cast %add3A_244 : i32 to index
        %swap3A_309 = arith.constant 64 : index
        %swap3A_310 = tpu.vector_load %arg9[%swap3A_308, %swap3A_309] {strides = array<i32>} : memref<64x128xf32, #tpu.memory_space<vmem>>, vector<1x16xf32>,
        %swap3A_311 = vector.shape_cast %swap3A_310 : vector<1x16xf32> to vector<16xf32>
        %swap3A_312 = vector.shape_cast %mul3A_307 : vector<16xf32> to vector<1x16xf32>
        tpu.vector_store %arg9[%swap3A_308, %swap3A_309], %swap3A_312 {strides = array<i32>} : memref<64x128xf32, #tpu.memory_space<vmem>>, vector<1x16xf32>,
        %get3A_313 = arith.index_cast %add3A_244 : i32 to index
        %get3A_314 = arith.constant 80 : index
        %get3A_315 = tpu.vector_load %arg9[%get3A_313, %get3A_314] {strides = array<i32>} : memref<64x128xf32, #tpu.memory_space<vmem>>, vector<1x16xf32>,
        %get3A_316 = vector.shape_cast %get3A_315 : vector<1x16xf32> to vector<16xf32>
        %get3A_317 = arith.index_cast %add3A_244 : i32 to index
        %get3A_318 = arith.constant 80 : index
        %get3A_319 = tpu.vector_load %arg11[%get3A_317, %get3A_318] {strides = array<i32>} : memref<64x128xf32, #tpu.memory_space<vmem>>, vector<1x16xf32>,
        %get3A_320 = vector.shape_cast %get3A_319 : vector<1x16xf32> to vector<16xf32>
        %mul3A_321 = arith.mulf %get3A_316, %get3A_320 : vector<16xf32>
        %swap3A_322 = arith.index_cast %add3A_244 : i32 to index
        %swap3A_323 = arith.constant 80 : index
        %swap3A_324 = tpu.vector_load %arg9[%swap3A_322, %swap3A_323] {strides = array<i32>} : memref<64x128xf32, #tpu.memory_space<vmem>>, vector<1x16xf32>,
        %swap3A_325 = vector.shape_cast %swap3A_324 : vector<1x16xf32> to vector<16xf32>
        %swap3A_326 = vector.shape_cast %mul3A_321 : vector<16xf32> to vector<1x16xf32>
        tpu.vector_store %arg9[%swap3A_322, %swap3A_323], %swap3A_326 {strides = array<i32>} : memref<64x128xf32, #tpu.memory_space<vmem>>, vector<1x16xf32>,
        %get3A_327 = arith.index_cast %add3A_244 : i32 to index
        %get3A_328 = arith.constant 96 : index
        %get3A_329 = tpu.vector_load %arg9[%get3A_327, %get3A_328] {strides = array<i32>} : memref<64x128xf32, #tpu.memory_space<vmem>>, vector<1x16xf32>,
        %get3A_330 = vector.shape_cast %get3A_329 : vector<1x16xf32> to vector<16xf32>
        %get3A_331 = arith.index_cast %add3A_244 : i32 to index
        %get3A_332 = arith.constant 96 : index
        %get3A_333 = tpu.vector_load %arg11[%get3A_331, %get3A_332] {strides = array<i32>} : memref<64x128xf32, #tpu.memory_space<vmem>>, vector<1x16xf32>,
        %get3A_334 = vector.shape_cast %get3A_333 : vector<1x16xf32> to vector<16xf32>
        %mul3A_335 = arith.mulf %get3A_330, %get3A_334 : vector<16xf32>
        %swap3A_336 = arith.index_cast %add3A_244 : i32 to index
        %swap3A_337 = arith.constant 96 : index
        %swap3A_338 = tpu.vector_load %arg9[%swap3A_336, %swap3A_337] {strides = array<i32>} : memref<64x128xf32, #tpu.memory_space<vmem>>, vector<1x16xf32>,
        %swap3A_339 = vector.shape_cast %swap3A_338 : vector<1x16xf32> to vector<16xf32>
        %swap3A_340 = vector.shape_cast %mul3A_335 : vector<16xf32> to vector<1x16xf32>
        tpu.vector_store %arg9[%swap3A_336, %swap3A_337], %swap3A_340 {strides = array<i32>} : memref<64x128xf32, #tpu.memory_space<vmem>>, vector<1x16xf32>,
        %get3A_341 = arith.index_cast %add3A_244 : i32 to index
        %get3A_342 = arith.constant 112 : index
        %get3A_343 = tpu.vector_load %arg9[%get3A_341, %get3A_342] {strides = array<i32>} : memref<64x128xf32, #tpu.memory_space<vmem>>, vector<1x16xf32>,
        %get3A_344 = vector.shape_cast %get3A_343 : vector<1x16xf32> to vector<16xf32>
        %get3A_345 = arith.index_cast %add3A_244 : i32 to index
        %get3A_346 = arith.constant 112 : index
        %get3A_347 = tpu.vector_load %arg11[%get3A_345, %get3A_346] {strides = array<i32>} : memref<64x128xf32, #tpu.memory_space<vmem>>, vector<1x16xf32>,
        %get3A_348 = vector.shape_cast %get3A_347 : vector<1x16xf32> to vector<16xf32>
        %mul3A_349 = arith.mulf %get3A_344, %get3A_348 : vector<16xf32>
        %swap3A_350 = arith.index_cast %add3A_244 : i32 to index
        %swap3A_351 = arith.constant 112 : index
        %swap3A_352 = tpu.vector_load %arg9[%swap3A_350, %swap3A_351] {strides = array<i32>} : memref<64x128xf32, #tpu.memory_space<vmem>>, vector<1x16xf32>,
        %swap3A_353 = vector.shape_cast %swap3A_352 : vector<1x16xf32> to vector<16xf32>
        %swap3A_354 = vector.shape_cast %mul3A_349 : vector<16xf32> to vector<1x16xf32>
        tpu.vector_store %arg9[%swap3A_350, %swap3A_351], %swap3A_354 {strides = array<i32>} : memref<64x128xf32, #tpu.memory_space<vmem>>, vector<1x16xf32>,
      }
      %scan3A_193 = arith.constant 64 : i32
      %ne3A = arith.constant 31 : i32
      %ne3A_194 = arith.cmpi ne, %add3A, %ne3A : i32
      %add3A_195 = arith.constant 64 : i32
      %add3A_196 = arith.addi %add3A_195, %mul3A_176 : i32
      %lt3A = arith.constant 40 : i32
      %lt3A_197 = arith.cmpi slt, %add3A_196, %lt3A : i32
      %or3A = arith.ori %ne3A_194, %lt3A_197 : i1
      %convert_element_type3A_198 = arith.extui %or3A : i1 to i32
      %cond3A_199 = arith.constant 0 : i32
      %cond3A_200 = arith.cmpi ne, %convert_element_type3A_198, %cond3A_199 : i32
      scf.if %cond3A_200 {
        "tpu.region"() ({
          %run_scoped3A_240 = tpu.sem_alloc : memref<!tpu.dma_semaphore, #tpu.memory_space<semaphore_mem>>
          %dma_start3A_241 = arith.constant 0 : i32
          %dma_start3A_242 = tpu.memref_slice %arg8[%mul3A_176, %dma_start3A_241] : memref<32x64xi32, #tpu.memory_space<vmem>> -> memref<1x64xi32, #tpu.memory_space<vmem>>
          %dma_start3A_243 = tpu.memref_squeeze %dma_start3A_242 : memref<1x64xi32, #tpu.memory_space<vmem>> -> memref<64xi32, #tpu.memory_space<vmem>>
          %dma_start3A_244 = arith.constant 0 : i32
          %dma_start3A_245 = arith.constant 0 : i32
          %dma_start3A_246 = tpu.memref_slice %arg13[%dma_start3A_244, %dma_start3A_245] : memref<10000x128xf32, #tpu.memory_space<vmem_shared>> -> memref<10000x128xf32, #tpu.memory_space<vmem_shared>>
          tpu.enqueue_indirect_dma source(%arg9 : memref<64x128xf32, #tpu.memory_space<vmem>>) target(%dma_start3A_246 : memref<10000x128xf32, #tpu.memory_space<vmem_shared>>) offsets(%dma_start3A_243 : memref<64xi32, #tpu.memory_space<vmem>>) semaphore(%run_scoped3A_240 : memref<!tpu.dma_semaphore, #tpu.memory_space<semaphore_mem>>) {add = true}
          %dma_wait3A_247 = arith.constant 0 : i32
          %dma_wait3A_248 = tpu.memref_slice %arg8[%mul3A_176, %dma_wait3A_247] : memref<32x64xi32, #tpu.memory_space<vmem>> -> memref<1x64xi32, #tpu.memory_space<vmem>>
          %dma_wait3A_249 = tpu.memref_squeeze %dma_wait3A_248 : memref<1x64xi32, #tpu.memory_space<vmem>> -> memref<64xi32, #tpu.memory_space<vmem>>
          %dma_wait3A_250 = arith.constant 0 : i32
          %dma_wait3A_251 = arith.constant 0 : i32
          %dma_wait3A_252 = tpu.memref_slice %arg13[%dma_wait3A_250, %dma_wait3A_251] : memref<10000x128xf32, #tpu.memory_space<vmem_shared>> -> memref<10000x128xf32, #tpu.memory_space<vmem_shared>>
          tpu.wait_indirect_dma semaphore(%run_scoped3A_240 : memref<!tpu.dma_semaphore, #tpu.memory_space<semaphore_mem>>) src(%arg9 : memref<64x128xf32, #tpu.memory_space<vmem>>) dst(%dma_wait3A_252 : memref<10000x128xf32, #tpu.memory_space<vmem_shared>>)
          tpu.yield
        }) : () -> ()
      } else {
      }
      %add3A_201 = arith.constant 1 : i32
      %add3A_202 = arith.addi %add3A_157, %add3A_201 : i32
      %lt3A_203 = arith.constant 16 : i32
      %lt3A_204 = arith.cmpi slt, %add3A_202, %lt3A_203 : i32
      %convert_element_type3A_205 = arith.extui %lt3A_204 : i1 to i32
      %cond3A_206 = arith.constant 0 : i32
      %cond3A_207 = arith.cmpi ne, %convert_element_type3A_205, %cond3A_206 : i32
      scf.if %cond3A_207 {
        %mul3A_240 = arith.constant 2 : i32
        %mul3A_241 = arith.muli %mul3A_240, %add3A_157 : i32
        %add3A_242 = arith.constant 2 : i32
        %add3A_243 = arith.addi %mul3A_241, %add3A_242 : i32
        %dma_start3A_244 = arith.constant 0 : i32
        %dma_start3A_245 = tpu.memref_slice %arg7[%add3A_243, %dma_start3A_244] : memref<32x64xi32, #tpu.memory_space<vmem>> -> memref<1x64xi32, #tpu.memory_space<vmem>>
        %dma_start3A_246 = tpu.memref_squeeze %dma_start3A_245 : memref<1x64xi32, #tpu.memory_space<vmem>> -> memref<64xi32, #tpu.memory_space<vmem>>
        %dma_start3A_247 = arith.constant 0 : i32
        %dma_start3A_248 = arith.constant 0 : i32
        %dma_start3A_249 = tpu.memref_slice %arg2[%dma_start3A_247, %dma_start3A_248] : memref<10000x128xf32, #tpu.memory_space<hbm>> -> memref<10000x128xf32, #tpu.memory_space<hbm>>
        tpu.enqueue_indirect_dma source(%dma_start3A_249 : memref<10000x128xf32, #tpu.memory_space<hbm>>) target(%arg9 : memref<64x128xf32, #tpu.memory_space<vmem>>) offsets(%dma_start3A_246 : memref<64xi32, #tpu.memory_space<vmem>>) semaphore(%arg14 : memref<!tpu.dma_semaphore, #tpu.memory_space<semaphore_mem>>)
        %mul3A_250 = arith.constant 64 : i32
        %mul3A_251 = arith.muli %add3A_243, %mul3A_250 : i32
        %add3A_252 = arith.addi %add3A_80, %mul3A_251 : i32
        %dma_start3A_253 = arith.constant 0 : i32
        %dma_start3A_254 = tpu.memref_slice %arg5[%add3A_252, %dma_start3A_253] : memref<327680x128xf32, #tpu.memory_space<hbm>> -> memref<64x128xf32, #tpu.memory_space<hbm>>
        %dma_start3A_255 = arith.constant 0 : i32
        %dma_start3A_256 = tpu.memref_slice %arg5[%add3A_252, %dma_start3A_255] : memref<327680x128xf32, #tpu.memory_space<hbm>> -> memref<64x128xf32, #tpu.memory_space<hbm>>
        tpu.enqueue_dma source(%dma_start3A_256 : memref<64x128xf32, #tpu.memory_space<hbm>>) target(%arg11 : memref<64x128xf32, #tpu.memory_space<vmem>>) target_semaphore(%arg16 : memref<!tpu.dma_semaphore, #tpu.memory_space<semaphore_mem>>)
      } else {
      }
      %mul3A_208 = arith.constant 2 : i32
      %mul3A_209 = arith.muli %mul3A_208, %add3A_157 : i32
      %add3A_210 = arith.constant 1 : i32
      %add3A_211 = arith.addi %mul3A_209, %add3A_210 : i32
      %dma_wait3A_212 = arith.constant 0 : i32
      %dma_wait3A_213 = tpu.memref_slice %arg7[%add3A_211, %dma_wait3A_212] : memref<32x64xi32, #tpu.memory_space<vmem>> -> memref<1x64xi32, #tpu.memory_space<vmem>>
      %dma_wait3A_214 = tpu.memref_squeeze %dma_wait3A_213 : memref<1x64xi32, #tpu.memory_space<vmem>> -> memref<64xi32, #tpu.memory_space<vmem>>
      %dma_wait3A_215 = arith.constant 0 : i32
      %dma_wait3A_216 = arith.constant 0 : i32
      %dma_wait3A_217 = tpu.memref_slice %arg2[%dma_wait3A_215, %dma_wait3A_216] : memref<10000x128xf32, #tpu.memory_space<hbm>> -> memref<10000x128xf32, #tpu.memory_space<hbm>>
      tpu.wait_indirect_dma semaphore(%arg15 : memref<!tpu.dma_semaphore, #tpu.memory_space<semaphore_mem>>) src(%dma_wait3A_217 : memref<10000x128xf32, #tpu.memory_space<hbm>>) dst(%arg10 : memref<64x128xf32, #tpu.memory_space<vmem>>)
      %mul3A_218 = arith.constant 64 : i32
      %mul3A_219 = arith.muli %add3A_211, %mul3A_218 : i32
      %add3A_220 = arith.addi %add3A_80, %mul3A_219 : i32
      %dma_wait3A_221 = arith.constant 0 : i32
      %dma_wait3A_222 = tpu.memref_slice %arg5[%add3A_220, %dma_wait3A_221] : memref<327680x128xf32, #tpu.memory_space<hbm>> -> memref<64x128xf32, #tpu.memory_space<hbm>>
      %dma_wait3A_223 = arith.constant 0 : i32
      %dma_wait3A_224 = tpu.memref_slice %arg5[%add3A_220, %dma_wait3A_223] : memref<327680x128xf32, #tpu.memory_space<hbm>> -> memref<64x128xf32, #tpu.memory_space<hbm>>
      tpu.wait_dma2 semaphore(%arg17 : memref<!tpu.dma_semaphore, #tpu.memory_space<semaphore_mem>>) src(%dma_wait3A_224 : memref<64x128xf32, #tpu.memory_space<hbm>>) dst(%arg12 : memref<64x128xf32, #tpu.memory_space<vmem>>)
      %scan3A_225 = arith.constant 0 : i32
      %scan3A_226 = arith.constant 64 : i32
      %scan3A_227 = arith.addi %scan3A_225, %scan3A_226 : i32
      %scan3A_228 = arith.constant 1 : i32
      scf.for %scan3A_240 = %scan3A_225 to %scan3A_227 step %scan3A_228  : i32 {
        %mul3A_241 = arith.constant 1 : i32
        %mul3A_242 = arith.muli %scan3A_240, %mul3A_241 : i32
        %add3A_243 = arith.constant 0 : i32
        %add3A_244 = arith.addi %add3A_243, %mul3A_242 : i32
        %get3A = arith.index_cast %add3A_244 : i32 to index
        %get3A_245 = arith.constant 0 : index
        %get3A_246 = tpu.vector_load %arg10[%get3A, %get3A_245] {strides = array<i32>} : memref<64x128xf32, #tpu.memory_space<vmem>>, vector<1x16xf32>,
        %get3A_247 = vector.shape_cast %get3A_246 : vector<1x16xf32> to vector<16xf32>
        %get3A_248 = arith.index_cast %add3A_244 : i32 to index
        %get3A_249 = arith.constant 0 : index
        %get3A_250 = tpu.vector_load %arg12[%get3A_248, %get3A_249] {strides = array<i32>} : memref<64x128xf32, #tpu.memory_space<vmem>>, vector<1x16xf32>,
        %get3A_251 = vector.shape_cast %get3A_250 : vector<1x16xf32> to vector<16xf32>
        %mul3A_252 = arith.mulf %get3A_247, %get3A_251 : vector<16xf32>
        %swap3A = arith.index_cast %add3A_244 : i32 to index
        %swap3A_253 = arith.constant 0 : index
        %swap3A_254 = tpu.vector_load %arg10[%swap3A, %swap3A_253] {strides = array<i32>} : memref<64x128xf32, #tpu.memory_space<vmem>>, vector<1x16xf32>,
        %swap3A_255 = vector.shape_cast %swap3A_254 : vector<1x16xf32> to vector<16xf32>
        %swap3A_256 = vector.shape_cast %mul3A_252 : vector<16xf32> to vector<1x16xf32>
        tpu.vector_store %arg10[%swap3A, %swap3A_253], %swap3A_256 {strides = array<i32>} : memref<64x128xf32, #tpu.memory_space<vmem>>, vector<1x16xf32>,
        %get3A_257 = arith.index_cast %add3A_244 : i32 to index
        %get3A_258 = arith.constant 16 : index
        %get3A_259 = tpu.vector_load %arg10[%get3A_257, %get3A_258] {strides = array<i32>} : memref<64x128xf32, #tpu.memory_space<vmem>>, vector<1x16xf32>,
        %get3A_260 = vector.shape_cast %get3A_259 : vector<1x16xf32> to vector<16xf32>
        %get3A_261 = arith.index_cast %add3A_244 : i32 to index
        %get3A_262 = arith.constant 16 : index
        %get3A_263 = tpu.vector_load %arg12[%get3A_261, %get3A_262] {strides = array<i32>} : memref<64x128xf32, #tpu.memory_space<vmem>>, vector<1x16xf32>,
        %get3A_264 = vector.shape_cast %get3A_263 : vector<1x16xf32> to vector<16xf32>
        %mul3A_265 = arith.mulf %get3A_260, %get3A_264 : vector<16xf32>
        %swap3A_266 = arith.index_cast %add3A_244 : i32 to index
        %swap3A_267 = arith.constant 16 : index
        %swap3A_268 = tpu.vector_load %arg10[%swap3A_266, %swap3A_267] {strides = array<i32>} : memref<64x128xf32, #tpu.memory_space<vmem>>, vector<1x16xf32>,
        %swap3A_269 = vector.shape_cast %swap3A_268 : vector<1x16xf32> to vector<16xf32>
        %swap3A_270 = vector.shape_cast %mul3A_265 : vector<16xf32> to vector<1x16xf32>
        tpu.vector_store %arg10[%swap3A_266, %swap3A_267], %swap3A_270 {strides = array<i32>} : memref<64x128xf32, #tpu.memory_space<vmem>>, vector<1x16xf32>,
        %get3A_271 = arith.index_cast %add3A_244 : i32 to index
        %get3A_272 = arith.constant 32 : index
        %get3A_273 = tpu.vector_load %arg10[%get3A_271, %get3A_272] {strides = array<i32>} : memref<64x128xf32, #tpu.memory_space<vmem>>, vector<1x16xf32>,
        %get3A_274 = vector.shape_cast %get3A_273 : vector<1x16xf32> to vector<16xf32>
        %get3A_275 = arith.index_cast %add3A_244 : i32 to index
        %get3A_276 = arith.constant 32 : index
        %get3A_277 = tpu.vector_load %arg12[%get3A_275, %get3A_276] {strides = array<i32>} : memref<64x128xf32, #tpu.memory_space<vmem>>, vector<1x16xf32>,
        %get3A_278 = vector.shape_cast %get3A_277 : vector<1x16xf32> to vector<16xf32>
        %mul3A_279 = arith.mulf %get3A_274, %get3A_278 : vector<16xf32>
        %swap3A_280 = arith.index_cast %add3A_244 : i32 to index
        %swap3A_281 = arith.constant 32 : index
        %swap3A_282 = tpu.vector_load %arg10[%swap3A_280, %swap3A_281] {strides = array<i32>} : memref<64x128xf32, #tpu.memory_space<vmem>>, vector<1x16xf32>,
        %swap3A_283 = vector.shape_cast %swap3A_282 : vector<1x16xf32> to vector<16xf32>
        %swap3A_284 = vector.shape_cast %mul3A_279 : vector<16xf32> to vector<1x16xf32>
        tpu.vector_store %arg10[%swap3A_280, %swap3A_281], %swap3A_284 {strides = array<i32>} : memref<64x128xf32, #tpu.memory_space<vmem>>, vector<1x16xf32>,
        %get3A_285 = arith.index_cast %add3A_244 : i32 to index
        %get3A_286 = arith.constant 48 : index
        %get3A_287 = tpu.vector_load %arg10[%get3A_285, %get3A_286] {strides = array<i32>} : memref<64x128xf32, #tpu.memory_space<vmem>>, vector<1x16xf32>,
        %get3A_288 = vector.shape_cast %get3A_287 : vector<1x16xf32> to vector<16xf32>
        %get3A_289 = arith.index_cast %add3A_244 : i32 to index
        %get3A_290 = arith.constant 48 : index
        %get3A_291 = tpu.vector_load %arg12[%get3A_289, %get3A_290] {strides = array<i32>} : memref<64x128xf32, #tpu.memory_space<vmem>>, vector<1x16xf32>,
        %get3A_292 = vector.shape_cast %get3A_291 : vector<1x16xf32> to vector<16xf32>
        %mul3A_293 = arith.mulf %get3A_288, %get3A_292 : vector<16xf32>
        %swap3A_294 = arith.index_cast %add3A_244 : i32 to index
        %swap3A_295 = arith.constant 48 : index
        %swap3A_296 = tpu.vector_load %arg10[%swap3A_294, %swap3A_295] {strides = array<i32>} : memref<64x128xf32, #tpu.memory_space<vmem>>, vector<1x16xf32>,
        %swap3A_297 = vector.shape_cast %swap3A_296 : vector<1x16xf32> to vector<16xf32>
        %swap3A_298 = vector.shape_cast %mul3A_293 : vector<16xf32> to vector<1x16xf32>
        tpu.vector_store %arg10[%swap3A_294, %swap3A_295], %swap3A_298 {strides = array<i32>} : memref<64x128xf32, #tpu.memory_space<vmem>>, vector<1x16xf32>,
        %get3A_299 = arith.index_cast %add3A_244 : i32 to index
        %get3A_300 = arith.constant 64 : index
        %get3A_301 = tpu.vector_load %arg10[%get3A_299, %get3A_300] {strides = array<i32>} : memref<64x128xf32, #tpu.memory_space<vmem>>, vector<1x16xf32>,
        %get3A_302 = vector.shape_cast %get3A_301 : vector<1x16xf32> to vector<16xf32>
        %get3A_303 = arith.index_cast %add3A_244 : i32 to index
        %get3A_304 = arith.constant 64 : index
        %get3A_305 = tpu.vector_load %arg12[%get3A_303, %get3A_304] {strides = array<i32>} : memref<64x128xf32, #tpu.memory_space<vmem>>, vector<1x16xf32>,
        %get3A_306 = vector.shape_cast %get3A_305 : vector<1x16xf32> to vector<16xf32>
        %mul3A_307 = arith.mulf %get3A_302, %get3A_306 : vector<16xf32>
        %swap3A_308 = arith.index_cast %add3A_244 : i32 to index
        %swap3A_309 = arith.constant 64 : index
        %swap3A_310 = tpu.vector_load %arg10[%swap3A_308, %swap3A_309] {strides = array<i32>} : memref<64x128xf32, #tpu.memory_space<vmem>>, vector<1x16xf32>,
        %swap3A_311 = vector.shape_cast %swap3A_310 : vector<1x16xf32> to vector<16xf32>
        %swap3A_312 = vector.shape_cast %mul3A_307 : vector<16xf32> to vector<1x16xf32>
        tpu.vector_store %arg10[%swap3A_308, %swap3A_309], %swap3A_312 {strides = array<i32>} : memref<64x128xf32, #tpu.memory_space<vmem>>, vector<1x16xf32>,
        %get3A_313 = arith.index_cast %add3A_244 : i32 to index
        %get3A_314 = arith.constant 80 : index
        %get3A_315 = tpu.vector_load %arg10[%get3A_313, %get3A_314] {strides = array<i32>} : memref<64x128xf32, #tpu.memory_space<vmem>>, vector<1x16xf32>,
        %get3A_316 = vector.shape_cast %get3A_315 : vector<1x16xf32> to vector<16xf32>
        %get3A_317 = arith.index_cast %add3A_244 : i32 to index
        %get3A_318 = arith.constant 80 : index
        %get3A_319 = tpu.vector_load %arg12[%get3A_317, %get3A_318] {strides = array<i32>} : memref<64x128xf32, #tpu.memory_space<vmem>>, vector<1x16xf32>,
        %get3A_320 = vector.shape_cast %get3A_319 : vector<1x16xf32> to vector<16xf32>
        %mul3A_321 = arith.mulf %get3A_316, %get3A_320 : vector<16xf32>
        %swap3A_322 = arith.index_cast %add3A_244 : i32 to index
        %swap3A_323 = arith.constant 80 : index
        %swap3A_324 = tpu.vector_load %arg10[%swap3A_322, %swap3A_323] {strides = array<i32>} : memref<64x128xf32, #tpu.memory_space<vmem>>, vector<1x16xf32>,
        %swap3A_325 = vector.shape_cast %swap3A_324 : vector<1x16xf32> to vector<16xf32>
        %swap3A_326 = vector.shape_cast %mul3A_321 : vector<16xf32> to vector<1x16xf32>
        tpu.vector_store %arg10[%swap3A_322, %swap3A_323], %swap3A_326 {strides = array<i32>} : memref<64x128xf32, #tpu.memory_space<vmem>>, vector<1x16xf32>,
        %get3A_327 = arith.index_cast %add3A_244 : i32 to index
        %get3A_328 = arith.constant 96 : index
        %get3A_329 = tpu.vector_load %arg10[%get3A_327, %get3A_328] {strides = array<i32>} : memref<64x128xf32, #tpu.memory_space<vmem>>, vector<1x16xf32>,
        %get3A_330 = vector.shape_cast %get3A_329 : vector<1x16xf32> to vector<16xf32>
        %get3A_331 = arith.index_cast %add3A_244 : i32 to index
        %get3A_332 = arith.constant 96 : index
        %get3A_333 = tpu.vector_load %arg12[%get3A_331, %get3A_332] {strides = array<i32>} : memref<64x128xf32, #tpu.memory_space<vmem>>, vector<1x16xf32>,
        %get3A_334 = vector.shape_cast %get3A_333 : vector<1x16xf32> to vector<16xf32>
        %mul3A_335 = arith.mulf %get3A_330, %get3A_334 : vector<16xf32>
        %swap3A_336 = arith.index_cast %add3A_244 : i32 to index
        %swap3A_337 = arith.constant 96 : index
        %swap3A_338 = tpu.vector_load %arg10[%swap3A_336, %swap3A_337] {strides = array<i32>} : memref<64x128xf32, #tpu.memory_space<vmem>>, vector<1x16xf32>,
        %swap3A_339 = vector.shape_cast %swap3A_338 : vector<1x16xf32> to vector<16xf32>
        %swap3A_340 = vector.shape_cast %mul3A_335 : vector<16xf32> to vector<1x16xf32>
        tpu.vector_store %arg10[%swap3A_336, %swap3A_337], %swap3A_340 {strides = array<i32>} : memref<64x128xf32, #tpu.memory_space<vmem>>, vector<1x16xf32>,
        %get3A_341 = arith.index_cast %add3A_244 : i32 to index
        %get3A_342 = arith.constant 112 : index
        %get3A_343 = tpu.vector_load %arg10[%get3A_341, %get3A_342] {strides = array<i32>} : memref<64x128xf32, #tpu.memory_space<vmem>>, vector<1x16xf32>,
        %get3A_344 = vector.shape_cast %get3A_343 : vector<1x16xf32> to vector<16xf32>
        %get3A_345 = arith.index_cast %add3A_244 : i32 to index
        %get3A_346 = arith.constant 112 : index
        %get3A_347 = tpu.vector_load %arg12[%get3A_345, %get3A_346] {strides = array<i32>} : memref<64x128xf32, #tpu.memory_space<vmem>>, vector<1x16xf32>,
        %get3A_348 = vector.shape_cast %get3A_347 : vector<1x16xf32> to vector<16xf32>
        %mul3A_349 = arith.mulf %get3A_344, %get3A_348 : vector<16xf32>
        %swap3A_350 = arith.index_cast %add3A_244 : i32 to index
        %swap3A_351 = arith.constant 112 : index
        %swap3A_352 = tpu.vector_load %arg10[%swap3A_350, %swap3A_351] {strides = array<i32>} : memref<64x128xf32, #tpu.memory_space<vmem>>, vector<1x16xf32>,
        %swap3A_353 = vector.shape_cast %swap3A_352 : vector<1x16xf32> to vector<16xf32>
        %swap3A_354 = vector.shape_cast %mul3A_349 : vector<16xf32> to vector<1x16xf32>
        tpu.vector_store %arg10[%swap3A_350, %swap3A_351], %swap3A_354 {strides = array<i32>} : memref<64x128xf32, #tpu.memory_space<vmem>>, vector<1x16xf32>,
      }
      %scan3A_229 = arith.constant 64 : i32
      %ne3A_230 = arith.constant 31 : i32
      %ne3A_231 = arith.cmpi ne, %add3A, %ne3A_230 : i32
      %add3A_232 = arith.constant 64 : i32
      %add3A_233 = arith.addi %add3A_232, %add3A_211 : i32
      %lt3A_234 = arith.constant 40 : i32
      %lt3A_235 = arith.cmpi slt, %add3A_233, %lt3A_234 : i32
      %or3A_236 = arith.ori %ne3A_231, %lt3A_235 : i1
      %convert_element_type3A_237 = arith.extui %or3A_236 : i1 to i32
      %cond3A_238 = arith.constant 0 : i32
      %cond3A_239 = arith.cmpi ne, %convert_element_type3A_237, %cond3A_238 : i32
      scf.if %cond3A_239 {
        "tpu.region"() ({
          %run_scoped3A_240 = tpu.sem_alloc : memref<!tpu.dma_semaphore, #tpu.memory_space<semaphore_mem>>
          %dma_start3A_241 = arith.constant 0 : i32
          %dma_start3A_242 = tpu.memref_slice %arg8[%add3A_211, %dma_start3A_241] : memref<32x64xi32, #tpu.memory_space<vmem>> -> memref<1x64xi32, #tpu.memory_space<vmem>>
          %dma_start3A_243 = tpu.memref_squeeze %dma_start3A_242 : memref<1x64xi32, #tpu.memory_space<vmem>> -> memref<64xi32, #tpu.memory_space<vmem>>
          %dma_start3A_244 = arith.constant 0 : i32
          %dma_start3A_245 = arith.constant 0 : i32
          %dma_start3A_246 = tpu.memref_slice %arg13[%dma_start3A_244, %dma_start3A_245] : memref<10000x128xf32, #tpu.memory_space<vmem_shared>> -> memref<10000x128xf32, #tpu.memory_space<vmem_shared>>
          tpu.enqueue_indirect_dma source(%arg10 : memref<64x128xf32, #tpu.memory_space<vmem>>) target(%dma_start3A_246 : memref<10000x128xf32, #tpu.memory_space<vmem_shared>>) offsets(%dma_start3A_243 : memref<64xi32, #tpu.memory_space<vmem>>) semaphore(%run_scoped3A_240 : memref<!tpu.dma_semaphore, #tpu.memory_space<semaphore_mem>>) {add = true}
          %dma_wait3A_247 = arith.constant 0 : i32
          %dma_wait3A_248 = tpu.memref_slice %arg8[%add3A_211, %dma_wait3A_247] : memref<32x64xi32, #tpu.memory_space<vmem>> -> memref<1x64xi32, #tpu.memory_space<vmem>>
          %dma_wait3A_249 = tpu.memref_squeeze %dma_wait3A_248 : memref<1x64xi32, #tpu.memory_space<vmem>> -> memref<64xi32, #tpu.memory_space<vmem>>
          %dma_wait3A_250 = arith.constant 0 : i32
          %dma_wait3A_251 = arith.constant 0 : i32
          %dma_wait3A_252 = tpu.memref_slice %arg13[%dma_wait3A_250, %dma_wait3A_251] : memref<10000x128xf32, #tpu.memory_space<vmem_shared>> -> memref<10000x128xf32, #tpu.memory_space<vmem_shared>>
          tpu.wait_indirect_dma semaphore(%run_scoped3A_240 : memref<!tpu.dma_semaphore, #tpu.memory_space<semaphore_mem>>) src(%arg10 : memref<64x128xf32, #tpu.memory_space<vmem>>) dst(%dma_wait3A_252 : memref<10000x128xf32, #tpu.memory_space<vmem_shared>>)
          tpu.yield
        }) : () -> ()
      } else {
      }
    }
    %scan3A_98 = arith.constant 16 : i32
    %run_scoped3A_99 = arith.constant 3 : i32
    "tpu.region"() ({
      %run_scoped3A_153 = tpu.sem_alloc : memref<!tpu.dma_semaphore, #tpu.memory_space<semaphore_mem>>
      %dma_start3A_154 = arith.constant 0 : i32
      %dma_start3A_155 = arith.constant 0 : i32
      %dma_start3A_156 = tpu.memref_slice %arg3[%add3A, %run_scoped3A_99, %dma_start3A_154, %dma_start3A_155] : memref<32x5x32x64xi32, #tpu.memory_space<hbm>> -> memref<1x1x32x64xi32, #tpu.memory_space<hbm>>
      %dma_start3A_157 = tpu.memref_squeeze %dma_start3A_156 : memref<1x1x32x64xi32, #tpu.memory_space<hbm>> -> memref<32x64xi32, #tpu.memory_space<hbm>>
      %dma_start3A_158 = arith.constant 0 : i32
      %dma_start3A_159 = arith.constant 0 : i32
      %dma_start3A_160 = tpu.memref_slice %arg3[%add3A, %run_scoped3A_99, %dma_start3A_158, %dma_start3A_159] : memref<32x5x32x64xi32, #tpu.memory_space<hbm>> -> memref<1x1x32x64xi32, #tpu.memory_space<hbm>>
      %dma_start3A_161 = tpu.memref_squeeze %dma_start3A_160 : memref<1x1x32x64xi32, #tpu.memory_space<hbm>> -> memref<32x64xi32, #tpu.memory_space<hbm>>
      tpu.enqueue_dma source(%dma_start3A_161 : memref<32x64xi32, #tpu.memory_space<hbm>>) target(%arg7 : memref<32x64xi32, #tpu.memory_space<vmem>>) target_semaphore(%run_scoped3A_153 : memref<!tpu.dma_semaphore, #tpu.memory_space<semaphore_mem>>)
      %dma_wait3A = arith.constant 0 : i32
      %dma_wait3A_162 = arith.constant 0 : i32
      %dma_wait3A_163 = tpu.memref_slice %arg3[%add3A, %run_scoped3A_99, %dma_wait3A, %dma_wait3A_162] : memref<32x5x32x64xi32, #tpu.memory_space<hbm>> -> memref<1x1x32x64xi32, #tpu.memory_space<hbm>>
      %dma_wait3A_164 = tpu.memref_squeeze %dma_wait3A_163 : memref<1x1x32x64xi32, #tpu.memory_space<hbm>> -> memref<32x64xi32, #tpu.memory_space<hbm>>
      %dma_wait3A_165 = arith.constant 0 : i32
      %dma_wait3A_166 = arith.constant 0 : i32
      %dma_wait3A_167 = tpu.memref_slice %arg3[%add3A, %run_scoped3A_99, %dma_wait3A_165, %dma_wait3A_166] : memref<32x5x32x64xi32, #tpu.memory_space<hbm>> -> memref<1x1x32x64xi32, #tpu.memory_space<hbm>>
      %dma_wait3A_168 = tpu.memref_squeeze %dma_wait3A_167 : memref<1x1x32x64xi32, #tpu.memory_space<hbm>> -> memref<32x64xi32, #tpu.memory_space<hbm>>
      tpu.wait_dma2 semaphore(%run_scoped3A_153 : memref<!tpu.dma_semaphore, #tpu.memory_space<semaphore_mem>>) src(%dma_wait3A_168 : memref<32x64xi32, #tpu.memory_space<hbm>>) dst(%arg7 : memref<32x64xi32, #tpu.memory_space<vmem>>)
      tpu.yield
    }) : () -> ()
    %run_scoped3A_100 = arith.constant 3 : i32
    "tpu.region"() ({
      %run_scoped3A_153 = tpu.sem_alloc : memref<!tpu.dma_semaphore, #tpu.memory_space<semaphore_mem>>
      %dma_start3A_154 = arith.constant 0 : i32
      %dma_start3A_155 = arith.constant 0 : i32
      %dma_start3A_156 = tpu.memref_slice %arg4[%add3A, %run_scoped3A_100, %dma_start3A_154, %dma_start3A_155] : memref<32x5x32x64xi32, #tpu.memory_space<hbm>> -> memref<1x1x32x64xi32, #tpu.memory_space<hbm>>
      %dma_start3A_157 = tpu.memref_squeeze %dma_start3A_156 : memref<1x1x32x64xi32, #tpu.memory_space<hbm>> -> memref<32x64xi32, #tpu.memory_space<hbm>>
      %dma_start3A_158 = arith.constant 0 : i32
      %dma_start3A_159 = arith.constant 0 : i32
      %dma_start3A_160 = tpu.memref_slice %arg4[%add3A, %run_scoped3A_100, %dma_start3A_158, %dma_start3A_159] : memref<32x5x32x64xi32, #tpu.memory_space<hbm>> -> memref<1x1x32x64xi32, #tpu.memory_space<hbm>>
      %dma_start3A_161 = tpu.memref_squeeze %dma_start3A_160 : memref<1x1x32x64xi32, #tpu.memory_space<hbm>> -> memref<32x64xi32, #tpu.memory_space<hbm>>
      tpu.enqueue_dma source(%dma_start3A_161 : memref<32x64xi32, #tpu.memory_space<hbm>>) target(%arg8 : memref<32x64xi32, #tpu.memory_space<vmem>>) target_semaphore(%run_scoped3A_153 : memref<!tpu.dma_semaphore, #tpu.memory_space<semaphore_mem>>)
      %dma_wait3A = arith.constant 0 : i32
      %dma_wait3A_162 = arith.constant 0 : i32
      %dma_wait3A_163 = tpu.memref_slice %arg4[%add3A, %run_scoped3A_100, %dma_wait3A, %dma_wait3A_162] : memref<32x5x32x64xi32, #tpu.memory_space<hbm>> -> memref<1x1x32x64xi32, #tpu.memory_space<hbm>>
      %dma_wait3A_164 = tpu.memref_squeeze %dma_wait3A_163 : memref<1x1x32x64xi32, #tpu.memory_space<hbm>> -> memref<32x64xi32, #tpu.memory_space<hbm>>
      %dma_wait3A_165 = arith.constant 0 : i32
      %dma_wait3A_166 = arith.constant 0 : i32
      %dma_wait3A_167 = tpu.memref_slice %arg4[%add3A, %run_scoped3A_100, %dma_wait3A_165, %dma_wait3A_166] : memref<32x5x32x64xi32, #tpu.memory_space<hbm>> -> memref<1x1x32x64xi32, #tpu.memory_space<hbm>>
      %dma_wait3A_168 = tpu.memref_squeeze %dma_wait3A_167 : memref<1x1x32x64xi32, #tpu.memory_space<hbm>> -> memref<32x64xi32, #tpu.memory_space<hbm>>
      tpu.wait_dma2 semaphore(%run_scoped3A_153 : memref<!tpu.dma_semaphore, #tpu.memory_space<semaphore_mem>>) src(%dma_wait3A_168 : memref<32x64xi32, #tpu.memory_space<hbm>>) dst(%arg8 : memref<32x64xi32, #tpu.memory_space<vmem>>)
      tpu.yield
    }) : () -> ()
    %mul3A_101 = arith.constant 10240 : i32
    %mul3A_102 = arith.muli %add3A, %mul3A_101 : i32
    %add3A_103 = arith.constant 6144 : i32
    %add3A_104 = arith.addi %mul3A_102, %add3A_103 : i32
    %dma_start3A_105 = arith.constant 0 : i32
    %dma_start3A_106 = arith.constant 0 : i32
    %dma_start3A_107 = tpu.memref_slice %arg7[%dma_start3A_105, %dma_start3A_106] : memref<32x64xi32, #tpu.memory_space<vmem>> -> memref<1x64xi32, #tpu.memory_space<vmem>>
    %dma_start3A_108 = tpu.memref_squeeze %dma_start3A_107 : memref<1x64xi32, #tpu.memory_space<vmem>> -> memref<64xi32, #tpu.memory_space<vmem>>
    %dma_start3A_109 = arith.constant 0 : i32
    %dma_start3A_110 = arith.constant 0 : i32
    %dma_start3A_111 = tpu.memref_slice %arg2[%dma_start3A_109, %dma_start3A_110] : memref<10000x128xf32, #tpu.memory_space<hbm>> -> memref<10000x128xf32, #tpu.memory_space<hbm>>
    tpu.enqueue_indirect_dma source(%dma_start3A_111 : memref<10000x128xf32, #tpu.memory_space<hbm>>) target(%arg9 : memref<64x128xf32, #tpu.memory_space<vmem>>) offsets(%dma_start3A_108 : memref<64xi32, #tpu.memory_space<vmem>>) semaphore(%arg14 : memref<!tpu.dma_semaphore, #tpu.memory_space<semaphore_mem>>)
    %add3A_112 = arith.constant 0 : i32
    %add3A_113 = arith.addi %add3A_104, %add3A_112 : i32
    %dma_start3A_114 = arith.constant 0 : i32
    %dma_start3A_115 = tpu.memref_slice %arg5[%add3A_113, %dma_start3A_114] : memref<327680x128xf32, #tpu.memory_space<hbm>> -> memref<64x128xf32, #tpu.memory_space<hbm>>
    %dma_start3A_116 = arith.constant 0 : i32
    %dma_start3A_117 = tpu.memref_slice %arg5[%add3A_113, %dma_start3A_116] : memref<327680x128xf32, #tpu.memory_space<hbm>> -> memref<64x128xf32, #tpu.memory_space<hbm>>
    tpu.enqueue_dma source(%dma_start3A_117 : memref<64x128xf32, #tpu.memory_space<hbm>>) target(%arg11 : memref<64x128xf32, #tpu.memory_space<vmem>>) target_semaphore(%arg16 : memref<!tpu.dma_semaphore, #tpu.memory_space<semaphore_mem>>)
    %scan3A_118 = arith.constant 0 : i32
    %scan3A_119 = arith.constant 16 : i32
    %scan3A_120 = arith.addi %scan3A_118, %scan3A_119 : i32
    %scan3A_121 = arith.constant 1 : i32
    scf.for %scan3A_153 = %scan3A_118 to %scan3A_120 step %scan3A_121  : i32 {
      %mul3A_154 = arith.constant 1 : i32
      %mul3A_155 = arith.muli %scan3A_153, %mul3A_154 : i32
      %add3A_156 = arith.constant 0 : i32
      %add3A_157 = arith.addi %add3A_156, %mul3A_155 : i32
      %mul3A_158 = arith.constant 2 : i32
      %mul3A_159 = arith.muli %mul3A_158, %add3A_157 : i32
      %add3A_160 = arith.constant 1 : i32
      %add3A_161 = arith.addi %mul3A_159, %add3A_160 : i32
      %dma_start3A_162 = arith.constant 0 : i32
      %dma_start3A_163 = tpu.memref_slice %arg7[%add3A_161, %dma_start3A_162] : memref<32x64xi32, #tpu.memory_space<vmem>> -> memref<1x64xi32, #tpu.memory_space<vmem>>
      %dma_start3A_164 = tpu.memref_squeeze %dma_start3A_163 : memref<1x64xi32, #tpu.memory_space<vmem>> -> memref<64xi32, #tpu.memory_space<vmem>>
      %dma_start3A_165 = arith.constant 0 : i32
      %dma_start3A_166 = arith.constant 0 : i32
      %dma_start3A_167 = tpu.memref_slice %arg2[%dma_start3A_165, %dma_start3A_166] : memref<10000x128xf32, #tpu.memory_space<hbm>> -> memref<10000x128xf32, #tpu.memory_space<hbm>>
      tpu.enqueue_indirect_dma source(%dma_start3A_167 : memref<10000x128xf32, #tpu.memory_space<hbm>>) target(%arg10 : memref<64x128xf32, #tpu.memory_space<vmem>>) offsets(%dma_start3A_164 : memref<64xi32, #tpu.memory_space<vmem>>) semaphore(%arg15 : memref<!tpu.dma_semaphore, #tpu.memory_space<semaphore_mem>>)
      %mul3A_168 = arith.constant 64 : i32
      %mul3A_169 = arith.muli %add3A_161, %mul3A_168 : i32
      %add3A_170 = arith.addi %add3A_104, %mul3A_169 : i32
      %dma_start3A_171 = arith.constant 0 : i32
      %dma_start3A_172 = tpu.memref_slice %arg5[%add3A_170, %dma_start3A_171] : memref<327680x128xf32, #tpu.memory_space<hbm>> -> memref<64x128xf32, #tpu.memory_space<hbm>>
      %dma_start3A_173 = arith.constant 0 : i32
      %dma_start3A_174 = tpu.memref_slice %arg5[%add3A_170, %dma_start3A_173] : memref<327680x128xf32, #tpu.memory_space<hbm>> -> memref<64x128xf32, #tpu.memory_space<hbm>>
      tpu.enqueue_dma source(%dma_start3A_174 : memref<64x128xf32, #tpu.memory_space<hbm>>) target(%arg12 : memref<64x128xf32, #tpu.memory_space<vmem>>) target_semaphore(%arg17 : memref<!tpu.dma_semaphore, #tpu.memory_space<semaphore_mem>>)
      %mul3A_175 = arith.constant 2 : i32
      %mul3A_176 = arith.muli %mul3A_175, %add3A_157 : i32
      %dma_wait3A = arith.constant 0 : i32
      %dma_wait3A_177 = tpu.memref_slice %arg7[%mul3A_176, %dma_wait3A] : memref<32x64xi32, #tpu.memory_space<vmem>> -> memref<1x64xi32, #tpu.memory_space<vmem>>
      %dma_wait3A_178 = tpu.memref_squeeze %dma_wait3A_177 : memref<1x64xi32, #tpu.memory_space<vmem>> -> memref<64xi32, #tpu.memory_space<vmem>>
      %dma_wait3A_179 = arith.constant 0 : i32
      %dma_wait3A_180 = arith.constant 0 : i32
      %dma_wait3A_181 = tpu.memref_slice %arg2[%dma_wait3A_179, %dma_wait3A_180] : memref<10000x128xf32, #tpu.memory_space<hbm>> -> memref<10000x128xf32, #tpu.memory_space<hbm>>
      tpu.wait_indirect_dma semaphore(%arg14 : memref<!tpu.dma_semaphore, #tpu.memory_space<semaphore_mem>>) src(%dma_wait3A_181 : memref<10000x128xf32, #tpu.memory_space<hbm>>) dst(%arg9 : memref<64x128xf32, #tpu.memory_space<vmem>>)
      %mul3A_182 = arith.constant 64 : i32
      %mul3A_183 = arith.muli %mul3A_176, %mul3A_182 : i32
      %add3A_184 = arith.addi %add3A_104, %mul3A_183 : i32
      %dma_wait3A_185 = arith.constant 0 : i32
      %dma_wait3A_186 = tpu.memref_slice %arg5[%add3A_184, %dma_wait3A_185] : memref<327680x128xf32, #tpu.memory_space<hbm>> -> memref<64x128xf32, #tpu.memory_space<hbm>>
      %dma_wait3A_187 = arith.constant 0 : i32
      %dma_wait3A_188 = tpu.memref_slice %arg5[%add3A_184, %dma_wait3A_187] : memref<327680x128xf32, #tpu.memory_space<hbm>> -> memref<64x128xf32, #tpu.memory_space<hbm>>
      tpu.wait_dma2 semaphore(%arg16 : memref<!tpu.dma_semaphore, #tpu.memory_space<semaphore_mem>>) src(%dma_wait3A_188 : memref<64x128xf32, #tpu.memory_space<hbm>>) dst(%arg11 : memref<64x128xf32, #tpu.memory_space<vmem>>)
      %scan3A_189 = arith.constant 0 : i32
      %scan3A_190 = arith.constant 64 : i32
      %scan3A_191 = arith.addi %scan3A_189, %scan3A_190 : i32
      %scan3A_192 = arith.constant 1 : i32
      scf.for %scan3A_240 = %scan3A_189 to %scan3A_191 step %scan3A_192  : i32 {
        %mul3A_241 = arith.constant 1 : i32
        %mul3A_242 = arith.muli %scan3A_240, %mul3A_241 : i32
        %add3A_243 = arith.constant 0 : i32
        %add3A_244 = arith.addi %add3A_243, %mul3A_242 : i32
        %get3A = arith.index_cast %add3A_244 : i32 to index
        %get3A_245 = arith.constant 0 : index
        %get3A_246 = tpu.vector_load %arg9[%get3A, %get3A_245] {strides = array<i32>} : memref<64x128xf32, #tpu.memory_space<vmem>>, vector<1x16xf32>,
        %get3A_247 = vector.shape_cast %get3A_246 : vector<1x16xf32> to vector<16xf32>
        %get3A_248 = arith.index_cast %add3A_244 : i32 to index
        %get3A_249 = arith.constant 0 : index
        %get3A_250 = tpu.vector_load %arg11[%get3A_248, %get3A_249] {strides = array<i32>} : memref<64x128xf32, #tpu.memory_space<vmem>>, vector<1x16xf32>,
        %get3A_251 = vector.shape_cast %get3A_250 : vector<1x16xf32> to vector<16xf32>
        %mul3A_252 = arith.mulf %get3A_247, %get3A_251 : vector<16xf32>
        %swap3A = arith.index_cast %add3A_244 : i32 to index
        %swap3A_253 = arith.constant 0 : index
        %swap3A_254 = tpu.vector_load %arg9[%swap3A, %swap3A_253] {strides = array<i32>} : memref<64x128xf32, #tpu.memory_space<vmem>>, vector<1x16xf32>,
        %swap3A_255 = vector.shape_cast %swap3A_254 : vector<1x16xf32> to vector<16xf32>
        %swap3A_256 = vector.shape_cast %mul3A_252 : vector<16xf32> to vector<1x16xf32>
        tpu.vector_store %arg9[%swap3A, %swap3A_253], %swap3A_256 {strides = array<i32>} : memref<64x128xf32, #tpu.memory_space<vmem>>, vector<1x16xf32>,
        %get3A_257 = arith.index_cast %add3A_244 : i32 to index
        %get3A_258 = arith.constant 16 : index
        %get3A_259 = tpu.vector_load %arg9[%get3A_257, %get3A_258] {strides = array<i32>} : memref<64x128xf32, #tpu.memory_space<vmem>>, vector<1x16xf32>,
        %get3A_260 = vector.shape_cast %get3A_259 : vector<1x16xf32> to vector<16xf32>
        %get3A_261 = arith.index_cast %add3A_244 : i32 to index
        %get3A_262 = arith.constant 16 : index
        %get3A_263 = tpu.vector_load %arg11[%get3A_261, %get3A_262] {strides = array<i32>} : memref<64x128xf32, #tpu.memory_space<vmem>>, vector<1x16xf32>,
        %get3A_264 = vector.shape_cast %get3A_263 : vector<1x16xf32> to vector<16xf32>
        %mul3A_265 = arith.mulf %get3A_260, %get3A_264 : vector<16xf32>
        %swap3A_266 = arith.index_cast %add3A_244 : i32 to index
        %swap3A_267 = arith.constant 16 : index
        %swap3A_268 = tpu.vector_load %arg9[%swap3A_266, %swap3A_267] {strides = array<i32>} : memref<64x128xf32, #tpu.memory_space<vmem>>, vector<1x16xf32>,
        %swap3A_269 = vector.shape_cast %swap3A_268 : vector<1x16xf32> to vector<16xf32>
        %swap3A_270 = vector.shape_cast %mul3A_265 : vector<16xf32> to vector<1x16xf32>
        tpu.vector_store %arg9[%swap3A_266, %swap3A_267], %swap3A_270 {strides = array<i32>} : memref<64x128xf32, #tpu.memory_space<vmem>>, vector<1x16xf32>,
        %get3A_271 = arith.index_cast %add3A_244 : i32 to index
        %get3A_272 = arith.constant 32 : index
        %get3A_273 = tpu.vector_load %arg9[%get3A_271, %get3A_272] {strides = array<i32>} : memref<64x128xf32, #tpu.memory_space<vmem>>, vector<1x16xf32>,
        %get3A_274 = vector.shape_cast %get3A_273 : vector<1x16xf32> to vector<16xf32>
        %get3A_275 = arith.index_cast %add3A_244 : i32 to index
        %get3A_276 = arith.constant 32 : index
        %get3A_277 = tpu.vector_load %arg11[%get3A_275, %get3A_276] {strides = array<i32>} : memref<64x128xf32, #tpu.memory_space<vmem>>, vector<1x16xf32>,
        %get3A_278 = vector.shape_cast %get3A_277 : vector<1x16xf32> to vector<16xf32>
        %mul3A_279 = arith.mulf %get3A_274, %get3A_278 : vector<16xf32>
        %swap3A_280 = arith.index_cast %add3A_244 : i32 to index
        %swap3A_281 = arith.constant 32 : index
        %swap3A_282 = tpu.vector_load %arg9[%swap3A_280, %swap3A_281] {strides = array<i32>} : memref<64x128xf32, #tpu.memory_space<vmem>>, vector<1x16xf32>,
        %swap3A_283 = vector.shape_cast %swap3A_282 : vector<1x16xf32> to vector<16xf32>
        %swap3A_284 = vector.shape_cast %mul3A_279 : vector<16xf32> to vector<1x16xf32>
        tpu.vector_store %arg9[%swap3A_280, %swap3A_281], %swap3A_284 {strides = array<i32>} : memref<64x128xf32, #tpu.memory_space<vmem>>, vector<1x16xf32>,
        %get3A_285 = arith.index_cast %add3A_244 : i32 to index
        %get3A_286 = arith.constant 48 : index
        %get3A_287 = tpu.vector_load %arg9[%get3A_285, %get3A_286] {strides = array<i32>} : memref<64x128xf32, #tpu.memory_space<vmem>>, vector<1x16xf32>,
        %get3A_288 = vector.shape_cast %get3A_287 : vector<1x16xf32> to vector<16xf32>
        %get3A_289 = arith.index_cast %add3A_244 : i32 to index
        %get3A_290 = arith.constant 48 : index
        %get3A_291 = tpu.vector_load %arg11[%get3A_289, %get3A_290] {strides = array<i32>} : memref<64x128xf32, #tpu.memory_space<vmem>>, vector<1x16xf32>,
        %get3A_292 = vector.shape_cast %get3A_291 : vector<1x16xf32> to vector<16xf32>
        %mul3A_293 = arith.mulf %get3A_288, %get3A_292 : vector<16xf32>
        %swap3A_294 = arith.index_cast %add3A_244 : i32 to index
        %swap3A_295 = arith.constant 48 : index
        %swap3A_296 = tpu.vector_load %arg9[%swap3A_294, %swap3A_295] {strides = array<i32>} : memref<64x128xf32, #tpu.memory_space<vmem>>, vector<1x16xf32>,
        %swap3A_297 = vector.shape_cast %swap3A_296 : vector<1x16xf32> to vector<16xf32>
        %swap3A_298 = vector.shape_cast %mul3A_293 : vector<16xf32> to vector<1x16xf32>
        tpu.vector_store %arg9[%swap3A_294, %swap3A_295], %swap3A_298 {strides = array<i32>} : memref<64x128xf32, #tpu.memory_space<vmem>>, vector<1x16xf32>,
        %get3A_299 = arith.index_cast %add3A_244 : i32 to index
        %get3A_300 = arith.constant 64 : index
        %get3A_301 = tpu.vector_load %arg9[%get3A_299, %get3A_300] {strides = array<i32>} : memref<64x128xf32, #tpu.memory_space<vmem>>, vector<1x16xf32>,
        %get3A_302 = vector.shape_cast %get3A_301 : vector<1x16xf32> to vector<16xf32>
        %get3A_303 = arith.index_cast %add3A_244 : i32 to index
        %get3A_304 = arith.constant 64 : index
        %get3A_305 = tpu.vector_load %arg11[%get3A_303, %get3A_304] {strides = array<i32>} : memref<64x128xf32, #tpu.memory_space<vmem>>, vector<1x16xf32>,
        %get3A_306 = vector.shape_cast %get3A_305 : vector<1x16xf32> to vector<16xf32>
        %mul3A_307 = arith.mulf %get3A_302, %get3A_306 : vector<16xf32>
        %swap3A_308 = arith.index_cast %add3A_244 : i32 to index
        %swap3A_309 = arith.constant 64 : index
        %swap3A_310 = tpu.vector_load %arg9[%swap3A_308, %swap3A_309] {strides = array<i32>} : memref<64x128xf32, #tpu.memory_space<vmem>>, vector<1x16xf32>,
        %swap3A_311 = vector.shape_cast %swap3A_310 : vector<1x16xf32> to vector<16xf32>
        %swap3A_312 = vector.shape_cast %mul3A_307 : vector<16xf32> to vector<1x16xf32>
        tpu.vector_store %arg9[%swap3A_308, %swap3A_309], %swap3A_312 {strides = array<i32>} : memref<64x128xf32, #tpu.memory_space<vmem>>, vector<1x16xf32>,
        %get3A_313 = arith.index_cast %add3A_244 : i32 to index
        %get3A_314 = arith.constant 80 : index
        %get3A_315 = tpu.vector_load %arg9[%get3A_313, %get3A_314] {strides = array<i32>} : memref<64x128xf32, #tpu.memory_space<vmem>>, vector<1x16xf32>,
        %get3A_316 = vector.shape_cast %get3A_315 : vector<1x16xf32> to vector<16xf32>
        %get3A_317 = arith.index_cast %add3A_244 : i32 to index
        %get3A_318 = arith.constant 80 : index
        %get3A_319 = tpu.vector_load %arg11[%get3A_317, %get3A_318] {strides = array<i32>} : memref<64x128xf32, #tpu.memory_space<vmem>>, vector<1x16xf32>,
        %get3A_320 = vector.shape_cast %get3A_319 : vector<1x16xf32> to vector<16xf32>
        %mul3A_321 = arith.mulf %get3A_316, %get3A_320 : vector<16xf32>
        %swap3A_322 = arith.index_cast %add3A_244 : i32 to index
        %swap3A_323 = arith.constant 80 : index
        %swap3A_324 = tpu.vector_load %arg9[%swap3A_322, %swap3A_323] {strides = array<i32>} : memref<64x128xf32, #tpu.memory_space<vmem>>, vector<1x16xf32>,
        %swap3A_325 = vector.shape_cast %swap3A_324 : vector<1x16xf32> to vector<16xf32>
        %swap3A_326 = vector.shape_cast %mul3A_321 : vector<16xf32> to vector<1x16xf32>
        tpu.vector_store %arg9[%swap3A_322, %swap3A_323], %swap3A_326 {strides = array<i32>} : memref<64x128xf32, #tpu.memory_space<vmem>>, vector<1x16xf32>,
        %get3A_327 = arith.index_cast %add3A_244 : i32 to index
        %get3A_328 = arith.constant 96 : index
        %get3A_329 = tpu.vector_load %arg9[%get3A_327, %get3A_328] {strides = array<i32>} : memref<64x128xf32, #tpu.memory_space<vmem>>, vector<1x16xf32>,
        %get3A_330 = vector.shape_cast %get3A_329 : vector<1x16xf32> to vector<16xf32>
        %get3A_331 = arith.index_cast %add3A_244 : i32 to index
        %get3A_332 = arith.constant 96 : index
        %get3A_333 = tpu.vector_load %arg11[%get3A_331, %get3A_332] {strides = array<i32>} : memref<64x128xf32, #tpu.memory_space<vmem>>, vector<1x16xf32>,
        %get3A_334 = vector.shape_cast %get3A_333 : vector<1x16xf32> to vector<16xf32>
        %mul3A_335 = arith.mulf %get3A_330, %get3A_334 : vector<16xf32>
        %swap3A_336 = arith.index_cast %add3A_244 : i32 to index
        %swap3A_337 = arith.constant 96 : index
        %swap3A_338 = tpu.vector_load %arg9[%swap3A_336, %swap3A_337] {strides = array<i32>} : memref<64x128xf32, #tpu.memory_space<vmem>>, vector<1x16xf32>,
        %swap3A_339 = vector.shape_cast %swap3A_338 : vector<1x16xf32> to vector<16xf32>
        %swap3A_340 = vector.shape_cast %mul3A_335 : vector<16xf32> to vector<1x16xf32>
        tpu.vector_store %arg9[%swap3A_336, %swap3A_337], %swap3A_340 {strides = array<i32>} : memref<64x128xf32, #tpu.memory_space<vmem>>, vector<1x16xf32>,
        %get3A_341 = arith.index_cast %add3A_244 : i32 to index
        %get3A_342 = arith.constant 112 : index
        %get3A_343 = tpu.vector_load %arg9[%get3A_341, %get3A_342] {strides = array<i32>} : memref<64x128xf32, #tpu.memory_space<vmem>>, vector<1x16xf32>,
        %get3A_344 = vector.shape_cast %get3A_343 : vector<1x16xf32> to vector<16xf32>
        %get3A_345 = arith.index_cast %add3A_244 : i32 to index
        %get3A_346 = arith.constant 112 : index
        %get3A_347 = tpu.vector_load %arg11[%get3A_345, %get3A_346] {strides = array<i32>} : memref<64x128xf32, #tpu.memory_space<vmem>>, vector<1x16xf32>,
        %get3A_348 = vector.shape_cast %get3A_347 : vector<1x16xf32> to vector<16xf32>
        %mul3A_349 = arith.mulf %get3A_344, %get3A_348 : vector<16xf32>
        %swap3A_350 = arith.index_cast %add3A_244 : i32 to index
        %swap3A_351 = arith.constant 112 : index
        %swap3A_352 = tpu.vector_load %arg9[%swap3A_350, %swap3A_351] {strides = array<i32>} : memref<64x128xf32, #tpu.memory_space<vmem>>, vector<1x16xf32>,
        %swap3A_353 = vector.shape_cast %swap3A_352 : vector<1x16xf32> to vector<16xf32>
        %swap3A_354 = vector.shape_cast %mul3A_349 : vector<16xf32> to vector<1x16xf32>
        tpu.vector_store %arg9[%swap3A_350, %swap3A_351], %swap3A_354 {strides = array<i32>} : memref<64x128xf32, #tpu.memory_space<vmem>>, vector<1x16xf32>,
      }
      %scan3A_193 = arith.constant 64 : i32
      %ne3A = arith.constant 31 : i32
      %ne3A_194 = arith.cmpi ne, %add3A, %ne3A : i32
      %add3A_195 = arith.constant 96 : i32
      %add3A_196 = arith.addi %add3A_195, %mul3A_176 : i32
      %lt3A = arith.constant 40 : i32
      %lt3A_197 = arith.cmpi slt, %add3A_196, %lt3A : i32
      %or3A = arith.ori %ne3A_194, %lt3A_197 : i1
      %convert_element_type3A_198 = arith.extui %or3A : i1 to i32
      %cond3A_199 = arith.constant 0 : i32
      %cond3A_200 = arith.cmpi ne, %convert_element_type3A_198, %cond3A_199 : i32
      scf.if %cond3A_200 {
        "tpu.region"() ({
          %run_scoped3A_240 = tpu.sem_alloc : memref<!tpu.dma_semaphore, #tpu.memory_space<semaphore_mem>>
          %dma_start3A_241 = arith.constant 0 : i32
          %dma_start3A_242 = tpu.memref_slice %arg8[%mul3A_176, %dma_start3A_241] : memref<32x64xi32, #tpu.memory_space<vmem>> -> memref<1x64xi32, #tpu.memory_space<vmem>>
          %dma_start3A_243 = tpu.memref_squeeze %dma_start3A_242 : memref<1x64xi32, #tpu.memory_space<vmem>> -> memref<64xi32, #tpu.memory_space<vmem>>
          %dma_start3A_244 = arith.constant 0 : i32
          %dma_start3A_245 = arith.constant 0 : i32
          %dma_start3A_246 = tpu.memref_slice %arg13[%dma_start3A_244, %dma_start3A_245] : memref<10000x128xf32, #tpu.memory_space<vmem_shared>> -> memref<10000x128xf32, #tpu.memory_space<vmem_shared>>
          tpu.enqueue_indirect_dma source(%arg9 : memref<64x128xf32, #tpu.memory_space<vmem>>) target(%dma_start3A_246 : memref<10000x128xf32, #tpu.memory_space<vmem_shared>>) offsets(%dma_start3A_243 : memref<64xi32, #tpu.memory_space<vmem>>) semaphore(%run_scoped3A_240 : memref<!tpu.dma_semaphore, #tpu.memory_space<semaphore_mem>>) {add = true}
          %dma_wait3A_247 = arith.constant 0 : i32
          %dma_wait3A_248 = tpu.memref_slice %arg8[%mul3A_176, %dma_wait3A_247] : memref<32x64xi32, #tpu.memory_space<vmem>> -> memref<1x64xi32, #tpu.memory_space<vmem>>
          %dma_wait3A_249 = tpu.memref_squeeze %dma_wait3A_248 : memref<1x64xi32, #tpu.memory_space<vmem>> -> memref<64xi32, #tpu.memory_space<vmem>>
          %dma_wait3A_250 = arith.constant 0 : i32
          %dma_wait3A_251 = arith.constant 0 : i32
          %dma_wait3A_252 = tpu.memref_slice %arg13[%dma_wait3A_250, %dma_wait3A_251] : memref<10000x128xf32, #tpu.memory_space<vmem_shared>> -> memref<10000x128xf32, #tpu.memory_space<vmem_shared>>
          tpu.wait_indirect_dma semaphore(%run_scoped3A_240 : memref<!tpu.dma_semaphore, #tpu.memory_space<semaphore_mem>>) src(%arg9 : memref<64x128xf32, #tpu.memory_space<vmem>>) dst(%dma_wait3A_252 : memref<10000x128xf32, #tpu.memory_space<vmem_shared>>)
          tpu.yield
        }) : () -> ()
      } else {
      }
      %add3A_201 = arith.constant 1 : i32
      %add3A_202 = arith.addi %add3A_157, %add3A_201 : i32
      %lt3A_203 = arith.constant 16 : i32
      %lt3A_204 = arith.cmpi slt, %add3A_202, %lt3A_203 : i32
      %convert_element_type3A_205 = arith.extui %lt3A_204 : i1 to i32
      %cond3A_206 = arith.constant 0 : i32
      %cond3A_207 = arith.cmpi ne, %convert_element_type3A_205, %cond3A_206 : i32
      scf.if %cond3A_207 {
        %mul3A_240 = arith.constant 2 : i32
        %mul3A_241 = arith.muli %mul3A_240, %add3A_157 : i32
        %add3A_242 = arith.constant 2 : i32
        %add3A_243 = arith.addi %mul3A_241, %add3A_242 : i32
        %dma_start3A_244 = arith.constant 0 : i32
        %dma_start3A_245 = tpu.memref_slice %arg7[%add3A_243, %dma_start3A_244] : memref<32x64xi32, #tpu.memory_space<vmem>> -> memref<1x64xi32, #tpu.memory_space<vmem>>
        %dma_start3A_246 = tpu.memref_squeeze %dma_start3A_245 : memref<1x64xi32, #tpu.memory_space<vmem>> -> memref<64xi32, #tpu.memory_space<vmem>>
        %dma_start3A_247 = arith.constant 0 : i32
        %dma_start3A_248 = arith.constant 0 : i32
        %dma_start3A_249 = tpu.memref_slice %arg2[%dma_start3A_247, %dma_start3A_248] : memref<10000x128xf32, #tpu.memory_space<hbm>> -> memref<10000x128xf32, #tpu.memory_space<hbm>>
        tpu.enqueue_indirect_dma source(%dma_start3A_249 : memref<10000x128xf32, #tpu.memory_space<hbm>>) target(%arg9 : memref<64x128xf32, #tpu.memory_space<vmem>>) offsets(%dma_start3A_246 : memref<64xi32, #tpu.memory_space<vmem>>) semaphore(%arg14 : memref<!tpu.dma_semaphore, #tpu.memory_space<semaphore_mem>>)
        %mul3A_250 = arith.constant 64 : i32
        %mul3A_251 = arith.muli %add3A_243, %mul3A_250 : i32
        %add3A_252 = arith.addi %add3A_104, %mul3A_251 : i32
        %dma_start3A_253 = arith.constant 0 : i32
        %dma_start3A_254 = tpu.memref_slice %arg5[%add3A_252, %dma_start3A_253] : memref<327680x128xf32, #tpu.memory_space<hbm>> -> memref<64x128xf32, #tpu.memory_space<hbm>>
        %dma_start3A_255 = arith.constant 0 : i32
        %dma_start3A_256 = tpu.memref_slice %arg5[%add3A_252, %dma_start3A_255] : memref<327680x128xf32, #tpu.memory_space<hbm>> -> memref<64x128xf32, #tpu.memory_space<hbm>>
        tpu.enqueue_dma source(%dma_start3A_256 : memref<64x128xf32, #tpu.memory_space<hbm>>) target(%arg11 : memref<64x128xf32, #tpu.memory_space<vmem>>) target_semaphore(%arg16 : memref<!tpu.dma_semaphore, #tpu.memory_space<semaphore_mem>>)
      } else {
      }
      %mul3A_208 = arith.constant 2 : i32
      %mul3A_209 = arith.muli %mul3A_208, %add3A_157 : i32
      %add3A_210 = arith.constant 1 : i32
      %add3A_211 = arith.addi %mul3A_209, %add3A_210 : i32
      %dma_wait3A_212 = arith.constant 0 : i32
      %dma_wait3A_213 = tpu.memref_slice %arg7[%add3A_211, %dma_wait3A_212] : memref<32x64xi32, #tpu.memory_space<vmem>> -> memref<1x64xi32, #tpu.memory_space<vmem>>
      %dma_wait3A_214 = tpu.memref_squeeze %dma_wait3A_213 : memref<1x64xi32, #tpu.memory_space<vmem>> -> memref<64xi32, #tpu.memory_space<vmem>>
      %dma_wait3A_215 = arith.constant 0 : i32
      %dma_wait3A_216 = arith.constant 0 : i32
      %dma_wait3A_217 = tpu.memref_slice %arg2[%dma_wait3A_215, %dma_wait3A_216] : memref<10000x128xf32, #tpu.memory_space<hbm>> -> memref<10000x128xf32, #tpu.memory_space<hbm>>
      tpu.wait_indirect_dma semaphore(%arg15 : memref<!tpu.dma_semaphore, #tpu.memory_space<semaphore_mem>>) src(%dma_wait3A_217 : memref<10000x128xf32, #tpu.memory_space<hbm>>) dst(%arg10 : memref<64x128xf32, #tpu.memory_space<vmem>>)
      %mul3A_218 = arith.constant 64 : i32
      %mul3A_219 = arith.muli %add3A_211, %mul3A_218 : i32
      %add3A_220 = arith.addi %add3A_104, %mul3A_219 : i32
      %dma_wait3A_221 = arith.constant 0 : i32
      %dma_wait3A_222 = tpu.memref_slice %arg5[%add3A_220, %dma_wait3A_221] : memref<327680x128xf32, #tpu.memory_space<hbm>> -> memref<64x128xf32, #tpu.memory_space<hbm>>
      %dma_wait3A_223 = arith.constant 0 : i32
      %dma_wait3A_224 = tpu.memref_slice %arg5[%add3A_220, %dma_wait3A_223] : memref<327680x128xf32, #tpu.memory_space<hbm>> -> memref<64x128xf32, #tpu.memory_space<hbm>>
      tpu.wait_dma2 semaphore(%arg17 : memref<!tpu.dma_semaphore, #tpu.memory_space<semaphore_mem>>) src(%dma_wait3A_224 : memref<64x128xf32, #tpu.memory_space<hbm>>) dst(%arg12 : memref<64x128xf32, #tpu.memory_space<vmem>>)
      %scan3A_225 = arith.constant 0 : i32
      %scan3A_226 = arith.constant 64 : i32
      %scan3A_227 = arith.addi %scan3A_225, %scan3A_226 : i32
      %scan3A_228 = arith.constant 1 : i32
      scf.for %scan3A_240 = %scan3A_225 to %scan3A_227 step %scan3A_228  : i32 {
        %mul3A_241 = arith.constant 1 : i32
        %mul3A_242 = arith.muli %scan3A_240, %mul3A_241 : i32
        %add3A_243 = arith.constant 0 : i32
        %add3A_244 = arith.addi %add3A_243, %mul3A_242 : i32
        %get3A = arith.index_cast %add3A_244 : i32 to index
        %get3A_245 = arith.constant 0 : index
        %get3A_246 = tpu.vector_load %arg10[%get3A, %get3A_245] {strides = array<i32>} : memref<64x128xf32, #tpu.memory_space<vmem>>, vector<1x16xf32>,
        %get3A_247 = vector.shape_cast %get3A_246 : vector<1x16xf32> to vector<16xf32>
        %get3A_248 = arith.index_cast %add3A_244 : i32 to index
        %get3A_249 = arith.constant 0 : index
        %get3A_250 = tpu.vector_load %arg12[%get3A_248, %get3A_249] {strides = array<i32>} : memref<64x128xf32, #tpu.memory_space<vmem>>, vector<1x16xf32>,
        %get3A_251 = vector.shape_cast %get3A_250 : vector<1x16xf32> to vector<16xf32>
        %mul3A_252 = arith.mulf %get3A_247, %get3A_251 : vector<16xf32>
        %swap3A = arith.index_cast %add3A_244 : i32 to index
        %swap3A_253 = arith.constant 0 : index
        %swap3A_254 = tpu.vector_load %arg10[%swap3A, %swap3A_253] {strides = array<i32>} : memref<64x128xf32, #tpu.memory_space<vmem>>, vector<1x16xf32>,
        %swap3A_255 = vector.shape_cast %swap3A_254 : vector<1x16xf32> to vector<16xf32>
        %swap3A_256 = vector.shape_cast %mul3A_252 : vector<16xf32> to vector<1x16xf32>
        tpu.vector_store %arg10[%swap3A, %swap3A_253], %swap3A_256 {strides = array<i32>} : memref<64x128xf32, #tpu.memory_space<vmem>>, vector<1x16xf32>,
        %get3A_257 = arith.index_cast %add3A_244 : i32 to index
        %get3A_258 = arith.constant 16 : index
        %get3A_259 = tpu.vector_load %arg10[%get3A_257, %get3A_258] {strides = array<i32>} : memref<64x128xf32, #tpu.memory_space<vmem>>, vector<1x16xf32>,
        %get3A_260 = vector.shape_cast %get3A_259 : vector<1x16xf32> to vector<16xf32>
        %get3A_261 = arith.index_cast %add3A_244 : i32 to index
        %get3A_262 = arith.constant 16 : index
        %get3A_263 = tpu.vector_load %arg12[%get3A_261, %get3A_262] {strides = array<i32>} : memref<64x128xf32, #tpu.memory_space<vmem>>, vector<1x16xf32>,
        %get3A_264 = vector.shape_cast %get3A_263 : vector<1x16xf32> to vector<16xf32>
        %mul3A_265 = arith.mulf %get3A_260, %get3A_264 : vector<16xf32>
        %swap3A_266 = arith.index_cast %add3A_244 : i32 to index
        %swap3A_267 = arith.constant 16 : index
        %swap3A_268 = tpu.vector_load %arg10[%swap3A_266, %swap3A_267] {strides = array<i32>} : memref<64x128xf32, #tpu.memory_space<vmem>>, vector<1x16xf32>,
        %swap3A_269 = vector.shape_cast %swap3A_268 : vector<1x16xf32> to vector<16xf32>
        %swap3A_270 = vector.shape_cast %mul3A_265 : vector<16xf32> to vector<1x16xf32>
        tpu.vector_store %arg10[%swap3A_266, %swap3A_267], %swap3A_270 {strides = array<i32>} : memref<64x128xf32, #tpu.memory_space<vmem>>, vector<1x16xf32>,
        %get3A_271 = arith.index_cast %add3A_244 : i32 to index
        %get3A_272 = arith.constant 32 : index
        %get3A_273 = tpu.vector_load %arg10[%get3A_271, %get3A_272] {strides = array<i32>} : memref<64x128xf32, #tpu.memory_space<vmem>>, vector<1x16xf32>,
        %get3A_274 = vector.shape_cast %get3A_273 : vector<1x16xf32> to vector<16xf32>
        %get3A_275 = arith.index_cast %add3A_244 : i32 to index
        %get3A_276 = arith.constant 32 : index
        %get3A_277 = tpu.vector_load %arg12[%get3A_275, %get3A_276] {strides = array<i32>} : memref<64x128xf32, #tpu.memory_space<vmem>>, vector<1x16xf32>,
        %get3A_278 = vector.shape_cast %get3A_277 : vector<1x16xf32> to vector<16xf32>
        %mul3A_279 = arith.mulf %get3A_274, %get3A_278 : vector<16xf32>
        %swap3A_280 = arith.index_cast %add3A_244 : i32 to index
        %swap3A_281 = arith.constant 32 : index
        %swap3A_282 = tpu.vector_load %arg10[%swap3A_280, %swap3A_281] {strides = array<i32>} : memref<64x128xf32, #tpu.memory_space<vmem>>, vector<1x16xf32>,
        %swap3A_283 = vector.shape_cast %swap3A_282 : vector<1x16xf32> to vector<16xf32>
        %swap3A_284 = vector.shape_cast %mul3A_279 : vector<16xf32> to vector<1x16xf32>
        tpu.vector_store %arg10[%swap3A_280, %swap3A_281], %swap3A_284 {strides = array<i32>} : memref<64x128xf32, #tpu.memory_space<vmem>>, vector<1x16xf32>,
        %get3A_285 = arith.index_cast %add3A_244 : i32 to index
        %get3A_286 = arith.constant 48 : index
        %get3A_287 = tpu.vector_load %arg10[%get3A_285, %get3A_286] {strides = array<i32>} : memref<64x128xf32, #tpu.memory_space<vmem>>, vector<1x16xf32>,
        %get3A_288 = vector.shape_cast %get3A_287 : vector<1x16xf32> to vector<16xf32>
        %get3A_289 = arith.index_cast %add3A_244 : i32 to index
        %get3A_290 = arith.constant 48 : index
        %get3A_291 = tpu.vector_load %arg12[%get3A_289, %get3A_290] {strides = array<i32>} : memref<64x128xf32, #tpu.memory_space<vmem>>, vector<1x16xf32>,
        %get3A_292 = vector.shape_cast %get3A_291 : vector<1x16xf32> to vector<16xf32>
        %mul3A_293 = arith.mulf %get3A_288, %get3A_292 : vector<16xf32>
        %swap3A_294 = arith.index_cast %add3A_244 : i32 to index
        %swap3A_295 = arith.constant 48 : index
        %swap3A_296 = tpu.vector_load %arg10[%swap3A_294, %swap3A_295] {strides = array<i32>} : memref<64x128xf32, #tpu.memory_space<vmem>>, vector<1x16xf32>,
        %swap3A_297 = vector.shape_cast %swap3A_296 : vector<1x16xf32> to vector<16xf32>
        %swap3A_298 = vector.shape_cast %mul3A_293 : vector<16xf32> to vector<1x16xf32>
        tpu.vector_store %arg10[%swap3A_294, %swap3A_295], %swap3A_298 {strides = array<i32>} : memref<64x128xf32, #tpu.memory_space<vmem>>, vector<1x16xf32>,
        %get3A_299 = arith.index_cast %add3A_244 : i32 to index
        %get3A_300 = arith.constant 64 : index
        %get3A_301 = tpu.vector_load %arg10[%get3A_299, %get3A_300] {strides = array<i32>} : memref<64x128xf32, #tpu.memory_space<vmem>>, vector<1x16xf32>,
        %get3A_302 = vector.shape_cast %get3A_301 : vector<1x16xf32> to vector<16xf32>
        %get3A_303 = arith.index_cast %add3A_244 : i32 to index
        %get3A_304 = arith.constant 64 : index
        %get3A_305 = tpu.vector_load %arg12[%get3A_303, %get3A_304] {strides = array<i32>} : memref<64x128xf32, #tpu.memory_space<vmem>>, vector<1x16xf32>,
        %get3A_306 = vector.shape_cast %get3A_305 : vector<1x16xf32> to vector<16xf32>
        %mul3A_307 = arith.mulf %get3A_302, %get3A_306 : vector<16xf32>
        %swap3A_308 = arith.index_cast %add3A_244 : i32 to index
        %swap3A_309 = arith.constant 64 : index
        %swap3A_310 = tpu.vector_load %arg10[%swap3A_308, %swap3A_309] {strides = array<i32>} : memref<64x128xf32, #tpu.memory_space<vmem>>, vector<1x16xf32>,
        %swap3A_311 = vector.shape_cast %swap3A_310 : vector<1x16xf32> to vector<16xf32>
        %swap3A_312 = vector.shape_cast %mul3A_307 : vector<16xf32> to vector<1x16xf32>
        tpu.vector_store %arg10[%swap3A_308, %swap3A_309], %swap3A_312 {strides = array<i32>} : memref<64x128xf32, #tpu.memory_space<vmem>>, vector<1x16xf32>,
        %get3A_313 = arith.index_cast %add3A_244 : i32 to index
        %get3A_314 = arith.constant 80 : index
        %get3A_315 = tpu.vector_load %arg10[%get3A_313, %get3A_314] {strides = array<i32>} : memref<64x128xf32, #tpu.memory_space<vmem>>, vector<1x16xf32>,
        %get3A_316 = vector.shape_cast %get3A_315 : vector<1x16xf32> to vector<16xf32>
        %get3A_317 = arith.index_cast %add3A_244 : i32 to index
        %get3A_318 = arith.constant 80 : index
        %get3A_319 = tpu.vector_load %arg12[%get3A_317, %get3A_318] {strides = array<i32>} : memref<64x128xf32, #tpu.memory_space<vmem>>, vector<1x16xf32>,
        %get3A_320 = vector.shape_cast %get3A_319 : vector<1x16xf32> to vector<16xf32>
        %mul3A_321 = arith.mulf %get3A_316, %get3A_320 : vector<16xf32>
        %swap3A_322 = arith.index_cast %add3A_244 : i32 to index
        %swap3A_323 = arith.constant 80 : index
        %swap3A_324 = tpu.vector_load %arg10[%swap3A_322, %swap3A_323] {strides = array<i32>} : memref<64x128xf32, #tpu.memory_space<vmem>>, vector<1x16xf32>,
        %swap3A_325 = vector.shape_cast %swap3A_324 : vector<1x16xf32> to vector<16xf32>
        %swap3A_326 = vector.shape_cast %mul3A_321 : vector<16xf32> to vector<1x16xf32>
        tpu.vector_store %arg10[%swap3A_322, %swap3A_323], %swap3A_326 {strides = array<i32>} : memref<64x128xf32, #tpu.memory_space<vmem>>, vector<1x16xf32>,
        %get3A_327 = arith.index_cast %add3A_244 : i32 to index
        %get3A_328 = arith.constant 96 : index
        %get3A_329 = tpu.vector_load %arg10[%get3A_327, %get3A_328] {strides = array<i32>} : memref<64x128xf32, #tpu.memory_space<vmem>>, vector<1x16xf32>,
        %get3A_330 = vector.shape_cast %get3A_329 : vector<1x16xf32> to vector<16xf32>
        %get3A_331 = arith.index_cast %add3A_244 : i32 to index
        %get3A_332 = arith.constant 96 : index
        %get3A_333 = tpu.vector_load %arg12[%get3A_331, %get3A_332] {strides = array<i32>} : memref<64x128xf32, #tpu.memory_space<vmem>>, vector<1x16xf32>,
        %get3A_334 = vector.shape_cast %get3A_333 : vector<1x16xf32> to vector<16xf32>
        %mul3A_335 = arith.mulf %get3A_330, %get3A_334 : vector<16xf32>
        %swap3A_336 = arith.index_cast %add3A_244 : i32 to index
        %swap3A_337 = arith.constant 96 : index
        %swap3A_338 = tpu.vector_load %arg10[%swap3A_336, %swap3A_337] {strides = array<i32>} : memref<64x128xf32, #tpu.memory_space<vmem>>, vector<1x16xf32>,
        %swap3A_339 = vector.shape_cast %swap3A_338 : vector<1x16xf32> to vector<16xf32>
        %swap3A_340 = vector.shape_cast %mul3A_335 : vector<16xf32> to vector<1x16xf32>
        tpu.vector_store %arg10[%swap3A_336, %swap3A_337], %swap3A_340 {strides = array<i32>} : memref<64x128xf32, #tpu.memory_space<vmem>>, vector<1x16xf32>,
        %get3A_341 = arith.index_cast %add3A_244 : i32 to index
        %get3A_342 = arith.constant 112 : index
        %get3A_343 = tpu.vector_load %arg10[%get3A_341, %get3A_342] {strides = array<i32>} : memref<64x128xf32, #tpu.memory_space<vmem>>, vector<1x16xf32>,
        %get3A_344 = vector.shape_cast %get3A_343 : vector<1x16xf32> to vector<16xf32>
        %get3A_345 = arith.index_cast %add3A_244 : i32 to index
        %get3A_346 = arith.constant 112 : index
        %get3A_347 = tpu.vector_load %arg12[%get3A_345, %get3A_346] {strides = array<i32>} : memref<64x128xf32, #tpu.memory_space<vmem>>, vector<1x16xf32>,
        %get3A_348 = vector.shape_cast %get3A_347 : vector<1x16xf32> to vector<16xf32>
        %mul3A_349 = arith.mulf %get3A_344, %get3A_348 : vector<16xf32>
        %swap3A_350 = arith.index_cast %add3A_244 : i32 to index
        %swap3A_351 = arith.constant 112 : index
        %swap3A_352 = tpu.vector_load %arg10[%swap3A_350, %swap3A_351] {strides = array<i32>} : memref<64x128xf32, #tpu.memory_space<vmem>>, vector<1x16xf32>,
        %swap3A_353 = vector.shape_cast %swap3A_352 : vector<1x16xf32> to vector<16xf32>
        %swap3A_354 = vector.shape_cast %mul3A_349 : vector<16xf32> to vector<1x16xf32>
        tpu.vector_store %arg10[%swap3A_350, %swap3A_351], %swap3A_354 {strides = array<i32>} : memref<64x128xf32, #tpu.memory_space<vmem>>, vector<1x16xf32>,
      }
      %scan3A_229 = arith.constant 64 : i32
      %ne3A_230 = arith.constant 31 : i32
      %ne3A_231 = arith.cmpi ne, %add3A, %ne3A_230 : i32
      %add3A_232 = arith.constant 96 : i32
      %add3A_233 = arith.addi %add3A_232, %add3A_211 : i32
      %lt3A_234 = arith.constant 40 : i32
      %lt3A_235 = arith.cmpi slt, %add3A_233, %lt3A_234 : i32
      %or3A_236 = arith.ori %ne3A_231, %lt3A_235 : i1
      %convert_element_type3A_237 = arith.extui %or3A_236 : i1 to i32
      %cond3A_238 = arith.constant 0 : i32
      %cond3A_239 = arith.cmpi ne, %convert_element_type3A_237, %cond3A_238 : i32
      scf.if %cond3A_239 {
        "tpu.region"() ({
          %run_scoped3A_240 = tpu.sem_alloc : memref<!tpu.dma_semaphore, #tpu.memory_space<semaphore_mem>>
          %dma_start3A_241 = arith.constant 0 : i32
          %dma_start3A_242 = tpu.memref_slice %arg8[%add3A_211, %dma_start3A_241] : memref<32x64xi32, #tpu.memory_space<vmem>> -> memref<1x64xi32, #tpu.memory_space<vmem>>
          %dma_start3A_243 = tpu.memref_squeeze %dma_start3A_242 : memref<1x64xi32, #tpu.memory_space<vmem>> -> memref<64xi32, #tpu.memory_space<vmem>>
          %dma_start3A_244 = arith.constant 0 : i32
          %dma_start3A_245 = arith.constant 0 : i32
          %dma_start3A_246 = tpu.memref_slice %arg13[%dma_start3A_244, %dma_start3A_245] : memref<10000x128xf32, #tpu.memory_space<vmem_shared>> -> memref<10000x128xf32, #tpu.memory_space<vmem_shared>>
          tpu.enqueue_indirect_dma source(%arg10 : memref<64x128xf32, #tpu.memory_space<vmem>>) target(%dma_start3A_246 : memref<10000x128xf32, #tpu.memory_space<vmem_shared>>) offsets(%dma_start3A_243 : memref<64xi32, #tpu.memory_space<vmem>>) semaphore(%run_scoped3A_240 : memref<!tpu.dma_semaphore, #tpu.memory_space<semaphore_mem>>) {add = true}
          %dma_wait3A_247 = arith.constant 0 : i32
          %dma_wait3A_248 = tpu.memref_slice %arg8[%add3A_211, %dma_wait3A_247] : memref<32x64xi32, #tpu.memory_space<vmem>> -> memref<1x64xi32, #tpu.memory_space<vmem>>
          %dma_wait3A_249 = tpu.memref_squeeze %dma_wait3A_248 : memref<1x64xi32, #tpu.memory_space<vmem>> -> memref<64xi32, #tpu.memory_space<vmem>>
          %dma_wait3A_250 = arith.constant 0 : i32
          %dma_wait3A_251 = arith.constant 0 : i32
          %dma_wait3A_252 = tpu.memref_slice %arg13[%dma_wait3A_250, %dma_wait3A_251] : memref<10000x128xf32, #tpu.memory_space<vmem_shared>> -> memref<10000x128xf32, #tpu.memory_space<vmem_shared>>
          tpu.wait_indirect_dma semaphore(%run_scoped3A_240 : memref<!tpu.dma_semaphore, #tpu.memory_space<semaphore_mem>>) src(%arg10 : memref<64x128xf32, #tpu.memory_space<vmem>>) dst(%dma_wait3A_252 : memref<10000x128xf32, #tpu.memory_space<vmem_shared>>)
          tpu.yield
        }) : () -> ()
      } else {
      }
    }
    %scan3A_122 = arith.constant 16 : i32
    %run_scoped3A_123 = arith.constant 4 : i32
    "tpu.region"() ({
      %run_scoped3A_153 = tpu.sem_alloc : memref<!tpu.dma_semaphore, #tpu.memory_space<semaphore_mem>>
      %dma_start3A_154 = arith.constant 0 : i32
      %dma_start3A_155 = arith.constant 0 : i32
      %dma_start3A_156 = tpu.memref_slice %arg3[%add3A, %run_scoped3A_123, %dma_start3A_154, %dma_start3A_155] : memref<32x5x32x64xi32, #tpu.memory_space<hbm>> -> memref<1x1x32x64xi32, #tpu.memory_space<hbm>>
      %dma_start3A_157 = tpu.memref_squeeze %dma_start3A_156 : memref<1x1x32x64xi32, #tpu.memory_space<hbm>> -> memref<32x64xi32, #tpu.memory_space<hbm>>
      %dma_start3A_158 = arith.constant 0 : i32
      %dma_start3A_159 = arith.constant 0 : i32
      %dma_start3A_160 = tpu.memref_slice %arg3[%add3A, %run_scoped3A_123, %dma_start3A_158, %dma_start3A_159] : memref<32x5x32x64xi32, #tpu.memory_space<hbm>> -> memref<1x1x32x64xi32, #tpu.memory_space<hbm>>
      %dma_start3A_161 = tpu.memref_squeeze %dma_start3A_160 : memref<1x1x32x64xi32, #tpu.memory_space<hbm>> -> memref<32x64xi32, #tpu.memory_space<hbm>>
      tpu.enqueue_dma source(%dma_start3A_161 : memref<32x64xi32, #tpu.memory_space<hbm>>) target(%arg7 : memref<32x64xi32, #tpu.memory_space<vmem>>) target_semaphore(%run_scoped3A_153 : memref<!tpu.dma_semaphore, #tpu.memory_space<semaphore_mem>>)
      %dma_wait3A = arith.constant 0 : i32
      %dma_wait3A_162 = arith.constant 0 : i32
      %dma_wait3A_163 = tpu.memref_slice %arg3[%add3A, %run_scoped3A_123, %dma_wait3A, %dma_wait3A_162] : memref<32x5x32x64xi32, #tpu.memory_space<hbm>> -> memref<1x1x32x64xi32, #tpu.memory_space<hbm>>
      %dma_wait3A_164 = tpu.memref_squeeze %dma_wait3A_163 : memref<1x1x32x64xi32, #tpu.memory_space<hbm>> -> memref<32x64xi32, #tpu.memory_space<hbm>>
      %dma_wait3A_165 = arith.constant 0 : i32
      %dma_wait3A_166 = arith.constant 0 : i32
      %dma_wait3A_167 = tpu.memref_slice %arg3[%add3A, %run_scoped3A_123, %dma_wait3A_165, %dma_wait3A_166] : memref<32x5x32x64xi32, #tpu.memory_space<hbm>> -> memref<1x1x32x64xi32, #tpu.memory_space<hbm>>
      %dma_wait3A_168 = tpu.memref_squeeze %dma_wait3A_167 : memref<1x1x32x64xi32, #tpu.memory_space<hbm>> -> memref<32x64xi32, #tpu.memory_space<hbm>>
      tpu.wait_dma2 semaphore(%run_scoped3A_153 : memref<!tpu.dma_semaphore, #tpu.memory_space<semaphore_mem>>) src(%dma_wait3A_168 : memref<32x64xi32, #tpu.memory_space<hbm>>) dst(%arg7 : memref<32x64xi32, #tpu.memory_space<vmem>>)
      tpu.yield
    }) : () -> ()
    %run_scoped3A_124 = arith.constant 4 : i32
    "tpu.region"() ({
      %run_scoped3A_153 = tpu.sem_alloc : memref<!tpu.dma_semaphore, #tpu.memory_space<semaphore_mem>>
      %dma_start3A_154 = arith.constant 0 : i32
      %dma_start3A_155 = arith.constant 0 : i32
      %dma_start3A_156 = tpu.memref_slice %arg4[%add3A, %run_scoped3A_124, %dma_start3A_154, %dma_start3A_155] : memref<32x5x32x64xi32, #tpu.memory_space<hbm>> -> memref<1x1x32x64xi32, #tpu.memory_space<hbm>>
      %dma_start3A_157 = tpu.memref_squeeze %dma_start3A_156 : memref<1x1x32x64xi32, #tpu.memory_space<hbm>> -> memref<32x64xi32, #tpu.memory_space<hbm>>
      %dma_start3A_158 = arith.constant 0 : i32
      %dma_start3A_159 = arith.constant 0 : i32
      %dma_start3A_160 = tpu.memref_slice %arg4[%add3A, %run_scoped3A_124, %dma_start3A_158, %dma_start3A_159] : memref<32x5x32x64xi32, #tpu.memory_space<hbm>> -> memref<1x1x32x64xi32, #tpu.memory_space<hbm>>
      %dma_start3A_161 = tpu.memref_squeeze %dma_start3A_160 : memref<1x1x32x64xi32, #tpu.memory_space<hbm>> -> memref<32x64xi32, #tpu.memory_space<hbm>>
      tpu.enqueue_dma source(%dma_start3A_161 : memref<32x64xi32, #tpu.memory_space<hbm>>) target(%arg8 : memref<32x64xi32, #tpu.memory_space<vmem>>) target_semaphore(%run_scoped3A_153 : memref<!tpu.dma_semaphore, #tpu.memory_space<semaphore_mem>>)
      %dma_wait3A = arith.constant 0 : i32
      %dma_wait3A_162 = arith.constant 0 : i32
      %dma_wait3A_163 = tpu.memref_slice %arg4[%add3A, %run_scoped3A_124, %dma_wait3A, %dma_wait3A_162] : memref<32x5x32x64xi32, #tpu.memory_space<hbm>> -> memref<1x1x32x64xi32, #tpu.memory_space<hbm>>
      %dma_wait3A_164 = tpu.memref_squeeze %dma_wait3A_163 : memref<1x1x32x64xi32, #tpu.memory_space<hbm>> -> memref<32x64xi32, #tpu.memory_space<hbm>>
      %dma_wait3A_165 = arith.constant 0 : i32
      %dma_wait3A_166 = arith.constant 0 : i32
      %dma_wait3A_167 = tpu.memref_slice %arg4[%add3A, %run_scoped3A_124, %dma_wait3A_165, %dma_wait3A_166] : memref<32x5x32x64xi32, #tpu.memory_space<hbm>> -> memref<1x1x32x64xi32, #tpu.memory_space<hbm>>
      %dma_wait3A_168 = tpu.memref_squeeze %dma_wait3A_167 : memref<1x1x32x64xi32, #tpu.memory_space<hbm>> -> memref<32x64xi32, #tpu.memory_space<hbm>>
      tpu.wait_dma2 semaphore(%run_scoped3A_153 : memref<!tpu.dma_semaphore, #tpu.memory_space<semaphore_mem>>) src(%dma_wait3A_168 : memref<32x64xi32, #tpu.memory_space<hbm>>) dst(%arg8 : memref<32x64xi32, #tpu.memory_space<vmem>>)
      tpu.yield
    }) : () -> ()
    %mul3A_125 = arith.constant 10240 : i32
    %mul3A_126 = arith.muli %add3A, %mul3A_125 : i32
    %add3A_127 = arith.constant 8192 : i32
    %add3A_128 = arith.addi %mul3A_126, %add3A_127 : i32
    %dma_start3A_129 = arith.constant 0 : i32
    %dma_start3A_130 = arith.constant 0 : i32
    %dma_start3A_131 = tpu.memref_slice %arg7[%dma_start3A_129, %dma_start3A_130] : memref<32x64xi32, #tpu.memory_space<vmem>> -> memref<1x64xi32, #tpu.memory_space<vmem>>
    %dma_start3A_132 = tpu.memref_squeeze %dma_start3A_131 : memref<1x64xi32, #tpu.memory_space<vmem>> -> memref<64xi32, #tpu.memory_space<vmem>>
    %dma_start3A_133 = arith.constant 0 : i32
    %dma_start3A_134 = arith.constant 0 : i32
    %dma_start3A_135 = tpu.memref_slice %arg2[%dma_start3A_133, %dma_start3A_134] : memref<10000x128xf32, #tpu.memory_space<hbm>> -> memref<10000x128xf32, #tpu.memory_space<hbm>>
    tpu.enqueue_indirect_dma source(%dma_start3A_135 : memref<10000x128xf32, #tpu.memory_space<hbm>>) target(%arg9 : memref<64x128xf32, #tpu.memory_space<vmem>>) offsets(%dma_start3A_132 : memref<64xi32, #tpu.memory_space<vmem>>) semaphore(%arg14 : memref<!tpu.dma_semaphore, #tpu.memory_space<semaphore_mem>>)
    %add3A_136 = arith.constant 0 : i32
    %add3A_137 = arith.addi %add3A_128, %add3A_136 : i32
    %dma_start3A_138 = arith.constant 0 : i32
    %dma_start3A_139 = tpu.memref_slice %arg5[%add3A_137, %dma_start3A_138] : memref<327680x128xf32, #tpu.memory_space<hbm>> -> memref<64x128xf32, #tpu.memory_space<hbm>>
    %dma_start3A_140 = arith.constant 0 : i32
    %dma_start3A_141 = tpu.memref_slice %arg5[%add3A_137, %dma_start3A_140] : memref<327680x128xf32, #tpu.memory_space<hbm>> -> memref<64x128xf32, #tpu.memory_space<hbm>>
    tpu.enqueue_dma source(%dma_start3A_141 : memref<64x128xf32, #tpu.memory_space<hbm>>) target(%arg11 : memref<64x128xf32, #tpu.memory_space<vmem>>) target_semaphore(%arg16 : memref<!tpu.dma_semaphore, #tpu.memory_space<semaphore_mem>>)
    %scan3A_142 = arith.constant 0 : i32
    %scan3A_143 = arith.constant 16 : i32
    %scan3A_144 = arith.addi %scan3A_142, %scan3A_143 : i32
    %scan3A_145 = arith.constant 1 : i32
    scf.for %scan3A_153 = %scan3A_142 to %scan3A_144 step %scan3A_145  : i32 {
      %mul3A_154 = arith.constant 1 : i32
      %mul3A_155 = arith.muli %scan3A_153, %mul3A_154 : i32
      %add3A_156 = arith.constant 0 : i32
      %add3A_157 = arith.addi %add3A_156, %mul3A_155 : i32
      %mul3A_158 = arith.constant 2 : i32
      %mul3A_159 = arith.muli %mul3A_158, %add3A_157 : i32
      %add3A_160 = arith.constant 1 : i32
      %add3A_161 = arith.addi %mul3A_159, %add3A_160 : i32
      %dma_start3A_162 = arith.constant 0 : i32
      %dma_start3A_163 = tpu.memref_slice %arg7[%add3A_161, %dma_start3A_162] : memref<32x64xi32, #tpu.memory_space<vmem>> -> memref<1x64xi32, #tpu.memory_space<vmem>>
      %dma_start3A_164 = tpu.memref_squeeze %dma_start3A_163 : memref<1x64xi32, #tpu.memory_space<vmem>> -> memref<64xi32, #tpu.memory_space<vmem>>
      %dma_start3A_165 = arith.constant 0 : i32
      %dma_start3A_166 = arith.constant 0 : i32
      %dma_start3A_167 = tpu.memref_slice %arg2[%dma_start3A_165, %dma_start3A_166] : memref<10000x128xf32, #tpu.memory_space<hbm>> -> memref<10000x128xf32, #tpu.memory_space<hbm>>
      tpu.enqueue_indirect_dma source(%dma_start3A_167 : memref<10000x128xf32, #tpu.memory_space<hbm>>) target(%arg10 : memref<64x128xf32, #tpu.memory_space<vmem>>) offsets(%dma_start3A_164 : memref<64xi32, #tpu.memory_space<vmem>>) semaphore(%arg15 : memref<!tpu.dma_semaphore, #tpu.memory_space<semaphore_mem>>)
      %mul3A_168 = arith.constant 64 : i32
      %mul3A_169 = arith.muli %add3A_161, %mul3A_168 : i32
      %add3A_170 = arith.addi %add3A_128, %mul3A_169 : i32
      %dma_start3A_171 = arith.constant 0 : i32
      %dma_start3A_172 = tpu.memref_slice %arg5[%add3A_170, %dma_start3A_171] : memref<327680x128xf32, #tpu.memory_space<hbm>> -> memref<64x128xf32, #tpu.memory_space<hbm>>
      %dma_start3A_173 = arith.constant 0 : i32
      %dma_start3A_174 = tpu.memref_slice %arg5[%add3A_170, %dma_start3A_173] : memref<327680x128xf32, #tpu.memory_space<hbm>> -> memref<64x128xf32, #tpu.memory_space<hbm>>
      tpu.enqueue_dma source(%dma_start3A_174 : memref<64x128xf32, #tpu.memory_space<hbm>>) target(%arg12 : memref<64x128xf32, #tpu.memory_space<vmem>>) target_semaphore(%arg17 : memref<!tpu.dma_semaphore, #tpu.memory_space<semaphore_mem>>)
      %mul3A_175 = arith.constant 2 : i32
      %mul3A_176 = arith.muli %mul3A_175, %add3A_157 : i32
      %dma_wait3A = arith.constant 0 : i32
      %dma_wait3A_177 = tpu.memref_slice %arg7[%mul3A_176, %dma_wait3A] : memref<32x64xi32, #tpu.memory_space<vmem>> -> memref<1x64xi32, #tpu.memory_space<vmem>>
      %dma_wait3A_178 = tpu.memref_squeeze %dma_wait3A_177 : memref<1x64xi32, #tpu.memory_space<vmem>> -> memref<64xi32, #tpu.memory_space<vmem>>
      %dma_wait3A_179 = arith.constant 0 : i32
      %dma_wait3A_180 = arith.constant 0 : i32
      %dma_wait3A_181 = tpu.memref_slice %arg2[%dma_wait3A_179, %dma_wait3A_180] : memref<10000x128xf32, #tpu.memory_space<hbm>> -> memref<10000x128xf32, #tpu.memory_space<hbm>>
      tpu.wait_indirect_dma semaphore(%arg14 : memref<!tpu.dma_semaphore, #tpu.memory_space<semaphore_mem>>) src(%dma_wait3A_181 : memref<10000x128xf32, #tpu.memory_space<hbm>>) dst(%arg9 : memref<64x128xf32, #tpu.memory_space<vmem>>)
      %mul3A_182 = arith.constant 64 : i32
      %mul3A_183 = arith.muli %mul3A_176, %mul3A_182 : i32
      %add3A_184 = arith.addi %add3A_128, %mul3A_183 : i32
      %dma_wait3A_185 = arith.constant 0 : i32
      %dma_wait3A_186 = tpu.memref_slice %arg5[%add3A_184, %dma_wait3A_185] : memref<327680x128xf32, #tpu.memory_space<hbm>> -> memref<64x128xf32, #tpu.memory_space<hbm>>
      %dma_wait3A_187 = arith.constant 0 : i32
      %dma_wait3A_188 = tpu.memref_slice %arg5[%add3A_184, %dma_wait3A_187] : memref<327680x128xf32, #tpu.memory_space<hbm>> -> memref<64x128xf32, #tpu.memory_space<hbm>>
      tpu.wait_dma2 semaphore(%arg16 : memref<!tpu.dma_semaphore, #tpu.memory_space<semaphore_mem>>) src(%dma_wait3A_188 : memref<64x128xf32, #tpu.memory_space<hbm>>) dst(%arg11 : memref<64x128xf32, #tpu.memory_space<vmem>>)
      %scan3A_189 = arith.constant 0 : i32
      %scan3A_190 = arith.constant 64 : i32
      %scan3A_191 = arith.addi %scan3A_189, %scan3A_190 : i32
      %scan3A_192 = arith.constant 1 : i32
      scf.for %scan3A_240 = %scan3A_189 to %scan3A_191 step %scan3A_192  : i32 {
        %mul3A_241 = arith.constant 1 : i32
        %mul3A_242 = arith.muli %scan3A_240, %mul3A_241 : i32
        %add3A_243 = arith.constant 0 : i32
        %add3A_244 = arith.addi %add3A_243, %mul3A_242 : i32
        %get3A = arith.index_cast %add3A_244 : i32 to index
        %get3A_245 = arith.constant 0 : index
        %get3A_246 = tpu.vector_load %arg9[%get3A, %get3A_245] {strides = array<i32>} : memref<64x128xf32, #tpu.memory_space<vmem>>, vector<1x16xf32>,
        %get3A_247 = vector.shape_cast %get3A_246 : vector<1x16xf32> to vector<16xf32>
        %get3A_248 = arith.index_cast %add3A_244 : i32 to index
        %get3A_249 = arith.constant 0 : index
        %get3A_250 = tpu.vector_load %arg11[%get3A_248, %get3A_249] {strides = array<i32>} : memref<64x128xf32, #tpu.memory_space<vmem>>, vector<1x16xf32>,
        %get3A_251 = vector.shape_cast %get3A_250 : vector<1x16xf32> to vector<16xf32>
        %mul3A_252 = arith.mulf %get3A_247, %get3A_251 : vector<16xf32>
        %swap3A = arith.index_cast %add3A_244 : i32 to index
        %swap3A_253 = arith.constant 0 : index
        %swap3A_254 = tpu.vector_load %arg9[%swap3A, %swap3A_253] {strides = array<i32>} : memref<64x128xf32, #tpu.memory_space<vmem>>, vector<1x16xf32>,
        %swap3A_255 = vector.shape_cast %swap3A_254 : vector<1x16xf32> to vector<16xf32>
        %swap3A_256 = vector.shape_cast %mul3A_252 : vector<16xf32> to vector<1x16xf32>
        tpu.vector_store %arg9[%swap3A, %swap3A_253], %swap3A_256 {strides = array<i32>} : memref<64x128xf32, #tpu.memory_space<vmem>>, vector<1x16xf32>,
        %get3A_257 = arith.index_cast %add3A_244 : i32 to index
        %get3A_258 = arith.constant 16 : index
        %get3A_259 = tpu.vector_load %arg9[%get3A_257, %get3A_258] {strides = array<i32>} : memref<64x128xf32, #tpu.memory_space<vmem>>, vector<1x16xf32>,
        %get3A_260 = vector.shape_cast %get3A_259 : vector<1x16xf32> to vector<16xf32>
        %get3A_261 = arith.index_cast %add3A_244 : i32 to index
        %get3A_262 = arith.constant 16 : index
        %get3A_263 = tpu.vector_load %arg11[%get3A_261, %get3A_262] {strides = array<i32>} : memref<64x128xf32, #tpu.memory_space<vmem>>, vector<1x16xf32>,
        %get3A_264 = vector.shape_cast %get3A_263 : vector<1x16xf32> to vector<16xf32>
        %mul3A_265 = arith.mulf %get3A_260, %get3A_264 : vector<16xf32>
        %swap3A_266 = arith.index_cast %add3A_244 : i32 to index
        %swap3A_267 = arith.constant 16 : index
        %swap3A_268 = tpu.vector_load %arg9[%swap3A_266, %swap3A_267] {strides = array<i32>} : memref<64x128xf32, #tpu.memory_space<vmem>>, vector<1x16xf32>,
        %swap3A_269 = vector.shape_cast %swap3A_268 : vector<1x16xf32> to vector<16xf32>
        %swap3A_270 = vector.shape_cast %mul3A_265 : vector<16xf32> to vector<1x16xf32>
        tpu.vector_store %arg9[%swap3A_266, %swap3A_267], %swap3A_270 {strides = array<i32>} : memref<64x128xf32, #tpu.memory_space<vmem>>, vector<1x16xf32>,
        %get3A_271 = arith.index_cast %add3A_244 : i32 to index
        %get3A_272 = arith.constant 32 : index
        %get3A_273 = tpu.vector_load %arg9[%get3A_271, %get3A_272] {strides = array<i32>} : memref<64x128xf32, #tpu.memory_space<vmem>>, vector<1x16xf32>,
        %get3A_274 = vector.shape_cast %get3A_273 : vector<1x16xf32> to vector<16xf32>
        %get3A_275 = arith.index_cast %add3A_244 : i32 to index
        %get3A_276 = arith.constant 32 : index
        %get3A_277 = tpu.vector_load %arg11[%get3A_275, %get3A_276] {strides = array<i32>} : memref<64x128xf32, #tpu.memory_space<vmem>>, vector<1x16xf32>,
        %get3A_278 = vector.shape_cast %get3A_277 : vector<1x16xf32> to vector<16xf32>
        %mul3A_279 = arith.mulf %get3A_274, %get3A_278 : vector<16xf32>
        %swap3A_280 = arith.index_cast %add3A_244 : i32 to index
        %swap3A_281 = arith.constant 32 : index
        %swap3A_282 = tpu.vector_load %arg9[%swap3A_280, %swap3A_281] {strides = array<i32>} : memref<64x128xf32, #tpu.memory_space<vmem>>, vector<1x16xf32>,
        %swap3A_283 = vector.shape_cast %swap3A_282 : vector<1x16xf32> to vector<16xf32>
        %swap3A_284 = vector.shape_cast %mul3A_279 : vector<16xf32> to vector<1x16xf32>
        tpu.vector_store %arg9[%swap3A_280, %swap3A_281], %swap3A_284 {strides = array<i32>} : memref<64x128xf32, #tpu.memory_space<vmem>>, vector<1x16xf32>,
        %get3A_285 = arith.index_cast %add3A_244 : i32 to index
        %get3A_286 = arith.constant 48 : index
        %get3A_287 = tpu.vector_load %arg9[%get3A_285, %get3A_286] {strides = array<i32>} : memref<64x128xf32, #tpu.memory_space<vmem>>, vector<1x16xf32>,
        %get3A_288 = vector.shape_cast %get3A_287 : vector<1x16xf32> to vector<16xf32>
        %get3A_289 = arith.index_cast %add3A_244 : i32 to index
        %get3A_290 = arith.constant 48 : index
        %get3A_291 = tpu.vector_load %arg11[%get3A_289, %get3A_290] {strides = array<i32>} : memref<64x128xf32, #tpu.memory_space<vmem>>, vector<1x16xf32>,
        %get3A_292 = vector.shape_cast %get3A_291 : vector<1x16xf32> to vector<16xf32>
        %mul3A_293 = arith.mulf %get3A_288, %get3A_292 : vector<16xf32>
        %swap3A_294 = arith.index_cast %add3A_244 : i32 to index
        %swap3A_295 = arith.constant 48 : index
        %swap3A_296 = tpu.vector_load %arg9[%swap3A_294, %swap3A_295] {strides = array<i32>} : memref<64x128xf32, #tpu.memory_space<vmem>>, vector<1x16xf32>,
        %swap3A_297 = vector.shape_cast %swap3A_296 : vector<1x16xf32> to vector<16xf32>
        %swap3A_298 = vector.shape_cast %mul3A_293 : vector<16xf32> to vector<1x16xf32>
        tpu.vector_store %arg9[%swap3A_294, %swap3A_295], %swap3A_298 {strides = array<i32>} : memref<64x128xf32, #tpu.memory_space<vmem>>, vector<1x16xf32>,
        %get3A_299 = arith.index_cast %add3A_244 : i32 to index
        %get3A_300 = arith.constant 64 : index
        %get3A_301 = tpu.vector_load %arg9[%get3A_299, %get3A_300] {strides = array<i32>} : memref<64x128xf32, #tpu.memory_space<vmem>>, vector<1x16xf32>,
        %get3A_302 = vector.shape_cast %get3A_301 : vector<1x16xf32> to vector<16xf32>
        %get3A_303 = arith.index_cast %add3A_244 : i32 to index
        %get3A_304 = arith.constant 64 : index
        %get3A_305 = tpu.vector_load %arg11[%get3A_303, %get3A_304] {strides = array<i32>} : memref<64x128xf32, #tpu.memory_space<vmem>>, vector<1x16xf32>,
        %get3A_306 = vector.shape_cast %get3A_305 : vector<1x16xf32> to vector<16xf32>
        %mul3A_307 = arith.mulf %get3A_302, %get3A_306 : vector<16xf32>
        %swap3A_308 = arith.index_cast %add3A_244 : i32 to index
        %swap3A_309 = arith.constant 64 : index
        %swap3A_310 = tpu.vector_load %arg9[%swap3A_308, %swap3A_309] {strides = array<i32>} : memref<64x128xf32, #tpu.memory_space<vmem>>, vector<1x16xf32>,
        %swap3A_311 = vector.shape_cast %swap3A_310 : vector<1x16xf32> to vector<16xf32>
        %swap3A_312 = vector.shape_cast %mul3A_307 : vector<16xf32> to vector<1x16xf32>
        tpu.vector_store %arg9[%swap3A_308, %swap3A_309], %swap3A_312 {strides = array<i32>} : memref<64x128xf32, #tpu.memory_space<vmem>>, vector<1x16xf32>,
        %get3A_313 = arith.index_cast %add3A_244 : i32 to index
        %get3A_314 = arith.constant 80 : index
        %get3A_315 = tpu.vector_load %arg9[%get3A_313, %get3A_314] {strides = array<i32>} : memref<64x128xf32, #tpu.memory_space<vmem>>, vector<1x16xf32>,
        %get3A_316 = vector.shape_cast %get3A_315 : vector<1x16xf32> to vector<16xf32>
        %get3A_317 = arith.index_cast %add3A_244 : i32 to index
        %get3A_318 = arith.constant 80 : index
        %get3A_319 = tpu.vector_load %arg11[%get3A_317, %get3A_318] {strides = array<i32>} : memref<64x128xf32, #tpu.memory_space<vmem>>, vector<1x16xf32>,
        %get3A_320 = vector.shape_cast %get3A_319 : vector<1x16xf32> to vector<16xf32>
        %mul3A_321 = arith.mulf %get3A_316, %get3A_320 : vector<16xf32>
        %swap3A_322 = arith.index_cast %add3A_244 : i32 to index
        %swap3A_323 = arith.constant 80 : index
        %swap3A_324 = tpu.vector_load %arg9[%swap3A_322, %swap3A_323] {strides = array<i32>} : memref<64x128xf32, #tpu.memory_space<vmem>>, vector<1x16xf32>,
        %swap3A_325 = vector.shape_cast %swap3A_324 : vector<1x16xf32> to vector<16xf32>
        %swap3A_326 = vector.shape_cast %mul3A_321 : vector<16xf32> to vector<1x16xf32>
        tpu.vector_store %arg9[%swap3A_322, %swap3A_323], %swap3A_326 {strides = array<i32>} : memref<64x128xf32, #tpu.memory_space<vmem>>, vector<1x16xf32>,
        %get3A_327 = arith.index_cast %add3A_244 : i32 to index
        %get3A_328 = arith.constant 96 : index
        %get3A_329 = tpu.vector_load %arg9[%get3A_327, %get3A_328] {strides = array<i32>} : memref<64x128xf32, #tpu.memory_space<vmem>>, vector<1x16xf32>,
        %get3A_330 = vector.shape_cast %get3A_329 : vector<1x16xf32> to vector<16xf32>
        %get3A_331 = arith.index_cast %add3A_244 : i32 to index
        %get3A_332 = arith.constant 96 : index
        %get3A_333 = tpu.vector_load %arg11[%get3A_331, %get3A_332] {strides = array<i32>} : memref<64x128xf32, #tpu.memory_space<vmem>>, vector<1x16xf32>,
        %get3A_334 = vector.shape_cast %get3A_333 : vector<1x16xf32> to vector<16xf32>
        %mul3A_335 = arith.mulf %get3A_330, %get3A_334 : vector<16xf32>
        %swap3A_336 = arith.index_cast %add3A_244 : i32 to index
        %swap3A_337 = arith.constant 96 : index
        %swap3A_338 = tpu.vector_load %arg9[%swap3A_336, %swap3A_337] {strides = array<i32>} : memref<64x128xf32, #tpu.memory_space<vmem>>, vector<1x16xf32>,
        %swap3A_339 = vector.shape_cast %swap3A_338 : vector<1x16xf32> to vector<16xf32>
        %swap3A_340 = vector.shape_cast %mul3A_335 : vector<16xf32> to vector<1x16xf32>
        tpu.vector_store %arg9[%swap3A_336, %swap3A_337], %swap3A_340 {strides = array<i32>} : memref<64x128xf32, #tpu.memory_space<vmem>>, vector<1x16xf32>,
        %get3A_341 = arith.index_cast %add3A_244 : i32 to index
        %get3A_342 = arith.constant 112 : index
        %get3A_343 = tpu.vector_load %arg9[%get3A_341, %get3A_342] {strides = array<i32>} : memref<64x128xf32, #tpu.memory_space<vmem>>, vector<1x16xf32>,
        %get3A_344 = vector.shape_cast %get3A_343 : vector<1x16xf32> to vector<16xf32>
        %get3A_345 = arith.index_cast %add3A_244 : i32 to index
        %get3A_346 = arith.constant 112 : index
        %get3A_347 = tpu.vector_load %arg11[%get3A_345, %get3A_346] {strides = array<i32>} : memref<64x128xf32, #tpu.memory_space<vmem>>, vector<1x16xf32>,
        %get3A_348 = vector.shape_cast %get3A_347 : vector<1x16xf32> to vector<16xf32>
        %mul3A_349 = arith.mulf %get3A_344, %get3A_348 : vector<16xf32>
        %swap3A_350 = arith.index_cast %add3A_244 : i32 to index
        %swap3A_351 = arith.constant 112 : index
        %swap3A_352 = tpu.vector_load %arg9[%swap3A_350, %swap3A_351] {strides = array<i32>} : memref<64x128xf32, #tpu.memory_space<vmem>>, vector<1x16xf32>,
        %swap3A_353 = vector.shape_cast %swap3A_352 : vector<1x16xf32> to vector<16xf32>
        %swap3A_354 = vector.shape_cast %mul3A_349 : vector<16xf32> to vector<1x16xf32>
        tpu.vector_store %arg9[%swap3A_350, %swap3A_351], %swap3A_354 {strides = array<i32>} : memref<64x128xf32, #tpu.memory_space<vmem>>, vector<1x16xf32>,
      }
      %scan3A_193 = arith.constant 64 : i32
      %ne3A = arith.constant 31 : i32
      %ne3A_194 = arith.cmpi ne, %add3A, %ne3A : i32
      %add3A_195 = arith.constant 128 : i32
      %add3A_196 = arith.addi %add3A_195, %mul3A_176 : i32
      %lt3A = arith.constant 40 : i32
      %lt3A_197 = arith.cmpi slt, %add3A_196, %lt3A : i32
      %or3A = arith.ori %ne3A_194, %lt3A_197 : i1
      %convert_element_type3A_198 = arith.extui %or3A : i1 to i32
      %cond3A_199 = arith.constant 0 : i32
      %cond3A_200 = arith.cmpi ne, %convert_element_type3A_198, %cond3A_199 : i32
      scf.if %cond3A_200 {
        "tpu.region"() ({
          %run_scoped3A_240 = tpu.sem_alloc : memref<!tpu.dma_semaphore, #tpu.memory_space<semaphore_mem>>
          %dma_start3A_241 = arith.constant 0 : i32
          %dma_start3A_242 = tpu.memref_slice %arg8[%mul3A_176, %dma_start3A_241] : memref<32x64xi32, #tpu.memory_space<vmem>> -> memref<1x64xi32, #tpu.memory_space<vmem>>
          %dma_start3A_243 = tpu.memref_squeeze %dma_start3A_242 : memref<1x64xi32, #tpu.memory_space<vmem>> -> memref<64xi32, #tpu.memory_space<vmem>>
          %dma_start3A_244 = arith.constant 0 : i32
          %dma_start3A_245 = arith.constant 0 : i32
          %dma_start3A_246 = tpu.memref_slice %arg13[%dma_start3A_244, %dma_start3A_245] : memref<10000x128xf32, #tpu.memory_space<vmem_shared>> -> memref<10000x128xf32, #tpu.memory_space<vmem_shared>>
          tpu.enqueue_indirect_dma source(%arg9 : memref<64x128xf32, #tpu.memory_space<vmem>>) target(%dma_start3A_246 : memref<10000x128xf32, #tpu.memory_space<vmem_shared>>) offsets(%dma_start3A_243 : memref<64xi32, #tpu.memory_space<vmem>>) semaphore(%run_scoped3A_240 : memref<!tpu.dma_semaphore, #tpu.memory_space<semaphore_mem>>) {add = true}
          %dma_wait3A_247 = arith.constant 0 : i32
          %dma_wait3A_248 = tpu.memref_slice %arg8[%mul3A_176, %dma_wait3A_247] : memref<32x64xi32, #tpu.memory_space<vmem>> -> memref<1x64xi32, #tpu.memory_space<vmem>>
          %dma_wait3A_249 = tpu.memref_squeeze %dma_wait3A_248 : memref<1x64xi32, #tpu.memory_space<vmem>> -> memref<64xi32, #tpu.memory_space<vmem>>
          %dma_wait3A_250 = arith.constant 0 : i32
          %dma_wait3A_251 = arith.constant 0 : i32
          %dma_wait3A_252 = tpu.memref_slice %arg13[%dma_wait3A_250, %dma_wait3A_251] : memref<10000x128xf32, #tpu.memory_space<vmem_shared>> -> memref<10000x128xf32, #tpu.memory_space<vmem_shared>>
          tpu.wait_indirect_dma semaphore(%run_scoped3A_240 : memref<!tpu.dma_semaphore, #tpu.memory_space<semaphore_mem>>) src(%arg9 : memref<64x128xf32, #tpu.memory_space<vmem>>) dst(%dma_wait3A_252 : memref<10000x128xf32, #tpu.memory_space<vmem_shared>>)
          tpu.yield
        }) : () -> ()
      } else {
      }
      %add3A_201 = arith.constant 1 : i32
      %add3A_202 = arith.addi %add3A_157, %add3A_201 : i32
      %lt3A_203 = arith.constant 16 : i32
      %lt3A_204 = arith.cmpi slt, %add3A_202, %lt3A_203 : i32
      %convert_element_type3A_205 = arith.extui %lt3A_204 : i1 to i32
      %cond3A_206 = arith.constant 0 : i32
      %cond3A_207 = arith.cmpi ne, %convert_element_type3A_205, %cond3A_206 : i32
      scf.if %cond3A_207 {
        %mul3A_240 = arith.constant 2 : i32
        %mul3A_241 = arith.muli %mul3A_240, %add3A_157 : i32
        %add3A_242 = arith.constant 2 : i32
        %add3A_243 = arith.addi %mul3A_241, %add3A_242 : i32
        %dma_start3A_244 = arith.constant 0 : i32
        %dma_start3A_245 = tpu.memref_slice %arg7[%add3A_243, %dma_start3A_244] : memref<32x64xi32, #tpu.memory_space<vmem>> -> memref<1x64xi32, #tpu.memory_space<vmem>>
        %dma_start3A_246 = tpu.memref_squeeze %dma_start3A_245 : memref<1x64xi32, #tpu.memory_space<vmem>> -> memref<64xi32, #tpu.memory_space<vmem>>
        %dma_start3A_247 = arith.constant 0 : i32
        %dma_start3A_248 = arith.constant 0 : i32
        %dma_start3A_249 = tpu.memref_slice %arg2[%dma_start3A_247, %dma_start3A_248] : memref<10000x128xf32, #tpu.memory_space<hbm>> -> memref<10000x128xf32, #tpu.memory_space<hbm>>
        tpu.enqueue_indirect_dma source(%dma_start3A_249 : memref<10000x128xf32, #tpu.memory_space<hbm>>) target(%arg9 : memref<64x128xf32, #tpu.memory_space<vmem>>) offsets(%dma_start3A_246 : memref<64xi32, #tpu.memory_space<vmem>>) semaphore(%arg14 : memref<!tpu.dma_semaphore, #tpu.memory_space<semaphore_mem>>)
        %mul3A_250 = arith.constant 64 : i32
        %mul3A_251 = arith.muli %add3A_243, %mul3A_250 : i32
        %add3A_252 = arith.addi %add3A_128, %mul3A_251 : i32
        %dma_start3A_253 = arith.constant 0 : i32
        %dma_start3A_254 = tpu.memref_slice %arg5[%add3A_252, %dma_start3A_253] : memref<327680x128xf32, #tpu.memory_space<hbm>> -> memref<64x128xf32, #tpu.memory_space<hbm>>
        %dma_start3A_255 = arith.constant 0 : i32
        %dma_start3A_256 = tpu.memref_slice %arg5[%add3A_252, %dma_start3A_255] : memref<327680x128xf32, #tpu.memory_space<hbm>> -> memref<64x128xf32, #tpu.memory_space<hbm>>
        tpu.enqueue_dma source(%dma_start3A_256 : memref<64x128xf32, #tpu.memory_space<hbm>>) target(%arg11 : memref<64x128xf32, #tpu.memory_space<vmem>>) target_semaphore(%arg16 : memref<!tpu.dma_semaphore, #tpu.memory_space<semaphore_mem>>)
      } else {
      }
      %mul3A_208 = arith.constant 2 : i32
      %mul3A_209 = arith.muli %mul3A_208, %add3A_157 : i32
      %add3A_210 = arith.constant 1 : i32
      %add3A_211 = arith.addi %mul3A_209, %add3A_210 : i32
      %dma_wait3A_212 = arith.constant 0 : i32
      %dma_wait3A_213 = tpu.memref_slice %arg7[%add3A_211, %dma_wait3A_212] : memref<32x64xi32, #tpu.memory_space<vmem>> -> memref<1x64xi32, #tpu.memory_space<vmem>>
      %dma_wait3A_214 = tpu.memref_squeeze %dma_wait3A_213 : memref<1x64xi32, #tpu.memory_space<vmem>> -> memref<64xi32, #tpu.memory_space<vmem>>
      %dma_wait3A_215 = arith.constant 0 : i32
      %dma_wait3A_216 = arith.constant 0 : i32
      %dma_wait3A_217 = tpu.memref_slice %arg2[%dma_wait3A_215, %dma_wait3A_216] : memref<10000x128xf32, #tpu.memory_space<hbm>> -> memref<10000x128xf32, #tpu.memory_space<hbm>>
      tpu.wait_indirect_dma semaphore(%arg15 : memref<!tpu.dma_semaphore, #tpu.memory_space<semaphore_mem>>) src(%dma_wait3A_217 : memref<10000x128xf32, #tpu.memory_space<hbm>>) dst(%arg10 : memref<64x128xf32, #tpu.memory_space<vmem>>)
      %mul3A_218 = arith.constant 64 : i32
      %mul3A_219 = arith.muli %add3A_211, %mul3A_218 : i32
      %add3A_220 = arith.addi %add3A_128, %mul3A_219 : i32
      %dma_wait3A_221 = arith.constant 0 : i32
      %dma_wait3A_222 = tpu.memref_slice %arg5[%add3A_220, %dma_wait3A_221] : memref<327680x128xf32, #tpu.memory_space<hbm>> -> memref<64x128xf32, #tpu.memory_space<hbm>>
      %dma_wait3A_223 = arith.constant 0 : i32
      %dma_wait3A_224 = tpu.memref_slice %arg5[%add3A_220, %dma_wait3A_223] : memref<327680x128xf32, #tpu.memory_space<hbm>> -> memref<64x128xf32, #tpu.memory_space<hbm>>
      tpu.wait_dma2 semaphore(%arg17 : memref<!tpu.dma_semaphore, #tpu.memory_space<semaphore_mem>>) src(%dma_wait3A_224 : memref<64x128xf32, #tpu.memory_space<hbm>>) dst(%arg12 : memref<64x128xf32, #tpu.memory_space<vmem>>)
      %scan3A_225 = arith.constant 0 : i32
      %scan3A_226 = arith.constant 64 : i32
      %scan3A_227 = arith.addi %scan3A_225, %scan3A_226 : i32
      %scan3A_228 = arith.constant 1 : i32
      scf.for %scan3A_240 = %scan3A_225 to %scan3A_227 step %scan3A_228  : i32 {
        %mul3A_241 = arith.constant 1 : i32
        %mul3A_242 = arith.muli %scan3A_240, %mul3A_241 : i32
        %add3A_243 = arith.constant 0 : i32
        %add3A_244 = arith.addi %add3A_243, %mul3A_242 : i32
        %get3A = arith.index_cast %add3A_244 : i32 to index
        %get3A_245 = arith.constant 0 : index
        %get3A_246 = tpu.vector_load %arg10[%get3A, %get3A_245] {strides = array<i32>} : memref<64x128xf32, #tpu.memory_space<vmem>>, vector<1x16xf32>,
        %get3A_247 = vector.shape_cast %get3A_246 : vector<1x16xf32> to vector<16xf32>
        %get3A_248 = arith.index_cast %add3A_244 : i32 to index
        %get3A_249 = arith.constant 0 : index
        %get3A_250 = tpu.vector_load %arg12[%get3A_248, %get3A_249] {strides = array<i32>} : memref<64x128xf32, #tpu.memory_space<vmem>>, vector<1x16xf32>,
        %get3A_251 = vector.shape_cast %get3A_250 : vector<1x16xf32> to vector<16xf32>
        %mul3A_252 = arith.mulf %get3A_247, %get3A_251 : vector<16xf32>
        %swap3A = arith.index_cast %add3A_244 : i32 to index
        %swap3A_253 = arith.constant 0 : index
        %swap3A_254 = tpu.vector_load %arg10[%swap3A, %swap3A_253] {strides = array<i32>} : memref<64x128xf32, #tpu.memory_space<vmem>>, vector<1x16xf32>,
        %swap3A_255 = vector.shape_cast %swap3A_254 : vector<1x16xf32> to vector<16xf32>
        %swap3A_256 = vector.shape_cast %mul3A_252 : vector<16xf32> to vector<1x16xf32>
        tpu.vector_store %arg10[%swap3A, %swap3A_253], %swap3A_256 {strides = array<i32>} : memref<64x128xf32, #tpu.memory_space<vmem>>, vector<1x16xf32>,
        %get3A_257 = arith.index_cast %add3A_244 : i32 to index
        %get3A_258 = arith.constant 16 : index
        %get3A_259 = tpu.vector_load %arg10[%get3A_257, %get3A_258] {strides = array<i32>} : memref<64x128xf32, #tpu.memory_space<vmem>>, vector<1x16xf32>,
        %get3A_260 = vector.shape_cast %get3A_259 : vector<1x16xf32> to vector<16xf32>
        %get3A_261 = arith.index_cast %add3A_244 : i32 to index
        %get3A_262 = arith.constant 16 : index
        %get3A_263 = tpu.vector_load %arg12[%get3A_261, %get3A_262] {strides = array<i32>} : memref<64x128xf32, #tpu.memory_space<vmem>>, vector<1x16xf32>,
        %get3A_264 = vector.shape_cast %get3A_263 : vector<1x16xf32> to vector<16xf32>
        %mul3A_265 = arith.mulf %get3A_260, %get3A_264 : vector<16xf32>
        %swap3A_266 = arith.index_cast %add3A_244 : i32 to index
        %swap3A_267 = arith.constant 16 : index
        %swap3A_268 = tpu.vector_load %arg10[%swap3A_266, %swap3A_267] {strides = array<i32>} : memref<64x128xf32, #tpu.memory_space<vmem>>, vector<1x16xf32>,
        %swap3A_269 = vector.shape_cast %swap3A_268 : vector<1x16xf32> to vector<16xf32>
        %swap3A_270 = vector.shape_cast %mul3A_265 : vector<16xf32> to vector<1x16xf32>
        tpu.vector_store %arg10[%swap3A_266, %swap3A_267], %swap3A_270 {strides = array<i32>} : memref<64x128xf32, #tpu.memory_space<vmem>>, vector<1x16xf32>,
        %get3A_271 = arith.index_cast %add3A_244 : i32 to index
        %get3A_272 = arith.constant 32 : index
        %get3A_273 = tpu.vector_load %arg10[%get3A_271, %get3A_272] {strides = array<i32>} : memref<64x128xf32, #tpu.memory_space<vmem>>, vector<1x16xf32>,
        %get3A_274 = vector.shape_cast %get3A_273 : vector<1x16xf32> to vector<16xf32>
        %get3A_275 = arith.index_cast %add3A_244 : i32 to index
        %get3A_276 = arith.constant 32 : index
        %get3A_277 = tpu.vector_load %arg12[%get3A_275, %get3A_276] {strides = array<i32>} : memref<64x128xf32, #tpu.memory_space<vmem>>, vector<1x16xf32>,
        %get3A_278 = vector.shape_cast %get3A_277 : vector<1x16xf32> to vector<16xf32>
        %mul3A_279 = arith.mulf %get3A_274, %get3A_278 : vector<16xf32>
        %swap3A_280 = arith.index_cast %add3A_244 : i32 to index
        %swap3A_281 = arith.constant 32 : index
        %swap3A_282 = tpu.vector_load %arg10[%swap3A_280, %swap3A_281] {strides = array<i32>} : memref<64x128xf32, #tpu.memory_space<vmem>>, vector<1x16xf32>,
        %swap3A_283 = vector.shape_cast %swap3A_282 : vector<1x16xf32> to vector<16xf32>
        %swap3A_284 = vector.shape_cast %mul3A_279 : vector<16xf32> to vector<1x16xf32>
        tpu.vector_store %arg10[%swap3A_280, %swap3A_281], %swap3A_284 {strides = array<i32>} : memref<64x128xf32, #tpu.memory_space<vmem>>, vector<1x16xf32>,
        %get3A_285 = arith.index_cast %add3A_244 : i32 to index
        %get3A_286 = arith.constant 48 : index
        %get3A_287 = tpu.vector_load %arg10[%get3A_285, %get3A_286] {strides = array<i32>} : memref<64x128xf32, #tpu.memory_space<vmem>>, vector<1x16xf32>,
        %get3A_288 = vector.shape_cast %get3A_287 : vector<1x16xf32> to vector<16xf32>
        %get3A_289 = arith.index_cast %add3A_244 : i32 to index
        %get3A_290 = arith.constant 48 : index
        %get3A_291 = tpu.vector_load %arg12[%get3A_289, %get3A_290] {strides = array<i32>} : memref<64x128xf32, #tpu.memory_space<vmem>>, vector<1x16xf32>,
        %get3A_292 = vector.shape_cast %get3A_291 : vector<1x16xf32> to vector<16xf32>
        %mul3A_293 = arith.mulf %get3A_288, %get3A_292 : vector<16xf32>
        %swap3A_294 = arith.index_cast %add3A_244 : i32 to index
        %swap3A_295 = arith.constant 48 : index
        %swap3A_296 = tpu.vector_load %arg10[%swap3A_294, %swap3A_295] {strides = array<i32>} : memref<64x128xf32, #tpu.memory_space<vmem>>, vector<1x16xf32>,
        %swap3A_297 = vector.shape_cast %swap3A_296 : vector<1x16xf32> to vector<16xf32>
        %swap3A_298 = vector.shape_cast %mul3A_293 : vector<16xf32> to vector<1x16xf32>
        tpu.vector_store %arg10[%swap3A_294, %swap3A_295], %swap3A_298 {strides = array<i32>} : memref<64x128xf32, #tpu.memory_space<vmem>>, vector<1x16xf32>,
        %get3A_299 = arith.index_cast %add3A_244 : i32 to index
        %get3A_300 = arith.constant 64 : index
        %get3A_301 = tpu.vector_load %arg10[%get3A_299, %get3A_300] {strides = array<i32>} : memref<64x128xf32, #tpu.memory_space<vmem>>, vector<1x16xf32>,
        %get3A_302 = vector.shape_cast %get3A_301 : vector<1x16xf32> to vector<16xf32>
        %get3A_303 = arith.index_cast %add3A_244 : i32 to index
        %get3A_304 = arith.constant 64 : index
        %get3A_305 = tpu.vector_load %arg12[%get3A_303, %get3A_304] {strides = array<i32>} : memref<64x128xf32, #tpu.memory_space<vmem>>, vector<1x16xf32>,
        %get3A_306 = vector.shape_cast %get3A_305 : vector<1x16xf32> to vector<16xf32>
        %mul3A_307 = arith.mulf %get3A_302, %get3A_306 : vector<16xf32>
        %swap3A_308 = arith.index_cast %add3A_244 : i32 to index
        %swap3A_309 = arith.constant 64 : index
        %swap3A_310 = tpu.vector_load %arg10[%swap3A_308, %swap3A_309] {strides = array<i32>} : memref<64x128xf32, #tpu.memory_space<vmem>>, vector<1x16xf32>,
        %swap3A_311 = vector.shape_cast %swap3A_310 : vector<1x16xf32> to vector<16xf32>
        %swap3A_312 = vector.shape_cast %mul3A_307 : vector<16xf32> to vector<1x16xf32>
        tpu.vector_store %arg10[%swap3A_308, %swap3A_309], %swap3A_312 {strides = array<i32>} : memref<64x128xf32, #tpu.memory_space<vmem>>, vector<1x16xf32>,
        %get3A_313 = arith.index_cast %add3A_244 : i32 to index
        %get3A_314 = arith.constant 80 : index
        %get3A_315 = tpu.vector_load %arg10[%get3A_313, %get3A_314] {strides = array<i32>} : memref<64x128xf32, #tpu.memory_space<vmem>>, vector<1x16xf32>,
        %get3A_316 = vector.shape_cast %get3A_315 : vector<1x16xf32> to vector<16xf32>
        %get3A_317 = arith.index_cast %add3A_244 : i32 to index
        %get3A_318 = arith.constant 80 : index
        %get3A_319 = tpu.vector_load %arg12[%get3A_317, %get3A_318] {strides = array<i32>} : memref<64x128xf32, #tpu.memory_space<vmem>>, vector<1x16xf32>,
        %get3A_320 = vector.shape_cast %get3A_319 : vector<1x16xf32> to vector<16xf32>
        %mul3A_321 = arith.mulf %get3A_316, %get3A_320 : vector<16xf32>
        %swap3A_322 = arith.index_cast %add3A_244 : i32 to index
        %swap3A_323 = arith.constant 80 : index
        %swap3A_324 = tpu.vector_load %arg10[%swap3A_322, %swap3A_323] {strides = array<i32>} : memref<64x128xf32, #tpu.memory_space<vmem>>, vector<1x16xf32>,
        %swap3A_325 = vector.shape_cast %swap3A_324 : vector<1x16xf32> to vector<16xf32>
        %swap3A_326 = vector.shape_cast %mul3A_321 : vector<16xf32> to vector<1x16xf32>
        tpu.vector_store %arg10[%swap3A_322, %swap3A_323], %swap3A_326 {strides = array<i32>} : memref<64x128xf32, #tpu.memory_space<vmem>>, vector<1x16xf32>,
        %get3A_327 = arith.index_cast %add3A_244 : i32 to index
        %get3A_328 = arith.constant 96 : index
        %get3A_329 = tpu.vector_load %arg10[%get3A_327, %get3A_328] {strides = array<i32>} : memref<64x128xf32, #tpu.memory_space<vmem>>, vector<1x16xf32>,
        %get3A_330 = vector.shape_cast %get3A_329 : vector<1x16xf32> to vector<16xf32>
        %get3A_331 = arith.index_cast %add3A_244 : i32 to index
        %get3A_332 = arith.constant 96 : index
        %get3A_333 = tpu.vector_load %arg12[%get3A_331, %get3A_332] {strides = array<i32>} : memref<64x128xf32, #tpu.memory_space<vmem>>, vector<1x16xf32>,
        %get3A_334 = vector.shape_cast %get3A_333 : vector<1x16xf32> to vector<16xf32>
        %mul3A_335 = arith.mulf %get3A_330, %get3A_334 : vector<16xf32>
        %swap3A_336 = arith.index_cast %add3A_244 : i32 to index
        %swap3A_337 = arith.constant 96 : index
        %swap3A_338 = tpu.vector_load %arg10[%swap3A_336, %swap3A_337] {strides = array<i32>} : memref<64x128xf32, #tpu.memory_space<vmem>>, vector<1x16xf32>,
        %swap3A_339 = vector.shape_cast %swap3A_338 : vector<1x16xf32> to vector<16xf32>
        %swap3A_340 = vector.shape_cast %mul3A_335 : vector<16xf32> to vector<1x16xf32>
        tpu.vector_store %arg10[%swap3A_336, %swap3A_337], %swap3A_340 {strides = array<i32>} : memref<64x128xf32, #tpu.memory_space<vmem>>, vector<1x16xf32>,
        %get3A_341 = arith.index_cast %add3A_244 : i32 to index
        %get3A_342 = arith.constant 112 : index
        %get3A_343 = tpu.vector_load %arg10[%get3A_341, %get3A_342] {strides = array<i32>} : memref<64x128xf32, #tpu.memory_space<vmem>>, vector<1x16xf32>,
        %get3A_344 = vector.shape_cast %get3A_343 : vector<1x16xf32> to vector<16xf32>
        %get3A_345 = arith.index_cast %add3A_244 : i32 to index
        %get3A_346 = arith.constant 112 : index
        %get3A_347 = tpu.vector_load %arg12[%get3A_345, %get3A_346] {strides = array<i32>} : memref<64x128xf32, #tpu.memory_space<vmem>>, vector<1x16xf32>,
        %get3A_348 = vector.shape_cast %get3A_347 : vector<1x16xf32> to vector<16xf32>
        %mul3A_349 = arith.mulf %get3A_344, %get3A_348 : vector<16xf32>
        %swap3A_350 = arith.index_cast %add3A_244 : i32 to index
        %swap3A_351 = arith.constant 112 : index
        %swap3A_352 = tpu.vector_load %arg10[%swap3A_350, %swap3A_351] {strides = array<i32>} : memref<64x128xf32, #tpu.memory_space<vmem>>, vector<1x16xf32>,
        %swap3A_353 = vector.shape_cast %swap3A_352 : vector<1x16xf32> to vector<16xf32>
        %swap3A_354 = vector.shape_cast %mul3A_349 : vector<16xf32> to vector<1x16xf32>
        tpu.vector_store %arg10[%swap3A_350, %swap3A_351], %swap3A_354 {strides = array<i32>} : memref<64x128xf32, #tpu.memory_space<vmem>>, vector<1x16xf32>,
      }
      %scan3A_229 = arith.constant 64 : i32
      %ne3A_230 = arith.constant 31 : i32
      %ne3A_231 = arith.cmpi ne, %add3A, %ne3A_230 : i32
      %add3A_232 = arith.constant 128 : i32
      %add3A_233 = arith.addi %add3A_232, %add3A_211 : i32
      %lt3A_234 = arith.constant 40 : i32
      %lt3A_235 = arith.cmpi slt, %add3A_233, %lt3A_234 : i32
      %or3A_236 = arith.ori %ne3A_231, %lt3A_235 : i1
      %convert_element_type3A_237 = arith.extui %or3A_236 : i1 to i32
      %cond3A_238 = arith.constant 0 : i32
      %cond3A_239 = arith.cmpi ne, %convert_element_type3A_237, %cond3A_238 : i32
      scf.if %cond3A_239 {
        "tpu.region"() ({
          %run_scoped3A_240 = tpu.sem_alloc : memref<!tpu.dma_semaphore, #tpu.memory_space<semaphore_mem>>
          %dma_start3A_241 = arith.constant 0 : i32
          %dma_start3A_242 = tpu.memref_slice %arg8[%add3A_211, %dma_start3A_241] : memref<32x64xi32, #tpu.memory_space<vmem>> -> memref<1x64xi32, #tpu.memory_space<vmem>>
          %dma_start3A_243 = tpu.memref_squeeze %dma_start3A_242 : memref<1x64xi32, #tpu.memory_space<vmem>> -> memref<64xi32, #tpu.memory_space<vmem>>
          %dma_start3A_244 = arith.constant 0 : i32
          %dma_start3A_245 = arith.constant 0 : i32
          %dma_start3A_246 = tpu.memref_slice %arg13[%dma_start3A_244, %dma_start3A_245] : memref<10000x128xf32, #tpu.memory_space<vmem_shared>> -> memref<10000x128xf32, #tpu.memory_space<vmem_shared>>
          tpu.enqueue_indirect_dma source(%arg10 : memref<64x128xf32, #tpu.memory_space<vmem>>) target(%dma_start3A_246 : memref<10000x128xf32, #tpu.memory_space<vmem_shared>>) offsets(%dma_start3A_243 : memref<64xi32, #tpu.memory_space<vmem>>) semaphore(%run_scoped3A_240 : memref<!tpu.dma_semaphore, #tpu.memory_space<semaphore_mem>>) {add = true}
          %dma_wait3A_247 = arith.constant 0 : i32
          %dma_wait3A_248 = tpu.memref_slice %arg8[%add3A_211, %dma_wait3A_247] : memref<32x64xi32, #tpu.memory_space<vmem>> -> memref<1x64xi32, #tpu.memory_space<vmem>>
          %dma_wait3A_249 = tpu.memref_squeeze %dma_wait3A_248 : memref<1x64xi32, #tpu.memory_space<vmem>> -> memref<64xi32, #tpu.memory_space<vmem>>
          %dma_wait3A_250 = arith.constant 0 : i32
          %dma_wait3A_251 = arith.constant 0 : i32
          %dma_wait3A_252 = tpu.memref_slice %arg13[%dma_wait3A_250, %dma_wait3A_251] : memref<10000x128xf32, #tpu.memory_space<vmem_shared>> -> memref<10000x128xf32, #tpu.memory_space<vmem_shared>>
          tpu.wait_indirect_dma semaphore(%run_scoped3A_240 : memref<!tpu.dma_semaphore, #tpu.memory_space<semaphore_mem>>) src(%arg10 : memref<64x128xf32, #tpu.memory_space<vmem>>) dst(%dma_wait3A_252 : memref<10000x128xf32, #tpu.memory_space<vmem_shared>>)
          tpu.yield
        }) : () -> ()
      } else {
      }
    }
    %scan3A_146 = arith.constant 16 : i32
    %barrier3A_147 = arith.constant 0 : index
    tpu.barrier barrier_id(%barrier3A_147)
    "tpu.region"() ({
      %run_scoped3A_153 = tpu.sem_alloc : memref<!tpu.dma_semaphore, #tpu.memory_space<semaphore_mem>>
      %dma_start3A_154 = arith.constant 0 : i32
      %dma_start3A_155 = tpu.memref_slice %arg6[%arg0, %multiple_of3A, %dma_start3A_154] : memref<2x10000x128xf32, #tpu.memory_space<hbm>> -> memref<1x624x128xf32, #tpu.memory_space<hbm>>
      %dma_start3A_156 = tpu.memref_squeeze %dma_start3A_155 : memref<1x624x128xf32, #tpu.memory_space<hbm>> -> memref<624x128xf32, #tpu.memory_space<hbm>>
      %dma_start3A_157 = arith.constant 0 : i32
      %dma_start3A_158 = tpu.memref_slice %arg13[%multiple_of3A, %dma_start3A_157] : memref<10000x128xf32, #tpu.memory_space<vmem_shared>> -> memref<624x128xf32, #tpu.memory_space<vmem_shared>>
      tpu.enqueue_dma source(%dma_start3A_158 : memref<624x128xf32, #tpu.memory_space<vmem_shared>>) target(%dma_start3A_156 : memref<624x128xf32, #tpu.memory_space<hbm>>) target_semaphore(%run_scoped3A_153 : memref<!tpu.dma_semaphore, #tpu.memory_space<semaphore_mem>>)
      %dma_wait3A = arith.constant 0 : i32
      %dma_wait3A_159 = tpu.memref_slice %arg6[%arg0, %multiple_of3A, %dma_wait3A] : memref<2x10000x128xf32, #tpu.memory_space<hbm>> -> memref<1x624x128xf32, #tpu.memory_space<hbm>>
      %dma_wait3A_160 = tpu.memref_squeeze %dma_wait3A_159 : memref<1x624x128xf32, #tpu.memory_space<hbm>> -> memref<624x128xf32, #tpu.memory_space<hbm>>
      %dma_wait3A_161 = arith.constant 0 : i32
      %dma_wait3A_162 = tpu.memref_slice %arg13[%multiple_of3A, %dma_wait3A_161] : memref<10000x128xf32, #tpu.memory_space<vmem_shared>> -> memref<624x128xf32, #tpu.memory_space<vmem_shared>>
      tpu.wait_dma2 semaphore(%run_scoped3A_153 : memref<!tpu.dma_semaphore, #tpu.memory_space<semaphore_mem>>) src(%dma_wait3A_162 : memref<624x128xf32, #tpu.memory_space<vmem_shared>>) dst(%dma_wait3A_160 : memref<624x128xf32, #tpu.memory_space<hbm>>)
      tpu.yield
    }) : () -> ()
    %eq3A_148 = arith.constant 15 : i32
    %eq3A_149 = arith.cmpi eq, %arg1, %eq3A_148 : i32
    %convert_element_type3A_150 = arith.extui %eq3A_149 : i1 to i32
    %cond3A_151 = arith.constant 0 : i32
    %cond3A_152 = arith.cmpi ne, %convert_element_type3A_150, %cond3A_151 : i32
    scf.if %cond3A_152 {
      "tpu.region"() ({
        %run_scoped3A_153 = tpu.sem_alloc : memref<!tpu.dma_semaphore, #tpu.memory_space<semaphore_mem>>
        %dma_start3A_154 = arith.constant 9984 : i32
        %dma_start3A_155 = arith.constant 0 : i32
        %dma_start3A_156 = tpu.memref_slice %arg6[%arg0, %dma_start3A_154, %dma_start3A_155] : memref<2x10000x128xf32, #tpu.memory_space<hbm>> -> memref<1x16x128xf32, #tpu.memory_space<hbm>>
        %dma_start3A_157 = tpu.memref_squeeze %dma_start3A_156 : memref<1x16x128xf32, #tpu.memory_space<hbm>> -> memref<16x128xf32, #tpu.memory_space<hbm>>
        %dma_start3A_158 = arith.constant 9984 : i32
        %dma_start3A_159 = arith.constant 0 : i32
        %dma_start3A_160 = tpu.memref_slice %arg13[%dma_start3A_158, %dma_start3A_159] : memref<10000x128xf32, #tpu.memory_space<vmem_shared>> -> memref<16x128xf32, #tpu.memory_space<vmem_shared>>
        tpu.enqueue_dma source(%dma_start3A_160 : memref<16x128xf32, #tpu.memory_space<vmem_shared>>) target(%dma_start3A_157 : memref<16x128xf32, #tpu.memory_space<hbm>>) target_semaphore(%run_scoped3A_153 : memref<!tpu.dma_semaphore, #tpu.memory_space<semaphore_mem>>)
        %dma_wait3A = arith.constant 9984 : i32
        %dma_wait3A_161 = arith.constant 0 : i32
        %dma_wait3A_162 = tpu.memref_slice %arg6[%arg0, %dma_wait3A, %dma_wait3A_161] : memref<2x10000x128xf32, #tpu.memory_space<hbm>> -> memref<1x16x128xf32, #tpu.memory_space<hbm>>
        %dma_wait3A_163 = tpu.memref_squeeze %dma_wait3A_162 : memref<1x16x128xf32, #tpu.memory_space<hbm>> -> memref<16x128xf32, #tpu.memory_space<hbm>>
        %dma_wait3A_164 = arith.constant 9984 : i32
        %dma_wait3A_165 = arith.constant 0 : i32
        %dma_wait3A_166 = tpu.memref_slice %arg13[%dma_wait3A_164, %dma_wait3A_165] : memref<10000x128xf32, #tpu.memory_space<vmem_shared>> -> memref<16x128xf32, #tpu.memory_space<vmem_shared>>
        tpu.wait_dma2 semaphore(%run_scoped3A_153 : memref<!tpu.dma_semaphore, #tpu.memory_space<semaphore_mem>>) src(%dma_wait3A_166 : memref<16x128xf32, #tpu.memory_space<vmem_shared>>) dst(%dma_wait3A_163 : memref<16x128xf32, #tpu.memory_space<hbm>>)
        tpu.yield
      }) : () -> ()
    } else {
    }
    return
  }
}

module attributes {stable_mosaic.version = 14 : i64} {
  func.func @_edge_mlp_body(%arg0: i32, %arg1: memref<2560x20xf32, #tpu.memory_space<vmem>>, %arg2: memref<20x128xf32, #tpu.memory_space<vmem>>, %arg3: memref<1x128xf32, #tpu.memory_space<vmem>>, %arg4: memref<128x128xf32, #tpu.memory_space<vmem>>, %arg5: memref<1x128xf32, #tpu.memory_space<vmem>>, %arg6: memref<2560x128xf32, #tpu.memory_space<vmem>>) attributes {dimension_semantics = [#tpu.dimension_semantics<arbitrary>], iteration_bounds = array<i64: 128>, scalar_prefetch = 0 : i64, scratch_operands = 0 : i64, tpu.core_type = #tpu.core_type<tc>, window_params = [{transform_indices = @transform_0, window_bounds = array<i64: 2560, 20>}, {pipeline_mode = #tpu.pipeline_mode<synchronous>, transform_indices = @transform_1, window_bounds = array<i64: 20, 128>}, {pipeline_mode = #tpu.pipeline_mode<synchronous>, transform_indices = @transform_2, window_bounds = array<i64: 1, 128>}, {pipeline_mode = #tpu.pipeline_mode<synchronous>, transform_indices = @transform_3, window_bounds = array<i64: 128, 128>}, {pipeline_mode = #tpu.pipeline_mode<synchronous>, transform_indices = @transform_4, window_bounds = array<i64: 1, 128>}, {transform_indices = @transform_5, window_bounds = array<i64: 2560, 128>}]} {
    %get3A = arith.constant 0 : index
    %get3A_0 = arith.constant 0 : index
    %get3A_1 = vector.load %arg1[%get3A, %get3A_0] : memref<2560x20xf32, #tpu.memory_space<vmem>>, vector<2560x20xf32>
    %get3A_2 = arith.constant 0 : index
    %get3A_3 = arith.constant 0 : index
    %get3A_4 = vector.load %arg2[%get3A_2, %get3A_3] : memref<20x128xf32, #tpu.memory_space<vmem>>, vector<20x128xf32>
    %dot_general3A = arith.constant dense<0.000000e+00> : vector<2560x128xf32>
    %dot_general3A_5 = tpu.matmul %get3A_1, %get3A_4, %dot_general3A {dimension_numbers = #tpu.dot_dimension_numbers<[1], [0], [0], [1], [0, 0, 1, 1], [], []>, transpose_lhs_hint = false} : vector<2560x20xf32>, vector<20x128xf32>, vector<2560x128xf32> -> vector<2560x128xf32>
    %get3A_6 = arith.constant 0 : index
    %get3A_7 = arith.constant 0 : index
    %get3A_8 = vector.load %arg3[%get3A_6, %get3A_7] : memref<1x128xf32, #tpu.memory_space<vmem>>, vector<1x128xf32>
    %add3A = vector.broadcast %get3A_8 : vector<1x128xf32> to vector<2560x128xf32>
    %add3A_9 = arith.addf %dot_general3A_5, %add3A : vector<2560x128xf32>
    %logistic3A = arith.negf %add3A_9 : vector<2560x128xf32>
    %logistic3A_10 = math.exp %logistic3A : vector<2560x128xf32>
    %logistic3A_11 = arith.constant 1.000000e+00 : f32
    %logistic3A_12 = vector.broadcast %logistic3A_11 : f32 to vector<2560x128xf32>
    %logistic3A_13 = arith.addf %logistic3A_12, %logistic3A_10 : vector<2560x128xf32>
    %logistic3A_14 = arith.divf %logistic3A_12, %logistic3A_13 : vector<2560x128xf32>
    %mul3A = arith.mulf %add3A_9, %logistic3A_14 : vector<2560x128xf32>
    %get3A_15 = arith.constant 0 : index
    %get3A_16 = arith.constant 0 : index
    %get3A_17 = vector.load %arg4[%get3A_15, %get3A_16] : memref<128x128xf32, #tpu.memory_space<vmem>>, vector<128x128xf32>
    %dot_general3A_18 = arith.constant dense<0.000000e+00> : vector<2560x128xf32>
    %dot_general3A_19 = tpu.matmul %mul3A, %get3A_17, %dot_general3A_18 {dimension_numbers = #tpu.dot_dimension_numbers<[1], [0], [0], [1], [0, 0, 1, 1], [], []>, transpose_lhs_hint = false} : vector<2560x128xf32>, vector<128x128xf32>, vector<2560x128xf32> -> vector<2560x128xf32>
    %get3A_20 = arith.constant 0 : index
    %get3A_21 = arith.constant 0 : index
    %get3A_22 = vector.load %arg5[%get3A_20, %get3A_21] : memref<1x128xf32, #tpu.memory_space<vmem>>, vector<1x128xf32>
    %add3A_23 = vector.broadcast %get3A_22 : vector<1x128xf32> to vector<2560x128xf32>
    %add3A_24 = arith.addf %dot_general3A_19, %add3A_23 : vector<2560x128xf32>
    %swap3A = arith.constant 0 : index
    %swap3A_25 = arith.constant 0 : index
    %swap3A_26 = vector.load %arg6[%swap3A, %swap3A_25] : memref<2560x128xf32, #tpu.memory_space<vmem>>, vector<2560x128xf32>
    tpu.vector_store %arg6[%swap3A, %swap3A_25], %add3A_24 {strides = array<i32>} : memref<2560x128xf32, #tpu.memory_space<vmem>>, vector<2560x128xf32>,
    return
  }
  func.func @transform_0(%arg0: i32) -> (i32, i32) {
    %min3A = arith.constant 124 : i32
    %min3A_0 = arith.minsi %arg0, %min3A : i32
    %c0_i32 = arith.constant 0 : i32
    %c0_i32_1 = arith.constant 0 : i32
    return %min3A_0, %c0_i32 : i32, i32
  }
  func.func @transform_1(%arg0: i32) -> (i32, i32) {
    %c0_i32 = arith.constant 0 : i32
    %c0_i32_0 = arith.constant 0 : i32
    %c0_i32_1 = arith.constant 0 : i32
    return %c0_i32, %c0_i32_0 : i32, i32
  }
  func.func @transform_2(%arg0: i32) -> (i32, i32) {
    %c0_i32 = arith.constant 0 : i32
    %c0_i32_0 = arith.constant 0 : i32
    %c0_i32_1 = arith.constant 0 : i32
    return %c0_i32, %c0_i32_0 : i32, i32
  }
  func.func @transform_3(%arg0: i32) -> (i32, i32) {
    %c0_i32 = arith.constant 0 : i32
    %c0_i32_0 = arith.constant 0 : i32
    %c0_i32_1 = arith.constant 0 : i32
    return %c0_i32, %c0_i32_0 : i32, i32
  }
  func.func @transform_4(%arg0: i32) -> (i32, i32) {
    %c0_i32 = arith.constant 0 : i32
    %c0_i32_0 = arith.constant 0 : i32
    %c0_i32_1 = arith.constant 0 : i32
    return %c0_i32, %c0_i32_0 : i32, i32
  }
  func.func @transform_5(%arg0: i32) -> (i32, i32) {
    %c0_i32 = arith.constant 0 : i32
    %c0_i32_0 = arith.constant 0 : i32
    return %arg0, %c0_i32 : i32, i32
  }
}

module attributes {stable_mosaic.version = 14 : i64} {
  func.func @_node_body(%arg0: i32, %arg1: memref<2000x128xf32, #tpu.memory_space<vmem>>, %arg2: memref<2x2000x128xf32, #tpu.memory_space<vmem>>, %arg3: memref<256x128xf32, #tpu.memory_space<vmem>>, %arg4: memref<1x128xf32, #tpu.memory_space<vmem>>, %arg5: memref<128x128xf32, #tpu.memory_space<vmem>>, %arg6: memref<1x128xf32, #tpu.memory_space<vmem>>, %arg7: memref<1x128xf32, #tpu.memory_space<vmem>>, %arg8: memref<1x128xf32, #tpu.memory_space<vmem>>, %arg9: memref<2000x128xf32, #tpu.memory_space<vmem>>) attributes {dimension_semantics = [#tpu.dimension_semantics<arbitrary>], iteration_bounds = array<i64: 5>, scalar_prefetch = 0 : i64, scratch_operands = 0 : i64, tpu.core_type = #tpu.core_type<tc>, window_params = [{transform_indices = @transform_0, window_bounds = array<i64: 2000, 128>}, {transform_indices = @transform_1, window_bounds = array<i64: 2, 2000, 128>}, {pipeline_mode = #tpu.pipeline_mode<synchronous>, transform_indices = @transform_2, window_bounds = array<i64: 256, 128>}, {pipeline_mode = #tpu.pipeline_mode<synchronous>, transform_indices = @transform_3, window_bounds = array<i64: 1, 128>}, {pipeline_mode = #tpu.pipeline_mode<synchronous>, transform_indices = @transform_4, window_bounds = array<i64: 128, 128>}, {pipeline_mode = #tpu.pipeline_mode<synchronous>, transform_indices = @transform_5, window_bounds = array<i64: 1, 128>}, {pipeline_mode = #tpu.pipeline_mode<synchronous>, transform_indices = @transform_6, window_bounds = array<i64: 1, 128>}, {pipeline_mode = #tpu.pipeline_mode<synchronous>, transform_indices = @transform_7, window_bounds = array<i64: 1, 128>}, {transform_indices = @transform_8, window_bounds = array<i64: 2000, 128>}]} {
    %get3A = arith.constant 0 : index
    %get3A_0 = arith.constant 0 : index
    %get3A_1 = vector.load %arg1[%get3A, %get3A_0] : memref<2000x128xf32, #tpu.memory_space<vmem>>, vector<2000x128xf32>
    %get3A_2 = arith.constant 0 : index
    %get3A_3 = arith.constant 0 : index
    %get3A_4 = arith.constant 0 : index
    %get3A_5 = vector.load %arg2[%get3A_2, %get3A_3, %get3A_4] : memref<2x2000x128xf32, #tpu.memory_space<vmem>>, vector<1x2000x128xf32>
    %get3A_6 = vector.shape_cast %get3A_5 : vector<1x2000x128xf32> to vector<2000x128xf32>
    %get3A_7 = arith.constant 1 : index
    %get3A_8 = arith.constant 0 : index
    %get3A_9 = arith.constant 0 : index
    %get3A_10 = vector.load %arg2[%get3A_7, %get3A_8, %get3A_9] : memref<2x2000x128xf32, #tpu.memory_space<vmem>>, vector<1x2000x128xf32>
    %get3A_11 = vector.shape_cast %get3A_10 : vector<1x2000x128xf32> to vector<2000x128xf32>
    %add3A = arith.addf %get3A_6, %get3A_11 : vector<2000x128xf32>
    %get3A_12 = arith.constant 0 : index
    %get3A_13 = arith.constant 0 : index
    %get3A_14 = vector.load %arg3[%get3A_12, %get3A_13] : memref<256x128xf32, #tpu.memory_space<vmem>>, vector<128x128xf32>
    %dot_general3A = arith.constant dense<0.000000e+00> : vector<2000x128xf32>
    %dot_general3A_15 = tpu.matmul %get3A_1, %get3A_14, %dot_general3A {dimension_numbers = #tpu.dot_dimension_numbers<[1], [0], [0], [1], [0, 0, 1, 1], [], []>, transpose_lhs_hint = false} : vector<2000x128xf32>, vector<128x128xf32>, vector<2000x128xf32> -> vector<2000x128xf32>
    %get3A_16 = arith.constant 128 : index
    %get3A_17 = arith.constant 0 : index
    %get3A_18 = vector.load %arg3[%get3A_16, %get3A_17] : memref<256x128xf32, #tpu.memory_space<vmem>>, vector<128x128xf32>
    %dot_general3A_19 = arith.constant dense<0.000000e+00> : vector<2000x128xf32>
    %dot_general3A_20 = tpu.matmul %add3A, %get3A_18, %dot_general3A_19 {dimension_numbers = #tpu.dot_dimension_numbers<[1], [0], [0], [1], [0, 0, 1, 1], [], []>, transpose_lhs_hint = false} : vector<2000x128xf32>, vector<128x128xf32>, vector<2000x128xf32> -> vector<2000x128xf32>
    %add3A_21 = arith.addf %dot_general3A_15, %dot_general3A_20 : vector<2000x128xf32>
    %get3A_22 = arith.constant 0 : index
    %get3A_23 = arith.constant 0 : index
    %get3A_24 = vector.load %arg4[%get3A_22, %get3A_23] : memref<1x128xf32, #tpu.memory_space<vmem>>, vector<1x128xf32>
    %add3A_25 = vector.broadcast %get3A_24 : vector<1x128xf32> to vector<2000x128xf32>
    %add3A_26 = arith.addf %add3A_21, %add3A_25 : vector<2000x128xf32>
    %logistic3A = arith.negf %add3A_26 : vector<2000x128xf32>
    %logistic3A_27 = math.exp %logistic3A : vector<2000x128xf32>
    %logistic3A_28 = arith.constant 1.000000e+00 : f32
    %logistic3A_29 = vector.broadcast %logistic3A_28 : f32 to vector<2000x128xf32>
    %logistic3A_30 = arith.addf %logistic3A_29, %logistic3A_27 : vector<2000x128xf32>
    %logistic3A_31 = arith.divf %logistic3A_29, %logistic3A_30 : vector<2000x128xf32>
    %mul3A = arith.mulf %add3A_26, %logistic3A_31 : vector<2000x128xf32>
    %get3A_32 = arith.constant 0 : index
    %get3A_33 = arith.constant 0 : index
    %get3A_34 = vector.load %arg5[%get3A_32, %get3A_33] : memref<128x128xf32, #tpu.memory_space<vmem>>, vector<128x128xf32>
    %dot_general3A_35 = arith.constant dense<0.000000e+00> : vector<2000x128xf32>
    %dot_general3A_36 = tpu.matmul %mul3A, %get3A_34, %dot_general3A_35 {dimension_numbers = #tpu.dot_dimension_numbers<[1], [0], [0], [1], [0, 0, 1, 1], [], []>, transpose_lhs_hint = false} : vector<2000x128xf32>, vector<128x128xf32>, vector<2000x128xf32> -> vector<2000x128xf32>
    %add3A_37 = arith.addf %get3A_1, %dot_general3A_36 : vector<2000x128xf32>
    %get3A_38 = arith.constant 0 : index
    %get3A_39 = arith.constant 0 : index
    %get3A_40 = vector.load %arg6[%get3A_38, %get3A_39] : memref<1x128xf32, #tpu.memory_space<vmem>>, vector<1x128xf32>
    %add3A_41 = vector.broadcast %get3A_40 : vector<1x128xf32> to vector<2000x128xf32>
    %add3A_42 = arith.addf %add3A_37, %add3A_41 : vector<2000x128xf32>
    %reduce_sum3A = arith.constant dense<0.000000e+00> : vector<2000xf32>
    %reduce_sum3A_43 = vector.multi_reduction <add>, %add3A_42, %reduce_sum3A [1] : vector<2000x128xf32> to vector<2000xf32>
    %broadcast_in_dim3A = vector.shape_cast %reduce_sum3A_43 : vector<2000xf32> to vector<2000x1xf32>
    %div3A = arith.constant 1.280000e+02 : f32
    %div3A_44 = vector.broadcast %div3A : f32 to vector<2000x1xf32>
    %div3A_45 = arith.divf %broadcast_in_dim3A, %div3A_44 : vector<2000x1xf32>
    %sub3A = vector.broadcast %div3A_45 : vector<2000x1xf32> to vector<2000x128xf32>
    %sub3A_46 = arith.subf %add3A_42, %sub3A : vector<2000x128xf32>
    %integer_pow3A = arith.mulf %sub3A_46, %sub3A_46 : vector<2000x128xf32>
    %reduce_sum3A_47 = arith.constant dense<0.000000e+00> : vector<2000xf32>
    %reduce_sum3A_48 = vector.multi_reduction <add>, %integer_pow3A, %reduce_sum3A_47 [1] : vector<2000x128xf32> to vector<2000xf32>
    %broadcast_in_dim3A_49 = vector.shape_cast %reduce_sum3A_48 : vector<2000xf32> to vector<2000x1xf32>
    %div3A_50 = arith.constant 1.280000e+02 : f32
    %div3A_51 = vector.broadcast %div3A_50 : f32 to vector<2000x1xf32>
    %div3A_52 = arith.divf %broadcast_in_dim3A_49, %div3A_51 : vector<2000x1xf32>
    %sub3A_53 = vector.broadcast %div3A_45 : vector<2000x1xf32> to vector<2000x128xf32>
    %sub3A_54 = arith.subf %add3A_42, %sub3A_53 : vector<2000x128xf32>
    %add3A_55 = arith.constant 9.99999974E-6 : f32
    %add3A_56 = vector.broadcast %add3A_55 : f32 to vector<2000x1xf32>
    %add3A_57 = arith.addf %div3A_52, %add3A_56 : vector<2000x1xf32>
    %sqrt3A = math.sqrt %add3A_57 : vector<2000x1xf32>
    %div3A_58 = vector.broadcast %sqrt3A : vector<2000x1xf32> to vector<2000x128xf32>
    %div3A_59 = arith.divf %sub3A_54, %div3A_58 : vector<2000x128xf32>
    %get3A_60 = arith.constant 0 : index
    %get3A_61 = arith.constant 0 : index
    %get3A_62 = vector.load %arg7[%get3A_60, %get3A_61] : memref<1x128xf32, #tpu.memory_space<vmem>>, vector<1x128xf32>
    %mul3A_63 = vector.broadcast %get3A_62 : vector<1x128xf32> to vector<2000x128xf32>
    %mul3A_64 = arith.mulf %div3A_59, %mul3A_63 : vector<2000x128xf32>
    %get3A_65 = arith.constant 0 : index
    %get3A_66 = arith.constant 0 : index
    %get3A_67 = vector.load %arg8[%get3A_65, %get3A_66] : memref<1x128xf32, #tpu.memory_space<vmem>>, vector<1x128xf32>
    %add3A_68 = vector.broadcast %get3A_67 : vector<1x128xf32> to vector<2000x128xf32>
    %add3A_69 = arith.addf %mul3A_64, %add3A_68 : vector<2000x128xf32>
    %swap3A = arith.constant 0 : index
    %swap3A_70 = arith.constant 0 : index
    %swap3A_71 = vector.load %arg9[%swap3A, %swap3A_70] : memref<2000x128xf32, #tpu.memory_space<vmem>>, vector<2000x128xf32>
    tpu.vector_store %arg9[%swap3A, %swap3A_70], %add3A_69 {strides = array<i32>} : memref<2000x128xf32, #tpu.memory_space<vmem>>, vector<2000x128xf32>,
    return
  }
  func.func @transform_0(%arg0: i32) -> (i32, i32) {
    %c0_i32 = arith.constant 0 : i32
    %c0_i32_0 = arith.constant 0 : i32
    return %arg0, %c0_i32 : i32, i32
  }
  func.func @transform_1(%arg0: i32) -> (i32, i32, i32) {
    %c0_i32 = arith.constant 0 : i32
    %c0_i32_0 = arith.constant 0 : i32
    %c0_i32_1 = arith.constant 0 : i32
    return %c0_i32, %arg0, %c0_i32_0 : i32, i32, i32
  }
  func.func @transform_2(%arg0: i32) -> (i32, i32) {
    %c0_i32 = arith.constant 0 : i32
    %c0_i32_0 = arith.constant 0 : i32
    %c0_i32_1 = arith.constant 0 : i32
    return %c0_i32, %c0_i32_0 : i32, i32
  }
  func.func @transform_3(%arg0: i32) -> (i32, i32) {
    %c0_i32 = arith.constant 0 : i32
    %c0_i32_0 = arith.constant 0 : i32
    %c0_i32_1 = arith.constant 0 : i32
    return %c0_i32, %c0_i32_0 : i32, i32
  }
  func.func @transform_4(%arg0: i32) -> (i32, i32) {
    %c0_i32 = arith.constant 0 : i32
    %c0_i32_0 = arith.constant 0 : i32
    %c0_i32_1 = arith.constant 0 : i32
    return %c0_i32, %c0_i32_0 : i32, i32
  }
  func.func @transform_5(%arg0: i32) -> (i32, i32) {
    %c0_i32 = arith.constant 0 : i32
    %c0_i32_0 = arith.constant 0 : i32
    %c0_i32_1 = arith.constant 0 : i32
    return %c0_i32, %c0_i32_0 : i32, i32
  }
  func.func @transform_6(%arg0: i32) -> (i32, i32) {
    %c0_i32 = arith.constant 0 : i32
    %c0_i32_0 = arith.constant 0 : i32
    %c0_i32_1 = arith.constant 0 : i32
    return %c0_i32, %c0_i32_0 : i32, i32
  }
  func.func @transform_7(%arg0: i32) -> (i32, i32) {
    %c0_i32 = arith.constant 0 : i32
    %c0_i32_0 = arith.constant 0 : i32
    %c0_i32_1 = arith.constant 0 : i32
    return %c0_i32, %c0_i32_0 : i32, i32
  }
  func.func @transform_8(%arg0: i32) -> (i32, i32) {
    %c0_i32 = arith.constant 0 : i32
    %c0_i32_0 = arith.constant 0 : i32
    return %arg0, %c0_i32 : i32, i32
  }
}

</mosaic_0001>

<sc_bundles>
// kernel: kernel.5.cloned.1.call-start
scs
__scs_entry_jumppad:
0x0: {  	(pc) =	sbr.rel $0x88, $3  }
0x1: {  	(tag) =	ssettag $0x0;
	lr =	simm.s32 $0x1  }
0x2: {  	[smem:$0x3F93] =	sst lr;
	_ =	strace $0xD0000000  }
0x3: {  	_ = 	snop  }
0x4: {  	_ = 	snop  }
0x5: {  	_ = 	snop  }
0x6: {  	_ = 	snop  }
0x7: {  	_ = 	snop  }
__scs_overlays_trampoline_lowered:
0x8: {  	[smem:$0x3FA2] =	sst s0  }
0x9: {  	[smem:$0x3FA3] =	sst s1  }
0xa: {  	[smem:$0x3FA4] =	sst s2  }
0xb: {  	[smem:$0x3FA5] =	sst s3  }
0xc: {  	[smem:$0x3FA6] =	sst s4  }
0xd: {  	[smem:$0x3FA7] =	sst s5  }
0xe: {  	[smem:$0x3FA8] =	sst s6  }
0xf: {  	[smem:$0x3FA9] =	sst s7  }
0x10: {  	[smem:$0x3FAA] =	sst s8  }
0x11: {  	[smem:$0x3FAB] =	sst s9;
	s0 =	simm.s32 @!p0 $0x0  }
0x12: {  	s1 =	sld [smem:$0x3F91];
	s0 =	simm.s32 @p0 $0x1  }
0x13: {  	[smem:$0x3FAC] =	sst s0;
	s0 =	simm.s32 @!p1 $0x0  }
0x14: {  	s2 =	sld [smem:$0x3F90];
	s0 =	simm.s32 @p1 $0x1  }
0x15: {  	[smem:$0x3FAD] =	sst s0;
	s0 =	simm.s32 @!p2 $0x0  }
0x16: {  	s3 =	sld [smem:$0x3FDB];
	s0 =	simm.s32 @p2 $0x1  }
0x17: {  	s4 =	simm.s32 $0x1BF5;
	[smem:$0x3FAF] =	sst s0  }
0x18: {  	s0 =	sld [smem:$0x3F92];
	_ =	swait.ge [sflag:s4], $0x0  }
0x19: {  	s7 =	sld [smem:$0x3F93]  }
0x1a: {  	s8 =	sadd.s32 $0xFFFFE003, lr  }
0x1b: {  	s9 =	sadd.s32 $0xFFFFFEF7, lr;
	s5 =	simm.s32 $0xFFFFFFFF;
	p2 =	slt.u32 s8, $0xFFFFF086  }
0x1c: {  	p1 =	slt.u32 s9, $0xF7A;
	s5 =	simm.s32 @!p2 $0x0  }
0x1d: {  	s5 =	simm.s32 @p1 $0x1;
	p0 =	seq.s32 s7, s2  }
0x1e: {  	s7 =	smul.u32 @!p0 $0xF7A, s2;
	p2 =	seq.s32 @!p0 s5, $0x0  }
0x1f: {  	s9 =	smul.u32 $0xF7A, s1;
	s8 =	simm.s32 @!p0 $0x1BF5;
	p2 =	por !p2, p0  }
0x20: {  	[sflag:s8] =	ssyncset.s32 @!p0 $0xFFFFF086;
	s6 =	sadd.s32 @!p0 s3, s7;
	s7 =	simm.s32 @!p0 $0x108  }
0x21: {  	s3 =	sadd.s32 s3, s9;
	s6 =	sadd.s32 @!p0 $0x88, s6;
	s7 =	simm.s32 @p2 $0x1082  }
0x22: {  	[simem:s7], [sflag:s8] =	dma.local @!p0 [hbm:s6], $0xF7A  }
0x23: {  	s9 =	sor.u32 $0xD0000000, s2;
	s6 =	simm.s32 $0x108;
	_ =	swait.ge @!p0 [sflag:s8], $0x0  }
0x24: {  	s3 =	sadd.s32 $0x88, s3;
	s6 =	simm.s32 @!p1 $0x1082;
	[sflag:s4] =	ssyncset.s32 $0xFFFFF086  }
0x25: {  	[simem:s6], [sflag:s4] =	dma.local [hbm:s3], $0xF7A  }
0x26: {  	[smem:$0x3F93] =	sst s1;
	(tag) =	ssettag s2;
	_ =	strace s9  }
0x27: {  	s1 =	sld [smem:$0x3FA3]  }
0x28: {  	s2 =	sld [smem:$0x3FA4]  }
0x29: {  	s4 =	sld [smem:$0x3FA6]  }
0x2a: {  	p0 =	seq.s32 s5, $0x0;
	s5 =	sld [smem:$0x3FA7]  }
0x2b: {  	s6 =	sld [smem:$0x3FA8]  }
0x2c: {  	s7 =	sld [smem:$0x3FA9]  }
0x2d: {  	s3 =	simm.s32 $0x108;
	s8 =	sld [smem:$0x3FAA]  }
0x2e: {  	s3 =	simm.s32 @!p0 $0x1082;
	s9 =	sld [smem:$0x3FAB]  }
0x2f: {  	lr =	sadd.s32 s0, s3;
	s0 =	sld [smem:$0x3FA2]  }
0x30: {  	s3 =	sld [smem:$0x3FA5]  }
0x31: {  	[smem:$0x3FAE] =	sst s10  }
0x32: {  	s10 =	sld [smem:$0x3FAC];
	_ =	sdelay $0x3  }
0x33: {  	p0 =	seq.s32 s10, $0x1;
	s10 =	sld [smem:$0x3FAE];
	_ =	sdelay $0x3  }
0x34: {  	[smem:$0x3FAE] =	sst s10  }
0x35: {  	s10 =	sld [smem:$0x3FAD];
	_ =	sdelay $0x3  }
0x36: {  	p1 =	seq.s32 s10, $0x1;
	s10 =	sld [smem:$0x3FAE];
	_ =	sdelay $0x3  }
0x37: {  	[smem:$0x3FAE] =	sst s10  }
0x38: {  	s10 =	sld [smem:$0x3FAF]  }
0x39: {  	_ = 	snop;
	(pc) =	sbr.ind lr, $3  }
0x3a: {  	_ = 	snop  }
0x3b: {  	_ = 	snop  }
0x3c: {  	p2 =	seq.s32 s10, $0x1;
	s10 =	sld [smem:$0x3FAE]  }
0x3d: {  	_ =	shalt  }
0x3e: {  	_ =	shalt  }
0x3f: {  	_ =	shalt  }
0x40: {  	_ =	shalt  }
0x41: {  	_ =	shalt  }
0x42: {  	_ =	shalt  }
0x43: {  	_ =	shalt  }
0x44: {  	_ =	shalt  }
0x45: {  	_ =	shalt  }
0x46: {  	_ =	shalt  }
0x47: {  	_ =	shalt  }
0x48: {  	_ =	shalt  }
0x49: {  	_ =	shalt  }
0x4a: {  	_ =	shalt  }
0x4b: {  	_ =	shalt  }
0x4c: {  	_ =	shalt  }
0x4d: {  	_ =	shalt  }
0x4e: {  	_ =	shalt  }
0x4f: {  	_ =	shalt  }
0x50: {  	_ =	shalt  }
0x51: {  	_ =	shalt  }
0x52: {  	_ =	shalt  }
0x53: {  	_ =	shalt  }
0x54: {  	_ =	shalt  }
0x55: {  	_ =	shalt  }
0x56: {  	_ =	shalt  }
0x57: {  	_ =	shalt  }
0x58: {  	_ =	shalt  }
0x59: {  	_ =	shalt  }
0x5a: {  	_ =	shalt  }
0x5b: {  	_ =	shalt  }
0x5c: {  	_ =	shalt  }
0x5d: {  	_ =	shalt  }
0x5e: {  	_ =	shalt  }
0x5f: {  	_ =	shalt  }
0x60: {  	_ =	shalt  }
0x61: {  	_ =	shalt  }
0x62: {  	_ =	shalt  }
0x63: {  	_ =	shalt  }
0x64: {  	_ =	shalt  }
0x65: {  	_ =	shalt  }
0x66: {  	_ =	shalt  }
0x67: {  	_ =	shalt  }
0x68: {  	_ =	shalt  }
0x69: {  	_ =	shalt  }
0x6a: {  	_ =	shalt  }
0x6b: {  	_ =	shalt  }
0x6c: {  	_ =	shalt  }
0x6d: {  	_ =	shalt  }
0x6e: {  	_ =	shalt  }
0x6f: {  	_ =	shalt  }
0x70: {  	_ =	shalt  }
0x71: {  	_ =	shalt  }
0x72: {  	_ =	shalt  }
0x73: {  	_ =	shalt  }
0x74: {  	_ =	shalt  }
0x75: {  	_ =	shalt  }
0x76: {  	_ =	shalt  }
0x77: {  	_ =	shalt  }
0x78: {  	_ =	shalt  }
0x79: {  	_ =	shalt  }
0x7a: {  	_ =	shalt  }
0x7b: {  	_ =	shalt  }
0x7c: {  	_ =	shalt  }
0x7d: {  	_ =	shalt  }
0x7e: {  	_ =	shalt  }
0x7f: {  	_ =	shalt  }
0x80: {  	_ =	shalt  }
0x81: {  	_ =	shalt  }
0x82: {  	_ =	shalt  }
0x83: {  	_ =	shalt  }
0x84: {  	_ =	shalt  }
0x85: {  	_ =	shalt  }
0x86: {  	_ =	shalt  }
0x87: {  	_ =	shalt  }
.Lfunc_end0:
.L_simem_size_0:
called_computation_lowered:
.L_overlay_start_0:
0x88: {  	s2 =	sld [smem:$0x3FD9]  }
0x89: {  	s3 =	sld [smem:$0x3FFE];
	_ =	sdelay $0x1  }
0x8a: {  	s1 =	srdreg.scid  }
0x8b: {  	s0 =	sand.u32 $0x1, s1  }
0x8c: {  	s17 =	sshll.u32 s0, $0xA;
	s2 =	sadd.s32 s3, s2  }
0x8d: {  	s2 =	sadd.s32 s2, s17  }
0x8e: {  	[smem:$0x3FBA] =	sst s2  }
0x8f: {  	_ = 	snop  }
0x90: {  	s2 =	sld [smem:$0x3FC9]  }
0x91: {  	s18 =	sld [smem:$0x3FD0];
	(tm) =	ssettm $0x1  }
0x92: {  	s4 =	sld [smem:$0x3FFB];
	_ =	sdelay $0x3  }
0x93: {  	_ =	strace s4  }
0x94: {  	s4 =	sld [smem:$0x3FFC];
	_ =	sdelay $0x3  }
0x95: {  	_ =	strace s4  }
0x96: {  	s4 =	sld [smem:$0x3FFD];
	_ =	sdelay $0x3  }
0x97: {  	_ =	strace s4  }
0x98: {  	_ =	strace $0x8FFFFFFF  }
0x99: {  	s19 =	sld [smem:$0x3FDB];
	_ =	sdelay $0x1  }
0x9a: {  	s5 =	simm.s32 $_scs_section_size  }
0x9b: {  	s6 =	simm.s32 $_size__tile_overlayer_lowered;
	s7 =	simm.s32 $_tile_overlayer_lowered  }
0x9c: {  	s22 =	simm.s32 $0x1BFF;
	s21 =	sshll.u32 s7, $0x1;
	s4 =	sadd.s32 s5, s19  }
0x9d: {  	s8 =	simm.s32 $0x0;
	s20 =	sshll.u32 s6, $0x1;
	s6 =	sadd.s32 s21, s4  }
0x9e: {  	[timem:s8], [sflag:s22] =	dma.local [hbm:s6], s20  }
0x9f: {  	_ =	swait.ge [sflag:s22], s20  }
0xa0: {  	s5 =	ssub.s32 $0x0, s20;
	[sflag:s22] =	ssyncset.done $0x0  }
0xa1: {  	[sflag:s22] =	ssyncadd.s32 s5;
	_ =	sdelay $0x1  }
0xa2: {  	s23 =	simm.s32 $0x1B8B  }
0xa3: {  	_ =	swait.ge [sflag:s23], $0x1  }
0xa4: {  	[sflag:s23] =	ssyncset.done $0x0  }
0xa5: {  	s25 =	simm.s32 $0x1B8E;
	s24 =	sld [smem:$0x3FFE];
	[sflag:s23] =	ssyncadd.s32 $0xFFFFFFFF  }
0xa6: {  	s26 =	simm.s32 $execute0_lowered;
	[smem:$0x3FD2] =	sst s25  }
0xa7: {  	s6 =	sshll.u32 s26, $0x1;
	_ =	strace $0x80000046;
	[dreg:$0x1] =	wrdreg $0xFFFFFFFF  }
0xa8: {  	s28 =	simm.s32 $_size_execute0_lowered;
	s4 =	sadd.s32 s4, s6;
	[dreg:$0x0] =	wrdreg $0x0  }
0xa9: {  	s6 =	sshll.u32 s28, $0x1;
	[dreg:$0x2] =	wrdreg s4  }
0xaa: {  	[dreg:$0x3] =	wrdreg s6  }
0xab: {  	[dreg:$0x4] =	wrdreg $0xC0  }
0xac: {  	_ =	task [dreg:s8], $0x5FFFF  }
0xad: {  	[dreg:$0x1] =	wrdreg $0xFFFFFFFF  }
0xae: {  	[dreg:$0x0] =	wrdreg $0x60  }
0xaf: {  	[dreg:$0x2] =	wrdreg s2  }
0xb0: {  	[dreg:$0x3] =	wrdreg s18  }
0xb1: {  	[dreg:$0x4] =	wrdreg s24  }
0xb2: {  	[dreg:$0x5] =	wrdreg $0xA0000  }
0xb3: {  	[dreg:$0x6] =	wrdreg $0x9  }
0xb4: {  	_ =	task.clear_ibuf [dreg:s8], $0x7FFFF;
	_ =	strace $0x90000046  }
0xb5: {  	s29 =	simm.s32 $0x9;
	_ =	strace $0x80000048  }
0xb6: {  	_ =	swait.ge [sflag:s29], $0x1  }
0xb7: {  	[sflag:s29] =	ssyncadd.s32 $0xFFFFFFFF  }
0xb8: {  	_ =	strace $0x90000048  }
0xb9: {  	_ =	sfence  }
0xba: {  	s30 =	sld [smem:$0x0];
	_ =	sdelay $0x2  }
0xbb: {  	s31 =	sshll.u32 s1, $0xD;
	s1 =	sshrl.u32 s1, $0x2  }
0xbc: {  	s3 =	sand.u32 $0x4000, s31;
	s1 =	sadd.s32 s1, s30  }
0xbd: {  	s0 =	sor.u32 s3, s0;
	s1 =	sshll.u32 s1, $0x11  }
0xbe: {  	s0 =	sor.u32 s1, s0  }
0xbf: {  	s0 =	sadd.s32 $0x8F2B, s0  }
0xc0: {  	[sflag:s0] =	ssyncadd.remote.s32 $0x1  }
0xc1: {  	_ =	sfence.sel $0xFFFF  }
0xc2: {  	[dreg:$0x0] =	wrdreg $0xFFFFFFFF;
	(pc) =	sbr.abs _section_cstart, $3  }
0xc3: {  	[dreg:$0x1] =	wrdreg $0xFFFFFFFF  }
0xc4: {  	_ =	task.clear_ibuf [dreg:s8], $0x2FFFF;
	_ =	strace $0x9FFFFFFF  }
0xc5: {  	(tm) =	ssettm $0x7FFFFFFF  }
tec
execute0_lowered:
.L_overlay_start_1:
0x0: {  	(tag) =	ssettag $0x1  }
0x1: {  	s1 =	rddreg [dreg:$0x0]  }
0x2: {  	s0 =	rddreg [dreg:$0x1]  }
0x3: {  	s3 =	rddreg [dreg:$0x2]  }
0x4: {  	s2 =	rddreg [dreg:$0x3]  }
0x5: {  	s4 =	simm.s32 $0x0;
	s5 =	srdreg.scid;
	s16 =	stileid.u32  }
0x6: {  	[smem:$0x7FF] =	sst s4;
	s7 =	sand.u32 $0x1, s5;
	s8 =	smul.u32 $0x4E000, s16  }
0x7: {  	s9 =	sadd.s32 $0x1400, s3;
	s5 =	sadd.s32 $0x4F7400, s3;
	s3 =	sadd.s32 $0x15400, s3  }
0x8: {  	s15 =	smul.u32 $0x13800, s16;
	p2 =	sne.s32 s16, $0xF;
	_ =	strace $0x80000047  }
0x9: {  	s6 =	sshll.u32 s7, $0x4;
	s11 =	ssub.s32 $0x2, s7;
	s7 =	smul.u32 $0x138800, s7  }
0xa: {  	s10 =	sor.u32 s16, s6;
	s21 =	sshrl.u32 s8, $0x2;
	s12 =	sshrl.u32 s11, $0x1  }
0xb: {  	s16 =	simm.s32 $0x8000;
	s22 =	smul.u32 $0x5000, s10;
	s6 =	sadd.s32 s21, s2  }
0xc: {  	s11 =	ssub.s32 s11, s12;
	s28 =	smul.u32 $0x28000, s10;
	s19 =	sadd.s32 s15, s7  }
0xd: {  	s7 =	sshrl.u32 s7, $0x3;
	p0 =	sne.s32 s10, $0x1F;
	s23 =	sadd.s32 $0x2000, s6  }
0xe: {  	p1 =	seq.s32 s10, $0x1F;
	s24 =	sadd.s32 $0x4000, s6;
	[dreg:$0x5] =	wrdreg s23  }
0xf: {  	s15 =	simm.s32 $0x4000;
	s20 =	sadd.s32 $0x6000, s6;
	[dreg:$0x6] =	wrdreg s24  }
0x10: {  	s21 =	sadd.s32 s3, s7;
	s8 =	sshrl.u32 s22, $0x3;
	[dreg:$0x11] =	wrdreg s20  }
0x11: {  	s24 =	sadd.s32 $0x8000, s6;
	s22 =	sadd.s32 s5, s28;
	s23 =	smul.u32 $0x140000, s10  }
0x12: {  	s28 =	sadd.s32 $0xC000, s6;
	s10 =	simm.s32 $0x2000;
	[dreg:$0x13] =	wrdreg s24  }
0x13: {  	s20 =	simm.s32 $0x2;
	s25 =	sadd.s32 s0, s8;
	[dreg:$0x17] =	wrdreg s28  }
0x14: {  	s26 =	sadd.s32 $0x200, s8;
	s13 =	sadd.s32 s9, s8;
	[dreg:$0x7] =	wrdreg s25  }
0x15: {  	s29 =	sadd.s32 $0x400, s8;
	[dreg:$0x8] =	wrdreg s13;
	s14 =	sadd.s32 s0, s26  }
0x16: {  	s31 =	sadd.s32 $0x600, s8;
	s12 =	sadd.s32 s9, s26;
	[dreg:$0x9] =	wrdreg s14  }
0x17: {  	s8 =	sadd.s32 $0x800, s8;
	s30 =	sadd.s32 s0, s29;
	[dreg:$0xa] =	wrdreg s12  }
0x18: {  	s7 =	sadd.s32 $0x10000, s22;
	s17 =	sadd.s32 s0, s31;
	[dreg:$0xb] =	wrdreg s30  }
0x19: {  	s18 =	sadd.s32 s9, s31;
	s0 =	sadd.s32 s0, s8;
	[dreg:$0xd] =	wrdreg s17  }
0x1a: {  	s8 =	sadd.s32 s9, s8;
	s25 =	smax.u32 s11, $0x1;
	[dreg:$0xe] =	wrdreg s18  }
0x1b: {  	s26 =	sadd.s32 $0xA000, s6;
	s31 =	sadd.s32 $0x12000, s6;
	[dreg:$0xf] =	wrdreg s0  }
0x1c: {  	s11 =	simm.s32 $0x5;
	s13 =	simm.s32 $0x40;
	[dreg:$0x10] =	wrdreg s8  }
0x1d: {  	s12 =	sadd.s32 s9, s29;
	s0 =	sshrl.u32 s19, $0x3;
	[dreg:$0x15] =	wrdreg s25  }
0x1e: {  	[dreg:$0x16] =	wrdreg s26;
	s29 =	sadd.s32 $0xE000, s6;
	s30 =	sadd.s32 $0x10000, s6  }
0x1f: {  	[dreg:$0x1a] =	wrdreg s31;
	s8 =	sadd.s32 $0x18000, s22;
	s9 =	sadd.s32 $0x20000, s22  }
0x20: {  	s14 =	simm.s32 $0x6000;
	s17 =	simm.s32 $0x1;
	[dreg:$0xc] =	wrdreg s12  }
0x21: {  	s18 =	simm.s32 $0x3;
	s19 =	simm.s32 $0x6;
	[dreg:$0x18] =	wrdreg s29  }
0x22: {  	s0 =	sadd.s32 s3, s0;
	[dreg:$0x19] =	wrdreg s30;
	s3 =	sadd.s32 $0x8000, s22  }
0x23: {  	s12 =	simm.s32 $0x1000;
	[dreg:$0x12] =	wrdreg s0;
	s0 =	sadd.s32 $0x27000, s21  }
0x24: {  	v0 =	vimm.f32 $0.0e+00;
	s21 =	simm.s32 $0x4;
	[dreg:$0x14] =	wrdreg s0;
	s0 =	sadd.s32 $0x138000, s2  }
.LBB2_1:
0x25: {  	s24 =	simm.s32 $0x0;
	s25 =	simm.s32 $0x200  }
.LBB2_2:
0x26: {  	p3 =	sne.s32 s25, $0x7E00;
	[tilespmem:s24+$0x2070] =	vst v0  }
0x27: {  	[tilespmem:s24+$0x2000] =	vst v0  }
0x28: {  	[tilespmem:s24+$0x2010] =	vst v0  }
.Ltmp0:
0x29: {  	[tilespmem:s24+$0x2020] =	vst v0;
	(pc) =	sbr.rel @p3 .LBB2_2-.Ltmp0, $4  }
0x2a: {  	[tilespmem:s24+$0x2030] =	vst v0  }
0x2b: {  	[tilespmem:s24+$0x2040] =	vst v0  }
0x2c: {  	[tilespmem:s24+$0x2050] =	vst v0  }
0x2d: {  	[tilespmem:s24+$0x2060] =	vst v0;
	s24 =	sshra.s32 s25, $0x2;
	s25 =	sadd.s32 $0x200, s25  }
0x2e: {  	[tilespmem:s24+$0x2070] =	vst v0  }
0x2f: {  	[tilespmem:s24+$0x2000] =	vst v0  }
0x30: {  	[tilespmem:s24+$0x2010] =	vst v0  }
0x31: {  	[tilespmem:s24+$0x2020] =	vst v0  }
0x32: {  	[tilespmem:s24+$0x2030] =	vst v0  }
0x33: {  	[tilespmem:s24+$0x2040] =	vst v0  }
0x34: {  	[tilespmem:s24+$0x2050] =	vst v0  }
0x35: {  	[tilespmem:s24+$0x2060] =	vst v0  }
0x36: {  	[spmem:s6] =	stream.linear.scatter [tilespmem:s10], [sflag:$0x5], $0x2000, $0x38;
	[tilespmem:$0x1D880] =	vst v63  }
0x37: {  	_ =	swait.ge [sflag:s11], $0x2000  }
0x38: {  	[sflag:s11] =	ssyncset.done $0x0  }
0x39: {  	s28 =	rddreg [dreg:$0x5];
	[sflag:s11] =	ssyncadd.s32 $0xFFFFE000  }
0x3a: {  	[spmem:s28] =	stream.linear.scatter [tilespmem:s10], [sflag:$0x5], $0x2000, $0x38;
	[tilespmem:$0x1D880] =	vst v63  }
0x3b: {  	_ =	swait.ge [sflag:s11], $0x2000  }
0x3c: {  	[sflag:s11] =	ssyncset.done $0x0  }
0x3d: {  	s29 =	rddreg [dreg:$0x6];
	[sflag:s11] =	ssyncadd.s32 $0xFFFFE000  }
0x3e: {  	[spmem:s29] =	stream.linear.scatter [tilespmem:s10], [sflag:$0x5], $0x2000, $0x38;
	[tilespmem:$0x1D880] =	vst v63  }
0x3f: {  	_ =	swait.ge [sflag:s11], $0x2000  }
0x40: {  	[sflag:s11] =	ssyncset.done $0x0  }
0x41: {  	s30 =	rddreg [dreg:$0x11];
	[sflag:s11] =	ssyncadd.s32 $0xFFFFE000  }
0x42: {  	[spmem:s30] =	stream.linear.scatter [tilespmem:s10], [sflag:$0x5], $0x2000, $0x38;
	[tilespmem:$0x1D880] =	vst v63  }
0x43: {  	_ =	swait.ge [sflag:s11], $0x2000  }
0x44: {  	[sflag:s11] =	ssyncset.done $0x0  }
0x45: {  	s31 =	rddreg [dreg:$0x13];
	[sflag:s11] =	ssyncadd.s32 $0xFFFFE000  }
0x46: {  	[spmem:s31] =	stream.linear.scatter [tilespmem:s10], [sflag:$0x5], $0x2000, $0x38;
	[tilespmem:$0x1D880] =	vst v63  }
0x47: {  	_ =	swait.ge [sflag:s11], $0x2000  }
0x48: {  	[sflag:s11] =	ssyncset.done $0x0  }
0x49: {  	s25 =	rddreg [dreg:$0x16];
	[sflag:s11] =	ssyncadd.s32 $0xFFFFE000  }
0x4a: {  	[spmem:s25] =	stream.linear.scatter [tilespmem:s10], [sflag:$0x5], $0x2000, $0x38;
	[tilespmem:$0x1D880] =	vst v63  }
0x4b: {  	_ =	swait.ge [sflag:s11], $0x2000  }
0x4c: {  	[sflag:s11] =	ssyncset.done $0x0  }
0x4d: {  	s26 =	rddreg [dreg:$0x17];
	[sflag:s11] =	ssyncadd.s32 $0xFFFFE000  }
0x4e: {  	[spmem:s26] =	stream.linear.scatter [tilespmem:s10], [sflag:$0x5], $0x2000, $0x38;
	[tilespmem:$0x1D880] =	vst v63  }
0x4f: {  	_ =	swait.ge [sflag:s11], $0x2000  }
0x50: {  	[sflag:s11] =	ssyncset.done $0x0  }
0x51: {  	s28 =	rddreg [dreg:$0x18];
	[sflag:s11] =	ssyncadd.s32 $0xFFFFE000  }
0x52: {  	[spmem:s28] =	stream.linear.scatter [tilespmem:s10], [sflag:$0x5], $0x2000, $0x38;
	[tilespmem:$0x1D880] =	vst v63  }
0x53: {  	_ =	swait.ge [sflag:s11], $0x2000  }
0x54: {  	[sflag:s11] =	ssyncset.done $0x0  }
0x55: {  	s29 =	rddreg [dreg:$0x19];
	[sflag:s11] =	ssyncadd.s32 $0xFFFFE000  }
0x56: {  	[spmem:s29] =	stream.linear.scatter [tilespmem:s10], [sflag:$0x5], $0x2000, $0x38;
	[tilespmem:$0x1D880] =	vst v63  }
0x57: {  	_ =	swait.ge [sflag:s11], $0x2000  }
0x58: {  	[sflag:s11] =	ssyncset.done $0x0  }
0x59: {  	s30 =	rddreg [dreg:$0x1a];
	[sflag:s11] =	ssyncadd.s32 $0xFFFFE000  }
0x5a: {  	[spmem:s30] =	stream.linear.scatter [tilespmem:s10], [sflag:$0x5], $0x1800, $0x38;
	[tilespmem:$0x1D880] =	vst v63  }
0x5b: {  	_ =	swait.ge [sflag:s11], $0x1800  }
0x5c: {  	[sflag:s11] =	ssyncset.done $0x0  }
0x5d: {  	s24 =	simm.s32 @!p2 $0x2000;
	[sflag:s11] =	ssyncadd.s32 $0xFFFFE800  }
0x5e: {  	[spmem:s0] =	stream.linear.scatter @!p2 [tilespmem:s24], [sflag:$0x5], $0x800, $0x38;
	[tilespmem:$0x1D880] =	vst v63  }
0x5f: {  	s24 =	simm.s32 @!p2 $0x5  }
0x60: {  	_ =	swait.ge @!p2 [sflag:s24], $0x800  }
0x61: {  	[sflag:s24] =	ssyncset.done @!p2 $0x0  }
0x62: {  	[sflag:s24] =	ssyncadd.s32 @!p2 $0xFFFFF800  }
0x63: {  	[bflag:$0x0] =	sbarrier.arrive $0xFFFF  }
0x64: {  	s24 =	simm.s32 $0x0;
	s25 =	rddreg [dreg:$0x7]  }
0x65: {  	[tilespmem:s24], [sflag:$0x5] =	stream.linear.gather [hbm4b:s25+s24], $0x1000, $0x38;
	[tilespmem:$0x1D880] =	vst v63  }
0x66: {  	_ =	swait.ge [sflag:s11], $0x1000  }
0x67: {  	[sflag:s11] =	ssyncset.done $0x0  }
0x68: {  	s31 =	rddreg [dreg:$0x8];
	[sflag:s11] =	ssyncadd.s32 $0xFFFFF000  }
0x69: {  	[tilespmem:s12], [sflag:$0x5] =	stream.linear.gather [hbm4b:s31+s24], $0x1000, $0x38;
	[tilespmem:$0x1D880] =	vst v63  }
0x6a: {  	_ =	swait.ge [sflag:s11], $0x1000  }
0x6b: {  	[sflag:s11] =	ssyncset.done $0x0  }
0x6c: {  	[sflag:s11] =	ssyncadd.s32 $0xFFFFF000  }
0x6d: {  	[tilespmem:s10], [sflag:$0x1] =	stream.indirect.gather [hbm4b:s1+s13], $0x80, s24, s13, $0xb8;
	[tilespmem:$0x1D880] =	vst v63  }
0x6e: {  	s26 =	simm.s32 $0x0  }
0x6f: {  	[tilespmem:s14], [sflag:$0x3] =	stream.linear.gather [hbm4b:s22+s24], $0x2000, $0x38;
	[tilespmem:$0x1D880] =	vst v63  }
.LBB2_4:
0x70: {  	s28 =	sshllo.u32 s26, $0x1  }
0x71: {  	s25 =	sshll.u32 s28, $0x7;
	s28 =	sshll.u32 s28, $0xD  }
0x72: {  	[tilespmem:s15], [sflag:$0x2] =	stream.indirect.gather [hbm4b:s1+s13], $0x80, s25, s13, $0xb8;
	[tilespmem:$0x1D880] =	vst v63  }
0x73: {  	s28 =	sadd.s32 s23, s28  }
0x74: {  	s28 =	sshrl.u32 s28, $0x3  }
0x75: {  	s28 =	sadd.s32 s5, s28  }
0x76: {  	[tilespmem:s16], [sflag:$0x4] =	stream.linear.gather [hbm4b:s28+s24], $0x2000, $0x38;
	[tilespmem:$0x1D880] =	vst v63  }
0x77: {  	_ =	swait.ge [sflag:s17], $0x2000  }
0x78: {  	[sflag:s17] =	ssyncset.done $0x0  }
0x79: {  	[sflag:s17] =	ssyncadd.s32 $0xFFFFE000  }
0x7a: {  	_ =	swait.ge [sflag:s18], $0x2000  }
0x7b: {  	[sflag:s18] =	ssyncset.done $0x0  }
0x7c: {  	s28 =	simm.s32 $0x0;
	[sflag:s18] =	ssyncadd.s32 $0xFFFFE000  }
0x7d: {  	v8 =	vld [tilespmem:s28+$0x6000]  }
0x7e: {  	v12 =	vld [tilespmem:s28+$0x6010]  }
0x7f: {  	v6 =	vld [tilespmem:s28+$0x6020]  }
0x80: {  	v5 =	vld [tilespmem:s28+$0x6030]  }
0x81: {  	v4 =	vld [tilespmem:s28+$0x6040]  }
0x82: {  	v3 =	vld [tilespmem:s28+$0x6050]  }
0x83: {  	v2 =	vld [tilespmem:s28+$0x6060]  }
0x84: {  	v1 =	vld [tilespmem:s28+$0x6070]  }
0x85: {  	v13 =	vld [tilespmem:s28+$0x2000]  }
0x86: {  	v14 =	vld [tilespmem:s28+$0x2010]  }
0x87: {  	v11 =	vld [tilespmem:s28+$0x2020]  }
0x88: {  	v10 =	vld [tilespmem:s28+$0x2030]  }
0x89: {  	v9 =	vld [tilespmem:s28+$0x2040]  }
0x8a: {  	v7 =	vld [tilespmem:s28+$0x2050];
	v13 =	vmul.f32 v8, v13  }
0x8b: {  	s29 =	sshll.u32 s26, $0x1;
	s30 =	simm.s32 $0x200;
	v12 =	vmul.f32 v12, v14;
	v8 =	vld [tilespmem:s28+$0x2060]  }
.LBB2_5:
0x8c: {  	s31 =	sshra.s32 s30, $0x2;
	p3 =	sne.s32 s30, $0x7E00;
	[tilespmem:s28+$0x2000] =	vst v13;
	v6 =	vmul.f32 v6, v11;
	v11 =	vld [tilespmem:s28+$0x2070]  }
0x8d: {  	v13 =	vld [tilespmem:s31+$0x6000];
	[tilespmem:s28+$0x2010] =	vst v12;
	v5 =	vmul.f32 v5, v10  }
0x8e: {  	v12 =	vld [tilespmem:s31+$0x6010];
	[tilespmem:s28+$0x2020] =	vst v6;
	v4 =	vmul.f32 v4, v9  }
0x8f: {  	v6 =	vld [tilespmem:s31+$0x6020];
	[tilespmem:s28+$0x2030] =	vst v5;
	v3 =	vmul.f32 v3, v7  }
0x90: {  	v5 =	vld [tilespmem:s31+$0x6030];
	[tilespmem:s28+$0x2040] =	vst v4;
	v2 =	vmul.f32 v2, v8  }
0x91: {  	v4 =	vld [tilespmem:s31+$0x6040];
	[tilespmem:s28+$0x2050] =	vst v3;
	v1 =	vmul.f32 v1, v11  }
0x92: {  	v3 =	vld [tilespmem:s31+$0x6050];
	[tilespmem:s28+$0x2060] =	vst v2  }
0x93: {  	v2 =	vld [tilespmem:s31+$0x6060];
	[tilespmem:s28+$0x2070] =	vst v1;
	s28 =	smov.u32 s31  }
0x94: {  	v1 =	vld [tilespmem:s28+$0x6070]  }
0x95: {  	v7 =	vld [tilespmem:s28+$0x2000]  }
0x96: {  	v8 =	vld [tilespmem:s28+$0x2010]  }
.Ltmp1:
0x97: {  	v11 =	vld [tilespmem:s28+$0x2020];
	(pc) =	sbr.rel @p3 .LBB2_5-.Ltmp1, $4  }
0x98: {  	v10 =	vld [tilespmem:s28+$0x2030]  }
0x99: {  	v9 =	vld [tilespmem:s28+$0x2040]  }
0x9a: {  	v13 =	vmul.f32 v13, v7;
	v7 =	vld [tilespmem:s28+$0x2050]  }
0x9b: {  	s30 =	sadd.s32 $0x200, s30;
	v12 =	vmul.f32 v12, v8;
	v8 =	vld [tilespmem:s28+$0x2060]  }
0x9c: {  	[tilespmem:s28+$0x2000] =	vst v13;
	v6 =	vmul.f32 v6, v11;
	v11 =	vld [tilespmem:s28+$0x2070]  }
0x9d: {  	[tilespmem:s28+$0x2010] =	vst v12;
	v5 =	vmul.f32 v5, v10  }
0x9e: {  	[tilespmem:s28+$0x2020] =	vst v6;
	v4 =	vmul.f32 v4, v9  }
0x9f: {  	[tilespmem:s28+$0x2030] =	vst v5;
	v3 =	vmul.f32 v3, v7  }
0xa0: {  	[tilespmem:s28+$0x2040] =	vst v4;
	v2 =	vmul.f32 v2, v8  }
0xa1: {  	s30 =	sshll.u32 s26, $0x8;
	[tilespmem:s28+$0x2050] =	vst v3;
	v1 =	vmul.f32 v1, v11  }
0xa2: {  	s30 =	sand.u32 $0x3FFFFF00, s30;
	[tilespmem:s28+$0x2060] =	vst v2  }
0xa3: {  	p3 =	seq.s32 s26, $0xF;
	[tilespmem:s28+$0x2070] =	vst v1;
	s28 =	sadd.s32 $0x1000, s30  }
0xa4: {  	[spmem:s2] =	stream.indirect.scatter.add.f32 [tilespmem:s10], [sflag:$0x6], $0x80, s28, s13, $0xb8;
	[tilespmem:$0x1D880] =	vst v63  }
0xa5: {  	s31 =	simm.s32 @!p3 $0x2000;
	s28 =	sadd.s32 @!p3 $0x2, s29  }
0xa6: {  	_ =	swait.ge [sflag:s19], $0x2000;
	s29 =	sshll.u32 @!p3 s28, $0x7;
	s28 =	sshll.u32 @!p3 s28, $0xD  }
0xa7: {  	s30 =	simm.s32 @!p3 $0x40;
	[sflag:s19] =	ssyncset.done $0x0;
	s28 =	sadd.s32 @!p3 s23, s28  }
0xa8: {  	s29 =	sand.u32 @!p3 $0x3FFFFF80, s29;
	[sflag:s19] =	ssyncadd.s32 $0xFFFFE000;
	s28 =	sshrl.u32 @!p3 s28, $0x3  }
0xa9: {  	[tilespmem:s31], [sflag:$0x1] =	stream.indirect.gather @!p3 [hbm4b:s1+s30], $0x80, s29, s30, $0xb8;
	[tilespmem:$0x1D880] =	vst v63  }
0xaa: {  	s28 =	sadd.s32 @!p3 s5, s28;
	s29 =	simm.s32 @!p3 $0x0;
	s30 =	simm.s32 @!p3 $0x6000  }
0xab: {  	[tilespmem:s30], [sflag:$0x3] =	stream.linear.gather @!p3 [hbm4b:s28+s29], $0x2000, $0x38;
	[tilespmem:$0x1D880] =	vst v63  }
0xac: {  	_ =	swait.ge [sflag:s20], $0x2000  }
0xad: {  	[sflag:s20] =	ssyncset.done $0x0  }
0xae: {  	[sflag:s20] =	ssyncadd.s32 $0xFFFFE000  }
0xaf: {  	_ =	swait.ge [sflag:s21], $0x2000  }
0xb0: {  	[sflag:s21] =	ssyncset.done $0x0  }
0xb1: {  	s28 =	simm.s32 $0x0;
	[sflag:s21] =	ssyncadd.s32 $0xFFFFE000  }
0xb2: {  	v8 =	vld [tilespmem:s28+$0x8000]  }
0xb3: {  	v12 =	vld [tilespmem:s28+$0x8010]  }
0xb4: {  	v6 =	vld [tilespmem:s28+$0x8020]  }
0xb5: {  	v5 =	vld [tilespmem:s28+$0x8030]  }
0xb6: {  	v4 =	vld [tilespmem:s28+$0x8040]  }
0xb7: {  	v3 =	vld [tilespmem:s28+$0x8050]  }
0xb8: {  	v2 =	vld [tilespmem:s28+$0x8060]  }
0xb9: {  	v1 =	vld [tilespmem:s28+$0x8070]  }
0xba: {  	v13 =	vld [tilespmem:s28+$0x4000]  }
0xbb: {  	v14 =	vld [tilespmem:s28+$0x4010]  }
0xbc: {  	v11 =	vld [tilespmem:s28+$0x4020]  }
0xbd: {  	v10 =	vld [tilespmem:s28+$0x4030]  }
0xbe: {  	v9 =	vld [tilespmem:s28+$0x4040]  }
0xbf: {  	v7 =	vld [tilespmem:s28+$0x4050];
	v13 =	vmul.f32 v8, v13  }
0xc0: {  	s26 =	sadd.s32 $0x1, s26;
	s29 =	simm.s32 $0x200;
	v12 =	vmul.f32 v12, v14;
	v8 =	vld [tilespmem:s28+$0x4060]  }
.LBB2_7:
0xc1: {  	s30 =	sshra.s32 s29, $0x2;
	p3 =	sne.s32 s29, $0x7E00;
	[tilespmem:s28+$0x4000] =	vst v13;
	v6 =	vmul.f32 v6, v11;
	v11 =	vld [tilespmem:s28+$0x4070]  }
0xc2: {  	v13 =	vld [tilespmem:s30+$0x8000];
	[tilespmem:s28+$0x4010] =	vst v12;
	v5 =	vmul.f32 v5, v10  }
0xc3: {  	v12 =	vld [tilespmem:s30+$0x8010];
	[tilespmem:s28+$0x4020] =	vst v6;
	v4 =	vmul.f32 v4, v9  }
0xc4: {  	v6 =	vld [tilespmem:s30+$0x8020];
	[tilespmem:s28+$0x4030] =	vst v5;
	v3 =	vmul.f32 v3, v7  }
0xc5: {  	v5 =	vld [tilespmem:s30+$0x8030];
	[tilespmem:s28+$0x4040] =	vst v4;
	v2 =	vmul.f32 v2, v8  }
0xc6: {  	v4 =	vld [tilespmem:s30+$0x8040];
	[tilespmem:s28+$0x4050] =	vst v3;
	v1 =	vmul.f32 v1, v11  }
0xc7: {  	v3 =	vld [tilespmem:s30+$0x8050];
	[tilespmem:s28+$0x4060] =	vst v2  }
0xc8: {  	v2 =	vld [tilespmem:s30+$0x8060];
	[tilespmem:s28+$0x4070] =	vst v1;
	s28 =	smov.u32 s30  }
0xc9: {  	v1 =	vld [tilespmem:s28+$0x8070]  }
0xca: {  	v7 =	vld [tilespmem:s28+$0x4000]  }
0xcb: {  	v8 =	vld [tilespmem:s28+$0x4010]  }
.Ltmp2:
0xcc: {  	v11 =	vld [tilespmem:s28+$0x4020];
	(pc) =	sbr.rel @p3 .LBB2_7-.Ltmp2, $4  }
0xcd: {  	v10 =	vld [tilespmem:s28+$0x4030]  }
0xce: {  	v9 =	vld [tilespmem:s28+$0x4040]  }
0xcf: {  	v13 =	vmul.f32 v13, v7;
	v7 =	vld [tilespmem:s28+$0x4050]  }
0xd0: {  	s29 =	sadd.s32 $0x200, s29;
	v12 =	vmul.f32 v12, v8;
	v8 =	vld [tilespmem:s28+$0x4060]  }
0xd1: {  	[tilespmem:s28+$0x4000] =	vst v13;
	v6 =	vmul.f32 v6, v11;
	v63 =	vld [tilespmem:s28+$0x4070]  }
0xd2: {  	[tilespmem:s28+$0x4010] =	vst v12;
	v5 =	vmul.f32 v5, v10  }
0xd3: {  	[tilespmem:s28+$0x4020] =	vst v6;
	v4 =	vmul.f32 v4, v9  }
0xd4: {  	[tilespmem:s28+$0x4030] =	vst v5;
	v3 =	vmul.f32 v3, v7  }
0xd5: {  	[tilespmem:s28+$0x4040] =	vst v4;
	v2 =	vmul.f32 v2, v8  }
0xd6: {  	[tilespmem:s28+$0x4050] =	vst v3;
	v1 =	vmul.f32 v1, v63  }
0xd7: {  	p3 =	sne.s32 s26, $0x10;
	[tilespmem:s28+$0x4060] =	vst v2  }
.Ltmp3:
0xd8: {  	s25 =	sadd.s32 $0x1000, s25;
	[tilespmem:s28+$0x4070] =	vst v1;
	(pc) =	sbr.rel @p3 .LBB2_4-.Ltmp3, $4  }
0xd9: {  	[spmem:s2] =	stream.indirect.scatter.add.f32 [tilespmem:s15], [sflag:$0x5], $0x80, s25, s13, $0xb8;
	[tilespmem:$0x1D880] =	vst v63  }
0xda: {  	_ =	swait.ge [sflag:s11], $0x2000  }
0xdb: {  	[sflag:s11] =	ssyncset.done $0x0  }
0xdc: {  	[sflag:s11] =	ssyncadd.s32 $0xFFFFE000  }
0xdd: {  	s24 =	simm.s32 $0x0;
	s25 =	rddreg [dreg:$0x9]  }
0xde: {  	[tilespmem:s24], [sflag:$0x5] =	stream.linear.gather [hbm4b:s25+s24], $0x1000, $0x38;
	[tilespmem:$0x1D880] =	vst v63  }
0xdf: {  	_ =	swait.ge [sflag:s11], $0x1000  }
0xe0: {  	[sflag:s11] =	ssyncset.done $0x0  }
0xe1: {  	s31 =	rddreg [dreg:$0xa];
	[sflag:s11] =	ssyncadd.s32 $0xFFFFF000  }
0xe2: {  	[tilespmem:s12], [sflag:$0x5] =	stream.linear.gather [hbm4b:s31+s24], $0x1000, $0x38;
	[tilespmem:$0x1D880] =	vst v63  }
0xe3: {  	_ =	swait.ge [sflag:s11], $0x1000  }
0xe4: {  	[sflag:s11] =	ssyncset.done $0x0  }
0xe5: {  	[sflag:s11] =	ssyncadd.s32 $0xFFFFF000  }
0xe6: {  	[tilespmem:s10], [sflag:$0x1] =	stream.indirect.gather [hbm4b:s1+s13], $0x80, s24, s13, $0xb8;
	[tilespmem:$0x1D880] =	vst v63  }
0xe7: {  	s26 =	simm.s32 $0x0  }
0xe8: {  	[tilespmem:s14], [sflag:$0x3] =	stream.linear.gather [hbm4b:s3+s24], $0x2000, $0x38;
	[tilespmem:$0x1D880] =	vst v63  }
.LBB2_10:
0xe9: {  	s28 =	sshllo.u32 s26, $0x1  }
0xea: {  	s25 =	sshll.u32 s28, $0x7;
	s28 =	sshll.u32 s28, $0xA  }
0xeb: {  	[tilespmem:s15], [sflag:$0x2] =	stream.indirect.gather [hbm4b:s1+s13], $0x80, s25, s13, $0xb8;
	[tilespmem:$0x1D880] =	vst v63  }
0xec: {  	s28 =	sadd.s32 s28, s3  }
0xed: {  	[tilespmem:s16], [sflag:$0x4] =	stream.linear.gather [hbm4b:s28+s24], $0x2000, $0x38;
	[tilespmem:$0x1D880] =	vst v63  }
0xee: {  	_ =	swait.ge [sflag:s17], $0x2000  }
0xef: {  	[sflag:s17] =	ssyncset.done $0x0  }
0xf0: {  	[sflag:s17] =	ssyncadd.s32 $0xFFFFE000  }
0xf1: {  	_ =	swait.ge [sflag:s18], $0x2000  }
0xf2: {  	[sflag:s18] =	ssyncset.done $0x0  }
0xf3: {  	s28 =	simm.s32 $0x0;
	[sflag:s18] =	ssyncadd.s32 $0xFFFFE000  }
0xf4: {  	v8 =	vld [tilespmem:s28+$0x6000]  }
0xf5: {  	v12 =	vld [tilespmem:s28+$0x6010]  }
0xf6: {  	v6 =	vld [tilespmem:s28+$0x6020]  }
0xf7: {  	v5 =	vld [tilespmem:s28+$0x6030]  }
0xf8: {  	v4 =	vld [tilespmem:s28+$0x6040]  }
0xf9: {  	v3 =	vld [tilespmem:s28+$0x6050]  }
0xfa: {  	v2 =	vld [tilespmem:s28+$0x6060]  }
0xfb: {  	v1 =	vld [tilespmem:s28+$0x6070]  }
0xfc: {  	v13 =	vld [tilespmem:s28+$0x2000]  }
0xfd: {  	v14 =	vld [tilespmem:s28+$0x2010]  }
0xfe: {  	v11 =	vld [tilespmem:s28+$0x2020]  }
0xff: {  	v10 =	vld [tilespmem:s28+$0x2030]  }
0x100: {  	v9 =	vld [tilespmem:s28+$0x2040]  }
0x101: {  	v7 =	vld [tilespmem:s28+$0x2050];
	v13 =	vmul.f32 v8, v13  }
0x102: {  	s29 =	sshll.u32 s26, $0x1;
	s30 =	simm.s32 $0x200;
	v12 =	vmul.f32 v12, v14;
	v8 =	vld [tilespmem:s28+$0x2060]  }
.LBB2_11:
0x103: {  	s31 =	sshra.s32 s30, $0x2;
	p3 =	sne.s32 s30, $0x7E00;
	[tilespmem:s28+$0x2000] =	vst v13;
	v6 =	vmul.f32 v6, v11;
	v11 =	vld [tilespmem:s28+$0x2070]  }
0x104: {  	v13 =	vld [tilespmem:s31+$0x6000];
	[tilespmem:s28+$0x2010] =	vst v12;
	v5 =	vmul.f32 v5, v10  }
0x105: {  	v12 =	vld [tilespmem:s31+$0x6010];
	[tilespmem:s28+$0x2020] =	vst v6;
	v4 =	vmul.f32 v4, v9  }
0x106: {  	v6 =	vld [tilespmem:s31+$0x6020];
	[tilespmem:s28+$0x2030] =	vst v5;
	v3 =	vmul.f32 v3, v7  }
0x107: {  	v5 =	vld [tilespmem:s31+$0x6030];
	[tilespmem:s28+$0x2040] =	vst v4;
	v2 =	vmul.f32 v2, v8  }
0x108: {  	v4 =	vld [tilespmem:s31+$0x6040];
	[tilespmem:s28+$0x2050] =	vst v3;
	v1 =	vmul.f32 v1, v11  }
0x109: {  	v3 =	vld [tilespmem:s31+$0x6050];
	[tilespmem:s28+$0x2060] =	vst v2  }
0x10a: {  	v2 =	vld [tilespmem:s31+$0x6060];
	[tilespmem:s28+$0x2070] =	vst v1;
	s28 =	smov.u32 s31  }
0x10b: {  	v1 =	vld [tilespmem:s28+$0x6070]  }
0x10c: {  	v7 =	vld [tilespmem:s28+$0x2000]  }
0x10d: {  	v8 =	vld [tilespmem:s28+$0x2010]  }
.Ltmp4:
0x10e: {  	v11 =	vld [tilespmem:s28+$0x2020];
	(pc) =	sbr.rel @p3 .LBB2_11-.Ltmp4, $4  }
0x10f: {  	v10 =	vld [tilespmem:s28+$0x2030]  }
0x110: {  	v9 =	vld [tilespmem:s28+$0x2040]  }
0x111: {  	v13 =	vmul.f32 v13, v7;
	v7 =	vld [tilespmem:s28+$0x2050]  }
0x112: {  	s30 =	sadd.s32 $0x200, s30;
	v12 =	vmul.f32 v12, v8;
	v8 =	vld [tilespmem:s28+$0x2060]  }
0x113: {  	[tilespmem:s28+$0x2000] =	vst v13;
	v6 =	vmul.f32 v6, v11;
	v11 =	vld [tilespmem:s28+$0x2070]  }
0x114: {  	[tilespmem:s28+$0x2010] =	vst v12;
	v5 =	vmul.f32 v5, v10  }
0x115: {  	[tilespmem:s28+$0x2020] =	vst v6;
	v4 =	vmul.f32 v4, v9  }
0x116: {  	p3 =	slt.u32 s26, $0x4;
	[tilespmem:s28+$0x2030] =	vst v5;
	v3 =	vmul.f32 v3, v7  }
0x117: {  	p3 =	por p0, p3;
	[tilespmem:s28+$0x2040] =	vst v4;
	v2 =	vmul.f32 v2, v8  }
0x118: {  	s30 =	sshll.u32 @p3 s26, $0x8;
	[tilespmem:s28+$0x2050] =	vst v3;
	v1 =	vmul.f32 v1, v11  }
0x119: {  	s30 =	sand.u32 @p3 $0x3FFFFF00, s30;
	[tilespmem:s28+$0x2060] =	vst v2  }
0x11a: {  	s31 =	simm.s32 @p3 $0x2000;
	[tilespmem:s28+$0x2070] =	vst v1;
	s28 =	sadd.s32 @p3 $0x1000, s30;
	s30 =	simm.s32 @p3 $0x40  }
0x11b: {  	[spmem:s2] =	stream.indirect.scatter.add.f32 @p3 [tilespmem:s31], [sflag:$0x6], $0x80, s28, s30, $0xb8;
	[tilespmem:$0x1D880] =	vst v63  }
0x11c: {  	s28 =	simm.s32 @p3 $0x6  }
0x11d: {  	p4 =	seq.s32 s26, $0xF;
	_ =	swait.ge @p3 [sflag:s28], $0x2000  }
0x11e: {  	s29 =	sadd.s32 @!p4 $0x2, s29;
	[sflag:s28] =	ssyncset.done @p3 $0x0  }
0x11f: {  	[sflag:s28] =	ssyncadd.s32 @p3 $0xFFFFE000;
	s28 =	sshll.u32 @!p4 s29, $0x7  }
0x120: {  	s30 =	simm.s32 @!p4 $0x40;
	s31 =	simm.s32 @!p4 $0x2000;
	s28 =	sand.u32 @!p4 $0x3FFFFF80, s28  }
0x121: {  	[tilespmem:s31], [sflag:$0x1] =	stream.indirect.gather @!p4 [hbm4b:s1+s30], $0x80, s28, s30, $0xb8;
	[tilespmem:$0x1D880] =	vst v63  }
0x122: {  	s28 =	sshll.u32 @!p4 s29, $0xA  }
0x123: {  	s29 =	simm.s32 @!p4 $0x0;
	s30 =	simm.s32 @!p4 $0x6000;
	s28 =	sadd.s32 @!p4 s28, s3  }
0x124: {  	[tilespmem:s30], [sflag:$0x3] =	stream.linear.gather @!p4 [hbm4b:s28+s29], $0x2000, $0x38;
	[tilespmem:$0x1D880] =	vst v63  }
0x125: {  	_ =	swait.ge [sflag:s20], $0x2000  }
0x126: {  	[sflag:s20] =	ssyncset.done $0x0  }
0x127: {  	[sflag:s20] =	ssyncadd.s32 $0xFFFFE000  }
0x128: {  	_ =	swait.ge [sflag:s21], $0x2000  }
0x129: {  	[sflag:s21] =	ssyncset.done $0x0  }
0x12a: {  	s28 =	simm.s32 $0x0;
	[sflag:s21] =	ssyncadd.s32 $0xFFFFE000  }
0x12b: {  	v8 =	vld [tilespmem:s28+$0x8000]  }
0x12c: {  	v12 =	vld [tilespmem:s28+$0x8010]  }
0x12d: {  	v6 =	vld [tilespmem:s28+$0x8020]  }
0x12e: {  	v5 =	vld [tilespmem:s28+$0x8030]  }
0x12f: {  	v4 =	vld [tilespmem:s28+$0x8040]  }
0x130: {  	v3 =	vld [tilespmem:s28+$0x8050]  }
0x131: {  	v2 =	vld [tilespmem:s28+$0x8060]  }
0x132: {  	v1 =	vld [tilespmem:s28+$0x8070]  }
0x133: {  	v13 =	vld [tilespmem:s28+$0x4000]  }
0x134: {  	v14 =	vld [tilespmem:s28+$0x4010]  }
0x135: {  	v11 =	vld [tilespmem:s28+$0x4020]  }
0x136: {  	v10 =	vld [tilespmem:s28+$0x4030]  }
0x137: {  	v9 =	vld [tilespmem:s28+$0x4040]  }
0x138: {  	v7 =	vld [tilespmem:s28+$0x4050];
	v13 =	vmul.f32 v8, v13  }
0x139: {  	s26 =	sadd.s32 $0x1, s26;
	s29 =	simm.s32 $0x200;
	v12 =	vmul.f32 v12, v14;
	v8 =	vld [tilespmem:s28+$0x4060]  }
.LBB2_13:
0x13a: {  	s30 =	sshra.s32 s29, $0x2;
	p4 =	sne.s32 s29, $0x7E00;
	[tilespmem:s28+$0x4000] =	vst v13;
	v6 =	vmul.f32 v6, v11;
	v11 =	vld [tilespmem:s28+$0x4070]  }
0x13b: {  	v13 =	vld [tilespmem:s30+$0x8000];
	[tilespmem:s28+$0x4010] =	vst v12;
	v5 =	vmul.f32 v5, v10  }
0x13c: {  	v12 =	vld [tilespmem:s30+$0x8010];
	[tilespmem:s28+$0x4020] =	vst v6;
	v4 =	vmul.f32 v4, v9  }
0x13d: {  	v6 =	vld [tilespmem:s30+$0x8020];
	[tilespmem:s28+$0x4030] =	vst v5;
	v3 =	vmul.f32 v3, v7  }
0x13e: {  	v5 =	vld [tilespmem:s30+$0x8030];
	[tilespmem:s28+$0x4040] =	vst v4;
	v2 =	vmul.f32 v2, v8  }
0x13f: {  	v4 =	vld [tilespmem:s30+$0x8040];
	[tilespmem:s28+$0x4050] =	vst v3;
	v1 =	vmul.f32 v1, v11  }
0x140: {  	v3 =	vld [tilespmem:s30+$0x8050];
	[tilespmem:s28+$0x4060] =	vst v2  }
0x141: {  	v2 =	vld [tilespmem:s30+$0x8060];
	[tilespmem:s28+$0x4070] =	vst v1;
	s28 =	smov.u32 s30  }
0x142: {  	v1 =	vld [tilespmem:s28+$0x8070]  }
0x143: {  	v7 =	vld [tilespmem:s28+$0x4000]  }
0x144: {  	v8 =	vld [tilespmem:s28+$0x4010]  }
.Ltmp5:
0x145: {  	v11 =	vld [tilespmem:s28+$0x4020];
	(pc) =	sbr.rel @p4 .LBB2_13-.Ltmp5, $4  }
0x146: {  	v10 =	vld [tilespmem:s28+$0x4030]  }
0x147: {  	v9 =	vld [tilespmem:s28+$0x4040]  }
0x148: {  	v13 =	vmul.f32 v13, v7;
	v7 =	vld [tilespmem:s28+$0x4050]  }
0x149: {  	s29 =	sadd.s32 $0x200, s29;
	v12 =	vmul.f32 v12, v8;
	v8 =	vld [tilespmem:s28+$0x4060]  }
0x14a: {  	[tilespmem:s28+$0x4000] =	vst v13;
	v6 =	vmul.f32 v6, v11;
	v63 =	vld [tilespmem:s28+$0x4070]  }
0x14b: {  	[tilespmem:s28+$0x4010] =	vst v12;
	v5 =	vmul.f32 v5, v10  }
0x14c: {  	[tilespmem:s28+$0x4020] =	vst v6;
	v4 =	vmul.f32 v4, v9  }
0x14d: {  	[tilespmem:s28+$0x4030] =	vst v5;
	v3 =	vmul.f32 v3, v7  }
0x14e: {  	[tilespmem:s28+$0x4040] =	vst v4;
	v2 =	vmul.f32 v2, v8  }
0x14f: {  	[tilespmem:s28+$0x4050] =	vst v3;
	v1 =	vmul.f32 v1, v63  }
0x150: {  	s25 =	sadd.s32 @p3 $0x1000, s25;
	[tilespmem:s28+$0x4060] =	vst v2  }
0x151: {  	s29 =	simm.s32 @p3 $0x4000;
	p4 =	sne.s32 s26, $0x10;
	[tilespmem:s28+$0x4070] =	vst v1;
	s28 =	simm.s32 @p3 $0x40  }
0x152: {  	[spmem:s2] =	stream.indirect.scatter.add.f32 @p3 [tilespmem:s29], [sflag:$0x5], $0x80, s25, s28, $0xb8;
	[tilespmem:$0x1D880] =	vst v63  }
.Ltmp6:
0x153: {  	_ = 	snop;
	(pc) =	sbr.rel @p4 .LBB2_10-.Ltmp6, $4  }
0x154: {  	s25 =	simm.s32 @p3 $0x5  }
0x155: {  	_ =	swait.ge @p3 [sflag:s25], $0x2000  }
0x156: {  	[sflag:s25] =	ssyncset.done @p3 $0x0  }
0x157: {  	[sflag:s25] =	ssyncadd.s32 @p3 $0xFFFFE000  }
0x158: {  	s24 =	simm.s32 $0x0;
	s25 =	rddreg [dreg:$0xb]  }
0x159: {  	[tilespmem:s24], [sflag:$0x5] =	stream.linear.gather [hbm4b:s25+s24], $0x1000, $0x38;
	[tilespmem:$0x1D880] =	vst v63  }
0x15a: {  	_ =	swait.ge [sflag:s11], $0x1000  }
0x15b: {  	[sflag:s11] =	ssyncset.done $0x0  }
0x15c: {  	s31 =	rddreg [dreg:$0xc];
	[sflag:s11] =	ssyncadd.s32 $0xFFFFF000  }
0x15d: {  	[tilespmem:s12], [sflag:$0x5] =	stream.linear.gather [hbm4b:s31+s24], $0x1000, $0x38;
	[tilespmem:$0x1D880] =	vst v63  }
0x15e: {  	_ =	swait.ge [sflag:s11], $0x1000  }
0x15f: {  	[sflag:s11] =	ssyncset.done $0x0  }
0x160: {  	[sflag:s11] =	ssyncadd.s32 $0xFFFFF000  }
0x161: {  	[tilespmem:s10], [sflag:$0x1] =	stream.indirect.gather [hbm4b:s1+s13], $0x80, s24, s13, $0xb8;
	[tilespmem:$0x1D880] =	vst v63  }
0x162: {  	s26 =	simm.s32 $0x0  }
0x163: {  	[tilespmem:s14], [sflag:$0x3] =	stream.linear.gather [hbm4b:s7+s24], $0x2000, $0x38;
	[tilespmem:$0x1D880] =	vst v63  }
.LBB2_16:
0x164: {  	s28 =	sshllo.u32 s26, $0x1  }
0x165: {  	s25 =	sshll.u32 s28, $0x7;
	s28 =	sshll.u32 s28, $0xA  }
0x166: {  	[tilespmem:s15], [sflag:$0x2] =	stream.indirect.gather [hbm4b:s1+s13], $0x80, s25, s13, $0xb8;
	[tilespmem:$0x1D880] =	vst v63  }
0x167: {  	s28 =	sadd.s32 s28, s7  }
0x168: {  	[tilespmem:s16], [sflag:$0x4] =	stream.linear.gather [hbm4b:s28+s24], $0x2000, $0x38;
	[tilespmem:$0x1D880] =	vst v63  }
0x169: {  	_ =	swait.ge [sflag:s17], $0x2000  }
0x16a: {  	[sflag:s17] =	ssyncset.done $0x0  }
0x16b: {  	[sflag:s17] =	ssyncadd.s32 $0xFFFFE000  }
0x16c: {  	_ =	swait.ge [sflag:s18], $0x2000  }
0x16d: {  	[sflag:s18] =	ssyncset.done $0x0  }
0x16e: {  	s28 =	simm.s32 $0x0;
	[sflag:s18] =	ssyncadd.s32 $0xFFFFE000  }
0x16f: {  	v8 =	vld [tilespmem:s28+$0x6000]  }
0x170: {  	v12 =	vld [tilespmem:s28+$0x6010]  }
0x171: {  	v6 =	vld [tilespmem:s28+$0x6020]  }
0x172: {  	v5 =	vld [tilespmem:s28+$0x6030]  }
0x173: {  	v4 =	vld [tilespmem:s28+$0x6040]  }
0x174: {  	v3 =	vld [tilespmem:s28+$0x6050]  }
0x175: {  	v2 =	vld [tilespmem:s28+$0x6060]  }
0x176: {  	v1 =	vld [tilespmem:s28+$0x6070]  }
0x177: {  	v13 =	vld [tilespmem:s28+$0x2000]  }
0x178: {  	v14 =	vld [tilespmem:s28+$0x2010]  }
0x179: {  	v11 =	vld [tilespmem:s28+$0x2020]  }
0x17a: {  	v10 =	vld [tilespmem:s28+$0x2030]  }
0x17b: {  	v9 =	vld [tilespmem:s28+$0x2040]  }
0x17c: {  	v7 =	vld [tilespmem:s28+$0x2050];
	v13 =	vmul.f32 v8, v13  }
0x17d: {  	s29 =	sshll.u32 s26, $0x1;
	s30 =	simm.s32 $0x200;
	v12 =	vmul.f32 v12, v14;
	v8 =	vld [tilespmem:s28+$0x2060]  }
.LBB2_17:
0x17e: {  	s31 =	sshra.s32 s30, $0x2;
	p3 =	sne.s32 s30, $0x7E00;
	[tilespmem:s28+$0x2000] =	vst v13;
	v6 =	vmul.f32 v6, v11;
	v11 =	vld [tilespmem:s28+$0x2070]  }
0x17f: {  	v13 =	vld [tilespmem:s31+$0x6000];
	[tilespmem:s28+$0x2010] =	vst v12;
	v5 =	vmul.f32 v5, v10  }
0x180: {  	v12 =	vld [tilespmem:s31+$0x6010];
	[tilespmem:s28+$0x2020] =	vst v6;
	v4 =	vmul.f32 v4, v9  }
0x181: {  	v6 =	vld [tilespmem:s31+$0x6020];
	[tilespmem:s28+$0x2030] =	vst v5;
	v3 =	vmul.f32 v3, v7  }
0x182: {  	v5 =	vld [tilespmem:s31+$0x6030];
	[tilespmem:s28+$0x2040] =	vst v4;
	v2 =	vmul.f32 v2, v8  }
0x183: {  	v4 =	vld [tilespmem:s31+$0x6040];
	[tilespmem:s28+$0x2050] =	vst v3;
	v1 =	vmul.f32 v1, v11  }
0x184: {  	v3 =	vld [tilespmem:s31+$0x6050];
	[tilespmem:s28+$0x2060] =	vst v2  }
0x185: {  	v2 =	vld [tilespmem:s31+$0x6060];
	[tilespmem:s28+$0x2070] =	vst v1;
	s28 =	smov.u32 s31  }
0x186: {  	v1 =	vld [tilespmem:s28+$0x6070]  }
0x187: {  	v7 =	vld [tilespmem:s28+$0x2000]  }
0x188: {  	v8 =	vld [tilespmem:s28+$0x2010]  }
.Ltmp7:
0x189: {  	v11 =	vld [tilespmem:s28+$0x2020];
	(pc) =	sbr.rel @p3 .LBB2_17-.Ltmp7, $4  }
0x18a: {  	v10 =	vld [tilespmem:s28+$0x2030]  }
0x18b: {  	v9 =	vld [tilespmem:s28+$0x2040]  }
0x18c: {  	v13 =	vmul.f32 v13, v7;
	v7 =	vld [tilespmem:s28+$0x2050]  }
0x18d: {  	s30 =	sadd.s32 $0x200, s30;
	v12 =	vmul.f32 v12, v8;
	v8 =	vld [tilespmem:s28+$0x2060]  }
0x18e: {  	[tilespmem:s28+$0x2000] =	vst v13;
	v6 =	vmul.f32 v6, v11;
	v11 =	vld [tilespmem:s28+$0x2070]  }
0x18f: {  	[tilespmem:s28+$0x2010] =	vst v12;
	v5 =	vmul.f32 v5, v10  }
0x190: {  	[tilespmem:s28+$0x2020] =	vst v6;
	v4 =	vmul.f32 v4, v9  }
0x191: {  	[tilespmem:s28+$0x2030] =	vst v5;
	v3 =	vmul.f32 v3, v7  }
0x192: {  	[tilespmem:s28+$0x2040] =	vst v4;
	v2 =	vmul.f32 v2, v8  }
0x193: {  	s30 =	sshll.u32 @!p1 s26, $0x8;
	[tilespmem:s28+$0x2050] =	vst v3;
	v1 =	vmul.f32 v1, v11  }
0x194: {  	s30 =	sand.u32 @!p1 $0x3FFFFF00, s30;
	[tilespmem:s28+$0x2060] =	vst v2  }
0x195: {  	s31 =	simm.s32 @!p1 $0x2000;
	[tilespmem:s28+$0x2070] =	vst v1;
	s28 =	sadd.s32 @!p1 $0x1000, s30;
	s30 =	simm.s32 @!p1 $0x40  }
0x196: {  	[spmem:s2] =	stream.indirect.scatter.add.f32 @!p1 [tilespmem:s31], [sflag:$0x6], $0x80, s28, s30, $0xb8;
	[tilespmem:$0x1D880] =	vst v63  }
0x197: {  	s28 =	simm.s32 @!p1 $0x6  }
0x198: {  	p3 =	seq.s32 s26, $0xF;
	_ =	swait.ge @!p1 [sflag:s28], $0x2000  }
0x199: {  	s29 =	sadd.s32 @!p3 $0x2, s29;
	[sflag:s28] =	ssyncset.done @!p1 $0x0  }
0x19a: {  	[sflag:s28] =	ssyncadd.s32 @!p1 $0xFFFFE000;
	s28 =	sshll.u32 @!p3 s29, $0x7  }
0x19b: {  	s30 =	simm.s32 @!p3 $0x40;
	s31 =	simm.s32 @!p3 $0x2000;
	s28 =	sand.u32 @!p3 $0x3FFFFF80, s28  }
0x19c: {  	[tilespmem:s31], [sflag:$0x1] =	stream.indirect.gather @!p3 [hbm4b:s1+s30], $0x80, s28, s30, $0xb8;
	[tilespmem:$0x1D880] =	vst v63  }
0x19d: {  	s28 =	sshll.u32 @!p3 s29, $0xA  }
0x19e: {  	s29 =	simm.s32 @!p3 $0x0;
	s30 =	simm.s32 @!p3 $0x6000;
	s28 =	sadd.s32 @!p3 s28, s7  }
0x19f: {  	[tilespmem:s30], [sflag:$0x3] =	stream.linear.gather @!p3 [hbm4b:s28+s29], $0x2000, $0x38;
	[tilespmem:$0x1D880] =	vst v63  }
0x1a0: {  	_ =	swait.ge [sflag:s20], $0x2000  }
0x1a1: {  	[sflag:s20] =	ssyncset.done $0x0  }
0x1a2: {  	[sflag:s20] =	ssyncadd.s32 $0xFFFFE000  }
0x1a3: {  	_ =	swait.ge [sflag:s21], $0x2000  }
0x1a4: {  	[sflag:s21] =	ssyncset.done $0x0  }
0x1a5: {  	s28 =	simm.s32 $0x0;
	[sflag:s21] =	ssyncadd.s32 $0xFFFFE000  }
0x1a6: {  	v8 =	vld [tilespmem:s28+$0x8000]  }
0x1a7: {  	v12 =	vld [tilespmem:s28+$0x8010]  }
0x1a8: {  	v6 =	vld [tilespmem:s28+$0x8020]  }
0x1a9: {  	v5 =	vld [tilespmem:s28+$0x8030]  }
0x1aa: {  	v4 =	vld [tilespmem:s28+$0x8040]  }
0x1ab: {  	v3 =	vld [tilespmem:s28+$0x8050]  }
0x1ac: {  	v2 =	vld [tilespmem:s28+$0x8060]  }
0x1ad: {  	v1 =	vld [tilespmem:s28+$0x8070]  }
0x1ae: {  	v13 =	vld [tilespmem:s28+$0x4000]  }
0x1af: {  	v14 =	vld [tilespmem:s28+$0x4010]  }
0x1b0: {  	v11 =	vld [tilespmem:s28+$0x4020]  }
0x1b1: {  	v10 =	vld [tilespmem:s28+$0x4030]  }
0x1b2: {  	v9 =	vld [tilespmem:s28+$0x4040]  }
0x1b3: {  	v7 =	vld [tilespmem:s28+$0x4050];
	v13 =	vmul.f32 v8, v13  }
0x1b4: {  	s26 =	sadd.s32 $0x1, s26;
	s29 =	simm.s32 $0x200;
	v12 =	vmul.f32 v12, v14;
	v8 =	vld [tilespmem:s28+$0x4060]  }
.LBB2_19:
0x1b5: {  	s30 =	sshra.s32 s29, $0x2;
	p3 =	sne.s32 s29, $0x7E00;
	[tilespmem:s28+$0x4000] =	vst v13;
	v6 =	vmul.f32 v6, v11;
	v11 =	vld [tilespmem:s28+$0x4070]  }
0x1b6: {  	v13 =	vld [tilespmem:s30+$0x8000];
	[tilespmem:s28+$0x4010] =	vst v12;
	v5 =	vmul.f32 v5, v10  }
0x1b7: {  	v12 =	vld [tilespmem:s30+$0x8010];
	[tilespmem:s28+$0x4020] =	vst v6;
	v4 =	vmul.f32 v4, v9  }
0x1b8: {  	v6 =	vld [tilespmem:s30+$0x8020];
	[tilespmem:s28+$0x4030] =	vst v5;
	v3 =	vmul.f32 v3, v7  }
0x1b9: {  	v5 =	vld [tilespmem:s30+$0x8030];
	[tilespmem:s28+$0x4040] =	vst v4;
	v2 =	vmul.f32 v2, v8  }
0x1ba: {  	v4 =	vld [tilespmem:s30+$0x8040];
	[tilespmem:s28+$0x4050] =	vst v3;
	v1 =	vmul.f32 v1, v11  }
0x1bb: {  	v3 =	vld [tilespmem:s30+$0x8050];
	[tilespmem:s28+$0x4060] =	vst v2  }
0x1bc: {  	v2 =	vld [tilespmem:s30+$0x8060];
	[tilespmem:s28+$0x4070] =	vst v1;
	s28 =	smov.u32 s30  }
0x1bd: {  	v1 =	vld [tilespmem:s28+$0x8070]  }
0x1be: {  	v7 =	vld [tilespmem:s28+$0x4000]  }
0x1bf: {  	v8 =	vld [tilespmem:s28+$0x4010]  }
.Ltmp8:
0x1c0: {  	v11 =	vld [tilespmem:s28+$0x4020];
	(pc) =	sbr.rel @p3 .LBB2_19-.Ltmp8, $4  }
0x1c1: {  	v10 =	vld [tilespmem:s28+$0x4030]  }
0x1c2: {  	v9 =	vld [tilespmem:s28+$0x4040]  }
0x1c3: {  	v13 =	vmul.f32 v13, v7;
	v7 =	vld [tilespmem:s28+$0x4050]  }
0x1c4: {  	s29 =	sadd.s32 $0x200, s29;
	v12 =	vmul.f32 v12, v8;
	v8 =	vld [tilespmem:s28+$0x4060]  }
0x1c5: {  	[tilespmem:s28+$0x4000] =	vst v13;
	v6 =	vmul.f32 v6, v11;
	v63 =	vld [tilespmem:s28+$0x4070]  }
0x1c6: {  	[tilespmem:s28+$0x4010] =	vst v12;
	v5 =	vmul.f32 v5, v10  }
0x1c7: {  	[tilespmem:s28+$0x4020] =	vst v6;
	v4 =	vmul.f32 v4, v9  }
0x1c8: {  	[tilespmem:s28+$0x4030] =	vst v5;
	v3 =	vmul.f32 v3, v7  }
0x1c9: {  	[tilespmem:s28+$0x4040] =	vst v4;
	v2 =	vmul.f32 v2, v8  }
0x1ca: {  	[tilespmem:s28+$0x4050] =	vst v3;
	v1 =	vmul.f32 v1, v63  }
0x1cb: {  	s25 =	sadd.s32 @!p1 $0x1000, s25;
	[tilespmem:s28+$0x4060] =	vst v2  }
0x1cc: {  	s29 =	simm.s32 @!p1 $0x4000;
	p3 =	sne.s32 s26, $0x10;
	[tilespmem:s28+$0x4070] =	vst v1;
	s28 =	simm.s32 @!p1 $0x40  }
0x1cd: {  	[spmem:s2] =	stream.indirect.scatter.add.f32 @!p1 [tilespmem:s29], [sflag:$0x5], $0x80, s25, s28, $0xb8;
	[tilespmem:$0x1D880] =	vst v63  }
.Ltmp9:
0x1ce: {  	_ = 	snop;
	(pc) =	sbr.rel @p3 .LBB2_16-.Ltmp9, $4  }
0x1cf: {  	s25 =	simm.s32 @!p1 $0x5  }
0x1d0: {  	_ =	swait.ge @!p1 [sflag:s25], $0x2000  }
0x1d1: {  	[sflag:s25] =	ssyncset.done @!p1 $0x0  }
0x1d2: {  	[sflag:s25] =	ssyncadd.s32 @!p1 $0xFFFFE000  }
0x1d3: {  	s24 =	simm.s32 $0x0;
	s25 =	rddreg [dreg:$0xd]  }
0x1d4: {  	[tilespmem:s24], [sflag:$0x5] =	stream.linear.gather [hbm4b:s25+s24], $0x1000, $0x38;
	[tilespmem:$0x1D880] =	vst v63  }
0x1d5: {  	_ =	swait.ge [sflag:s11], $0x1000  }
0x1d6: {  	[sflag:s11] =	ssyncset.done $0x0  }
0x1d7: {  	s31 =	rddreg [dreg:$0xe];
	[sflag:s11] =	ssyncadd.s32 $0xFFFFF000  }
0x1d8: {  	[tilespmem:s12], [sflag:$0x5] =	stream.linear.gather [hbm4b:s31+s24], $0x1000, $0x38;
	[tilespmem:$0x1D880] =	vst v63  }
0x1d9: {  	_ =	swait.ge [sflag:s11], $0x1000  }
0x1da: {  	[sflag:s11] =	ssyncset.done $0x0  }
0x1db: {  	[sflag:s11] =	ssyncadd.s32 $0xFFFFF000  }
0x1dc: {  	[tilespmem:s10], [sflag:$0x1] =	stream.indirect.gather [hbm4b:s1+s13], $0x80, s24, s13, $0xb8;
	[tilespmem:$0x1D880] =	vst v63  }
0x1dd: {  	s26 =	simm.s32 $0x0  }
0x1de: {  	[tilespmem:s14], [sflag:$0x3] =	stream.linear.gather [hbm4b:s8+s24], $0x2000, $0x38;
	[tilespmem:$0x1D880] =	vst v63  }
.LBB2_22:
0x1df: {  	s28 =	sshllo.u32 s26, $0x1  }
0x1e0: {  	s25 =	sshll.u32 s28, $0x7;
	s28 =	sshll.u32 s28, $0xA  }
0x1e1: {  	[tilespmem:s15], [sflag:$0x2] =	stream.indirect.gather [hbm4b:s1+s13], $0x80, s25, s13, $0xb8;
	[tilespmem:$0x1D880] =	vst v63  }
0x1e2: {  	s28 =	sadd.s32 s28, s8  }
0x1e3: {  	[tilespmem:s16], [sflag:$0x4] =	stream.linear.gather [hbm4b:s28+s24], $0x2000, $0x38;
	[tilespmem:$0x1D880] =	vst v63  }
0x1e4: {  	_ =	swait.ge [sflag:s17], $0x2000  }
0x1e5: {  	[sflag:s17] =	ssyncset.done $0x0  }
0x1e6: {  	[sflag:s17] =	ssyncadd.s32 $0xFFFFE000  }
0x1e7: {  	_ =	swait.ge [sflag:s18], $0x2000  }
0x1e8: {  	[sflag:s18] =	ssyncset.done $0x0  }
0x1e9: {  	s28 =	simm.s32 $0x0;
	[sflag:s18] =	ssyncadd.s32 $0xFFFFE000  }
0x1ea: {  	v8 =	vld [tilespmem:s28+$0x6000]  }
0x1eb: {  	v12 =	vld [tilespmem:s28+$0x6010]  }
0x1ec: {  	v6 =	vld [tilespmem:s28+$0x6020]  }
0x1ed: {  	v5 =	vld [tilespmem:s28+$0x6030]  }
0x1ee: {  	v4 =	vld [tilespmem:s28+$0x6040]  }
0x1ef: {  	v3 =	vld [tilespmem:s28+$0x6050]  }
0x1f0: {  	v2 =	vld [tilespmem:s28+$0x6060]  }
0x1f1: {  	v1 =	vld [tilespmem:s28+$0x6070]  }
0x1f2: {  	v13 =	vld [tilespmem:s28+$0x2000]  }
0x1f3: {  	v14 =	vld [tilespmem:s28+$0x2010]  }
0x1f4: {  	v11 =	vld [tilespmem:s28+$0x2020]  }
0x1f5: {  	v10 =	vld [tilespmem:s28+$0x2030]  }
0x1f6: {  	v9 =	vld [tilespmem:s28+$0x2040]  }
0x1f7: {  	v7 =	vld [tilespmem:s28+$0x2050];
	v13 =	vmul.f32 v8, v13  }
0x1f8: {  	s29 =	sshll.u32 s26, $0x1;
	s30 =	simm.s32 $0x200;
	v12 =	vmul.f32 v12, v14;
	v8 =	vld [tilespmem:s28+$0x2060]  }
.LBB2_23:
0x1f9: {  	s31 =	sshra.s32 s30, $0x2;
	p3 =	sne.s32 s30, $0x7E00;
	[tilespmem:s28+$0x2000] =	vst v13;
	v6 =	vmul.f32 v6, v11;
	v11 =	vld [tilespmem:s28+$0x2070]  }
0x1fa: {  	v13 =	vld [tilespmem:s31+$0x6000];
	[tilespmem:s28+$0x2010] =	vst v12;
	v5 =	vmul.f32 v5, v10  }
0x1fb: {  	v12 =	vld [tilespmem:s31+$0x6010];
	[tilespmem:s28+$0x2020] =	vst v6;
	v4 =	vmul.f32 v4, v9  }
0x1fc: {  	v6 =	vld [tilespmem:s31+$0x6020];
	[tilespmem:s28+$0x2030] =	vst v5;
	v3 =	vmul.f32 v3, v7  }
0x1fd: {  	v5 =	vld [tilespmem:s31+$0x6030];
	[tilespmem:s28+$0x2040] =	vst v4;
	v2 =	vmul.f32 v2, v8  }
0x1fe: {  	v4 =	vld [tilespmem:s31+$0x6040];
	[tilespmem:s28+$0x2050] =	vst v3;
	v1 =	vmul.f32 v1, v11  }
0x1ff: {  	v3 =	vld [tilespmem:s31+$0x6050];
	[tilespmem:s28+$0x2060] =	vst v2  }
0x200: {  	v2 =	vld [tilespmem:s31+$0x6060];
	[tilespmem:s28+$0x2070] =	vst v1;
	s28 =	smov.u32 s31  }
0x201: {  	v1 =	vld [tilespmem:s28+$0x6070]  }
0x202: {  	v7 =	vld [tilespmem:s28+$0x2000]  }
0x203: {  	v8 =	vld [tilespmem:s28+$0x2010]  }
.Ltmp10:
0x204: {  	v11 =	vld [tilespmem:s28+$0x2020];
	(pc) =	sbr.rel @p3 .LBB2_23-.Ltmp10, $4  }
0x205: {  	v10 =	vld [tilespmem:s28+$0x2030]  }
0x206: {  	v9 =	vld [tilespmem:s28+$0x2040]  }
0x207: {  	v13 =	vmul.f32 v13, v7;
	v7 =	vld [tilespmem:s28+$0x2050]  }
0x208: {  	s30 =	sadd.s32 $0x200, s30;
	v12 =	vmul.f32 v12, v8;
	v8 =	vld [tilespmem:s28+$0x2060]  }
0x209: {  	[tilespmem:s28+$0x2000] =	vst v13;
	v6 =	vmul.f32 v6, v11;
	v11 =	vld [tilespmem:s28+$0x2070]  }
0x20a: {  	[tilespmem:s28+$0x2010] =	vst v12;
	v5 =	vmul.f32 v5, v10  }
0x20b: {  	[tilespmem:s28+$0x2020] =	vst v6;
	v4 =	vmul.f32 v4, v9  }
0x20c: {  	[tilespmem:s28+$0x2030] =	vst v5;
	v3 =	vmul.f32 v3, v7  }
0x20d: {  	[tilespmem:s28+$0x2040] =	vst v4;
	v2 =	vmul.f32 v2, v8  }
0x20e: {  	s30 =	sshll.u32 @!p1 s26, $0x8;
	[tilespmem:s28+$0x2050] =	vst v3;
	v1 =	vmul.f32 v1, v11  }
0x20f: {  	s30 =	sand.u32 @!p1 $0x3FFFFF00, s30;
	[tilespmem:s28+$0x2060] =	vst v2  }
0x210: {  	s31 =	simm.s32 @!p1 $0x2000;
	[tilespmem:s28+$0x2070] =	vst v1;
	s28 =	sadd.s32 @!p1 $0x1000, s30;
	s30 =	simm.s32 @!p1 $0x40  }
0x211: {  	[spmem:s2] =	stream.indirect.scatter.add.f32 @!p1 [tilespmem:s31], [sflag:$0x6], $0x80, s28, s30, $0xb8;
	[tilespmem:$0x1D880] =	vst v63  }
0x212: {  	s28 =	simm.s32 @!p1 $0x6  }
0x213: {  	p3 =	seq.s32 s26, $0xF;
	_ =	swait.ge @!p1 [sflag:s28], $0x2000  }
0x214: {  	s29 =	sadd.s32 @!p3 $0x2, s29;
	[sflag:s28] =	ssyncset.done @!p1 $0x0  }
0x215: {  	[sflag:s28] =	ssyncadd.s32 @!p1 $0xFFFFE000;
	s28 =	sshll.u32 @!p3 s29, $0x7  }
0x216: {  	s30 =	simm.s32 @!p3 $0x40;
	s31 =	simm.s32 @!p3 $0x2000;
	s28 =	sand.u32 @!p3 $0x3FFFFF80, s28  }
0x217: {  	[tilespmem:s31], [sflag:$0x1] =	stream.indirect.gather @!p3 [hbm4b:s1+s30], $0x80, s28, s30, $0xb8;
	[tilespmem:$0x1D880] =	vst v63  }
0x218: {  	s28 =	sshll.u32 @!p3 s29, $0xA  }
0x219: {  	s29 =	simm.s32 @!p3 $0x0;
	s30 =	simm.s32 @!p3 $0x6000;
	s28 =	sadd.s32 @!p3 s28, s8  }
0x21a: {  	[tilespmem:s30], [sflag:$0x3] =	stream.linear.gather @!p3 [hbm4b:s28+s29], $0x2000, $0x38;
	[tilespmem:$0x1D880] =	vst v63  }
0x21b: {  	_ =	swait.ge [sflag:s20], $0x2000  }
0x21c: {  	[sflag:s20] =	ssyncset.done $0x0  }
0x21d: {  	[sflag:s20] =	ssyncadd.s32 $0xFFFFE000  }
0x21e: {  	_ =	swait.ge [sflag:s21], $0x2000  }
0x21f: {  	[sflag:s21] =	ssyncset.done $0x0  }
0x220: {  	s28 =	simm.s32 $0x0;
	[sflag:s21] =	ssyncadd.s32 $0xFFFFE000  }
0x221: {  	v8 =	vld [tilespmem:s28+$0x8000]  }
0x222: {  	v12 =	vld [tilespmem:s28+$0x8010]  }
0x223: {  	v6 =	vld [tilespmem:s28+$0x8020]  }
0x224: {  	v5 =	vld [tilespmem:s28+$0x8030]  }
0x225: {  	v4 =	vld [tilespmem:s28+$0x8040]  }
0x226: {  	v3 =	vld [tilespmem:s28+$0x8050]  }
0x227: {  	v2 =	vld [tilespmem:s28+$0x8060]  }
0x228: {  	v1 =	vld [tilespmem:s28+$0x8070]  }
0x229: {  	v13 =	vld [tilespmem:s28+$0x4000]  }
0x22a: {  	v14 =	vld [tilespmem:s28+$0x4010]  }
0x22b: {  	v11 =	vld [tilespmem:s28+$0x4020]  }
0x22c: {  	v10 =	vld [tilespmem:s28+$0x4030]  }
0x22d: {  	v9 =	vld [tilespmem:s28+$0x4040]  }
0x22e: {  	v7 =	vld [tilespmem:s28+$0x4050];
	v13 =	vmul.f32 v8, v13  }
0x22f: {  	s26 =	sadd.s32 $0x1, s26;
	s29 =	simm.s32 $0x200;
	v12 =	vmul.f32 v12, v14;
	v8 =	vld [tilespmem:s28+$0x4060]  }
.LBB2_25:
0x230: {  	s30 =	sshra.s32 s29, $0x2;
	p3 =	sne.s32 s29, $0x7E00;
	[tilespmem:s28+$0x4000] =	vst v13;
	v6 =	vmul.f32 v6, v11;
	v11 =	vld [tilespmem:s28+$0x4070]  }
0x231: {  	v13 =	vld [tilespmem:s30+$0x8000];
	[tilespmem:s28+$0x4010] =	vst v12;
	v5 =	vmul.f32 v5, v10  }
0x232: {  	v12 =	vld [tilespmem:s30+$0x8010];
	[tilespmem:s28+$0x4020] =	vst v6;
	v4 =	vmul.f32 v4, v9  }
0x233: {  	v6 =	vld [tilespmem:s30+$0x8020];
	[tilespmem:s28+$0x4030] =	vst v5;
	v3 =	vmul.f32 v3, v7  }
0x234: {  	v5 =	vld [tilespmem:s30+$0x8030];
	[tilespmem:s28+$0x4040] =	vst v4;
	v2 =	vmul.f32 v2, v8  }
0x235: {  	v4 =	vld [tilespmem:s30+$0x8040];
	[tilespmem:s28+$0x4050] =	vst v3;
	v1 =	vmul.f32 v1, v11  }
0x236: {  	v3 =	vld [tilespmem:s30+$0x8050];
	[tilespmem:s28+$0x4060] =	vst v2  }
0x237: {  	v2 =	vld [tilespmem:s30+$0x8060];
	[tilespmem:s28+$0x4070] =	vst v1;
	s28 =	smov.u32 s30  }
0x238: {  	v1 =	vld [tilespmem:s28+$0x8070]  }
0x239: {  	v7 =	vld [tilespmem:s28+$0x4000]  }
0x23a: {  	v8 =	vld [tilespmem:s28+$0x4010]  }
.Ltmp11:
0x23b: {  	v11 =	vld [tilespmem:s28+$0x4020];
	(pc) =	sbr.rel @p3 .LBB2_25-.Ltmp11, $4  }
0x23c: {  	v10 =	vld [tilespmem:s28+$0x4030]  }
0x23d: {  	v9 =	vld [tilespmem:s28+$0x4040]  }
0x23e: {  	v13 =	vmul.f32 v13, v7;
	v7 =	vld [tilespmem:s28+$0x4050]  }
0x23f: {  	s29 =	sadd.s32 $0x200, s29;
	v12 =	vmul.f32 v12, v8;
	v8 =	vld [tilespmem:s28+$0x4060]  }
0x240: {  	[tilespmem:s28+$0x4000] =	vst v13;
	v6 =	vmul.f32 v6, v11;
	v63 =	vld [tilespmem:s28+$0x4070]  }
0x241: {  	[tilespmem:s28+$0x4010] =	vst v12;
	v5 =	vmul.f32 v5, v10  }
0x242: {  	[tilespmem:s28+$0x4020] =	vst v6;
	v4 =	vmul.f32 v4, v9  }
0x243: {  	[tilespmem:s28+$0x4030] =	vst v5;
	v3 =	vmul.f32 v3, v7  }
0x244: {  	[tilespmem:s28+$0x4040] =	vst v4;
	v2 =	vmul.f32 v2, v8  }
0x245: {  	[tilespmem:s28+$0x4050] =	vst v3;
	v1 =	vmul.f32 v1, v63  }
0x246: {  	s25 =	sadd.s32 @!p1 $0x1000, s25;
	[tilespmem:s28+$0x4060] =	vst v2  }
0x247: {  	s29 =	simm.s32 @!p1 $0x4000;
	p3 =	sne.s32 s26, $0x10;
	[tilespmem:s28+$0x4070] =	vst v1;
	s28 =	simm.s32 @!p1 $0x40  }
0x248: {  	[spmem:s2] =	stream.indirect.scatter.add.f32 @!p1 [tilespmem:s29], [sflag:$0x5], $0x80, s25, s28, $0xb8;
	[tilespmem:$0x1D880] =	vst v63  }
.Ltmp12:
0x249: {  	_ = 	snop;
	(pc) =	sbr.rel @p3 .LBB2_22-.Ltmp12, $4  }
0x24a: {  	s25 =	simm.s32 @!p1 $0x5  }
0x24b: {  	_ =	swait.ge @!p1 [sflag:s25], $0x2000  }
0x24c: {  	[sflag:s25] =	ssyncset.done @!p1 $0x0  }
0x24d: {  	[sflag:s25] =	ssyncadd.s32 @!p1 $0xFFFFE000  }
0x24e: {  	s24 =	simm.s32 $0x0;
	s25 =	rddreg [dreg:$0xf]  }
0x24f: {  	[tilespmem:s24], [sflag:$0x5] =	stream.linear.gather [hbm4b:s25+s24], $0x1000, $0x38;
	[tilespmem:$0x1D880] =	vst v63  }
0x250: {  	_ =	swait.ge [sflag:s11], $0x1000  }
0x251: {  	[sflag:s11] =	ssyncset.done $0x0  }
0x252: {  	s31 =	rddreg [dreg:$0x10];
	[sflag:s11] =	ssyncadd.s32 $0xFFFFF000  }
0x253: {  	[tilespmem:s12], [sflag:$0x5] =	stream.linear.gather [hbm4b:s31+s24], $0x1000, $0x38;
	[tilespmem:$0x1D880] =	vst v63  }
0x254: {  	_ =	swait.ge [sflag:s11], $0x1000  }
0x255: {  	[sflag:s11] =	ssyncset.done $0x0  }
0x256: {  	[sflag:s11] =	ssyncadd.s32 $0xFFFFF000  }
0x257: {  	[tilespmem:s10], [sflag:$0x1] =	stream.indirect.gather [hbm4b:s1+s13], $0x80, s24, s13, $0xb8;
	[tilespmem:$0x1D880] =	vst v63  }
0x258: {  	s26 =	simm.s32 $0x0  }
0x259: {  	[tilespmem:s14], [sflag:$0x3] =	stream.linear.gather [hbm4b:s9+s24], $0x2000, $0x38;
	[tilespmem:$0x1D880] =	vst v63  }
.LBB2_28:
0x25a: {  	s28 =	sshllo.u32 s26, $0x1  }
0x25b: {  	s25 =	sshll.u32 s28, $0x7;
	s28 =	sshll.u32 s28, $0xA  }
0x25c: {  	[tilespmem:s15], [sflag:$0x2] =	stream.indirect.gather [hbm4b:s1+s13], $0x80, s25, s13, $0xb8;
	[tilespmem:$0x1D880] =	vst v63  }
0x25d: {  	s28 =	sadd.s32 s28, s9  }
0x25e: {  	[tilespmem:s16], [sflag:$0x4] =	stream.linear.gather [hbm4b:s28+s24], $0x2000, $0x38;
	[tilespmem:$0x1D880] =	vst v63  }
0x25f: {  	_ =	swait.ge [sflag:s17], $0x2000  }
0x260: {  	[sflag:s17] =	ssyncset.done $0x0  }
0x261: {  	[sflag:s17] =	ssyncadd.s32 $0xFFFFE000  }
0x262: {  	_ =	swait.ge [sflag:s18], $0x2000  }
0x263: {  	[sflag:s18] =	ssyncset.done $0x0  }
0x264: {  	s28 =	simm.s32 $0x0;
	[sflag:s18] =	ssyncadd.s32 $0xFFFFE000  }
0x265: {  	v8 =	vld [tilespmem:s28+$0x6000]  }
0x266: {  	v12 =	vld [tilespmem:s28+$0x6010]  }
0x267: {  	v6 =	vld [tilespmem:s28+$0x6020]  }
0x268: {  	v5 =	vld [tilespmem:s28+$0x6030]  }
0x269: {  	v4 =	vld [tilespmem:s28+$0x6040]  }
0x26a: {  	v3 =	vld [tilespmem:s28+$0x6050]  }
0x26b: {  	v2 =	vld [tilespmem:s28+$0x6060]  }
0x26c: {  	v1 =	vld [tilespmem:s28+$0x6070]  }
0x26d: {  	v13 =	vld [tilespmem:s28+$0x2000]  }
0x26e: {  	v14 =	vld [tilespmem:s28+$0x2010]  }
0x26f: {  	v11 =	vld [tilespmem:s28+$0x2020]  }
0x270: {  	v10 =	vld [tilespmem:s28+$0x2030]  }
0x271: {  	v9 =	vld [tilespmem:s28+$0x2040]  }
0x272: {  	v7 =	vld [tilespmem:s28+$0x2050];
	v13 =	vmul.f32 v8, v13  }
0x273: {  	s29 =	sshll.u32 s26, $0x1;
	s30 =	simm.s32 $0x200;
	v12 =	vmul.f32 v12, v14;
	v8 =	vld [tilespmem:s28+$0x2060]  }
.LBB2_29:
0x274: {  	s31 =	sshra.s32 s30, $0x2;
	p3 =	sne.s32 s30, $0x7E00;
	[tilespmem:s28+$0x2000] =	vst v13;
	v6 =	vmul.f32 v6, v11;
	v11 =	vld [tilespmem:s28+$0x2070]  }
0x275: {  	v13 =	vld [tilespmem:s31+$0x6000];
	[tilespmem:s28+$0x2010] =	vst v12;
	v5 =	vmul.f32 v5, v10  }
0x276: {  	v12 =	vld [tilespmem:s31+$0x6010];
	[tilespmem:s28+$0x2020] =	vst v6;
	v4 =	vmul.f32 v4, v9  }
0x277: {  	v6 =	vld [tilespmem:s31+$0x6020];
	[tilespmem:s28+$0x2030] =	vst v5;
	v3 =	vmul.f32 v3, v7  }
0x278: {  	v5 =	vld [tilespmem:s31+$0x6030];
	[tilespmem:s28+$0x2040] =	vst v4;
	v2 =	vmul.f32 v2, v8  }
0x279: {  	v4 =	vld [tilespmem:s31+$0x6040];
	[tilespmem:s28+$0x2050] =	vst v3;
	v1 =	vmul.f32 v1, v11  }
0x27a: {  	v3 =	vld [tilespmem:s31+$0x6050];
	[tilespmem:s28+$0x2060] =	vst v2  }
0x27b: {  	v2 =	vld [tilespmem:s31+$0x6060];
	[tilespmem:s28+$0x2070] =	vst v1;
	s28 =	smov.u32 s31  }
0x27c: {  	v1 =	vld [tilespmem:s28+$0x6070]  }
0x27d: {  	v7 =	vld [tilespmem:s28+$0x2000]  }
0x27e: {  	v8 =	vld [tilespmem:s28+$0x2010]  }
.Ltmp13:
0x27f: {  	v11 =	vld [tilespmem:s28+$0x2020];
	(pc) =	sbr.rel @p3 .LBB2_29-.Ltmp13, $4  }
0x280: {  	v10 =	vld [tilespmem:s28+$0x2030]  }
0x281: {  	v9 =	vld [tilespmem:s28+$0x2040]  }
0x282: {  	v13 =	vmul.f32 v13, v7;
	v7 =	vld [tilespmem:s28+$0x2050]  }
0x283: {  	s30 =	sadd.s32 $0x200, s30;
	v12 =	vmul.f32 v12, v8;
	v8 =	vld [tilespmem:s28+$0x2060]  }
0x284: {  	[tilespmem:s28+$0x2000] =	vst v13;
	v6 =	vmul.f32 v6, v11;
	v11 =	vld [tilespmem:s28+$0x2070]  }
0x285: {  	[tilespmem:s28+$0x2010] =	vst v12;
	v5 =	vmul.f32 v5, v10  }
0x286: {  	[tilespmem:s28+$0x2020] =	vst v6;
	v4 =	vmul.f32 v4, v9  }
0x287: {  	[tilespmem:s28+$0x2030] =	vst v5;
	v3 =	vmul.f32 v3, v7  }
0x288: {  	[tilespmem:s28+$0x2040] =	vst v4;
	v2 =	vmul.f32 v2, v8  }
0x289: {  	s30 =	sshll.u32 @!p1 s26, $0x8;
	[tilespmem:s28+$0x2050] =	vst v3;
	v1 =	vmul.f32 v1, v11  }
0x28a: {  	s30 =	sand.u32 @!p1 $0x3FFFFF00, s30;
	[tilespmem:s28+$0x2060] =	vst v2  }
0x28b: {  	s31 =	simm.s32 @!p1 $0x2000;
	[tilespmem:s28+$0x2070] =	vst v1;
	s28 =	sadd.s32 @!p1 $0x1000, s30;
	s30 =	simm.s32 @!p1 $0x40  }
0x28c: {  	[spmem:s2] =	stream.indirect.scatter.add.f32 @!p1 [tilespmem:s31], [sflag:$0x6], $0x80, s28, s30, $0xb8;
	[tilespmem:$0x1D880] =	vst v63  }
0x28d: {  	s28 =	simm.s32 @!p1 $0x6  }
0x28e: {  	p3 =	seq.s32 s26, $0xF;
	_ =	swait.ge @!p1 [sflag:s28], $0x2000  }
0x28f: {  	s29 =	sadd.s32 @!p3 $0x2, s29;
	[sflag:s28] =	ssyncset.done @!p1 $0x0  }
0x290: {  	[sflag:s28] =	ssyncadd.s32 @!p1 $0xFFFFE000;
	s28 =	sshll.u32 @!p3 s29, $0x7  }
0x291: {  	s30 =	simm.s32 @!p3 $0x40;
	s31 =	simm.s32 @!p3 $0x2000;
	s28 =	sand.u32 @!p3 $0x3FFFFF80, s28  }
0x292: {  	[tilespmem:s31], [sflag:$0x1] =	stream.indirect.gather @!p3 [hbm4b:s1+s30], $0x80, s28, s30, $0xb8;
	[tilespmem:$0x1D880] =	vst v63  }
0x293: {  	s28 =	sshll.u32 @!p3 s29, $0xA  }
0x294: {  	s29 =	simm.s32 @!p3 $0x0;
	s30 =	simm.s32 @!p3 $0x6000;
	s28 =	sadd.s32 @!p3 s28, s9  }
0x295: {  	[tilespmem:s30], [sflag:$0x3] =	stream.linear.gather @!p3 [hbm4b:s28+s29], $0x2000, $0x38;
	[tilespmem:$0x1D880] =	vst v63  }
0x296: {  	_ =	swait.ge [sflag:s20], $0x2000  }
0x297: {  	[sflag:s20] =	ssyncset.done $0x0  }
0x298: {  	[sflag:s20] =	ssyncadd.s32 $0xFFFFE000  }
0x299: {  	_ =	swait.ge [sflag:s21], $0x2000  }
0x29a: {  	[sflag:s21] =	ssyncset.done $0x0  }
0x29b: {  	s28 =	simm.s32 $0x0;
	[sflag:s21] =	ssyncadd.s32 $0xFFFFE000  }
0x29c: {  	v8 =	vld [tilespmem:s28+$0x8000]  }
0x29d: {  	v12 =	vld [tilespmem:s28+$0x8010]  }
0x29e: {  	v6 =	vld [tilespmem:s28+$0x8020]  }
0x29f: {  	v5 =	vld [tilespmem:s28+$0x8030]  }
0x2a0: {  	v4 =	vld [tilespmem:s28+$0x8040]  }
0x2a1: {  	v3 =	vld [tilespmem:s28+$0x8050]  }
0x2a2: {  	v2 =	vld [tilespmem:s28+$0x8060]  }
0x2a3: {  	v1 =	vld [tilespmem:s28+$0x8070]  }
0x2a4: {  	v13 =	vld [tilespmem:s28+$0x4000]  }
0x2a5: {  	v14 =	vld [tilespmem:s28+$0x4010]  }
0x2a6: {  	v11 =	vld [tilespmem:s28+$0x4020]  }
0x2a7: {  	v10 =	vld [tilespmem:s28+$0x4030]  }
0x2a8: {  	v9 =	vld [tilespmem:s28+$0x4040]  }
0x2a9: {  	v7 =	vld [tilespmem:s28+$0x4050];
	v13 =	vmul.f32 v8, v13  }
0x2aa: {  	s26 =	sadd.s32 $0x1, s26;
	s29 =	simm.s32 $0x200;
	v12 =	vmul.f32 v12, v14;
	v8 =	vld [tilespmem:s28+$0x4060]  }
.LBB2_31:
0x2ab: {  	s30 =	sshra.s32 s29, $0x2;
	p3 =	sne.s32 s29, $0x7E00;
	[tilespmem:s28+$0x4000] =	vst v13;
	v6 =	vmul.f32 v6, v11;
	v11 =	vld [tilespmem:s28+$0x4070]  }
0x2ac: {  	v13 =	vld [tilespmem:s30+$0x8000];
	[tilespmem:s28+$0x4010] =	vst v12;
	v5 =	vmul.f32 v5, v10  }
0x2ad: {  	v12 =	vld [tilespmem:s30+$0x8010];
	[tilespmem:s28+$0x4020] =	vst v6;
	v4 =	vmul.f32 v4, v9  }
0x2ae: {  	v6 =	vld [tilespmem:s30+$0x8020];
	[tilespmem:s28+$0x4030] =	vst v5;
	v3 =	vmul.f32 v3, v7  }
0x2af: {  	v5 =	vld [tilespmem:s30+$0x8030];
	[tilespmem:s28+$0x4040] =	vst v4;
	v2 =	vmul.f32 v2, v8  }
0x2b0: {  	v4 =	vld [tilespmem:s30+$0x8040];
	[tilespmem:s28+$0x4050] =	vst v3;
	v1 =	vmul.f32 v1, v11  }
0x2b1: {  	v3 =	vld [tilespmem:s30+$0x8050];
	[tilespmem:s28+$0x4060] =	vst v2  }
0x2b2: {  	v2 =	vld [tilespmem:s30+$0x8060];
	[tilespmem:s28+$0x4070] =	vst v1;
	s28 =	smov.u32 s30  }
0x2b3: {  	v1 =	vld [tilespmem:s28+$0x8070]  }
0x2b4: {  	v7 =	vld [tilespmem:s28+$0x4000]  }
0x2b5: {  	v8 =	vld [tilespmem:s28+$0x4010]  }
.Ltmp14:
0x2b6: {  	v11 =	vld [tilespmem:s28+$0x4020];
	(pc) =	sbr.rel @p3 .LBB2_31-.Ltmp14, $4  }
0x2b7: {  	v10 =	vld [tilespmem:s28+$0x4030]  }
0x2b8: {  	v9 =	vld [tilespmem:s28+$0x4040]  }
0x2b9: {  	v13 =	vmul.f32 v13, v7;
	v7 =	vld [tilespmem:s28+$0x4050]  }
0x2ba: {  	s29 =	sadd.s32 $0x200, s29;
	v12 =	vmul.f32 v12, v8;
	v8 =	vld [tilespmem:s28+$0x4060]  }
0x2bb: {  	[tilespmem:s28+$0x4000] =	vst v13;
	v6 =	vmul.f32 v6, v11;
	v63 =	vld [tilespmem:s28+$0x4070]  }
0x2bc: {  	[tilespmem:s28+$0x4010] =	vst v12;
	v5 =	vmul.f32 v5, v10  }
0x2bd: {  	[tilespmem:s28+$0x4020] =	vst v6;
	v4 =	vmul.f32 v4, v9  }
0x2be: {  	[tilespmem:s28+$0x4030] =	vst v5;
	v3 =	vmul.f32 v3, v7  }
0x2bf: {  	[tilespmem:s28+$0x4040] =	vst v4;
	v2 =	vmul.f32 v2, v8  }
0x2c0: {  	[tilespmem:s28+$0x4050] =	vst v3;
	v1 =	vmul.f32 v1, v63  }
0x2c1: {  	s25 =	sadd.s32 @!p1 $0x1000, s25;
	[tilespmem:s28+$0x4060] =	vst v2  }
0x2c2: {  	s29 =	simm.s32 @!p1 $0x4000;
	p3 =	sne.s32 s26, $0x10;
	[tilespmem:s28+$0x4070] =	vst v1;
	s28 =	simm.s32 @!p1 $0x40  }
0x2c3: {  	[spmem:s2] =	stream.indirect.scatter.add.f32 @!p1 [tilespmem:s29], [sflag:$0x5], $0x80, s25, s28, $0xb8;
	[tilespmem:$0x1D880] =	vst v63  }
.Ltmp15:
0x2c4: {  	_ = 	snop;
	(pc) =	sbr.rel @p3 .LBB2_28-.Ltmp15, $4  }
0x2c5: {  	s25 =	simm.s32 @!p1 $0x5  }
0x2c6: {  	_ =	swait.ge @!p1 [sflag:s25], $0x2000  }
0x2c7: {  	[sflag:s25] =	ssyncset.done @!p1 $0x0  }
0x2c8: {  	[sflag:s25] =	ssyncadd.s32 @!p1 $0xFFFFE000  }
0x2c9: {  	s24 =	stileid.u32  }
0x2ca: {  	[bflag:$0x0] =	sbarrier.arrive $0xFFFF;
	s24 =	sshll.u32 s24, $0x6  }
0x2cb: {  	s25 =	sshrl.u32 s6, $0x3;
	s26 =	rddreg [dreg:$0x12];
	s24 =	sor.u32 $0x1C05, s24  }
0x2cc: {  	[hbm:s26], [sflag:s24] =	dma.local [spmem:s25], $0x2700  }
0x2cd: {  	_ =	swait.ge [sflag:s11], $0x2700  }
0x2ce: {  	[sflag:s11] =	ssyncset.done $0x0  }
0x2cf: {  	s25 =	sshrl.u32 @!p2 s0, $0x3;
	s26 =	rddreg [dreg:$0x14];
	[sflag:s11] =	ssyncadd.s32 $0xFFFFD900  }
0x2d0: {  	[hbm:s26], [sflag:s24] =	dma.local @!p2 [spmem:s25], $0x100  }
0x2d1: {  	s24 =	simm.s32 @!p2 $0x5  }
0x2d2: {  	_ =	swait.ge @!p2 [sflag:s24], $0x100  }
0x2d3: {  	s4 =	sadd.s32 $0x1, s4;
	s31 =	rddreg [dreg:$0x15]  }
0x2d4: {  	p3 =	sne.s32 s4, s31  }
.Ltmp16:
0x2d5: {  	_ = 	snop;
	(pc) =	sbr.rel @p3 .LBB2_1-.Ltmp16, $3  }
0x2d6: {  	_ =	sdelay $0x1  }
0x2d7: {  	[sflag:s24] =	ssyncset.done @!p2 $0x0  }
0x2d8: {  	[sflag:s24] =	ssyncadd.s32 @!p2 $0xFFFFFF00  }
0x2d9: {  	_ =	sfence.sel $0x180000  }
0x2da: {  	[bflag:$0x0] =	sbarrier.arrive $0xFFFF  }
0x2db: {  	_ =	strace $0x90000047  }
0x2dc: {  	s0 =	stileid.u32;
	[bflag:$0x2] =	sbarrier.arrive $0xFFFF  }
0x2dd: {  	p0 =	sne.s32 s0, $0x0;
	s0 =	rddreg [dreg:$0x4]  }
0x2de: {  	s0 =	sadd.s32 @!p0 $0x100000, s0  }
0x2df: {  	[sflag:s0] =	ssyncadd.tile.s32 @!p0 $0x1;
	_ =	shalt  }
.Lfunc_end2:
_tile_overlayer_lowered:
.L_overlay_start_2:
0x2e0: {  	(tag) =	ssettag $0x2  }
0x2e1: {  	s0 =	rddreg [dreg:$0x0];
	s2 =	stileid.u32  }
0x2e2: {  	s1 =	rddreg [dreg:$0x1];
	p0 =	sne.s32 s2, $0x0  }
0x2e3: {  	s3 =	rddreg [dreg:$0x2];
	[bflag:$0x3] =	sbarrier.arrive $0xFFFF;
	s2 =	simm.s32 @!p0 $0x1C05  }
0x2e4: {  	[timem:s3], [sflag:s2] =	dma.local @!p0 [hbm:s0], s1  }
0x2e5: {  	s0 =	simm.s32 @!p0 $0x5  }
0x2e6: {  	_ =	swait.ge @!p0 [sflag:s0], s1  }
0x2e7: {  	s1 =	ssub.s32 @!p0 $0x0, s1;
	[sflag:s0] =	ssyncset.done @!p0 $0x0  }
0x2e8: {  	[sflag:s0] =	ssyncadd.s32 @!p0 s1  }
0x2e9: {  	[bflag:$0x3] =	sbarrier.arrive $0xFFFF  }
0x2ea: {  	_ =	shalt  }

</sc_bundles>
